<compile_context>
chip_gen: v7x
topology: tpu7x:2x2x1
jax: 0.10.2.dev20260603
libtpu: 0.0.44.dev20260713+nightly
codegen_flags: <defaults>
</compile_context>

<pallas_src>
import functools

import jax
import jax.numpy as jnp
from jax import lax
from jax.experimental import pallas as pl
from jax.experimental.pallas import tpu as pltpu
from jax.experimental.pallas import tpu_sc as plsc

B, S, F = 1024, 512, 128
NW = 32
B_SC = 640
B_TC = B - B_SC
EPW = B_SC // NW
NV = F // 16
NEG = -1e30
CHUNKS = ((0, 176), (176, 176), (352, 160))

_mesh = plsc.VectorSubcoreMesh(
    core_axis_name="c", subcore_axis_name="s", num_cores=2, num_subcores=16
)


def _row_loop(buf, lo, hi, acc):

    def body(r, acc):
        return tuple(
            jnp.maximum(acc[v], buf[r, pl.ds(v * 16, 16)]) for v in range(NV)
        )

    return lax.fori_loop(lo, hi, body, acc)


@functools.partial(
    pl.kernel,
    out_type=jax.ShapeDtypeStruct((NW, EPW, 3 * F), jnp.float32),
    mesh=_mesh,
    scratch_types=[
        pltpu.VMEM((3, 176, F), jnp.float32),
        pltpu.VMEM((EPW, 3 * F), jnp.float32),
        pltpu.VMEM((EPW, 16), jnp.int32),
        pltpu.SemaphoreType.DMA,
        pltpu.SemaphoreType.DMA,
        pltpu.SemaphoreType.DMA,
    ],
)
def _sc_piecewise_max(conv_hbm, ee_hbm, out_hbm, buf, out_v, e_v, sem0, sem1, sem2):
    wid = lax.axis_index("c") * 16 + lax.axis_index("s")
    base = wid * EPW

    pltpu.sync_copy(ee_hbm.at[wid], e_v)

    sems = (sem0, sem1, sem2)

    def dma(ex, q):
        c0, rows = CHUNKS[q]
        return pltpu.make_async_copy(
            conv_hbm.at[base + ex, pl.ds(c0, rows)],
            buf.at[q, pl.ds(0, rows)],
            sems[q],
        )

    dma(0, 0).start()
    dma(0, 1).start()

    def ex_body(i, carry):
        evec = e_v[i]
        e1s = evec[0]
        e2s = evec[1]
        neg = jnp.full((16,), NEG, jnp.float32)
        accs = [tuple(neg for _ in range(NV)) for _ in range(3)]
        for q in range(3):
            c0, rows = CHUNKS[q]
            dma(i, q).wait()
            if q == 0:
                dma(i, 2).start()
            else:

                @pl.when(i + 1 < EPW)
                def _():
                    dma(i + 1, q - 1).start()

            cbuf = buf.at[q]
            a = jnp.clip(e1s + 1 - c0, 0, rows)
            b = jnp.clip(e2s + 1 - c0, 0, rows)
            accs[0] = _row_loop(cbuf, 0, a, accs[0])
            accs[1] = _row_loop(cbuf, a, b, accs[1])
            accs[2] = _row_loop(cbuf, b, rows, accs[2])

        for p in range(3):
            for v in range(NV):
                out_v[i, pl.ds(p * F + v * 16, 16)] = accs[p][v]
        return carry

    lax.fori_loop(0, EPW, ex_body, 0)
    pltpu.sync_copy(out_v, out_hbm.at[wid])


EX_BLK = 8


def _tc_body(e1_ref, e2_ref, x_ref, out_ref):
    G = S // 8
    gi = lax.broadcasted_iota(jnp.int32, (G, F), 0)
    pos8 = lax.broadcasted_iota(jnp.int32, (8, F), 0)
    neg = jnp.float32(NEG)
    for j in range(EX_BLK):
        e1s = e1_ref[j, 0, 0]
        e2s = e2_ref[j, 0, 0]
        x = x_ref[j]
        g = jnp.max(x.reshape(G, 8, F), axis=1)
        ge1 = e1s // 8
        ge2 = e2s // 8
        q1 = (e1s + 1) // 8
        q2hi = (e2s + 1) // 8
        p1 = jnp.max(jnp.where(gi < q1, g, neg), axis=0)
        p2 = jnp.max(jnp.where((gi > ge1) & (gi < q2hi), g, neg), axis=0)
        p3 = jnp.max(jnp.where(gi > ge2, g, neg), axis=0)
        xe1 = x_ref[j, pl.ds(ge1 * 8, 8), :]
        re1 = pos8 + ge1 * 8
        p1 = jnp.maximum(p1, jnp.max(jnp.where(re1 <= e1s, xe1, neg), axis=0))
        p2 = jnp.maximum(
            p2, jnp.max(jnp.where((re1 > e1s) & (re1 <= e2s), xe1, neg), axis=0)
        )
        xe2 = x_ref[j, pl.ds(ge2 * 8, 8), :]
        re2 = pos8 + ge2 * 8
        p2 = jnp.maximum(
            p2, jnp.max(jnp.where((re2 > e1s) & (re2 <= e2s), xe2, neg), axis=0)
        )
        p3 = jnp.maximum(p3, jnp.max(jnp.where(re2 > e2s, xe2, neg), axis=0))
        out_ref[j, 0, pl.ds(0, F)] = p1
        out_ref[j, 0, pl.ds(F, F)] = p2
        out_ref[j, 0, pl.ds(2 * F, F)] = p3


_tc_piecewise_max = pl.pallas_call(
    _tc_body,
    grid=(B_TC // EX_BLK,),
    in_specs=[
        pl.BlockSpec(
            (EX_BLK, 1, 1),
            lambda i: (i + B_SC // EX_BLK, 0, 0),
            memory_space=pltpu.SMEM,
        ),
        pl.BlockSpec(
            (EX_BLK, 1, 1),
            lambda i: (i + B_SC // EX_BLK, 0, 0),
            memory_space=pltpu.SMEM,
        ),
        pl.BlockSpec((EX_BLK, S, F), lambda i: (i + B_SC // EX_BLK, 0, 0)),
    ],
    out_specs=pl.BlockSpec((EX_BLK, 1, 3 * F), lambda i: (i, 0, 0)),
    out_shape=jax.ShapeDtypeStruct((B_TC, 1, 3 * F), jnp.float32),
)


def kernel(conv_output, e1, e2):
    e1i = e1.astype(jnp.int32)
    e2i = e2.astype(jnp.int32)
    ee = jnp.pad(jnp.concatenate([e1i, e2i], axis=1), ((0, 0), (0, 14)))
    ee3 = ee[:B_SC].reshape(NW, EPW, 16)
    sc_out = _sc_piecewise_max(conv_output, ee3).reshape(B_SC, 3 * F)
    tc_out = _tc_piecewise_max(
        e1i.reshape(B, 1, 1), e2i.reshape(B, 1, 1), conv_output
    ).reshape(B_TC, 3 * F)
    return jnp.concatenate([sc_out, tc_out], axis=0)

# --- scband reference (transcript-rebuilt; emitter-appended) ---
"""Pipeline reference for scband-piecewise-maxpool-layer-57312043598527 (READ-ONLY COPY).

The authoritative reference and input builder live on the scoring server;
editing this copy changes nothing except your own understanding.
"""

import jax, jax.numpy as jnp
import numpy as np

B, S, F = 1024, 512, 128

def setup_inputs(seed: int = 0):
    key = jax.random.key(seed)
    k1, k2, k3 = jax.random.split(key, 3)
    conv_output = jax.random.normal(k1, (B, S, F), dtype=jnp.float32)
    # entity positions: guarantee 0 <= e1 < e2 <= S-2 so all three pieces are non-empty
    e1 = jax.random.randint(k2, (B, 1), 0, S // 3, dtype=jnp.int32)
    gap = jax.random.randint(k3, (B, 1), 1, S // 3, dtype=jnp.int32)
    e2 = e1 + gap
    return {"conv_output": conv_output, "e1": e1, "e2": e2}

def reference(conv_output, e1, e2):
    # Faithful piecewise max pooling:
    #   piece1 = rows [0, e1], piece2 = rows [e1+1, e2], piece3 = rows [e2+1, S-1]
    # Implemented vectorized with position masks (equivalent to the per-example
    # tf.slice + reduce_max in the original tf.map_fn formulation).
    S_ = conv_output.shape[1]
    pos = jnp.arange(S_, dtype=jnp.int32)[None, :, None]  # [1, S, 1]
    e1b = e1[:, :, None]  # [B, 1, 1]
    e2b = e2[:, :, None]  # [B, 1, 1]
    neg = jnp.float32(-1e30)
    m1 = pos <= e1b
    m2 = (pos > e1b) & (pos <= e2b)
    m3 = pos > e2b
    p1 = jnp.max(jnp.where(m1, conv_output, neg), axis=1)  # [B, F]
    p2 = jnp.max(jnp.where(m2, conv_output, neg), axis=1)  # [B, F]
    p3 = jnp.max(jnp.where(m3, conv_output, neg), axis=1)  # [B, F]
    return jnp.concatenate([p1, p2, p3], axis=1)  # [B, 3*F]

if __name__ == "__main__":
    import jax
    _d = setup_inputs()
    print(jax.jit(kernel)(*tuple(_d.values())))

</pallas_src>

<mosaic_0001>
#map = affine_map<(d0, d1) -> (0, 0, 0)>
module attributes {stable_mosaic.version = 14 : i64} {
  func.func @_sc_piecewise_max(%arg0: i32, %arg1: i32, %arg2: memref<1024x512x128xf32, #tpu.memory_space<hbm>>, %arg3: memref<32x20x16xi32, #tpu.memory_space<hbm>>, %arg4: memref<32x20x384xf32, #tpu.memory_space<hbm>>, %arg5: memref<3x176x128xf32, #tpu.memory_space<vmem>>, %arg6: memref<20x384xf32, #tpu.memory_space<vmem>>, %arg7: memref<20x16xi32, #tpu.memory_space<vmem>>, %arg8: memref<!tpu.dma_semaphore, #tpu.memory_space<semaphore_mem>>, %arg9: memref<!tpu.dma_semaphore, #tpu.memory_space<semaphore_mem>>, %arg10: memref<!tpu.dma_semaphore, #tpu.memory_space<semaphore_mem>>) attributes {dimension_semantics = [#tpu.dimension_semantics<core_parallel>, #tpu.dimension_semantics<subcore_parallel>], iteration_bounds = array<i64: 2, 16>, scalar_prefetch = 0 : i64, scratch_operands = 6 : i64, tpu.core_type = #tpu.core_type<sc_vector_subcore>, window_params = [{transform_indices = #map}, {transform_indices = #map}, {transform_indices = #map}]} {
    %mul3A = arith.constant 16 : i32
    %mul3A_0 = arith.muli %arg0, %mul3A : i32
    %add3A = arith.addi %mul3A_0, %arg1 : i32
    %mul3A_1 = arith.constant 20 : i32
    %mul3A_2 = arith.muli %add3A, %mul3A_1 : i32
    "tpu.region"() ({
      %run_scoped3A = tpu.sem_alloc : memref<!tpu.dma_semaphore, #tpu.memory_space<semaphore_mem>>
      %dma_start3A_45 = arith.constant 0 : i32
      %dma_start3A_46 = arith.constant 0 : i32
      %dma_start3A_47 = tpu.memref_slice %arg3[%add3A, %dma_start3A_45, %dma_start3A_46] : memref<32x20x16xi32, #tpu.memory_space<hbm>> -> memref<1x20x16xi32, #tpu.memory_space<hbm>>
      %dma_start3A_48 = tpu.memref_squeeze %dma_start3A_47 : memref<1x20x16xi32, #tpu.memory_space<hbm>> -> memref<20x16xi32, #tpu.memory_space<hbm>>
      %dma_start3A_49 = arith.constant 0 : i32
      %dma_start3A_50 = arith.constant 0 : i32
      %dma_start3A_51 = tpu.memref_slice %arg3[%add3A, %dma_start3A_49, %dma_start3A_50] : memref<32x20x16xi32, #tpu.memory_space<hbm>> -> memref<1x20x16xi32, #tpu.memory_space<hbm>>
      %dma_start3A_52 = tpu.memref_squeeze %dma_start3A_51 : memref<1x20x16xi32, #tpu.memory_space<hbm>> -> memref<20x16xi32, #tpu.memory_space<hbm>>
      tpu.enqueue_dma source(%dma_start3A_52 : memref<20x16xi32, #tpu.memory_space<hbm>>) target(%arg7 : memref<20x16xi32, #tpu.memory_space<vmem>>) target_semaphore(%run_scoped3A : memref<!tpu.dma_semaphore, #tpu.memory_space<semaphore_mem>>)
      %dma_wait3A = arith.constant 0 : i32
      %dma_wait3A_53 = arith.constant 0 : i32
      %dma_wait3A_54 = tpu.memref_slice %arg3[%add3A, %dma_wait3A, %dma_wait3A_53] : memref<32x20x16xi32, #tpu.memory_space<hbm>> -> memref<1x20x16xi32, #tpu.memory_space<hbm>>
      %dma_wait3A_55 = tpu.memref_squeeze %dma_wait3A_54 : memref<1x20x16xi32, #tpu.memory_space<hbm>> -> memref<20x16xi32, #tpu.memory_space<hbm>>
      %dma_wait3A_56 = arith.constant 0 : i32
      %dma_wait3A_57 = arith.constant 0 : i32
      %dma_wait3A_58 = tpu.memref_slice %arg3[%add3A, %dma_wait3A_56, %dma_wait3A_57] : memref<32x20x16xi32, #tpu.memory_space<hbm>> -> memref<1x20x16xi32, #tpu.memory_space<hbm>>
      %dma_wait3A_59 = tpu.memref_squeeze %dma_wait3A_58 : memref<1x20x16xi32, #tpu.memory_space<hbm>> -> memref<20x16xi32, #tpu.memory_space<hbm>>
      tpu.wait_dma2 semaphore(%run_scoped3A : memref<!tpu.dma_semaphore, #tpu.memory_space<semaphore_mem>>) src(%dma_wait3A_59 : memref<20x16xi32, #tpu.memory_space<hbm>>) dst(%arg7 : memref<20x16xi32, #tpu.memory_space<vmem>>)
      tpu.yield
    }) : () -> ()
    %add3A_3 = arith.constant 0 : i32
    %add3A_4 = arith.addi %mul3A_2, %add3A_3 : i32
    %dma_start3A = arith.constant 0 : i32
    %dma_start3A_5 = arith.constant 0 : i32
    %dma_start3A_6 = arith.constant 0 : i32
    %dma_start3A_7 = tpu.memref_slice %arg5[%dma_start3A, %dma_start3A_5, %dma_start3A_6] : memref<3x176x128xf32, #tpu.memory_space<vmem>> -> memref<1x176x128xf32, #tpu.memory_space<vmem>>
    %dma_start3A_8 = tpu.memref_squeeze %dma_start3A_7 : memref<1x176x128xf32, #tpu.memory_space<vmem>> -> memref<176x128xf32, #tpu.memory_space<vmem>>
    %dma_start3A_9 = arith.constant 0 : i32
    %dma_start3A_10 = arith.constant 0 : i32
    %dma_start3A_11 = tpu.memref_slice %arg2[%add3A_4, %dma_start3A_9, %dma_start3A_10] : memref<1024x512x128xf32, #tpu.memory_space<hbm>> -> memref<1x176x128xf32, #tpu.memory_space<hbm>>
    %dma_start3A_12 = tpu.memref_squeeze %dma_start3A_11 : memref<1x176x128xf32, #tpu.memory_space<hbm>> -> memref<176x128xf32, #tpu.memory_space<hbm>>
    %dma_start3A_13 = arith.constant 0 : i32
    %dma_start3A_14 = arith.constant 0 : i32
    %dma_start3A_15 = tpu.memref_slice %arg5[%dma_start3A, %dma_start3A_13, %dma_start3A_14] : memref<3x176x128xf32, #tpu.memory_space<vmem>> -> memref<1x176x128xf32, #tpu.memory_space<vmem>>
    %dma_start3A_16 = tpu.memref_squeeze %dma_start3A_15 : memref<1x176x128xf32, #tpu.memory_space<vmem>> -> memref<176x128xf32, #tpu.memory_space<vmem>>
    %dma_start3A_17 = arith.constant 0 : i32
    %dma_start3A_18 = arith.constant 0 : i32
    %dma_start3A_19 = tpu.memref_slice %arg2[%add3A_4, %dma_start3A_17, %dma_start3A_18] : memref<1024x512x128xf32, #tpu.memory_space<hbm>> -> memref<1x176x128xf32, #tpu.memory_space<hbm>>
    %dma_start3A_20 = tpu.memref_squeeze %dma_start3A_19 : memref<1x176x128xf32, #tpu.memory_space<hbm>> -> memref<176x128xf32, #tpu.memory_space<hbm>>
    tpu.enqueue_dma source(%dma_start3A_20 : memref<176x128xf32, #tpu.memory_space<hbm>>) target(%dma_start3A_16 : memref<176x128xf32, #tpu.memory_space<vmem>>) target_semaphore(%arg8 : memref<!tpu.dma_semaphore, #tpu.memory_space<semaphore_mem>>)
    %add3A_21 = arith.constant 0 : i32
    %add3A_22 = arith.addi %mul3A_2, %add3A_21 : i32
    %dma_start3A_23 = arith.constant 1 : i32
    %dma_start3A_24 = arith.constant 0 : i32
    %dma_start3A_25 = arith.constant 0 : i32
    %dma_start3A_26 = tpu.memref_slice %arg5[%dma_start3A_23, %dma_start3A_24, %dma_start3A_25] : memref<3x176x128xf32, #tpu.memory_space<vmem>> -> memref<1x176x128xf32, #tpu.memory_space<vmem>>
    %dma_start3A_27 = tpu.memref_squeeze %dma_start3A_26 : memref<1x176x128xf32, #tpu.memory_space<vmem>> -> memref<176x128xf32, #tpu.memory_space<vmem>>
    %dma_start3A_28 = arith.constant 176 : i32
    %dma_start3A_29 = arith.constant 0 : i32
    %dma_start3A_30 = tpu.memref_slice %arg2[%add3A_22, %dma_start3A_28, %dma_start3A_29] : memref<1024x512x128xf32, #tpu.memory_space<hbm>> -> memref<1x176x128xf32, #tpu.memory_space<hbm>>
    %dma_start3A_31 = tpu.memref_squeeze %dma_start3A_30 : memref<1x176x128xf32, #tpu.memory_space<hbm>> -> memref<176x128xf32, #tpu.memory_space<hbm>>
    %dma_start3A_32 = arith.constant 0 : i32
    %dma_start3A_33 = arith.constant 0 : i32
    %dma_start3A_34 = tpu.memref_slice %arg5[%dma_start3A_23, %dma_start3A_32, %dma_start3A_33] : memref<3x176x128xf32, #tpu.memory_space<vmem>> -> memref<1x176x128xf32, #tpu.memory_space<vmem>>
    %dma_start3A_35 = tpu.memref_squeeze %dma_start3A_34 : memref<1x176x128xf32, #tpu.memory_space<vmem>> -> memref<176x128xf32, #tpu.memory_space<vmem>>
    %dma_start3A_36 = arith.constant 176 : i32
    %dma_start3A_37 = arith.constant 0 : i32
    %dma_start3A_38 = tpu.memref_slice %arg2[%add3A_22, %dma_start3A_36, %dma_start3A_37] : memref<1024x512x128xf32, #tpu.memory_space<hbm>> -> memref<1x176x128xf32, #tpu.memory_space<hbm>>
    %dma_start3A_39 = tpu.memref_squeeze %dma_start3A_38 : memref<1x176x128xf32, #tpu.memory_space<hbm>> -> memref<176x128xf32, #tpu.memory_space<hbm>>
    tpu.enqueue_dma source(%dma_start3A_39 : memref<176x128xf32, #tpu.memory_space<hbm>>) target(%dma_start3A_35 : memref<176x128xf32, #tpu.memory_space<vmem>>) target_semaphore(%arg9 : memref<!tpu.dma_semaphore, #tpu.memory_space<semaphore_mem>>)
    %scan3A = arith.constant 0 : i32
    %scan3A_40 = arith.constant 0 : i32
    %scan3A_41 = arith.constant 20 : i32
    %scan3A_42 = arith.addi %scan3A_40, %scan3A_41 : i32
    %scan3A_43 = arith.constant 1 : i32
    scf.for %scan3A_45 = %scan3A_40 to %scan3A_42 step %scan3A_43  : i32 {
      %get3A = arith.index_cast %scan3A_45 : i32 to index
      %get3A_46 = arith.constant 0 : index
      %get3A_47 = tpu.vector_load %arg7[%get3A, %get3A_46] {strides = array<i32>} : memref<20x16xi32, #tpu.memory_space<vmem>>, vector<1x16xi32>,
      %get3A_48 = vector.shape_cast %get3A_47 : vector<1x16xi32> to vector<16xi32>
      %slice3A = vector.extract_strided_slice %get3A_48 {offsets = [0], sizes = [1], strides = [1]} : vector<16xi32> to vector<1xi32>
      %squeeze3A = vector.extract %slice3A[0] : i32 from vector<1xi32>
      %slice3A_49 = vector.extract_strided_slice %get3A_48 {offsets = [1], sizes = [1], strides = [1]} : vector<16xi32> to vector<1xi32>
      %squeeze3A_50 = vector.extract %slice3A_49[0] : i32 from vector<1xi32>
      %broadcast_in_dim3A = arith.constant -1.000000e+30 : f32
      %broadcast_in_dim3A_51 = vector.broadcast %broadcast_in_dim3A : f32 to vector<16xf32>
      %add3A_52 = arith.addi %mul3A_2, %scan3A_45 : i32
      %dma_wait3A = arith.constant 0 : i32
      %dma_wait3A_53 = arith.constant 0 : i32
      %dma_wait3A_54 = arith.constant 0 : i32
      %dma_wait3A_55 = tpu.memref_slice %arg5[%dma_wait3A, %dma_wait3A_53, %dma_wait3A_54] : memref<3x176x128xf32, #tpu.memory_space<vmem>> -> memref<1x176x128xf32, #tpu.memory_space<vmem>>
      %dma_wait3A_56 = tpu.memref_squeeze %dma_wait3A_55 : memref<1x176x128xf32, #tpu.memory_space<vmem>> -> memref<176x128xf32, #tpu.memory_space<vmem>>
      %dma_wait3A_57 = arith.constant 0 : i32
      %dma_wait3A_58 = arith.constant 0 : i32
      %dma_wait3A_59 = tpu.memref_slice %arg2[%add3A_52, %dma_wait3A_57, %dma_wait3A_58] : memref<1024x512x128xf32, #tpu.memory_space<hbm>> -> memref<1x176x128xf32, #tpu.memory_space<hbm>>
      %dma_wait3A_60 = tpu.memref_squeeze %dma_wait3A_59 : memref<1x176x128xf32, #tpu.memory_space<hbm>> -> memref<176x128xf32, #tpu.memory_space<hbm>>
      %dma_wait3A_61 = arith.constant 0 : i32
      %dma_wait3A_62 = arith.constant 0 : i32
      %dma_wait3A_63 = tpu.memref_slice %arg5[%dma_wait3A, %dma_wait3A_61, %dma_wait3A_62] : memref<3x176x128xf32, #tpu.memory_space<vmem>> -> memref<1x176x128xf32, #tpu.memory_space<vmem>>
      %dma_wait3A_64 = tpu.memref_squeeze %dma_wait3A_63 : memref<1x176x128xf32, #tpu.memory_space<vmem>> -> memref<176x128xf32, #tpu.memory_space<vmem>>
      %dma_wait3A_65 = arith.constant 0 : i32
      %dma_wait3A_66 = arith.constant 0 : i32
      %dma_wait3A_67 = tpu.memref_slice %arg2[%add3A_52, %dma_wait3A_65, %dma_wait3A_66] : memref<1024x512x128xf32, #tpu.memory_space<hbm>> -> memref<1x176x128xf32, #tpu.memory_space<hbm>>
      %dma_wait3A_68 = tpu.memref_squeeze %dma_wait3A_67 : memref<1x176x128xf32, #tpu.memory_space<hbm>> -> memref<176x128xf32, #tpu.memory_space<hbm>>
      tpu.wait_dma2 semaphore(%arg8 : memref<!tpu.dma_semaphore, #tpu.memory_space<semaphore_mem>>) src(%dma_wait3A_68 : memref<176x128xf32, #tpu.memory_space<hbm>>) dst(%dma_wait3A_64 : memref<176x128xf32, #tpu.memory_space<vmem>>)
      %add3A_69 = arith.addi %mul3A_2, %scan3A_45 : i32
      %dma_start3A_70 = arith.constant 2 : i32
      %dma_start3A_71 = arith.constant 0 : i32
      %dma_start3A_72 = arith.constant 0 : i32
      %dma_start3A_73 = tpu.memref_slice %arg5[%dma_start3A_70, %dma_start3A_71, %dma_start3A_72] : memref<3x176x128xf32, #tpu.memory_space<vmem>> -> memref<1x160x128xf32, #tpu.memory_space<vmem>>
      %dma_start3A_74 = tpu.memref_squeeze %dma_start3A_73 : memref<1x160x128xf32, #tpu.memory_space<vmem>> -> memref<160x128xf32, #tpu.memory_space<vmem>>
      %dma_start3A_75 = arith.constant 352 : i32
      %dma_start3A_76 = arith.constant 0 : i32
      %dma_start3A_77 = tpu.memref_slice %arg2[%add3A_69, %dma_start3A_75, %dma_start3A_76] : memref<1024x512x128xf32, #tpu.memory_space<hbm>> -> memref<1x160x128xf32, #tpu.memory_space<hbm>>
      %dma_start3A_78 = tpu.memref_squeeze %dma_start3A_77 : memref<1x160x128xf32, #tpu.memory_space<hbm>> -> memref<160x128xf32, #tpu.memory_space<hbm>>
      %dma_start3A_79 = arith.constant 0 : i32
      %dma_start3A_80 = arith.constant 0 : i32
      %dma_start3A_81 = tpu.memref_slice %arg5[%dma_start3A_70, %dma_start3A_79, %dma_start3A_80] : memref<3x176x128xf32, #tpu.memory_space<vmem>> -> memref<1x160x128xf32, #tpu.memory_space<vmem>>
      %dma_start3A_82 = tpu.memref_squeeze %dma_start3A_81 : memref<1x160x128xf32, #tpu.memory_space<vmem>> -> memref<160x128xf32, #tpu.memory_space<vmem>>
      %dma_start3A_83 = arith.constant 352 : i32
      %dma_start3A_84 = arith.constant 0 : i32
      %dma_start3A_85 = tpu.memref_slice %arg2[%add3A_69, %dma_start3A_83, %dma_start3A_84] : memref<1024x512x128xf32, #tpu.memory_space<hbm>> -> memref<1x160x128xf32, #tpu.memory_space<hbm>>
      %dma_start3A_86 = tpu.memref_squeeze %dma_start3A_85 : memref<1x160x128xf32, #tpu.memory_space<hbm>> -> memref<160x128xf32, #tpu.memory_space<hbm>>
      tpu.enqueue_dma source(%dma_start3A_86 : memref<160x128xf32, #tpu.memory_space<hbm>>) target(%dma_start3A_82 : memref<160x128xf32, #tpu.memory_space<vmem>>) target_semaphore(%arg10 : memref<!tpu.dma_semaphore, #tpu.memory_space<semaphore_mem>>)
      %add3A_87 = arith.constant 1 : i32
      %add3A_88 = arith.addi %squeeze3A, %add3A_87 : i32
      %sub3A = arith.constant 0 : i32
      %sub3A_89 = arith.subi %add3A_88, %sub3A : i32
      %jit3A = arith.constant 0 : i32
      %jit3A_90 = arith.constant 176 : i32
      %max3A = arith.maxsi %jit3A, %sub3A_89 : i32
      %min3A = arith.minsi %jit3A_90, %max3A : i32
      %add3A_91 = arith.constant 1 : i32
      %add3A_92 = arith.addi %squeeze3A_50, %add3A_91 : i32
      %sub3A_93 = arith.constant 0 : i32
      %sub3A_94 = arith.subi %add3A_92, %sub3A_93 : i32
      %jit3A_95 = arith.constant 0 : i32
      %jit3A_96 = arith.constant 176 : i32
      %max3A_97 = arith.maxsi %jit3A_95, %sub3A_94 : i32
      %min3A_98 = arith.minsi %jit3A_96, %max3A_97 : i32
      %while3A = arith.constant 0 : i32
      %while3A_99 = arith.constant 0 : i32
      %while3A_100 = arith.subi %min3A, %while3A_99 : i32
      %while3A_101 = arith.addi %while3A_99, %while3A_100 : i32
      %while3A_102 = arith.constant 1 : i32
      %while3A_103 = arith.divsi %while3A_100, %while3A_102 : i32
      %while3A_104 = arith.muli %while3A_103, %while3A_102 : i32
      %while3A_105 = arith.addi %while3A_99, %while3A_104 : i32
      %while3A_106 = arith.constant 1 : i32
      %while3A_107:8 = scf.for %while3A_401 = %while3A_99 to %while3A_105 step %while3A_106 iter_args(%while3A_402 = %broadcast_in_dim3A_51, %while3A_403 = %broadcast_in_dim3A_51, %while3A_404 = %broadcast_in_dim3A_51, %while3A_405 = %broadcast_in_dim3A_51, %while3A_406 = %broadcast_in_dim3A_51, %while3A_407 = %broadcast_in_dim3A_51, %while3A_408 = %broadcast_in_dim3A_51, %while3A_409 = %broadcast_in_dim3A_51) -> (vector<16xf32>, vector<16xf32>, vector<16xf32>, vector<16xf32>, vector<16xf32>, vector<16xf32>, vector<16xf32>, vector<16xf32>)  : i32 {
        %get3A_410 = arith.constant 0 : i32
        %get3A_411 = arith.constant 0 : i32
        %get3A_412 = tpu.memref_slice %arg5[%while3A, %get3A_410, %get3A_411] : memref<3x176x128xf32, #tpu.memory_space<vmem>> -> memref<1x176x128xf32, #tpu.memory_space<vmem>>
        %get3A_413 = tpu.memref_squeeze %get3A_412 : memref<1x176x128xf32, #tpu.memory_space<vmem>> -> memref<176x128xf32, #tpu.memory_space<vmem>>
        %get3A_414 = arith.index_cast %while3A_401 : i32 to index
        %get3A_415 = arith.constant 0 : index
        %get3A_416 = tpu.vector_load %get3A_413[%get3A_414, %get3A_415] {strides = array<i32>} : memref<176x128xf32, #tpu.memory_space<vmem>>, vector<1x16xf32>,
        %get3A_417 = vector.shape_cast %get3A_416 : vector<1x16xf32> to vector<16xf32>
        %max3A_418 = arith.maximumf %while3A_402, %get3A_417 : vector<16xf32>
        %get3A_419 = arith.constant 0 : i32
        %get3A_420 = arith.constant 0 : i32
        %get3A_421 = tpu.memref_slice %arg5[%while3A, %get3A_419, %get3A_420] : memref<3x176x128xf32, #tpu.memory_space<vmem>> -> memref<1x176x128xf32, #tpu.memory_space<vmem>>
        %get3A_422 = tpu.memref_squeeze %get3A_421 : memref<1x176x128xf32, #tpu.memory_space<vmem>> -> memref<176x128xf32, #tpu.memory_space<vmem>>
        %get3A_423 = arith.index_cast %while3A_401 : i32 to index
        %get3A_424 = arith.constant 16 : index
        %get3A_425 = tpu.vector_load %get3A_422[%get3A_423, %get3A_424] {strides = array<i32>} : memref<176x128xf32, #tpu.memory_space<vmem>>, vector<1x16xf32>,
        %get3A_426 = vector.shape_cast %get3A_425 : vector<1x16xf32> to vector<16xf32>
        %max3A_427 = arith.maximumf %while3A_403, %get3A_426 : vector<16xf32>
        %get3A_428 = arith.constant 0 : i32
        %get3A_429 = arith.constant 0 : i32
        %get3A_430 = tpu.memref_slice %arg5[%while3A, %get3A_428, %get3A_429] : memref<3x176x128xf32, #tpu.memory_space<vmem>> -> memref<1x176x128xf32, #tpu.memory_space<vmem>>
        %get3A_431 = tpu.memref_squeeze %get3A_430 : memref<1x176x128xf32, #tpu.memory_space<vmem>> -> memref<176x128xf32, #tpu.memory_space<vmem>>
        %get3A_432 = arith.index_cast %while3A_401 : i32 to index
        %get3A_433 = arith.constant 32 : index
        %get3A_434 = tpu.vector_load %get3A_431[%get3A_432, %get3A_433] {strides = array<i32>} : memref<176x128xf32, #tpu.memory_space<vmem>>, vector<1x16xf32>,
        %get3A_435 = vector.shape_cast %get3A_434 : vector<1x16xf32> to vector<16xf32>
        %max3A_436 = arith.maximumf %while3A_404, %get3A_435 : vector<16xf32>
        %get3A_437 = arith.constant 0 : i32
        %get3A_438 = arith.constant 0 : i32
        %get3A_439 = tpu.memref_slice %arg5[%while3A, %get3A_437, %get3A_438] : memref<3x176x128xf32, #tpu.memory_space<vmem>> -> memref<1x176x128xf32, #tpu.memory_space<vmem>>
        %get3A_440 = tpu.memref_squeeze %get3A_439 : memref<1x176x128xf32, #tpu.memory_space<vmem>> -> memref<176x128xf32, #tpu.memory_space<vmem>>
        %get3A_441 = arith.index_cast %while3A_401 : i32 to index
        %get3A_442 = arith.constant 48 : index
        %get3A_443 = tpu.vector_load %get3A_440[%get3A_441, %get3A_442] {strides = array<i32>} : memref<176x128xf32, #tpu.memory_space<vmem>>, vector<1x16xf32>,
        %get3A_444 = vector.shape_cast %get3A_443 : vector<1x16xf32> to vector<16xf32>
        %max3A_445 = arith.maximumf %while3A_405, %get3A_444 : vector<16xf32>
        %get3A_446 = arith.constant 0 : i32
        %get3A_447 = arith.constant 0 : i32
        %get3A_448 = tpu.memref_slice %arg5[%while3A, %get3A_446, %get3A_447] : memref<3x176x128xf32, #tpu.memory_space<vmem>> -> memref<1x176x128xf32, #tpu.memory_space<vmem>>
        %get3A_449 = tpu.memref_squeeze %get3A_448 : memref<1x176x128xf32, #tpu.memory_space<vmem>> -> memref<176x128xf32, #tpu.memory_space<vmem>>
        %get3A_450 = arith.index_cast %while3A_401 : i32 to index
        %get3A_451 = arith.constant 64 : index
        %get3A_452 = tpu.vector_load %get3A_449[%get3A_450, %get3A_451] {strides = array<i32>} : memref<176x128xf32, #tpu.memory_space<vmem>>, vector<1x16xf32>,
        %get3A_453 = vector.shape_cast %get3A_452 : vector<1x16xf32> to vector<16xf32>
        %max3A_454 = arith.maximumf %while3A_406, %get3A_453 : vector<16xf32>
        %get3A_455 = arith.constant 0 : i32
        %get3A_456 = arith.constant 0 : i32
        %get3A_457 = tpu.memref_slice %arg5[%while3A, %get3A_455, %get3A_456] : memref<3x176x128xf32, #tpu.memory_space<vmem>> -> memref<1x176x128xf32, #tpu.memory_space<vmem>>
        %get3A_458 = tpu.memref_squeeze %get3A_457 : memref<1x176x128xf32, #tpu.memory_space<vmem>> -> memref<176x128xf32, #tpu.memory_space<vmem>>
        %get3A_459 = arith.index_cast %while3A_401 : i32 to index
        %get3A_460 = arith.constant 80 : index
        %get3A_461 = tpu.vector_load %get3A_458[%get3A_459, %get3A_460] {strides = array<i32>} : memref<176x128xf32, #tpu.memory_space<vmem>>, vector<1x16xf32>,
        %get3A_462 = vector.shape_cast %get3A_461 : vector<1x16xf32> to vector<16xf32>
        %max3A_463 = arith.maximumf %while3A_407, %get3A_462 : vector<16xf32>
        %get3A_464 = arith.constant 0 : i32
        %get3A_465 = arith.constant 0 : i32
        %get3A_466 = tpu.memref_slice %arg5[%while3A, %get3A_464, %get3A_465] : memref<3x176x128xf32, #tpu.memory_space<vmem>> -> memref<1x176x128xf32, #tpu.memory_space<vmem>>
        %get3A_467 = tpu.memref_squeeze %get3A_466 : memref<1x176x128xf32, #tpu.memory_space<vmem>> -> memref<176x128xf32, #tpu.memory_space<vmem>>
        %get3A_468 = arith.index_cast %while3A_401 : i32 to index
        %get3A_469 = arith.constant 96 : index
        %get3A_470 = tpu.vector_load %get3A_467[%get3A_468, %get3A_469] {strides = array<i32>} : memref<176x128xf32, #tpu.memory_space<vmem>>, vector<1x16xf32>,
        %get3A_471 = vector.shape_cast %get3A_470 : vector<1x16xf32> to vector<16xf32>
        %max3A_472 = arith.maximumf %while3A_408, %get3A_471 : vector<16xf32>
        %get3A_473 = arith.constant 0 : i32
        %get3A_474 = arith.constant 0 : i32
        %get3A_475 = tpu.memref_slice %arg5[%while3A, %get3A_473, %get3A_474] : memref<3x176x128xf32, #tpu.memory_space<vmem>> -> memref<1x176x128xf32, #tpu.memory_space<vmem>>
        %get3A_476 = tpu.memref_squeeze %get3A_475 : memref<1x176x128xf32, #tpu.memory_space<vmem>> -> memref<176x128xf32, #tpu.memory_space<vmem>>
        %get3A_477 = arith.index_cast %while3A_401 : i32 to index
        %get3A_478 = arith.constant 112 : index
        %get3A_479 = tpu.vector_load %get3A_476[%get3A_477, %get3A_478] {strides = array<i32>} : memref<176x128xf32, #tpu.memory_space<vmem>>, vector<1x16xf32>,
        %get3A_480 = vector.shape_cast %get3A_479 : vector<1x16xf32> to vector<16xf32>
        %max3A_481 = arith.maximumf %while3A_409, %get3A_480 : vector<16xf32>
        scf.yield %max3A_418, %max3A_427, %max3A_436, %max3A_445, %max3A_454, %max3A_463, %max3A_472, %max3A_481 : vector<16xf32>, vector<16xf32>, vector<16xf32>, vector<16xf32>, vector<16xf32>, vector<16xf32>, vector<16xf32>, vector<16xf32>
      }
      %while3A_108 = arith.constant 1 : i32
      %while3A_109:8 = scf.for %while3A_401 = %while3A_105 to %while3A_101 step %while3A_108 iter_args(%while3A_402 = %while3A_107#0, %while3A_403 = %while3A_107#1, %while3A_404 = %while3A_107#2, %while3A_405 = %while3A_107#3, %while3A_406 = %while3A_107#4, %while3A_407 = %while3A_107#5, %while3A_408 = %while3A_107#6, %while3A_409 = %while3A_107#7) -> (vector<16xf32>, vector<16xf32>, vector<16xf32>, vector<16xf32>, vector<16xf32>, vector<16xf32>, vector<16xf32>, vector<16xf32>)  : i32 {
        %get3A_410 = arith.constant 0 : i32
        %get3A_411 = arith.constant 0 : i32
        %get3A_412 = tpu.memref_slice %arg5[%while3A, %get3A_410, %get3A_411] : memref<3x176x128xf32, #tpu.memory_space<vmem>> -> memref<1x176x128xf32, #tpu.memory_space<vmem>>
        %get3A_413 = tpu.memref_squeeze %get3A_412 : memref<1x176x128xf32, #tpu.memory_space<vmem>> -> memref<176x128xf32, #tpu.memory_space<vmem>>
        %get3A_414 = arith.index_cast %while3A_401 : i32 to index
        %get3A_415 = arith.constant 0 : index
        %get3A_416 = tpu.vector_load %get3A_413[%get3A_414, %get3A_415] {strides = array<i32>} : memref<176x128xf32, #tpu.memory_space<vmem>>, vector<1x16xf32>,
        %get3A_417 = vector.shape_cast %get3A_416 : vector<1x16xf32> to vector<16xf32>
        %max3A_418 = arith.maximumf %while3A_402, %get3A_417 : vector<16xf32>
        %get3A_419 = arith.constant 0 : i32
        %get3A_420 = arith.constant 0 : i32
        %get3A_421 = tpu.memref_slice %arg5[%while3A, %get3A_419, %get3A_420] : memref<3x176x128xf32, #tpu.memory_space<vmem>> -> memref<1x176x128xf32, #tpu.memory_space<vmem>>
        %get3A_422 = tpu.memref_squeeze %get3A_421 : memref<1x176x128xf32, #tpu.memory_space<vmem>> -> memref<176x128xf32, #tpu.memory_space<vmem>>
        %get3A_423 = arith.index_cast %while3A_401 : i32 to index
        %get3A_424 = arith.constant 16 : index
        %get3A_425 = tpu.vector_load %get3A_422[%get3A_423, %get3A_424] {strides = array<i32>} : memref<176x128xf32, #tpu.memory_space<vmem>>, vector<1x16xf32>,
        %get3A_426 = vector.shape_cast %get3A_425 : vector<1x16xf32> to vector<16xf32>
        %max3A_427 = arith.maximumf %while3A_403, %get3A_426 : vector<16xf32>
        %get3A_428 = arith.constant 0 : i32
        %get3A_429 = arith.constant 0 : i32
        %get3A_430 = tpu.memref_slice %arg5[%while3A, %get3A_428, %get3A_429] : memref<3x176x128xf32, #tpu.memory_space<vmem>> -> memref<1x176x128xf32, #tpu.memory_space<vmem>>
        %get3A_431 = tpu.memref_squeeze %get3A_430 : memref<1x176x128xf32, #tpu.memory_space<vmem>> -> memref<176x128xf32, #tpu.memory_space<vmem>>
        %get3A_432 = arith.index_cast %while3A_401 : i32 to index
        %get3A_433 = arith.constant 32 : index
        %get3A_434 = tpu.vector_load %get3A_431[%get3A_432, %get3A_433] {strides = array<i32>} : memref<176x128xf32, #tpu.memory_space<vmem>>, vector<1x16xf32>,
        %get3A_435 = vector.shape_cast %get3A_434 : vector<1x16xf32> to vector<16xf32>
        %max3A_436 = arith.maximumf %while3A_404, %get3A_435 : vector<16xf32>
        %get3A_437 = arith.constant 0 : i32
        %get3A_438 = arith.constant 0 : i32
        %get3A_439 = tpu.memref_slice %arg5[%while3A, %get3A_437, %get3A_438] : memref<3x176x128xf32, #tpu.memory_space<vmem>> -> memref<1x176x128xf32, #tpu.memory_space<vmem>>
        %get3A_440 = tpu.memref_squeeze %get3A_439 : memref<1x176x128xf32, #tpu.memory_space<vmem>> -> memref<176x128xf32, #tpu.memory_space<vmem>>
        %get3A_441 = arith.index_cast %while3A_401 : i32 to index
        %get3A_442 = arith.constant 48 : index
        %get3A_443 = tpu.vector_load %get3A_440[%get3A_441, %get3A_442] {strides = array<i32>} : memref<176x128xf32, #tpu.memory_space<vmem>>, vector<1x16xf32>,
        %get3A_444 = vector.shape_cast %get3A_443 : vector<1x16xf32> to vector<16xf32>
        %max3A_445 = arith.maximumf %while3A_405, %get3A_444 : vector<16xf32>
        %get3A_446 = arith.constant 0 : i32
        %get3A_447 = arith.constant 0 : i32
        %get3A_448 = tpu.memref_slice %arg5[%while3A, %get3A_446, %get3A_447] : memref<3x176x128xf32, #tpu.memory_space<vmem>> -> memref<1x176x128xf32, #tpu.memory_space<vmem>>
        %get3A_449 = tpu.memref_squeeze %get3A_448 : memref<1x176x128xf32, #tpu.memory_space<vmem>> -> memref<176x128xf32, #tpu.memory_space<vmem>>
        %get3A_450 = arith.index_cast %while3A_401 : i32 to index
        %get3A_451 = arith.constant 64 : index
        %get3A_452 = tpu.vector_load %get3A_449[%get3A_450, %get3A_451] {strides = array<i32>} : memref<176x128xf32, #tpu.memory_space<vmem>>, vector<1x16xf32>,
        %get3A_453 = vector.shape_cast %get3A_452 : vector<1x16xf32> to vector<16xf32>
        %max3A_454 = arith.maximumf %while3A_406, %get3A_453 : vector<16xf32>
        %get3A_455 = arith.constant 0 : i32
        %get3A_456 = arith.constant 0 : i32
        %get3A_457 = tpu.memref_slice %arg5[%while3A, %get3A_455, %get3A_456] : memref<3x176x128xf32, #tpu.memory_space<vmem>> -> memref<1x176x128xf32, #tpu.memory_space<vmem>>
        %get3A_458 = tpu.memref_squeeze %get3A_457 : memref<1x176x128xf32, #tpu.memory_space<vmem>> -> memref<176x128xf32, #tpu.memory_space<vmem>>
        %get3A_459 = arith.index_cast %while3A_401 : i32 to index
        %get3A_460 = arith.constant 80 : index
        %get3A_461 = tpu.vector_load %get3A_458[%get3A_459, %get3A_460] {strides = array<i32>} : memref<176x128xf32, #tpu.memory_space<vmem>>, vector<1x16xf32>,
        %get3A_462 = vector.shape_cast %get3A_461 : vector<1x16xf32> to vector<16xf32>
        %max3A_463 = arith.maximumf %while3A_407, %get3A_462 : vector<16xf32>
        %get3A_464 = arith.constant 0 : i32
        %get3A_465 = arith.constant 0 : i32
        %get3A_466 = tpu.memref_slice %arg5[%while3A, %get3A_464, %get3A_465] : memref<3x176x128xf32, #tpu.memory_space<vmem>> -> memref<1x176x128xf32, #tpu.memory_space<vmem>>
        %get3A_467 = tpu.memref_squeeze %get3A_466 : memref<1x176x128xf32, #tpu.memory_space<vmem>> -> memref<176x128xf32, #tpu.memory_space<vmem>>
        %get3A_468 = arith.index_cast %while3A_401 : i32 to index
        %get3A_469 = arith.constant 96 : index
        %get3A_470 = tpu.vector_load %get3A_467[%get3A_468, %get3A_469] {strides = array<i32>} : memref<176x128xf32, #tpu.memory_space<vmem>>, vector<1x16xf32>,
        %get3A_471 = vector.shape_cast %get3A_470 : vector<1x16xf32> to vector<16xf32>
        %max3A_472 = arith.maximumf %while3A_408, %get3A_471 : vector<16xf32>
        %get3A_473 = arith.constant 0 : i32
        %get3A_474 = arith.constant 0 : i32
        %get3A_475 = tpu.memref_slice %arg5[%while3A, %get3A_473, %get3A_474] : memref<3x176x128xf32, #tpu.memory_space<vmem>> -> memref<1x176x128xf32, #tpu.memory_space<vmem>>
        %get3A_476 = tpu.memref_squeeze %get3A_475 : memref<1x176x128xf32, #tpu.memory_space<vmem>> -> memref<176x128xf32, #tpu.memory_space<vmem>>
        %get3A_477 = arith.index_cast %while3A_401 : i32 to index
        %get3A_478 = arith.constant 112 : index
        %get3A_479 = tpu.vector_load %get3A_476[%get3A_477, %get3A_478] {strides = array<i32>} : memref<176x128xf32, #tpu.memory_space<vmem>>, vector<1x16xf32>,
        %get3A_480 = vector.shape_cast %get3A_479 : vector<1x16xf32> to vector<16xf32>
        %max3A_481 = arith.maximumf %while3A_409, %get3A_480 : vector<16xf32>
        scf.yield %max3A_418, %max3A_427, %max3A_436, %max3A_445, %max3A_454, %max3A_463, %max3A_472, %max3A_481 : vector<16xf32>, vector<16xf32>, vector<16xf32>, vector<16xf32>, vector<16xf32>, vector<16xf32>, vector<16xf32>, vector<16xf32>
      }
      %while3A_110 = arith.constant 0 : i32
      %while3A_111 = arith.subi %min3A_98, %min3A : i32
      %while3A_112 = arith.addi %min3A, %while3A_111 : i32
      %while3A_113 = arith.constant 1 : i32
      %while3A_114 = arith.divsi %while3A_111, %while3A_113 : i32
      %while3A_115 = arith.muli %while3A_114, %while3A_113 : i32
      %while3A_116 = arith.addi %min3A, %while3A_115 : i32
      %while3A_117 = arith.constant 1 : i32
      %while3A_118:8 = scf.for %while3A_401 = %min3A to %while3A_116 step %while3A_117 iter_args(%while3A_402 = %broadcast_in_dim3A_51, %while3A_403 = %broadcast_in_dim3A_51, %while3A_404 = %broadcast_in_dim3A_51, %while3A_405 = %broadcast_in_dim3A_51, %while3A_406 = %broadcast_in_dim3A_51, %while3A_407 = %broadcast_in_dim3A_51, %while3A_408 = %broadcast_in_dim3A_51, %while3A_409 = %broadcast_in_dim3A_51) -> (vector<16xf32>, vector<16xf32>, vector<16xf32>, vector<16xf32>, vector<16xf32>, vector<16xf32>, vector<16xf32>, vector<16xf32>)  : i32 {
        %get3A_410 = arith.constant 0 : i32
        %get3A_411 = arith.constant 0 : i32
        %get3A_412 = tpu.memref_slice %arg5[%while3A_110, %get3A_410, %get3A_411] : memref<3x176x128xf32, #tpu.memory_space<vmem>> -> memref<1x176x128xf32, #tpu.memory_space<vmem>>
        %get3A_413 = tpu.memref_squeeze %get3A_412 : memref<1x176x128xf32, #tpu.memory_space<vmem>> -> memref<176x128xf32, #tpu.memory_space<vmem>>
        %get3A_414 = arith.index_cast %while3A_401 : i32 to index
        %get3A_415 = arith.constant 0 : index
        %get3A_416 = tpu.vector_load %get3A_413[%get3A_414, %get3A_415] {strides = array<i32>} : memref<176x128xf32, #tpu.memory_space<vmem>>, vector<1x16xf32>,
        %get3A_417 = vector.shape_cast %get3A_416 : vector<1x16xf32> to vector<16xf32>
        %max3A_418 = arith.maximumf %while3A_402, %get3A_417 : vector<16xf32>
        %get3A_419 = arith.constant 0 : i32
        %get3A_420 = arith.constant 0 : i32
        %get3A_421 = tpu.memref_slice %arg5[%while3A_110, %get3A_419, %get3A_420] : memref<3x176x128xf32, #tpu.memory_space<vmem>> -> memref<1x176x128xf32, #tpu.memory_space<vmem>>
        %get3A_422 = tpu.memref_squeeze %get3A_421 : memref<1x176x128xf32, #tpu.memory_space<vmem>> -> memref<176x128xf32, #tpu.memory_space<vmem>>
        %get3A_423 = arith.index_cast %while3A_401 : i32 to index
        %get3A_424 = arith.constant 16 : index
        %get3A_425 = tpu.vector_load %get3A_422[%get3A_423, %get3A_424] {strides = array<i32>} : memref<176x128xf32, #tpu.memory_space<vmem>>, vector<1x16xf32>,
        %get3A_426 = vector.shape_cast %get3A_425 : vector<1x16xf32> to vector<16xf32>
        %max3A_427 = arith.maximumf %while3A_403, %get3A_426 : vector<16xf32>
        %get3A_428 = arith.constant 0 : i32
        %get3A_429 = arith.constant 0 : i32
        %get3A_430 = tpu.memref_slice %arg5[%while3A_110, %get3A_428, %get3A_429] : memref<3x176x128xf32, #tpu.memory_space<vmem>> -> memref<1x176x128xf32, #tpu.memory_space<vmem>>
        %get3A_431 = tpu.memref_squeeze %get3A_430 : memref<1x176x128xf32, #tpu.memory_space<vmem>> -> memref<176x128xf32, #tpu.memory_space<vmem>>
        %get3A_432 = arith.index_cast %while3A_401 : i32 to index
        %get3A_433 = arith.constant 32 : index
        %get3A_434 = tpu.vector_load %get3A_431[%get3A_432, %get3A_433] {strides = array<i32>} : memref<176x128xf32, #tpu.memory_space<vmem>>, vector<1x16xf32>,
        %get3A_435 = vector.shape_cast %get3A_434 : vector<1x16xf32> to vector<16xf32>
        %max3A_436 = arith.maximumf %while3A_404, %get3A_435 : vector<16xf32>
        %get3A_437 = arith.constant 0 : i32
        %get3A_438 = arith.constant 0 : i32
        %get3A_439 = tpu.memref_slice %arg5[%while3A_110, %get3A_437, %get3A_438] : memref<3x176x128xf32, #tpu.memory_space<vmem>> -> memref<1x176x128xf32, #tpu.memory_space<vmem>>
        %get3A_440 = tpu.memref_squeeze %get3A_439 : memref<1x176x128xf32, #tpu.memory_space<vmem>> -> memref<176x128xf32, #tpu.memory_space<vmem>>
        %get3A_441 = arith.index_cast %while3A_401 : i32 to index
        %get3A_442 = arith.constant 48 : index
        %get3A_443 = tpu.vector_load %get3A_440[%get3A_441, %get3A_442] {strides = array<i32>} : memref<176x128xf32, #tpu.memory_space<vmem>>, vector<1x16xf32>,
        %get3A_444 = vector.shape_cast %get3A_443 : vector<1x16xf32> to vector<16xf32>
        %max3A_445 = arith.maximumf %while3A_405, %get3A_444 : vector<16xf32>
        %get3A_446 = arith.constant 0 : i32
        %get3A_447 = arith.constant 0 : i32
        %get3A_448 = tpu.memref_slice %arg5[%while3A_110, %get3A_446, %get3A_447] : memref<3x176x128xf32, #tpu.memory_space<vmem>> -> memref<1x176x128xf32, #tpu.memory_space<vmem>>
        %get3A_449 = tpu.memref_squeeze %get3A_448 : memref<1x176x128xf32, #tpu.memory_space<vmem>> -> memref<176x128xf32, #tpu.memory_space<vmem>>
        %get3A_450 = arith.index_cast %while3A_401 : i32 to index
        %get3A_451 = arith.constant 64 : index
        %get3A_452 = tpu.vector_load %get3A_449[%get3A_450, %get3A_451] {strides = array<i32>} : memref<176x128xf32, #tpu.memory_space<vmem>>, vector<1x16xf32>,
        %get3A_453 = vector.shape_cast %get3A_452 : vector<1x16xf32> to vector<16xf32>
        %max3A_454 = arith.maximumf %while3A_406, %get3A_453 : vector<16xf32>
        %get3A_455 = arith.constant 0 : i32
        %get3A_456 = arith.constant 0 : i32
        %get3A_457 = tpu.memref_slice %arg5[%while3A_110, %get3A_455, %get3A_456] : memref<3x176x128xf32, #tpu.memory_space<vmem>> -> memref<1x176x128xf32, #tpu.memory_space<vmem>>
        %get3A_458 = tpu.memref_squeeze %get3A_457 : memref<1x176x128xf32, #tpu.memory_space<vmem>> -> memref<176x128xf32, #tpu.memory_space<vmem>>
        %get3A_459 = arith.index_cast %while3A_401 : i32 to index
        %get3A_460 = arith.constant 80 : index
        %get3A_461 = tpu.vector_load %get3A_458[%get3A_459, %get3A_460] {strides = array<i32>} : memref<176x128xf32, #tpu.memory_space<vmem>>, vector<1x16xf32>,
        %get3A_462 = vector.shape_cast %get3A_461 : vector<1x16xf32> to vector<16xf32>
        %max3A_463 = arith.maximumf %while3A_407, %get3A_462 : vector<16xf32>
        %get3A_464 = arith.constant 0 : i32
        %get3A_465 = arith.constant 0 : i32
        %get3A_466 = tpu.memref_slice %arg5[%while3A_110, %get3A_464, %get3A_465] : memref<3x176x128xf32, #tpu.memory_space<vmem>> -> memref<1x176x128xf32, #tpu.memory_space<vmem>>
        %get3A_467 = tpu.memref_squeeze %get3A_466 : memref<1x176x128xf32, #tpu.memory_space<vmem>> -> memref<176x128xf32, #tpu.memory_space<vmem>>
        %get3A_468 = arith.index_cast %while3A_401 : i32 to index
        %get3A_469 = arith.constant 96 : index
        %get3A_470 = tpu.vector_load %get3A_467[%get3A_468, %get3A_469] {strides = array<i32>} : memref<176x128xf32, #tpu.memory_space<vmem>>, vector<1x16xf32>,
        %get3A_471 = vector.shape_cast %get3A_470 : vector<1x16xf32> to vector<16xf32>
        %max3A_472 = arith.maximumf %while3A_408, %get3A_471 : vector<16xf32>
        %get3A_473 = arith.constant 0 : i32
        %get3A_474 = arith.constant 0 : i32
        %get3A_475 = tpu.memref_slice %arg5[%while3A_110, %get3A_473, %get3A_474] : memref<3x176x128xf32, #tpu.memory_space<vmem>> -> memref<1x176x128xf32, #tpu.memory_space<vmem>>
        %get3A_476 = tpu.memref_squeeze %get3A_475 : memref<1x176x128xf32, #tpu.memory_space<vmem>> -> memref<176x128xf32, #tpu.memory_space<vmem>>
        %get3A_477 = arith.index_cast %while3A_401 : i32 to index
        %get3A_478 = arith.constant 112 : index
        %get3A_479 = tpu.vector_load %get3A_476[%get3A_477, %get3A_478] {strides = array<i32>} : memref<176x128xf32, #tpu.memory_space<vmem>>, vector<1x16xf32>,
        %get3A_480 = vector.shape_cast %get3A_479 : vector<1x16xf32> to vector<16xf32>
        %max3A_481 = arith.maximumf %while3A_409, %get3A_480 : vector<16xf32>
        scf.yield %max3A_418, %max3A_427, %max3A_436, %max3A_445, %max3A_454, %max3A_463, %max3A_472, %max3A_481 : vector<16xf32>, vector<16xf32>, vector<16xf32>, vector<16xf32>, vector<16xf32>, vector<16xf32>, vector<16xf32>, vector<16xf32>
      }
      %while3A_119 = arith.constant 1 : i32
      %while3A_120:8 = scf.for %while3A_401 = %while3A_116 to %while3A_112 step %while3A_119 iter_args(%while3A_402 = %while3A_118#0, %while3A_403 = %while3A_118#1, %while3A_404 = %while3A_118#2, %while3A_405 = %while3A_118#3, %while3A_406 = %while3A_118#4, %while3A_407 = %while3A_118#5, %while3A_408 = %while3A_118#6, %while3A_409 = %while3A_118#7) -> (vector<16xf32>, vector<16xf32>, vector<16xf32>, vector<16xf32>, vector<16xf32>, vector<16xf32>, vector<16xf32>, vector<16xf32>)  : i32 {
        %get3A_410 = arith.constant 0 : i32
        %get3A_411 = arith.constant 0 : i32
        %get3A_412 = tpu.memref_slice %arg5[%while3A_110, %get3A_410, %get3A_411] : memref<3x176x128xf32, #tpu.memory_space<vmem>> -> memref<1x176x128xf32, #tpu.memory_space<vmem>>
        %get3A_413 = tpu.memref_squeeze %get3A_412 : memref<1x176x128xf32, #tpu.memory_space<vmem>> -> memref<176x128xf32, #tpu.memory_space<vmem>>
        %get3A_414 = arith.index_cast %while3A_401 : i32 to index
        %get3A_415 = arith.constant 0 : index
        %get3A_416 = tpu.vector_load %get3A_413[%get3A_414, %get3A_415] {strides = array<i32>} : memref<176x128xf32, #tpu.memory_space<vmem>>, vector<1x16xf32>,
        %get3A_417 = vector.shape_cast %get3A_416 : vector<1x16xf32> to vector<16xf32>
        %max3A_418 = arith.maximumf %while3A_402, %get3A_417 : vector<16xf32>
        %get3A_419 = arith.constant 0 : i32
        %get3A_420 = arith.constant 0 : i32
        %get3A_421 = tpu.memref_slice %arg5[%while3A_110, %get3A_419, %get3A_420] : memref<3x176x128xf32, #tpu.memory_space<vmem>> -> memref<1x176x128xf32, #tpu.memory_space<vmem>>
        %get3A_422 = tpu.memref_squeeze %get3A_421 : memref<1x176x128xf32, #tpu.memory_space<vmem>> -> memref<176x128xf32, #tpu.memory_space<vmem>>
        %get3A_423 = arith.index_cast %while3A_401 : i32 to index
        %get3A_424 = arith.constant 16 : index
        %get3A_425 = tpu.vector_load %get3A_422[%get3A_423, %get3A_424] {strides = array<i32>} : memref<176x128xf32, #tpu.memory_space<vmem>>, vector<1x16xf32>,
        %get3A_426 = vector.shape_cast %get3A_425 : vector<1x16xf32> to vector<16xf32>
        %max3A_427 = arith.maximumf %while3A_403, %get3A_426 : vector<16xf32>
        %get3A_428 = arith.constant 0 : i32
        %get3A_429 = arith.constant 0 : i32
        %get3A_430 = tpu.memref_slice %arg5[%while3A_110, %get3A_428, %get3A_429] : memref<3x176x128xf32, #tpu.memory_space<vmem>> -> memref<1x176x128xf32, #tpu.memory_space<vmem>>
        %get3A_431 = tpu.memref_squeeze %get3A_430 : memref<1x176x128xf32, #tpu.memory_space<vmem>> -> memref<176x128xf32, #tpu.memory_space<vmem>>
        %get3A_432 = arith.index_cast %while3A_401 : i32 to index
        %get3A_433 = arith.constant 32 : index
        %get3A_434 = tpu.vector_load %get3A_431[%get3A_432, %get3A_433] {strides = array<i32>} : memref<176x128xf32, #tpu.memory_space<vmem>>, vector<1x16xf32>,
        %get3A_435 = vector.shape_cast %get3A_434 : vector<1x16xf32> to vector<16xf32>
        %max3A_436 = arith.maximumf %while3A_404, %get3A_435 : vector<16xf32>
        %get3A_437 = arith.constant 0 : i32
        %get3A_438 = arith.constant 0 : i32
        %get3A_439 = tpu.memref_slice %arg5[%while3A_110, %get3A_437, %get3A_438] : memref<3x176x128xf32, #tpu.memory_space<vmem>> -> memref<1x176x128xf32, #tpu.memory_space<vmem>>
        %get3A_440 = tpu.memref_squeeze %get3A_439 : memref<1x176x128xf32, #tpu.memory_space<vmem>> -> memref<176x128xf32, #tpu.memory_space<vmem>>
        %get3A_441 = arith.index_cast %while3A_401 : i32 to index
        %get3A_442 = arith.constant 48 : index
        %get3A_443 = tpu.vector_load %get3A_440[%get3A_441, %get3A_442] {strides = array<i32>} : memref<176x128xf32, #tpu.memory_space<vmem>>, vector<1x16xf32>,
        %get3A_444 = vector.shape_cast %get3A_443 : vector<1x16xf32> to vector<16xf32>
        %max3A_445 = arith.maximumf %while3A_405, %get3A_444 : vector<16xf32>
        %get3A_446 = arith.constant 0 : i32
        %get3A_447 = arith.constant 0 : i32
        %get3A_448 = tpu.memref_slice %arg5[%while3A_110, %get3A_446, %get3A_447] : memref<3x176x128xf32, #tpu.memory_space<vmem>> -> memref<1x176x128xf32, #tpu.memory_space<vmem>>
        %get3A_449 = tpu.memref_squeeze %get3A_448 : memref<1x176x128xf32, #tpu.memory_space<vmem>> -> memref<176x128xf32, #tpu.memory_space<vmem>>
        %get3A_450 = arith.index_cast %while3A_401 : i32 to index
        %get3A_451 = arith.constant 64 : index
        %get3A_452 = tpu.vector_load %get3A_449[%get3A_450, %get3A_451] {strides = array<i32>} : memref<176x128xf32, #tpu.memory_space<vmem>>, vector<1x16xf32>,
        %get3A_453 = vector.shape_cast %get3A_452 : vector<1x16xf32> to vector<16xf32>
        %max3A_454 = arith.maximumf %while3A_406, %get3A_453 : vector<16xf32>
        %get3A_455 = arith.constant 0 : i32
        %get3A_456 = arith.constant 0 : i32
        %get3A_457 = tpu.memref_slice %arg5[%while3A_110, %get3A_455, %get3A_456] : memref<3x176x128xf32, #tpu.memory_space<vmem>> -> memref<1x176x128xf32, #tpu.memory_space<vmem>>
        %get3A_458 = tpu.memref_squeeze %get3A_457 : memref<1x176x128xf32, #tpu.memory_space<vmem>> -> memref<176x128xf32, #tpu.memory_space<vmem>>
        %get3A_459 = arith.index_cast %while3A_401 : i32 to index
        %get3A_460 = arith.constant 80 : index
        %get3A_461 = tpu.vector_load %get3A_458[%get3A_459, %get3A_460] {strides = array<i32>} : memref<176x128xf32, #tpu.memory_space<vmem>>, vector<1x16xf32>,
        %get3A_462 = vector.shape_cast %get3A_461 : vector<1x16xf32> to vector<16xf32>
        %max3A_463 = arith.maximumf %while3A_407, %get3A_462 : vector<16xf32>
        %get3A_464 = arith.constant 0 : i32
        %get3A_465 = arith.constant 0 : i32
        %get3A_466 = tpu.memref_slice %arg5[%while3A_110, %get3A_464, %get3A_465] : memref<3x176x128xf32, #tpu.memory_space<vmem>> -> memref<1x176x128xf32, #tpu.memory_space<vmem>>
        %get3A_467 = tpu.memref_squeeze %get3A_466 : memref<1x176x128xf32, #tpu.memory_space<vmem>> -> memref<176x128xf32, #tpu.memory_space<vmem>>
        %get3A_468 = arith.index_cast %while3A_401 : i32 to index
        %get3A_469 = arith.constant 96 : index
        %get3A_470 = tpu.vector_load %get3A_467[%get3A_468, %get3A_469] {strides = array<i32>} : memref<176x128xf32, #tpu.memory_space<vmem>>, vector<1x16xf32>,
        %get3A_471 = vector.shape_cast %get3A_470 : vector<1x16xf32> to vector<16xf32>
        %max3A_472 = arith.maximumf %while3A_408, %get3A_471 : vector<16xf32>
        %get3A_473 = arith.constant 0 : i32
        %get3A_474 = arith.constant 0 : i32
        %get3A_475 = tpu.memref_slice %arg5[%while3A_110, %get3A_473, %get3A_474] : memref<3x176x128xf32, #tpu.memory_space<vmem>> -> memref<1x176x128xf32, #tpu.memory_space<vmem>>
        %get3A_476 = tpu.memref_squeeze %get3A_475 : memref<1x176x128xf32, #tpu.memory_space<vmem>> -> memref<176x128xf32, #tpu.memory_space<vmem>>
        %get3A_477 = arith.index_cast %while3A_401 : i32 to index
        %get3A_478 = arith.constant 112 : index
        %get3A_479 = tpu.vector_load %get3A_476[%get3A_477, %get3A_478] {strides = array<i32>} : memref<176x128xf32, #tpu.memory_space<vmem>>, vector<1x16xf32>,
        %get3A_480 = vector.shape_cast %get3A_479 : vector<1x16xf32> to vector<16xf32>
        %max3A_481 = arith.maximumf %while3A_409, %get3A_480 : vector<16xf32>
        scf.yield %max3A_418, %max3A_427, %max3A_436, %max3A_445, %max3A_454, %max3A_463, %max3A_472, %max3A_481 : vector<16xf32>, vector<16xf32>, vector<16xf32>, vector<16xf32>, vector<16xf32>, vector<16xf32>, vector<16xf32>, vector<16xf32>
      }
      %while3A_121 = arith.constant 0 : i32
      %while3A_122 = arith.constant 176 : i32
      %while3A_123 = arith.subi %while3A_122, %min3A_98 : i32
      %while3A_124 = arith.addi %min3A_98, %while3A_123 : i32
      %while3A_125 = arith.constant 1 : i32
      %while3A_126 = arith.divsi %while3A_123, %while3A_125 : i32
      %while3A_127 = arith.muli %while3A_126, %while3A_125 : i32
      %while3A_128 = arith.addi %min3A_98, %while3A_127 : i32
      %while3A_129 = arith.constant 1 : i32
      %while3A_130:8 = scf.for %while3A_401 = %min3A_98 to %while3A_128 step %while3A_129 iter_args(%while3A_402 = %broadcast_in_dim3A_51, %while3A_403 = %broadcast_in_dim3A_51, %while3A_404 = %broadcast_in_dim3A_51, %while3A_405 = %broadcast_in_dim3A_51, %while3A_406 = %broadcast_in_dim3A_51, %while3A_407 = %broadcast_in_dim3A_51, %while3A_408 = %broadcast_in_dim3A_51, %while3A_409 = %broadcast_in_dim3A_51) -> (vector<16xf32>, vector<16xf32>, vector<16xf32>, vector<16xf32>, vector<16xf32>, vector<16xf32>, vector<16xf32>, vector<16xf32>)  : i32 {
        %get3A_410 = arith.constant 0 : i32
        %get3A_411 = arith.constant 0 : i32
        %get3A_412 = tpu.memref_slice %arg5[%while3A_121, %get3A_410, %get3A_411] : memref<3x176x128xf32, #tpu.memory_space<vmem>> -> memref<1x176x128xf32, #tpu.memory_space<vmem>>
        %get3A_413 = tpu.memref_squeeze %get3A_412 : memref<1x176x128xf32, #tpu.memory_space<vmem>> -> memref<176x128xf32, #tpu.memory_space<vmem>>
        %get3A_414 = arith.index_cast %while3A_401 : i32 to index
        %get3A_415 = arith.constant 0 : index
        %get3A_416 = tpu.vector_load %get3A_413[%get3A_414, %get3A_415] {strides = array<i32>} : memref<176x128xf32, #tpu.memory_space<vmem>>, vector<1x16xf32>,
        %get3A_417 = vector.shape_cast %get3A_416 : vector<1x16xf32> to vector<16xf32>
        %max3A_418 = arith.maximumf %while3A_402, %get3A_417 : vector<16xf32>
        %get3A_419 = arith.constant 0 : i32
        %get3A_420 = arith.constant 0 : i32
        %get3A_421 = tpu.memref_slice %arg5[%while3A_121, %get3A_419, %get3A_420] : memref<3x176x128xf32, #tpu.memory_space<vmem>> -> memref<1x176x128xf32, #tpu.memory_space<vmem>>
        %get3A_422 = tpu.memref_squeeze %get3A_421 : memref<1x176x128xf32, #tpu.memory_space<vmem>> -> memref<176x128xf32, #tpu.memory_space<vmem>>
        %get3A_423 = arith.index_cast %while3A_401 : i32 to index
        %get3A_424 = arith.constant 16 : index
        %get3A_425 = tpu.vector_load %get3A_422[%get3A_423, %get3A_424] {strides = array<i32>} : memref<176x128xf32, #tpu.memory_space<vmem>>, vector<1x16xf32>,
        %get3A_426 = vector.shape_cast %get3A_425 : vector<1x16xf32> to vector<16xf32>
        %max3A_427 = arith.maximumf %while3A_403, %get3A_426 : vector<16xf32>
        %get3A_428 = arith.constant 0 : i32
        %get3A_429 = arith.constant 0 : i32
        %get3A_430 = tpu.memref_slice %arg5[%while3A_121, %get3A_428, %get3A_429] : memref<3x176x128xf32, #tpu.memory_space<vmem>> -> memref<1x176x128xf32, #tpu.memory_space<vmem>>
        %get3A_431 = tpu.memref_squeeze %get3A_430 : memref<1x176x128xf32, #tpu.memory_space<vmem>> -> memref<176x128xf32, #tpu.memory_space<vmem>>
        %get3A_432 = arith.index_cast %while3A_401 : i32 to index
        %get3A_433 = arith.constant 32 : index
        %get3A_434 = tpu.vector_load %get3A_431[%get3A_432, %get3A_433] {strides = array<i32>} : memref<176x128xf32, #tpu.memory_space<vmem>>, vector<1x16xf32>,
        %get3A_435 = vector.shape_cast %get3A_434 : vector<1x16xf32> to vector<16xf32>
        %max3A_436 = arith.maximumf %while3A_404, %get3A_435 : vector<16xf32>
        %get3A_437 = arith.constant 0 : i32
        %get3A_438 = arith.constant 0 : i32
        %get3A_439 = tpu.memref_slice %arg5[%while3A_121, %get3A_437, %get3A_438] : memref<3x176x128xf32, #tpu.memory_space<vmem>> -> memref<1x176x128xf32, #tpu.memory_space<vmem>>
        %get3A_440 = tpu.memref_squeeze %get3A_439 : memref<1x176x128xf32, #tpu.memory_space<vmem>> -> memref<176x128xf32, #tpu.memory_space<vmem>>
        %get3A_441 = arith.index_cast %while3A_401 : i32 to index
        %get3A_442 = arith.constant 48 : index
        %get3A_443 = tpu.vector_load %get3A_440[%get3A_441, %get3A_442] {strides = array<i32>} : memref<176x128xf32, #tpu.memory_space<vmem>>, vector<1x16xf32>,
        %get3A_444 = vector.shape_cast %get3A_443 : vector<1x16xf32> to vector<16xf32>
        %max3A_445 = arith.maximumf %while3A_405, %get3A_444 : vector<16xf32>
        %get3A_446 = arith.constant 0 : i32
        %get3A_447 = arith.constant 0 : i32
        %get3A_448 = tpu.memref_slice %arg5[%while3A_121, %get3A_446, %get3A_447] : memref<3x176x128xf32, #tpu.memory_space<vmem>> -> memref<1x176x128xf32, #tpu.memory_space<vmem>>
        %get3A_449 = tpu.memref_squeeze %get3A_448 : memref<1x176x128xf32, #tpu.memory_space<vmem>> -> memref<176x128xf32, #tpu.memory_space<vmem>>
        %get3A_450 = arith.index_cast %while3A_401 : i32 to index
        %get3A_451 = arith.constant 64 : index
        %get3A_452 = tpu.vector_load %get3A_449[%get3A_450, %get3A_451] {strides = array<i32>} : memref<176x128xf32, #tpu.memory_space<vmem>>, vector<1x16xf32>,
        %get3A_453 = vector.shape_cast %get3A_452 : vector<1x16xf32> to vector<16xf32>
        %max3A_454 = arith.maximumf %while3A_406, %get3A_453 : vector<16xf32>
        %get3A_455 = arith.constant 0 : i32
        %get3A_456 = arith.constant 0 : i32
        %get3A_457 = tpu.memref_slice %arg5[%while3A_121, %get3A_455, %get3A_456] : memref<3x176x128xf32, #tpu.memory_space<vmem>> -> memref<1x176x128xf32, #tpu.memory_space<vmem>>
        %get3A_458 = tpu.memref_squeeze %get3A_457 : memref<1x176x128xf32, #tpu.memory_space<vmem>> -> memref<176x128xf32, #tpu.memory_space<vmem>>
        %get3A_459 = arith.index_cast %while3A_401 : i32 to index
        %get3A_460 = arith.constant 80 : index
        %get3A_461 = tpu.vector_load %get3A_458[%get3A_459, %get3A_460] {strides = array<i32>} : memref<176x128xf32, #tpu.memory_space<vmem>>, vector<1x16xf32>,
        %get3A_462 = vector.shape_cast %get3A_461 : vector<1x16xf32> to vector<16xf32>
        %max3A_463 = arith.maximumf %while3A_407, %get3A_462 : vector<16xf32>
        %get3A_464 = arith.constant 0 : i32
        %get3A_465 = arith.constant 0 : i32
        %get3A_466 = tpu.memref_slice %arg5[%while3A_121, %get3A_464, %get3A_465] : memref<3x176x128xf32, #tpu.memory_space<vmem>> -> memref<1x176x128xf32, #tpu.memory_space<vmem>>
        %get3A_467 = tpu.memref_squeeze %get3A_466 : memref<1x176x128xf32, #tpu.memory_space<vmem>> -> memref<176x128xf32, #tpu.memory_space<vmem>>
        %get3A_468 = arith.index_cast %while3A_401 : i32 to index
        %get3A_469 = arith.constant 96 : index
        %get3A_470 = tpu.vector_load %get3A_467[%get3A_468, %get3A_469] {strides = array<i32>} : memref<176x128xf32, #tpu.memory_space<vmem>>, vector<1x16xf32>,
        %get3A_471 = vector.shape_cast %get3A_470 : vector<1x16xf32> to vector<16xf32>
        %max3A_472 = arith.maximumf %while3A_408, %get3A_471 : vector<16xf32>
        %get3A_473 = arith.constant 0 : i32
        %get3A_474 = arith.constant 0 : i32
        %get3A_475 = tpu.memref_slice %arg5[%while3A_121, %get3A_473, %get3A_474] : memref<3x176x128xf32, #tpu.memory_space<vmem>> -> memref<1x176x128xf32, #tpu.memory_space<vmem>>
        %get3A_476 = tpu.memref_squeeze %get3A_475 : memref<1x176x128xf32, #tpu.memory_space<vmem>> -> memref<176x128xf32, #tpu.memory_space<vmem>>
        %get3A_477 = arith.index_cast %while3A_401 : i32 to index
        %get3A_478 = arith.constant 112 : index
        %get3A_479 = tpu.vector_load %get3A_476[%get3A_477, %get3A_478] {strides = array<i32>} : memref<176x128xf32, #tpu.memory_space<vmem>>, vector<1x16xf32>,
        %get3A_480 = vector.shape_cast %get3A_479 : vector<1x16xf32> to vector<16xf32>
        %max3A_481 = arith.maximumf %while3A_409, %get3A_480 : vector<16xf32>
        scf.yield %max3A_418, %max3A_427, %max3A_436, %max3A_445, %max3A_454, %max3A_463, %max3A_472, %max3A_481 : vector<16xf32>, vector<16xf32>, vector<16xf32>, vector<16xf32>, vector<16xf32>, vector<16xf32>, vector<16xf32>, vector<16xf32>
      }
      %while3A_131 = arith.constant 1 : i32
      %while3A_132:8 = scf.for %while3A_401 = %while3A_128 to %while3A_124 step %while3A_131 iter_args(%while3A_402 = %while3A_130#0, %while3A_403 = %while3A_130#1, %while3A_404 = %while3A_130#2, %while3A_405 = %while3A_130#3, %while3A_406 = %while3A_130#4, %while3A_407 = %while3A_130#5, %while3A_408 = %while3A_130#6, %while3A_409 = %while3A_130#7) -> (vector<16xf32>, vector<16xf32>, vector<16xf32>, vector<16xf32>, vector<16xf32>, vector<16xf32>, vector<16xf32>, vector<16xf32>)  : i32 {
        %get3A_410 = arith.constant 0 : i32
        %get3A_411 = arith.constant 0 : i32
        %get3A_412 = tpu.memref_slice %arg5[%while3A_121, %get3A_410, %get3A_411] : memref<3x176x128xf32, #tpu.memory_space<vmem>> -> memref<1x176x128xf32, #tpu.memory_space<vmem>>
        %get3A_413 = tpu.memref_squeeze %get3A_412 : memref<1x176x128xf32, #tpu.memory_space<vmem>> -> memref<176x128xf32, #tpu.memory_space<vmem>>
        %get3A_414 = arith.index_cast %while3A_401 : i32 to index
        %get3A_415 = arith.constant 0 : index
        %get3A_416 = tpu.vector_load %get3A_413[%get3A_414, %get3A_415] {strides = array<i32>} : memref<176x128xf32, #tpu.memory_space<vmem>>, vector<1x16xf32>,
        %get3A_417 = vector.shape_cast %get3A_416 : vector<1x16xf32> to vector<16xf32>
        %max3A_418 = arith.maximumf %while3A_402, %get3A_417 : vector<16xf32>
        %get3A_419 = arith.constant 0 : i32
        %get3A_420 = arith.constant 0 : i32
        %get3A_421 = tpu.memref_slice %arg5[%while3A_121, %get3A_419, %get3A_420] : memref<3x176x128xf32, #tpu.memory_space<vmem>> -> memref<1x176x128xf32, #tpu.memory_space<vmem>>
        %get3A_422 = tpu.memref_squeeze %get3A_421 : memref<1x176x128xf32, #tpu.memory_space<vmem>> -> memref<176x128xf32, #tpu.memory_space<vmem>>
        %get3A_423 = arith.index_cast %while3A_401 : i32 to index
        %get3A_424 = arith.constant 16 : index
        %get3A_425 = tpu.vector_load %get3A_422[%get3A_423, %get3A_424] {strides = array<i32>} : memref<176x128xf32, #tpu.memory_space<vmem>>, vector<1x16xf32>,
        %get3A_426 = vector.shape_cast %get3A_425 : vector<1x16xf32> to vector<16xf32>
        %max3A_427 = arith.maximumf %while3A_403, %get3A_426 : vector<16xf32>
        %get3A_428 = arith.constant 0 : i32
        %get3A_429 = arith.constant 0 : i32
        %get3A_430 = tpu.memref_slice %arg5[%while3A_121, %get3A_428, %get3A_429] : memref<3x176x128xf32, #tpu.memory_space<vmem>> -> memref<1x176x128xf32, #tpu.memory_space<vmem>>
        %get3A_431 = tpu.memref_squeeze %get3A_430 : memref<1x176x128xf32, #tpu.memory_space<vmem>> -> memref<176x128xf32, #tpu.memory_space<vmem>>
        %get3A_432 = arith.index_cast %while3A_401 : i32 to index
        %get3A_433 = arith.constant 32 : index
        %get3A_434 = tpu.vector_load %get3A_431[%get3A_432, %get3A_433] {strides = array<i32>} : memref<176x128xf32, #tpu.memory_space<vmem>>, vector<1x16xf32>,
        %get3A_435 = vector.shape_cast %get3A_434 : vector<1x16xf32> to vector<16xf32>
        %max3A_436 = arith.maximumf %while3A_404, %get3A_435 : vector<16xf32>
        %get3A_437 = arith.constant 0 : i32
        %get3A_438 = arith.constant 0 : i32
        %get3A_439 = tpu.memref_slice %arg5[%while3A_121, %get3A_437, %get3A_438] : memref<3x176x128xf32, #tpu.memory_space<vmem>> -> memref<1x176x128xf32, #tpu.memory_space<vmem>>
        %get3A_440 = tpu.memref_squeeze %get3A_439 : memref<1x176x128xf32, #tpu.memory_space<vmem>> -> memref<176x128xf32, #tpu.memory_space<vmem>>
        %get3A_441 = arith.index_cast %while3A_401 : i32 to index
        %get3A_442 = arith.constant 48 : index
        %get3A_443 = tpu.vector_load %get3A_440[%get3A_441, %get3A_442] {strides = array<i32>} : memref<176x128xf32, #tpu.memory_space<vmem>>, vector<1x16xf32>,
        %get3A_444 = vector.shape_cast %get3A_443 : vector<1x16xf32> to vector<16xf32>
        %max3A_445 = arith.maximumf %while3A_405, %get3A_444 : vector<16xf32>
        %get3A_446 = arith.constant 0 : i32
        %get3A_447 = arith.constant 0 : i32
        %get3A_448 = tpu.memref_slice %arg5[%while3A_121, %get3A_446, %get3A_447] : memref<3x176x128xf32, #tpu.memory_space<vmem>> -> memref<1x176x128xf32, #tpu.memory_space<vmem>>
        %get3A_449 = tpu.memref_squeeze %get3A_448 : memref<1x176x128xf32, #tpu.memory_space<vmem>> -> memref<176x128xf32, #tpu.memory_space<vmem>>
        %get3A_450 = arith.index_cast %while3A_401 : i32 to index
        %get3A_451 = arith.constant 64 : index
        %get3A_452 = tpu.vector_load %get3A_449[%get3A_450, %get3A_451] {strides = array<i32>} : memref<176x128xf32, #tpu.memory_space<vmem>>, vector<1x16xf32>,
        %get3A_453 = vector.shape_cast %get3A_452 : vector<1x16xf32> to vector<16xf32>
        %max3A_454 = arith.maximumf %while3A_406, %get3A_453 : vector<16xf32>
        %get3A_455 = arith.constant 0 : i32
        %get3A_456 = arith.constant 0 : i32
        %get3A_457 = tpu.memref_slice %arg5[%while3A_121, %get3A_455, %get3A_456] : memref<3x176x128xf32, #tpu.memory_space<vmem>> -> memref<1x176x128xf32, #tpu.memory_space<vmem>>
        %get3A_458 = tpu.memref_squeeze %get3A_457 : memref<1x176x128xf32, #tpu.memory_space<vmem>> -> memref<176x128xf32, #tpu.memory_space<vmem>>
        %get3A_459 = arith.index_cast %while3A_401 : i32 to index
        %get3A_460 = arith.constant 80 : index
        %get3A_461 = tpu.vector_load %get3A_458[%get3A_459, %get3A_460] {strides = array<i32>} : memref<176x128xf32, #tpu.memory_space<vmem>>, vector<1x16xf32>,
        %get3A_462 = vector.shape_cast %get3A_461 : vector<1x16xf32> to vector<16xf32>
        %max3A_463 = arith.maximumf %while3A_407, %get3A_462 : vector<16xf32>
        %get3A_464 = arith.constant 0 : i32
        %get3A_465 = arith.constant 0 : i32
        %get3A_466 = tpu.memref_slice %arg5[%while3A_121, %get3A_464, %get3A_465] : memref<3x176x128xf32, #tpu.memory_space<vmem>> -> memref<1x176x128xf32, #tpu.memory_space<vmem>>
        %get3A_467 = tpu.memref_squeeze %get3A_466 : memref<1x176x128xf32, #tpu.memory_space<vmem>> -> memref<176x128xf32, #tpu.memory_space<vmem>>
        %get3A_468 = arith.index_cast %while3A_401 : i32 to index
        %get3A_469 = arith.constant 96 : index
        %get3A_470 = tpu.vector_load %get3A_467[%get3A_468, %get3A_469] {strides = array<i32>} : memref<176x128xf32, #tpu.memory_space<vmem>>, vector<1x16xf32>,
        %get3A_471 = vector.shape_cast %get3A_470 : vector<1x16xf32> to vector<16xf32>
        %max3A_472 = arith.maximumf %while3A_408, %get3A_471 : vector<16xf32>
        %get3A_473 = arith.constant 0 : i32
        %get3A_474 = arith.constant 0 : i32
        %get3A_475 = tpu.memref_slice %arg5[%while3A_121, %get3A_473, %get3A_474] : memref<3x176x128xf32, #tpu.memory_space<vmem>> -> memref<1x176x128xf32, #tpu.memory_space<vmem>>
        %get3A_476 = tpu.memref_squeeze %get3A_475 : memref<1x176x128xf32, #tpu.memory_space<vmem>> -> memref<176x128xf32, #tpu.memory_space<vmem>>
        %get3A_477 = arith.index_cast %while3A_401 : i32 to index
        %get3A_478 = arith.constant 112 : index
        %get3A_479 = tpu.vector_load %get3A_476[%get3A_477, %get3A_478] {strides = array<i32>} : memref<176x128xf32, #tpu.memory_space<vmem>>, vector<1x16xf32>,
        %get3A_480 = vector.shape_cast %get3A_479 : vector<1x16xf32> to vector<16xf32>
        %max3A_481 = arith.maximumf %while3A_409, %get3A_480 : vector<16xf32>
        scf.yield %max3A_418, %max3A_427, %max3A_436, %max3A_445, %max3A_454, %max3A_463, %max3A_472, %max3A_481 : vector<16xf32>, vector<16xf32>, vector<16xf32>, vector<16xf32>, vector<16xf32>, vector<16xf32>, vector<16xf32>, vector<16xf32>
      }
      %add3A_133 = arith.addi %mul3A_2, %scan3A_45 : i32
      %dma_wait3A_134 = arith.constant 1 : i32
      %dma_wait3A_135 = arith.constant 0 : i32
      %dma_wait3A_136 = arith.constant 0 : i32
      %dma_wait3A_137 = tpu.memref_slice %arg5[%dma_wait3A_134, %dma_wait3A_135, %dma_wait3A_136] : memref<3x176x128xf32, #tpu.memory_space<vmem>> -> memref<1x176x128xf32, #tpu.memory_space<vmem>>
      %dma_wait3A_138 = tpu.memref_squeeze %dma_wait3A_137 : memref<1x176x128xf32, #tpu.memory_space<vmem>> -> memref<176x128xf32, #tpu.memory_space<vmem>>
      %dma_wait3A_139 = arith.constant 176 : i32
      %dma_wait3A_140 = arith.constant 0 : i32
      %dma_wait3A_141 = tpu.memref_slice %arg2[%add3A_133, %dma_wait3A_139, %dma_wait3A_140] : memref<1024x512x128xf32, #tpu.memory_space<hbm>> -> memref<1x176x128xf32, #tpu.memory_space<hbm>>
      %dma_wait3A_142 = tpu.memref_squeeze %dma_wait3A_141 : memref<1x176x128xf32, #tpu.memory_space<hbm>> -> memref<176x128xf32, #tpu.memory_space<hbm>>
      %dma_wait3A_143 = arith.constant 0 : i32
      %dma_wait3A_144 = arith.constant 0 : i32
      %dma_wait3A_145 = tpu.memref_slice %arg5[%dma_wait3A_134, %dma_wait3A_143, %dma_wait3A_144] : memref<3x176x128xf32, #tpu.memory_space<vmem>> -> memref<1x176x128xf32, #tpu.memory_space<vmem>>
      %dma_wait3A_146 = tpu.memref_squeeze %dma_wait3A_145 : memref<1x176x128xf32, #tpu.memory_space<vmem>> -> memref<176x128xf32, #tpu.memory_space<vmem>>
      %dma_wait3A_147 = arith.constant 176 : i32
      %dma_wait3A_148 = arith.constant 0 : i32
      %dma_wait3A_149 = tpu.memref_slice %arg2[%add3A_133, %dma_wait3A_147, %dma_wait3A_148] : memref<1024x512x128xf32, #tpu.memory_space<hbm>> -> memref<1x176x128xf32, #tpu.memory_space<hbm>>
      %dma_wait3A_150 = tpu.memref_squeeze %dma_wait3A_149 : memref<1x176x128xf32, #tpu.memory_space<hbm>> -> memref<176x128xf32, #tpu.memory_space<hbm>>
      tpu.wait_dma2 semaphore(%arg9 : memref<!tpu.dma_semaphore, #tpu.memory_space<semaphore_mem>>) src(%dma_wait3A_150 : memref<176x128xf32, #tpu.memory_space<hbm>>) dst(%dma_wait3A_146 : memref<176x128xf32, #tpu.memory_space<vmem>>)
      %add3A_151 = arith.constant 1 : i32
      %add3A_152 = arith.addi %scan3A_45, %add3A_151 : i32
      %lt3A = arith.constant 20 : i32
      %lt3A_153 = arith.cmpi slt, %add3A_152, %lt3A : i32
      %convert_element_type3A = arith.extui %lt3A_153 : i1 to i32
      %cond3A = arith.constant 0 : i32
      %cond3A_154 = arith.cmpi ne, %convert_element_type3A, %cond3A : i32
      scf.if %cond3A_154 {
        %add3A_401 = arith.constant 1 : i32
        %add3A_402 = arith.addi %scan3A_45, %add3A_401 : i32
        %add3A_403 = arith.addi %mul3A_2, %add3A_402 : i32
        %dma_start3A_404 = arith.constant 0 : i32
        %dma_start3A_405 = arith.constant 0 : i32
        %dma_start3A_406 = arith.constant 0 : i32
        %dma_start3A_407 = tpu.memref_slice %arg5[%dma_start3A_404, %dma_start3A_405, %dma_start3A_406] : memref<3x176x128xf32, #tpu.memory_space<vmem>> -> memref<1x176x128xf32, #tpu.memory_space<vmem>>
        %dma_start3A_408 = tpu.memref_squeeze %dma_start3A_407 : memref<1x176x128xf32, #tpu.memory_space<vmem>> -> memref<176x128xf32, #tpu.memory_space<vmem>>
        %dma_start3A_409 = arith.constant 0 : i32
        %dma_start3A_410 = arith.constant 0 : i32
        %dma_start3A_411 = tpu.memref_slice %arg2[%add3A_403, %dma_start3A_409, %dma_start3A_410] : memref<1024x512x128xf32, #tpu.memory_space<hbm>> -> memref<1x176x128xf32, #tpu.memory_space<hbm>>
        %dma_start3A_412 = tpu.memref_squeeze %dma_start3A_411 : memref<1x176x128xf32, #tpu.memory_space<hbm>> -> memref<176x128xf32, #tpu.memory_space<hbm>>
        %dma_start3A_413 = arith.constant 0 : i32
        %dma_start3A_414 = arith.constant 0 : i32
        %dma_start3A_415 = tpu.memref_slice %arg5[%dma_start3A_404, %dma_start3A_413, %dma_start3A_414] : memref<3x176x128xf32, #tpu.memory_space<vmem>> -> memref<1x176x128xf32, #tpu.memory_space<vmem>>
        %dma_start3A_416 = tpu.memref_squeeze %dma_start3A_415 : memref<1x176x128xf32, #tpu.memory_space<vmem>> -> memref<176x128xf32, #tpu.memory_space<vmem>>
        %dma_start3A_417 = arith.constant 0 : i32
        %dma_start3A_418 = arith.constant 0 : i32
        %dma_start3A_419 = tpu.memref_slice %arg2[%add3A_403, %dma_start3A_417, %dma_start3A_418] : memref<1024x512x128xf32, #tpu.memory_space<hbm>> -> memref<1x176x128xf32, #tpu.memory_space<hbm>>
        %dma_start3A_420 = tpu.memref_squeeze %dma_start3A_419 : memref<1x176x128xf32, #tpu.memory_space<hbm>> -> memref<176x128xf32, #tpu.memory_space<hbm>>
        tpu.enqueue_dma source(%dma_start3A_420 : memref<176x128xf32, #tpu.memory_space<hbm>>) target(%dma_start3A_416 : memref<176x128xf32, #tpu.memory_space<vmem>>) target_semaphore(%arg8 : memref<!tpu.dma_semaphore, #tpu.memory_space<semaphore_mem>>)
      } else {
      }
      %add3A_155 = arith.constant 1 : i32
      %add3A_156 = arith.addi %squeeze3A, %add3A_155 : i32
      %sub3A_157 = arith.constant 176 : i32
      %sub3A_158 = arith.subi %add3A_156, %sub3A_157 : i32
      %jit3A_159 = arith.constant 0 : i32
      %jit3A_160 = arith.constant 176 : i32
      %max3A_161 = arith.maxsi %jit3A_159, %sub3A_158 : i32
      %min3A_162 = arith.minsi %jit3A_160, %max3A_161 : i32
      %add3A_163 = arith.constant 1 : i32
      %add3A_164 = arith.addi %squeeze3A_50, %add3A_163 : i32
      %sub3A_165 = arith.constant 176 : i32
      %sub3A_166 = arith.subi %add3A_164, %sub3A_165 : i32
      %jit3A_167 = arith.constant 0 : i32
      %jit3A_168 = arith.constant 176 : i32
      %max3A_169 = arith.maxsi %jit3A_167, %sub3A_166 : i32
      %min3A_170 = arith.minsi %jit3A_168, %max3A_169 : i32
      %while3A_171 = arith.constant 1 : i32
      %while3A_172 = arith.constant 0 : i32
      %while3A_173 = arith.subi %min3A_162, %while3A_172 : i32
      %while3A_174 = arith.addi %while3A_172, %while3A_173 : i32
      %while3A_175 = arith.constant 1 : i32
      %while3A_176 = arith.divsi %while3A_173, %while3A_175 : i32
      %while3A_177 = arith.muli %while3A_176, %while3A_175 : i32
      %while3A_178 = arith.addi %while3A_172, %while3A_177 : i32
      %while3A_179 = arith.constant 1 : i32
      %while3A_180:8 = scf.for %while3A_401 = %while3A_172 to %while3A_178 step %while3A_179 iter_args(%while3A_402 = %while3A_109#0, %while3A_403 = %while3A_109#1, %while3A_404 = %while3A_109#2, %while3A_405 = %while3A_109#3, %while3A_406 = %while3A_109#4, %while3A_407 = %while3A_109#5, %while3A_408 = %while3A_109#6, %while3A_409 = %while3A_109#7) -> (vector<16xf32>, vector<16xf32>, vector<16xf32>, vector<16xf32>, vector<16xf32>, vector<16xf32>, vector<16xf32>, vector<16xf32>)  : i32 {
        %get3A_410 = arith.constant 0 : i32
        %get3A_411 = arith.constant 0 : i32
        %get3A_412 = tpu.memref_slice %arg5[%while3A_171, %get3A_410, %get3A_411] : memref<3x176x128xf32, #tpu.memory_space<vmem>> -> memref<1x176x128xf32, #tpu.memory_space<vmem>>
        %get3A_413 = tpu.memref_squeeze %get3A_412 : memref<1x176x128xf32, #tpu.memory_space<vmem>> -> memref<176x128xf32, #tpu.memory_space<vmem>>
        %get3A_414 = arith.index_cast %while3A_401 : i32 to index
        %get3A_415 = arith.constant 0 : index
        %get3A_416 = tpu.vector_load %get3A_413[%get3A_414, %get3A_415] {strides = array<i32>} : memref<176x128xf32, #tpu.memory_space<vmem>>, vector<1x16xf32>,
        %get3A_417 = vector.shape_cast %get3A_416 : vector<1x16xf32> to vector<16xf32>
        %max3A_418 = arith.maximumf %while3A_402, %get3A_417 : vector<16xf32>
        %get3A_419 = arith.constant 0 : i32
        %get3A_420 = arith.constant 0 : i32
        %get3A_421 = tpu.memref_slice %arg5[%while3A_171, %get3A_419, %get3A_420] : memref<3x176x128xf32, #tpu.memory_space<vmem>> -> memref<1x176x128xf32, #tpu.memory_space<vmem>>
        %get3A_422 = tpu.memref_squeeze %get3A_421 : memref<1x176x128xf32, #tpu.memory_space<vmem>> -> memref<176x128xf32, #tpu.memory_space<vmem>>
        %get3A_423 = arith.index_cast %while3A_401 : i32 to index
        %get3A_424 = arith.constant 16 : index
        %get3A_425 = tpu.vector_load %get3A_422[%get3A_423, %get3A_424] {strides = array<i32>} : memref<176x128xf32, #tpu.memory_space<vmem>>, vector<1x16xf32>,
        %get3A_426 = vector.shape_cast %get3A_425 : vector<1x16xf32> to vector<16xf32>
        %max3A_427 = arith.maximumf %while3A_403, %get3A_426 : vector<16xf32>
        %get3A_428 = arith.constant 0 : i32
        %get3A_429 = arith.constant 0 : i32
        %get3A_430 = tpu.memref_slice %arg5[%while3A_171, %get3A_428, %get3A_429] : memref<3x176x128xf32, #tpu.memory_space<vmem>> -> memref<1x176x128xf32, #tpu.memory_space<vmem>>
        %get3A_431 = tpu.memref_squeeze %get3A_430 : memref<1x176x128xf32, #tpu.memory_space<vmem>> -> memref<176x128xf32, #tpu.memory_space<vmem>>
        %get3A_432 = arith.index_cast %while3A_401 : i32 to index
        %get3A_433 = arith.constant 32 : index
        %get3A_434 = tpu.vector_load %get3A_431[%get3A_432, %get3A_433] {strides = array<i32>} : memref<176x128xf32, #tpu.memory_space<vmem>>, vector<1x16xf32>,
        %get3A_435 = vector.shape_cast %get3A_434 : vector<1x16xf32> to vector<16xf32>
        %max3A_436 = arith.maximumf %while3A_404, %get3A_435 : vector<16xf32>
        %get3A_437 = arith.constant 0 : i32
        %get3A_438 = arith.constant 0 : i32
        %get3A_439 = tpu.memref_slice %arg5[%while3A_171, %get3A_437, %get3A_438] : memref<3x176x128xf32, #tpu.memory_space<vmem>> -> memref<1x176x128xf32, #tpu.memory_space<vmem>>
        %get3A_440 = tpu.memref_squeeze %get3A_439 : memref<1x176x128xf32, #tpu.memory_space<vmem>> -> memref<176x128xf32, #tpu.memory_space<vmem>>
        %get3A_441 = arith.index_cast %while3A_401 : i32 to index
        %get3A_442 = arith.constant 48 : index
        %get3A_443 = tpu.vector_load %get3A_440[%get3A_441, %get3A_442] {strides = array<i32>} : memref<176x128xf32, #tpu.memory_space<vmem>>, vector<1x16xf32>,
        %get3A_444 = vector.shape_cast %get3A_443 : vector<1x16xf32> to vector<16xf32>
        %max3A_445 = arith.maximumf %while3A_405, %get3A_444 : vector<16xf32>
        %get3A_446 = arith.constant 0 : i32
        %get3A_447 = arith.constant 0 : i32
        %get3A_448 = tpu.memref_slice %arg5[%while3A_171, %get3A_446, %get3A_447] : memref<3x176x128xf32, #tpu.memory_space<vmem>> -> memref<1x176x128xf32, #tpu.memory_space<vmem>>
        %get3A_449 = tpu.memref_squeeze %get3A_448 : memref<1x176x128xf32, #tpu.memory_space<vmem>> -> memref<176x128xf32, #tpu.memory_space<vmem>>
        %get3A_450 = arith.index_cast %while3A_401 : i32 to index
        %get3A_451 = arith.constant 64 : index
        %get3A_452 = tpu.vector_load %get3A_449[%get3A_450, %get3A_451] {strides = array<i32>} : memref<176x128xf32, #tpu.memory_space<vmem>>, vector<1x16xf32>,
        %get3A_453 = vector.shape_cast %get3A_452 : vector<1x16xf32> to vector<16xf32>
        %max3A_454 = arith.maximumf %while3A_406, %get3A_453 : vector<16xf32>
        %get3A_455 = arith.constant 0 : i32
        %get3A_456 = arith.constant 0 : i32
        %get3A_457 = tpu.memref_slice %arg5[%while3A_171, %get3A_455, %get3A_456] : memref<3x176x128xf32, #tpu.memory_space<vmem>> -> memref<1x176x128xf32, #tpu.memory_space<vmem>>
        %get3A_458 = tpu.memref_squeeze %get3A_457 : memref<1x176x128xf32, #tpu.memory_space<vmem>> -> memref<176x128xf32, #tpu.memory_space<vmem>>
        %get3A_459 = arith.index_cast %while3A_401 : i32 to index
        %get3A_460 = arith.constant 80 : index
        %get3A_461 = tpu.vector_load %get3A_458[%get3A_459, %get3A_460] {strides = array<i32>} : memref<176x128xf32, #tpu.memory_space<vmem>>, vector<1x16xf32>,
        %get3A_462 = vector.shape_cast %get3A_461 : vector<1x16xf32> to vector<16xf32>
        %max3A_463 = arith.maximumf %while3A_407, %get3A_462 : vector<16xf32>
        %get3A_464 = arith.constant 0 : i32
        %get3A_465 = arith.constant 0 : i32
        %get3A_466 = tpu.memref_slice %arg5[%while3A_171, %get3A_464, %get3A_465] : memref<3x176x128xf32, #tpu.memory_space<vmem>> -> memref<1x176x128xf32, #tpu.memory_space<vmem>>
        %get3A_467 = tpu.memref_squeeze %get3A_466 : memref<1x176x128xf32, #tpu.memory_space<vmem>> -> memref<176x128xf32, #tpu.memory_space<vmem>>
        %get3A_468 = arith.index_cast %while3A_401 : i32 to index
        %get3A_469 = arith.constant 96 : index
        %get3A_470 = tpu.vector_load %get3A_467[%get3A_468, %get3A_469] {strides = array<i32>} : memref<176x128xf32, #tpu.memory_space<vmem>>, vector<1x16xf32>,
        %get3A_471 = vector.shape_cast %get3A_470 : vector<1x16xf32> to vector<16xf32>
        %max3A_472 = arith.maximumf %while3A_408, %get3A_471 : vector<16xf32>
        %get3A_473 = arith.constant 0 : i32
        %get3A_474 = arith.constant 0 : i32
        %get3A_475 = tpu.memref_slice %arg5[%while3A_171, %get3A_473, %get3A_474] : memref<3x176x128xf32, #tpu.memory_space<vmem>> -> memref<1x176x128xf32, #tpu.memory_space<vmem>>
        %get3A_476 = tpu.memref_squeeze %get3A_475 : memref<1x176x128xf32, #tpu.memory_space<vmem>> -> memref<176x128xf32, #tpu.memory_space<vmem>>
        %get3A_477 = arith.index_cast %while3A_401 : i32 to index
        %get3A_478 = arith.constant 112 : index
        %get3A_479 = tpu.vector_load %get3A_476[%get3A_477, %get3A_478] {strides = array<i32>} : memref<176x128xf32, #tpu.memory_space<vmem>>, vector<1x16xf32>,
        %get3A_480 = vector.shape_cast %get3A_479 : vector<1x16xf32> to vector<16xf32>
        %max3A_481 = arith.maximumf %while3A_409, %get3A_480 : vector<16xf32>
        scf.yield %max3A_418, %max3A_427, %max3A_436, %max3A_445, %max3A_454, %max3A_463, %max3A_472, %max3A_481 : vector<16xf32>, vector<16xf32>, vector<16xf32>, vector<16xf32>, vector<16xf32>, vector<16xf32>, vector<16xf32>, vector<16xf32>
      }
      %while3A_181 = arith.constant 1 : i32
      %while3A_182:8 = scf.for %while3A_401 = %while3A_178 to %while3A_174 step %while3A_181 iter_args(%while3A_402 = %while3A_180#0, %while3A_403 = %while3A_180#1, %while3A_404 = %while3A_180#2, %while3A_405 = %while3A_180#3, %while3A_406 = %while3A_180#4, %while3A_407 = %while3A_180#5, %while3A_408 = %while3A_180#6, %while3A_409 = %while3A_180#7) -> (vector<16xf32>, vector<16xf32>, vector<16xf32>, vector<16xf32>, vector<16xf32>, vector<16xf32>, vector<16xf32>, vector<16xf32>)  : i32 {
        %get3A_410 = arith.constant 0 : i32
        %get3A_411 = arith.constant 0 : i32
        %get3A_412 = tpu.memref_slice %arg5[%while3A_171, %get3A_410, %get3A_411] : memref<3x176x128xf32, #tpu.memory_space<vmem>> -> memref<1x176x128xf32, #tpu.memory_space<vmem>>
        %get3A_413 = tpu.memref_squeeze %get3A_412 : memref<1x176x128xf32, #tpu.memory_space<vmem>> -> memref<176x128xf32, #tpu.memory_space<vmem>>
        %get3A_414 = arith.index_cast %while3A_401 : i32 to index
        %get3A_415 = arith.constant 0 : index
        %get3A_416 = tpu.vector_load %get3A_413[%get3A_414, %get3A_415] {strides = array<i32>} : memref<176x128xf32, #tpu.memory_space<vmem>>, vector<1x16xf32>,
        %get3A_417 = vector.shape_cast %get3A_416 : vector<1x16xf32> to vector<16xf32>
        %max3A_418 = arith.maximumf %while3A_402, %get3A_417 : vector<16xf32>
        %get3A_419 = arith.constant 0 : i32
        %get3A_420 = arith.constant 0 : i32
        %get3A_421 = tpu.memref_slice %arg5[%while3A_171, %get3A_419, %get3A_420] : memref<3x176x128xf32, #tpu.memory_space<vmem>> -> memref<1x176x128xf32, #tpu.memory_space<vmem>>
        %get3A_422 = tpu.memref_squeeze %get3A_421 : memref<1x176x128xf32, #tpu.memory_space<vmem>> -> memref<176x128xf32, #tpu.memory_space<vmem>>
        %get3A_423 = arith.index_cast %while3A_401 : i32 to index
        %get3A_424 = arith.constant 16 : index
        %get3A_425 = tpu.vector_load %get3A_422[%get3A_423, %get3A_424] {strides = array<i32>} : memref<176x128xf32, #tpu.memory_space<vmem>>, vector<1x16xf32>,
        %get3A_426 = vector.shape_cast %get3A_425 : vector<1x16xf32> to vector<16xf32>
        %max3A_427 = arith.maximumf %while3A_403, %get3A_426 : vector<16xf32>
        %get3A_428 = arith.constant 0 : i32
        %get3A_429 = arith.constant 0 : i32
        %get3A_430 = tpu.memref_slice %arg5[%while3A_171, %get3A_428, %get3A_429] : memref<3x176x128xf32, #tpu.memory_space<vmem>> -> memref<1x176x128xf32, #tpu.memory_space<vmem>>
        %get3A_431 = tpu.memref_squeeze %get3A_430 : memref<1x176x128xf32, #tpu.memory_space<vmem>> -> memref<176x128xf32, #tpu.memory_space<vmem>>
        %get3A_432 = arith.index_cast %while3A_401 : i32 to index
        %get3A_433 = arith.constant 32 : index
        %get3A_434 = tpu.vector_load %get3A_431[%get3A_432, %get3A_433] {strides = array<i32>} : memref<176x128xf32, #tpu.memory_space<vmem>>, vector<1x16xf32>,
        %get3A_435 = vector.shape_cast %get3A_434 : vector<1x16xf32> to vector<16xf32>
        %max3A_436 = arith.maximumf %while3A_404, %get3A_435 : vector<16xf32>
        %get3A_437 = arith.constant 0 : i32
        %get3A_438 = arith.constant 0 : i32
        %get3A_439 = tpu.memref_slice %arg5[%while3A_171, %get3A_437, %get3A_438] : memref<3x176x128xf32, #tpu.memory_space<vmem>> -> memref<1x176x128xf32, #tpu.memory_space<vmem>>
        %get3A_440 = tpu.memref_squeeze %get3A_439 : memref<1x176x128xf32, #tpu.memory_space<vmem>> -> memref<176x128xf32, #tpu.memory_space<vmem>>
        %get3A_441 = arith.index_cast %while3A_401 : i32 to index
        %get3A_442 = arith.constant 48 : index
        %get3A_443 = tpu.vector_load %get3A_440[%get3A_441, %get3A_442] {strides = array<i32>} : memref<176x128xf32, #tpu.memory_space<vmem>>, vector<1x16xf32>,
        %get3A_444 = vector.shape_cast %get3A_443 : vector<1x16xf32> to vector<16xf32>
        %max3A_445 = arith.maximumf %while3A_405, %get3A_444 : vector<16xf32>
        %get3A_446 = arith.constant 0 : i32
        %get3A_447 = arith.constant 0 : i32
        %get3A_448 = tpu.memref_slice %arg5[%while3A_171, %get3A_446, %get3A_447] : memref<3x176x128xf32, #tpu.memory_space<vmem>> -> memref<1x176x128xf32, #tpu.memory_space<vmem>>
        %get3A_449 = tpu.memref_squeeze %get3A_448 : memref<1x176x128xf32, #tpu.memory_space<vmem>> -> memref<176x128xf32, #tpu.memory_space<vmem>>
        %get3A_450 = arith.index_cast %while3A_401 : i32 to index
        %get3A_451 = arith.constant 64 : index
        %get3A_452 = tpu.vector_load %get3A_449[%get3A_450, %get3A_451] {strides = array<i32>} : memref<176x128xf32, #tpu.memory_space<vmem>>, vector<1x16xf32>,
        %get3A_453 = vector.shape_cast %get3A_452 : vector<1x16xf32> to vector<16xf32>
        %max3A_454 = arith.maximumf %while3A_406, %get3A_453 : vector<16xf32>
        %get3A_455 = arith.constant 0 : i32
        %get3A_456 = arith.constant 0 : i32
        %get3A_457 = tpu.memref_slice %arg5[%while3A_171, %get3A_455, %get3A_456] : memref<3x176x128xf32, #tpu.memory_space<vmem>> -> memref<1x176x128xf32, #tpu.memory_space<vmem>>
        %get3A_458 = tpu.memref_squeeze %get3A_457 : memref<1x176x128xf32, #tpu.memory_space<vmem>> -> memref<176x128xf32, #tpu.memory_space<vmem>>
        %get3A_459 = arith.index_cast %while3A_401 : i32 to index
        %get3A_460 = arith.constant 80 : index
        %get3A_461 = tpu.vector_load %get3A_458[%get3A_459, %get3A_460] {strides = array<i32>} : memref<176x128xf32, #tpu.memory_space<vmem>>, vector<1x16xf32>,
        %get3A_462 = vector.shape_cast %get3A_461 : vector<1x16xf32> to vector<16xf32>
        %max3A_463 = arith.maximumf %while3A_407, %get3A_462 : vector<16xf32>
        %get3A_464 = arith.constant 0 : i32
        %get3A_465 = arith.constant 0 : i32
        %get3A_466 = tpu.memref_slice %arg5[%while3A_171, %get3A_464, %get3A_465] : memref<3x176x128xf32, #tpu.memory_space<vmem>> -> memref<1x176x128xf32, #tpu.memory_space<vmem>>
        %get3A_467 = tpu.memref_squeeze %get3A_466 : memref<1x176x128xf32, #tpu.memory_space<vmem>> -> memref<176x128xf32, #tpu.memory_space<vmem>>
        %get3A_468 = arith.index_cast %while3A_401 : i32 to index
        %get3A_469 = arith.constant 96 : index
        %get3A_470 = tpu.vector_load %get3A_467[%get3A_468, %get3A_469] {strides = array<i32>} : memref<176x128xf32, #tpu.memory_space<vmem>>, vector<1x16xf32>,
        %get3A_471 = vector.shape_cast %get3A_470 : vector<1x16xf32> to vector<16xf32>
        %max3A_472 = arith.maximumf %while3A_408, %get3A_471 : vector<16xf32>
        %get3A_473 = arith.constant 0 : i32
        %get3A_474 = arith.constant 0 : i32
        %get3A_475 = tpu.memref_slice %arg5[%while3A_171, %get3A_473, %get3A_474] : memref<3x176x128xf32, #tpu.memory_space<vmem>> -> memref<1x176x128xf32, #tpu.memory_space<vmem>>
        %get3A_476 = tpu.memref_squeeze %get3A_475 : memref<1x176x128xf32, #tpu.memory_space<vmem>> -> memref<176x128xf32, #tpu.memory_space<vmem>>
        %get3A_477 = arith.index_cast %while3A_401 : i32 to index
        %get3A_478 = arith.constant 112 : index
        %get3A_479 = tpu.vector_load %get3A_476[%get3A_477, %get3A_478] {strides = array<i32>} : memref<176x128xf32, #tpu.memory_space<vmem>>, vector<1x16xf32>,
        %get3A_480 = vector.shape_cast %get3A_479 : vector<1x16xf32> to vector<16xf32>
        %max3A_481 = arith.maximumf %while3A_409, %get3A_480 : vector<16xf32>
        scf.yield %max3A_418, %max3A_427, %max3A_436, %max3A_445, %max3A_454, %max3A_463, %max3A_472, %max3A_481 : vector<16xf32>, vector<16xf32>, vector<16xf32>, vector<16xf32>, vector<16xf32>, vector<16xf32>, vector<16xf32>, vector<16xf32>
      }
      %while3A_183 = arith.constant 1 : i32
      %while3A_184 = arith.subi %min3A_170, %min3A_162 : i32
      %while3A_185 = arith.addi %min3A_162, %while3A_184 : i32
      %while3A_186 = arith.constant 1 : i32
      %while3A_187 = arith.divsi %while3A_184, %while3A_186 : i32
      %while3A_188 = arith.muli %while3A_187, %while3A_186 : i32
      %while3A_189 = arith.addi %min3A_162, %while3A_188 : i32
      %while3A_190 = arith.constant 1 : i32
      %while3A_191:8 = scf.for %while3A_401 = %min3A_162 to %while3A_189 step %while3A_190 iter_args(%while3A_402 = %while3A_120#0, %while3A_403 = %while3A_120#1, %while3A_404 = %while3A_120#2, %while3A_405 = %while3A_120#3, %while3A_406 = %while3A_120#4, %while3A_407 = %while3A_120#5, %while3A_408 = %while3A_120#6, %while3A_409 = %while3A_120#7) -> (vector<16xf32>, vector<16xf32>, vector<16xf32>, vector<16xf32>, vector<16xf32>, vector<16xf32>, vector<16xf32>, vector<16xf32>)  : i32 {
        %get3A_410 = arith.constant 0 : i32
        %get3A_411 = arith.constant 0 : i32
        %get3A_412 = tpu.memref_slice %arg5[%while3A_183, %get3A_410, %get3A_411] : memref<3x176x128xf32, #tpu.memory_space<vmem>> -> memref<1x176x128xf32, #tpu.memory_space<vmem>>
        %get3A_413 = tpu.memref_squeeze %get3A_412 : memref<1x176x128xf32, #tpu.memory_space<vmem>> -> memref<176x128xf32, #tpu.memory_space<vmem>>
        %get3A_414 = arith.index_cast %while3A_401 : i32 to index
        %get3A_415 = arith.constant 0 : index
        %get3A_416 = tpu.vector_load %get3A_413[%get3A_414, %get3A_415] {strides = array<i32>} : memref<176x128xf32, #tpu.memory_space<vmem>>, vector<1x16xf32>,
        %get3A_417 = vector.shape_cast %get3A_416 : vector<1x16xf32> to vector<16xf32>
        %max3A_418 = arith.maximumf %while3A_402, %get3A_417 : vector<16xf32>
        %get3A_419 = arith.constant 0 : i32
        %get3A_420 = arith.constant 0 : i32
        %get3A_421 = tpu.memref_slice %arg5[%while3A_183, %get3A_419, %get3A_420] : memref<3x176x128xf32, #tpu.memory_space<vmem>> -> memref<1x176x128xf32, #tpu.memory_space<vmem>>
        %get3A_422 = tpu.memref_squeeze %get3A_421 : memref<1x176x128xf32, #tpu.memory_space<vmem>> -> memref<176x128xf32, #tpu.memory_space<vmem>>
        %get3A_423 = arith.index_cast %while3A_401 : i32 to index
        %get3A_424 = arith.constant 16 : index
        %get3A_425 = tpu.vector_load %get3A_422[%get3A_423, %get3A_424] {strides = array<i32>} : memref<176x128xf32, #tpu.memory_space<vmem>>, vector<1x16xf32>,
        %get3A_426 = vector.shape_cast %get3A_425 : vector<1x16xf32> to vector<16xf32>
        %max3A_427 = arith.maximumf %while3A_403, %get3A_426 : vector<16xf32>
        %get3A_428 = arith.constant 0 : i32
        %get3A_429 = arith.constant 0 : i32
        %get3A_430 = tpu.memref_slice %arg5[%while3A_183, %get3A_428, %get3A_429] : memref<3x176x128xf32, #tpu.memory_space<vmem>> -> memref<1x176x128xf32, #tpu.memory_space<vmem>>
        %get3A_431 = tpu.memref_squeeze %get3A_430 : memref<1x176x128xf32, #tpu.memory_space<vmem>> -> memref<176x128xf32, #tpu.memory_space<vmem>>
        %get3A_432 = arith.index_cast %while3A_401 : i32 to index
        %get3A_433 = arith.constant 32 : index
        %get3A_434 = tpu.vector_load %get3A_431[%get3A_432, %get3A_433] {strides = array<i32>} : memref<176x128xf32, #tpu.memory_space<vmem>>, vector<1x16xf32>,
        %get3A_435 = vector.shape_cast %get3A_434 : vector<1x16xf32> to vector<16xf32>
        %max3A_436 = arith.maximumf %while3A_404, %get3A_435 : vector<16xf32>
        %get3A_437 = arith.constant 0 : i32
        %get3A_438 = arith.constant 0 : i32
        %get3A_439 = tpu.memref_slice %arg5[%while3A_183, %get3A_437, %get3A_438] : memref<3x176x128xf32, #tpu.memory_space<vmem>> -> memref<1x176x128xf32, #tpu.memory_space<vmem>>
        %get3A_440 = tpu.memref_squeeze %get3A_439 : memref<1x176x128xf32, #tpu.memory_space<vmem>> -> memref<176x128xf32, #tpu.memory_space<vmem>>
        %get3A_441 = arith.index_cast %while3A_401 : i32 to index
        %get3A_442 = arith.constant 48 : index
        %get3A_443 = tpu.vector_load %get3A_440[%get3A_441, %get3A_442] {strides = array<i32>} : memref<176x128xf32, #tpu.memory_space<vmem>>, vector<1x16xf32>,
        %get3A_444 = vector.shape_cast %get3A_443 : vector<1x16xf32> to vector<16xf32>
        %max3A_445 = arith.maximumf %while3A_405, %get3A_444 : vector<16xf32>
        %get3A_446 = arith.constant 0 : i32
        %get3A_447 = arith.constant 0 : i32
        %get3A_448 = tpu.memref_slice %arg5[%while3A_183, %get3A_446, %get3A_447] : memref<3x176x128xf32, #tpu.memory_space<vmem>> -> memref<1x176x128xf32, #tpu.memory_space<vmem>>
        %get3A_449 = tpu.memref_squeeze %get3A_448 : memref<1x176x128xf32, #tpu.memory_space<vmem>> -> memref<176x128xf32, #tpu.memory_space<vmem>>
        %get3A_450 = arith.index_cast %while3A_401 : i32 to index
        %get3A_451 = arith.constant 64 : index
        %get3A_452 = tpu.vector_load %get3A_449[%get3A_450, %get3A_451] {strides = array<i32>} : memref<176x128xf32, #tpu.memory_space<vmem>>, vector<1x16xf32>,
        %get3A_453 = vector.shape_cast %get3A_452 : vector<1x16xf32> to vector<16xf32>
        %max3A_454 = arith.maximumf %while3A_406, %get3A_453 : vector<16xf32>
        %get3A_455 = arith.constant 0 : i32
        %get3A_456 = arith.constant 0 : i32
        %get3A_457 = tpu.memref_slice %arg5[%while3A_183, %get3A_455, %get3A_456] : memref<3x176x128xf32, #tpu.memory_space<vmem>> -> memref<1x176x128xf32, #tpu.memory_space<vmem>>
        %get3A_458 = tpu.memref_squeeze %get3A_457 : memref<1x176x128xf32, #tpu.memory_space<vmem>> -> memref<176x128xf32, #tpu.memory_space<vmem>>
        %get3A_459 = arith.index_cast %while3A_401 : i32 to index
        %get3A_460 = arith.constant 80 : index
        %get3A_461 = tpu.vector_load %get3A_458[%get3A_459, %get3A_460] {strides = array<i32>} : memref<176x128xf32, #tpu.memory_space<vmem>>, vector<1x16xf32>,
        %get3A_462 = vector.shape_cast %get3A_461 : vector<1x16xf32> to vector<16xf32>
        %max3A_463 = arith.maximumf %while3A_407, %get3A_462 : vector<16xf32>
        %get3A_464 = arith.constant 0 : i32
        %get3A_465 = arith.constant 0 : i32
        %get3A_466 = tpu.memref_slice %arg5[%while3A_183, %get3A_464, %get3A_465] : memref<3x176x128xf32, #tpu.memory_space<vmem>> -> memref<1x176x128xf32, #tpu.memory_space<vmem>>
        %get3A_467 = tpu.memref_squeeze %get3A_466 : memref<1x176x128xf32, #tpu.memory_space<vmem>> -> memref<176x128xf32, #tpu.memory_space<vmem>>
        %get3A_468 = arith.index_cast %while3A_401 : i32 to index
        %get3A_469 = arith.constant 96 : index
        %get3A_470 = tpu.vector_load %get3A_467[%get3A_468, %get3A_469] {strides = array<i32>} : memref<176x128xf32, #tpu.memory_space<vmem>>, vector<1x16xf32>,
        %get3A_471 = vector.shape_cast %get3A_470 : vector<1x16xf32> to vector<16xf32>
        %max3A_472 = arith.maximumf %while3A_408, %get3A_471 : vector<16xf32>
        %get3A_473 = arith.constant 0 : i32
        %get3A_474 = arith.constant 0 : i32
        %get3A_475 = tpu.memref_slice %arg5[%while3A_183, %get3A_473, %get3A_474] : memref<3x176x128xf32, #tpu.memory_space<vmem>> -> memref<1x176x128xf32, #tpu.memory_space<vmem>>
        %get3A_476 = tpu.memref_squeeze %get3A_475 : memref<1x176x128xf32, #tpu.memory_space<vmem>> -> memref<176x128xf32, #tpu.memory_space<vmem>>
        %get3A_477 = arith.index_cast %while3A_401 : i32 to index
        %get3A_478 = arith.constant 112 : index
        %get3A_479 = tpu.vector_load %get3A_476[%get3A_477, %get3A_478] {strides = array<i32>} : memref<176x128xf32, #tpu.memory_space<vmem>>, vector<1x16xf32>,
        %get3A_480 = vector.shape_cast %get3A_479 : vector<1x16xf32> to vector<16xf32>
        %max3A_481 = arith.maximumf %while3A_409, %get3A_480 : vector<16xf32>
        scf.yield %max3A_418, %max3A_427, %max3A_436, %max3A_445, %max3A_454, %max3A_463, %max3A_472, %max3A_481 : vector<16xf32>, vector<16xf32>, vector<16xf32>, vector<16xf32>, vector<16xf32>, vector<16xf32>, vector<16xf32>, vector<16xf32>
      }
      %while3A_192 = arith.constant 1 : i32
      %while3A_193:8 = scf.for %while3A_401 = %while3A_189 to %while3A_185 step %while3A_192 iter_args(%while3A_402 = %while3A_191#0, %while3A_403 = %while3A_191#1, %while3A_404 = %while3A_191#2, %while3A_405 = %while3A_191#3, %while3A_406 = %while3A_191#4, %while3A_407 = %while3A_191#5, %while3A_408 = %while3A_191#6, %while3A_409 = %while3A_191#7) -> (vector<16xf32>, vector<16xf32>, vector<16xf32>, vector<16xf32>, vector<16xf32>, vector<16xf32>, vector<16xf32>, vector<16xf32>)  : i32 {
        %get3A_410 = arith.constant 0 : i32
        %get3A_411 = arith.constant 0 : i32
        %get3A_412 = tpu.memref_slice %arg5[%while3A_183, %get3A_410, %get3A_411] : memref<3x176x128xf32, #tpu.memory_space<vmem>> -> memref<1x176x128xf32, #tpu.memory_space<vmem>>
        %get3A_413 = tpu.memref_squeeze %get3A_412 : memref<1x176x128xf32, #tpu.memory_space<vmem>> -> memref<176x128xf32, #tpu.memory_space<vmem>>
        %get3A_414 = arith.index_cast %while3A_401 : i32 to index
        %get3A_415 = arith.constant 0 : index
        %get3A_416 = tpu.vector_load %get3A_413[%get3A_414, %get3A_415] {strides = array<i32>} : memref<176x128xf32, #tpu.memory_space<vmem>>, vector<1x16xf32>,
        %get3A_417 = vector.shape_cast %get3A_416 : vector<1x16xf32> to vector<16xf32>
        %max3A_418 = arith.maximumf %while3A_402, %get3A_417 : vector<16xf32>
        %get3A_419 = arith.constant 0 : i32
        %get3A_420 = arith.constant 0 : i32
        %get3A_421 = tpu.memref_slice %arg5[%while3A_183, %get3A_419, %get3A_420] : memref<3x176x128xf32, #tpu.memory_space<vmem>> -> memref<1x176x128xf32, #tpu.memory_space<vmem>>
        %get3A_422 = tpu.memref_squeeze %get3A_421 : memref<1x176x128xf32, #tpu.memory_space<vmem>> -> memref<176x128xf32, #tpu.memory_space<vmem>>
        %get3A_423 = arith.index_cast %while3A_401 : i32 to index
        %get3A_424 = arith.constant 16 : index
        %get3A_425 = tpu.vector_load %get3A_422[%get3A_423, %get3A_424] {strides = array<i32>} : memref<176x128xf32, #tpu.memory_space<vmem>>, vector<1x16xf32>,
        %get3A_426 = vector.shape_cast %get3A_425 : vector<1x16xf32> to vector<16xf32>
        %max3A_427 = arith.maximumf %while3A_403, %get3A_426 : vector<16xf32>
        %get3A_428 = arith.constant 0 : i32
        %get3A_429 = arith.constant 0 : i32
        %get3A_430 = tpu.memref_slice %arg5[%while3A_183, %get3A_428, %get3A_429] : memref<3x176x128xf32, #tpu.memory_space<vmem>> -> memref<1x176x128xf32, #tpu.memory_space<vmem>>
        %get3A_431 = tpu.memref_squeeze %get3A_430 : memref<1x176x128xf32, #tpu.memory_space<vmem>> -> memref<176x128xf32, #tpu.memory_space<vmem>>
        %get3A_432 = arith.index_cast %while3A_401 : i32 to index
        %get3A_433 = arith.constant 32 : index
        %get3A_434 = tpu.vector_load %get3A_431[%get3A_432, %get3A_433] {strides = array<i32>} : memref<176x128xf32, #tpu.memory_space<vmem>>, vector<1x16xf32>,
        %get3A_435 = vector.shape_cast %get3A_434 : vector<1x16xf32> to vector<16xf32>
        %max3A_436 = arith.maximumf %while3A_404, %get3A_435 : vector<16xf32>
        %get3A_437 = arith.constant 0 : i32
        %get3A_438 = arith.constant 0 : i32
        %get3A_439 = tpu.memref_slice %arg5[%while3A_183, %get3A_437, %get3A_438] : memref<3x176x128xf32, #tpu.memory_space<vmem>> -> memref<1x176x128xf32, #tpu.memory_space<vmem>>
        %get3A_440 = tpu.memref_squeeze %get3A_439 : memref<1x176x128xf32, #tpu.memory_space<vmem>> -> memref<176x128xf32, #tpu.memory_space<vmem>>
        %get3A_441 = arith.index_cast %while3A_401 : i32 to index
        %get3A_442 = arith.constant 48 : index
        %get3A_443 = tpu.vector_load %get3A_440[%get3A_441, %get3A_442] {strides = array<i32>} : memref<176x128xf32, #tpu.memory_space<vmem>>, vector<1x16xf32>,
        %get3A_444 = vector.shape_cast %get3A_443 : vector<1x16xf32> to vector<16xf32>
        %max3A_445 = arith.maximumf %while3A_405, %get3A_444 : vector<16xf32>
        %get3A_446 = arith.constant 0 : i32
        %get3A_447 = arith.constant 0 : i32
        %get3A_448 = tpu.memref_slice %arg5[%while3A_183, %get3A_446, %get3A_447] : memref<3x176x128xf32, #tpu.memory_space<vmem>> -> memref<1x176x128xf32, #tpu.memory_space<vmem>>
        %get3A_449 = tpu.memref_squeeze %get3A_448 : memref<1x176x128xf32, #tpu.memory_space<vmem>> -> memref<176x128xf32, #tpu.memory_space<vmem>>
        %get3A_450 = arith.index_cast %while3A_401 : i32 to index
        %get3A_451 = arith.constant 64 : index
        %get3A_452 = tpu.vector_load %get3A_449[%get3A_450, %get3A_451] {strides = array<i32>} : memref<176x128xf32, #tpu.memory_space<vmem>>, vector<1x16xf32>,
        %get3A_453 = vector.shape_cast %get3A_452 : vector<1x16xf32> to vector<16xf32>
        %max3A_454 = arith.maximumf %while3A_406, %get3A_453 : vector<16xf32>
        %get3A_455 = arith.constant 0 : i32
        %get3A_456 = arith.constant 0 : i32
        %get3A_457 = tpu.memref_slice %arg5[%while3A_183, %get3A_455, %get3A_456] : memref<3x176x128xf32, #tpu.memory_space<vmem>> -> memref<1x176x128xf32, #tpu.memory_space<vmem>>
        %get3A_458 = tpu.memref_squeeze %get3A_457 : memref<1x176x128xf32, #tpu.memory_space<vmem>> -> memref<176x128xf32, #tpu.memory_space<vmem>>
        %get3A_459 = arith.index_cast %while3A_401 : i32 to index
        %get3A_460 = arith.constant 80 : index
        %get3A_461 = tpu.vector_load %get3A_458[%get3A_459, %get3A_460] {strides = array<i32>} : memref<176x128xf32, #tpu.memory_space<vmem>>, vector<1x16xf32>,
        %get3A_462 = vector.shape_cast %get3A_461 : vector<1x16xf32> to vector<16xf32>
        %max3A_463 = arith.maximumf %while3A_407, %get3A_462 : vector<16xf32>
        %get3A_464 = arith.constant 0 : i32
        %get3A_465 = arith.constant 0 : i32
        %get3A_466 = tpu.memref_slice %arg5[%while3A_183, %get3A_464, %get3A_465] : memref<3x176x128xf32, #tpu.memory_space<vmem>> -> memref<1x176x128xf32, #tpu.memory_space<vmem>>
        %get3A_467 = tpu.memref_squeeze %get3A_466 : memref<1x176x128xf32, #tpu.memory_space<vmem>> -> memref<176x128xf32, #tpu.memory_space<vmem>>
        %get3A_468 = arith.index_cast %while3A_401 : i32 to index
        %get3A_469 = arith.constant 96 : index
        %get3A_470 = tpu.vector_load %get3A_467[%get3A_468, %get3A_469] {strides = array<i32>} : memref<176x128xf32, #tpu.memory_space<vmem>>, vector<1x16xf32>,
        %get3A_471 = vector.shape_cast %get3A_470 : vector<1x16xf32> to vector<16xf32>
        %max3A_472 = arith.maximumf %while3A_408, %get3A_471 : vector<16xf32>
        %get3A_473 = arith.constant 0 : i32
        %get3A_474 = arith.constant 0 : i32
        %get3A_475 = tpu.memref_slice %arg5[%while3A_183, %get3A_473, %get3A_474] : memref<3x176x128xf32, #tpu.memory_space<vmem>> -> memref<1x176x128xf32, #tpu.memory_space<vmem>>
        %get3A_476 = tpu.memref_squeeze %get3A_475 : memref<1x176x128xf32, #tpu.memory_space<vmem>> -> memref<176x128xf32, #tpu.memory_space<vmem>>
        %get3A_477 = arith.index_cast %while3A_401 : i32 to index
        %get3A_478 = arith.constant 112 : index
        %get3A_479 = tpu.vector_load %get3A_476[%get3A_477, %get3A_478] {strides = array<i32>} : memref<176x128xf32, #tpu.memory_space<vmem>>, vector<1x16xf32>,
        %get3A_480 = vector.shape_cast %get3A_479 : vector<1x16xf32> to vector<16xf32>
        %max3A_481 = arith.maximumf %while3A_409, %get3A_480 : vector<16xf32>
        scf.yield %max3A_418, %max3A_427, %max3A_436, %max3A_445, %max3A_454, %max3A_463, %max3A_472, %max3A_481 : vector<16xf32>, vector<16xf32>, vector<16xf32>, vector<16xf32>, vector<16xf32>, vector<16xf32>, vector<16xf32>, vector<16xf32>
      }
      %while3A_194 = arith.constant 1 : i32
      %while3A_195 = arith.constant 176 : i32
      %while3A_196 = arith.subi %while3A_195, %min3A_170 : i32
      %while3A_197 = arith.addi %min3A_170, %while3A_196 : i32
      %while3A_198 = arith.constant 1 : i32
      %while3A_199 = arith.divsi %while3A_196, %while3A_198 : i32
      %while3A_200 = arith.muli %while3A_199, %while3A_198 : i32
      %while3A_201 = arith.addi %min3A_170, %while3A_200 : i32
      %while3A_202 = arith.constant 1 : i32
      %while3A_203:8 = scf.for %while3A_401 = %min3A_170 to %while3A_201 step %while3A_202 iter_args(%while3A_402 = %while3A_132#0, %while3A_403 = %while3A_132#1, %while3A_404 = %while3A_132#2, %while3A_405 = %while3A_132#3, %while3A_406 = %while3A_132#4, %while3A_407 = %while3A_132#5, %while3A_408 = %while3A_132#6, %while3A_409 = %while3A_132#7) -> (vector<16xf32>, vector<16xf32>, vector<16xf32>, vector<16xf32>, vector<16xf32>, vector<16xf32>, vector<16xf32>, vector<16xf32>)  : i32 {
        %get3A_410 = arith.constant 0 : i32
        %get3A_411 = arith.constant 0 : i32
        %get3A_412 = tpu.memref_slice %arg5[%while3A_194, %get3A_410, %get3A_411] : memref<3x176x128xf32, #tpu.memory_space<vmem>> -> memref<1x176x128xf32, #tpu.memory_space<vmem>>
        %get3A_413 = tpu.memref_squeeze %get3A_412 : memref<1x176x128xf32, #tpu.memory_space<vmem>> -> memref<176x128xf32, #tpu.memory_space<vmem>>
        %get3A_414 = arith.index_cast %while3A_401 : i32 to index
        %get3A_415 = arith.constant 0 : index
        %get3A_416 = tpu.vector_load %get3A_413[%get3A_414, %get3A_415] {strides = array<i32>} : memref<176x128xf32, #tpu.memory_space<vmem>>, vector<1x16xf32>,
        %get3A_417 = vector.shape_cast %get3A_416 : vector<1x16xf32> to vector<16xf32>
        %max3A_418 = arith.maximumf %while3A_402, %get3A_417 : vector<16xf32>
        %get3A_419 = arith.constant 0 : i32
        %get3A_420 = arith.constant 0 : i32
        %get3A_421 = tpu.memref_slice %arg5[%while3A_194, %get3A_419, %get3A_420] : memref<3x176x128xf32, #tpu.memory_space<vmem>> -> memref<1x176x128xf32, #tpu.memory_space<vmem>>
        %get3A_422 = tpu.memref_squeeze %get3A_421 : memref<1x176x128xf32, #tpu.memory_space<vmem>> -> memref<176x128xf32, #tpu.memory_space<vmem>>
        %get3A_423 = arith.index_cast %while3A_401 : i32 to index
        %get3A_424 = arith.constant 16 : index
        %get3A_425 = tpu.vector_load %get3A_422[%get3A_423, %get3A_424] {strides = array<i32>} : memref<176x128xf32, #tpu.memory_space<vmem>>, vector<1x16xf32>,
        %get3A_426 = vector.shape_cast %get3A_425 : vector<1x16xf32> to vector<16xf32>
        %max3A_427 = arith.maximumf %while3A_403, %get3A_426 : vector<16xf32>
        %get3A_428 = arith.constant 0 : i32
        %get3A_429 = arith.constant 0 : i32
        %get3A_430 = tpu.memref_slice %arg5[%while3A_194, %get3A_428, %get3A_429] : memref<3x176x128xf32, #tpu.memory_space<vmem>> -> memref<1x176x128xf32, #tpu.memory_space<vmem>>
        %get3A_431 = tpu.memref_squeeze %get3A_430 : memref<1x176x128xf32, #tpu.memory_space<vmem>> -> memref<176x128xf32, #tpu.memory_space<vmem>>
        %get3A_432 = arith.index_cast %while3A_401 : i32 to index
        %get3A_433 = arith.constant 32 : index
        %get3A_434 = tpu.vector_load %get3A_431[%get3A_432, %get3A_433] {strides = array<i32>} : memref<176x128xf32, #tpu.memory_space<vmem>>, vector<1x16xf32>,
        %get3A_435 = vector.shape_cast %get3A_434 : vector<1x16xf32> to vector<16xf32>
        %max3A_436 = arith.maximumf %while3A_404, %get3A_435 : vector<16xf32>
        %get3A_437 = arith.constant 0 : i32
        %get3A_438 = arith.constant 0 : i32
        %get3A_439 = tpu.memref_slice %arg5[%while3A_194, %get3A_437, %get3A_438] : memref<3x176x128xf32, #tpu.memory_space<vmem>> -> memref<1x176x128xf32, #tpu.memory_space<vmem>>
        %get3A_440 = tpu.memref_squeeze %get3A_439 : memref<1x176x128xf32, #tpu.memory_space<vmem>> -> memref<176x128xf32, #tpu.memory_space<vmem>>
        %get3A_441 = arith.index_cast %while3A_401 : i32 to index
        %get3A_442 = arith.constant 48 : index
        %get3A_443 = tpu.vector_load %get3A_440[%get3A_441, %get3A_442] {strides = array<i32>} : memref<176x128xf32, #tpu.memory_space<vmem>>, vector<1x16xf32>,
        %get3A_444 = vector.shape_cast %get3A_443 : vector<1x16xf32> to vector<16xf32>
        %max3A_445 = arith.maximumf %while3A_405, %get3A_444 : vector<16xf32>
        %get3A_446 = arith.constant 0 : i32
        %get3A_447 = arith.constant 0 : i32
        %get3A_448 = tpu.memref_slice %arg5[%while3A_194, %get3A_446, %get3A_447] : memref<3x176x128xf32, #tpu.memory_space<vmem>> -> memref<1x176x128xf32, #tpu.memory_space<vmem>>
        %get3A_449 = tpu.memref_squeeze %get3A_448 : memref<1x176x128xf32, #tpu.memory_space<vmem>> -> memref<176x128xf32, #tpu.memory_space<vmem>>
        %get3A_450 = arith.index_cast %while3A_401 : i32 to index
        %get3A_451 = arith.constant 64 : index
        %get3A_452 = tpu.vector_load %get3A_449[%get3A_450, %get3A_451] {strides = array<i32>} : memref<176x128xf32, #tpu.memory_space<vmem>>, vector<1x16xf32>,
        %get3A_453 = vector.shape_cast %get3A_452 : vector<1x16xf32> to vector<16xf32>
        %max3A_454 = arith.maximumf %while3A_406, %get3A_453 : vector<16xf32>
        %get3A_455 = arith.constant 0 : i32
        %get3A_456 = arith.constant 0 : i32
        %get3A_457 = tpu.memref_slice %arg5[%while3A_194, %get3A_455, %get3A_456] : memref<3x176x128xf32, #tpu.memory_space<vmem>> -> memref<1x176x128xf32, #tpu.memory_space<vmem>>
        %get3A_458 = tpu.memref_squeeze %get3A_457 : memref<1x176x128xf32, #tpu.memory_space<vmem>> -> memref<176x128xf32, #tpu.memory_space<vmem>>
        %get3A_459 = arith.index_cast %while3A_401 : i32 to index
        %get3A_460 = arith.constant 80 : index
        %get3A_461 = tpu.vector_load %get3A_458[%get3A_459, %get3A_460] {strides = array<i32>} : memref<176x128xf32, #tpu.memory_space<vmem>>, vector<1x16xf32>,
        %get3A_462 = vector.shape_cast %get3A_461 : vector<1x16xf32> to vector<16xf32>
        %max3A_463 = arith.maximumf %while3A_407, %get3A_462 : vector<16xf32>
        %get3A_464 = arith.constant 0 : i32
        %get3A_465 = arith.constant 0 : i32
        %get3A_466 = tpu.memref_slice %arg5[%while3A_194, %get3A_464, %get3A_465] : memref<3x176x128xf32, #tpu.memory_space<vmem>> -> memref<1x176x128xf32, #tpu.memory_space<vmem>>
        %get3A_467 = tpu.memref_squeeze %get3A_466 : memref<1x176x128xf32, #tpu.memory_space<vmem>> -> memref<176x128xf32, #tpu.memory_space<vmem>>
        %get3A_468 = arith.index_cast %while3A_401 : i32 to index
        %get3A_469 = arith.constant 96 : index
        %get3A_470 = tpu.vector_load %get3A_467[%get3A_468, %get3A_469] {strides = array<i32>} : memref<176x128xf32, #tpu.memory_space<vmem>>, vector<1x16xf32>,
        %get3A_471 = vector.shape_cast %get3A_470 : vector<1x16xf32> to vector<16xf32>
        %max3A_472 = arith.maximumf %while3A_408, %get3A_471 : vector<16xf32>
        %get3A_473 = arith.constant 0 : i32
        %get3A_474 = arith.constant 0 : i32
        %get3A_475 = tpu.memref_slice %arg5[%while3A_194, %get3A_473, %get3A_474] : memref<3x176x128xf32, #tpu.memory_space<vmem>> -> memref<1x176x128xf32, #tpu.memory_space<vmem>>
        %get3A_476 = tpu.memref_squeeze %get3A_475 : memref<1x176x128xf32, #tpu.memory_space<vmem>> -> memref<176x128xf32, #tpu.memory_space<vmem>>
        %get3A_477 = arith.index_cast %while3A_401 : i32 to index
        %get3A_478 = arith.constant 112 : index
        %get3A_479 = tpu.vector_load %get3A_476[%get3A_477, %get3A_478] {strides = array<i32>} : memref<176x128xf32, #tpu.memory_space<vmem>>, vector<1x16xf32>,
        %get3A_480 = vector.shape_cast %get3A_479 : vector<1x16xf32> to vector<16xf32>
        %max3A_481 = arith.maximumf %while3A_409, %get3A_480 : vector<16xf32>
        scf.yield %max3A_418, %max3A_427, %max3A_436, %max3A_445, %max3A_454, %max3A_463, %max3A_472, %max3A_481 : vector<16xf32>, vector<16xf32>, vector<16xf32>, vector<16xf32>, vector<16xf32>, vector<16xf32>, vector<16xf32>, vector<16xf32>
      }
      %while3A_204 = arith.constant 1 : i32
      %while3A_205:8 = scf.for %while3A_401 = %while3A_201 to %while3A_197 step %while3A_204 iter_args(%while3A_402 = %while3A_203#0, %while3A_403 = %while3A_203#1, %while3A_404 = %while3A_203#2, %while3A_405 = %while3A_203#3, %while3A_406 = %while3A_203#4, %while3A_407 = %while3A_203#5, %while3A_408 = %while3A_203#6, %while3A_409 = %while3A_203#7) -> (vector<16xf32>, vector<16xf32>, vector<16xf32>, vector<16xf32>, vector<16xf32>, vector<16xf32>, vector<16xf32>, vector<16xf32>)  : i32 {
        %get3A_410 = arith.constant 0 : i32
        %get3A_411 = arith.constant 0 : i32
        %get3A_412 = tpu.memref_slice %arg5[%while3A_194, %get3A_410, %get3A_411] : memref<3x176x128xf32, #tpu.memory_space<vmem>> -> memref<1x176x128xf32, #tpu.memory_space<vmem>>
        %get3A_413 = tpu.memref_squeeze %get3A_412 : memref<1x176x128xf32, #tpu.memory_space<vmem>> -> memref<176x128xf32, #tpu.memory_space<vmem>>
        %get3A_414 = arith.index_cast %while3A_401 : i32 to index
        %get3A_415 = arith.constant 0 : index
        %get3A_416 = tpu.vector_load %get3A_413[%get3A_414, %get3A_415] {strides = array<i32>} : memref<176x128xf32, #tpu.memory_space<vmem>>, vector<1x16xf32>,
        %get3A_417 = vector.shape_cast %get3A_416 : vector<1x16xf32> to vector<16xf32>
        %max3A_418 = arith.maximumf %while3A_402, %get3A_417 : vector<16xf32>
        %get3A_419 = arith.constant 0 : i32
        %get3A_420 = arith.constant 0 : i32
        %get3A_421 = tpu.memref_slice %arg5[%while3A_194, %get3A_419, %get3A_420] : memref<3x176x128xf32, #tpu.memory_space<vmem>> -> memref<1x176x128xf32, #tpu.memory_space<vmem>>
        %get3A_422 = tpu.memref_squeeze %get3A_421 : memref<1x176x128xf32, #tpu.memory_space<vmem>> -> memref<176x128xf32, #tpu.memory_space<vmem>>
        %get3A_423 = arith.index_cast %while3A_401 : i32 to index
        %get3A_424 = arith.constant 16 : index
        %get3A_425 = tpu.vector_load %get3A_422[%get3A_423, %get3A_424] {strides = array<i32>} : memref<176x128xf32, #tpu.memory_space<vmem>>, vector<1x16xf32>,
        %get3A_426 = vector.shape_cast %get3A_425 : vector<1x16xf32> to vector<16xf32>
        %max3A_427 = arith.maximumf %while3A_403, %get3A_426 : vector<16xf32>
        %get3A_428 = arith.constant 0 : i32
        %get3A_429 = arith.constant 0 : i32
        %get3A_430 = tpu.memref_slice %arg5[%while3A_194, %get3A_428, %get3A_429] : memref<3x176x128xf32, #tpu.memory_space<vmem>> -> memref<1x176x128xf32, #tpu.memory_space<vmem>>
        %get3A_431 = tpu.memref_squeeze %get3A_430 : memref<1x176x128xf32, #tpu.memory_space<vmem>> -> memref<176x128xf32, #tpu.memory_space<vmem>>
        %get3A_432 = arith.index_cast %while3A_401 : i32 to index
        %get3A_433 = arith.constant 32 : index
        %get3A_434 = tpu.vector_load %get3A_431[%get3A_432, %get3A_433] {strides = array<i32>} : memref<176x128xf32, #tpu.memory_space<vmem>>, vector<1x16xf32>,
        %get3A_435 = vector.shape_cast %get3A_434 : vector<1x16xf32> to vector<16xf32>
        %max3A_436 = arith.maximumf %while3A_404, %get3A_435 : vector<16xf32>
        %get3A_437 = arith.constant 0 : i32
        %get3A_438 = arith.constant 0 : i32
        %get3A_439 = tpu.memref_slice %arg5[%while3A_194, %get3A_437, %get3A_438] : memref<3x176x128xf32, #tpu.memory_space<vmem>> -> memref<1x176x128xf32, #tpu.memory_space<vmem>>
        %get3A_440 = tpu.memref_squeeze %get3A_439 : memref<1x176x128xf32, #tpu.memory_space<vmem>> -> memref<176x128xf32, #tpu.memory_space<vmem>>
        %get3A_441 = arith.index_cast %while3A_401 : i32 to index
        %get3A_442 = arith.constant 48 : index
        %get3A_443 = tpu.vector_load %get3A_440[%get3A_441, %get3A_442] {strides = array<i32>} : memref<176x128xf32, #tpu.memory_space<vmem>>, vector<1x16xf32>,
        %get3A_444 = vector.shape_cast %get3A_443 : vector<1x16xf32> to vector<16xf32>
        %max3A_445 = arith.maximumf %while3A_405, %get3A_444 : vector<16xf32>
        %get3A_446 = arith.constant 0 : i32
        %get3A_447 = arith.constant 0 : i32
        %get3A_448 = tpu.memref_slice %arg5[%while3A_194, %get3A_446, %get3A_447] : memref<3x176x128xf32, #tpu.memory_space<vmem>> -> memref<1x176x128xf32, #tpu.memory_space<vmem>>
        %get3A_449 = tpu.memref_squeeze %get3A_448 : memref<1x176x128xf32, #tpu.memory_space<vmem>> -> memref<176x128xf32, #tpu.memory_space<vmem>>
        %get3A_450 = arith.index_cast %while3A_401 : i32 to index
        %get3A_451 = arith.constant 64 : index
        %get3A_452 = tpu.vector_load %get3A_449[%get3A_450, %get3A_451] {strides = array<i32>} : memref<176x128xf32, #tpu.memory_space<vmem>>, vector<1x16xf32>,
        %get3A_453 = vector.shape_cast %get3A_452 : vector<1x16xf32> to vector<16xf32>
        %max3A_454 = arith.maximumf %while3A_406, %get3A_453 : vector<16xf32>
        %get3A_455 = arith.constant 0 : i32
        %get3A_456 = arith.constant 0 : i32
        %get3A_457 = tpu.memref_slice %arg5[%while3A_194, %get3A_455, %get3A_456] : memref<3x176x128xf32, #tpu.memory_space<vmem>> -> memref<1x176x128xf32, #tpu.memory_space<vmem>>
        %get3A_458 = tpu.memref_squeeze %get3A_457 : memref<1x176x128xf32, #tpu.memory_space<vmem>> -> memref<176x128xf32, #tpu.memory_space<vmem>>
        %get3A_459 = arith.index_cast %while3A_401 : i32 to index
        %get3A_460 = arith.constant 80 : index
        %get3A_461 = tpu.vector_load %get3A_458[%get3A_459, %get3A_460] {strides = array<i32>} : memref<176x128xf32, #tpu.memory_space<vmem>>, vector<1x16xf32>,
        %get3A_462 = vector.shape_cast %get3A_461 : vector<1x16xf32> to vector<16xf32>
        %max3A_463 = arith.maximumf %while3A_407, %get3A_462 : vector<16xf32>
        %get3A_464 = arith.constant 0 : i32
        %get3A_465 = arith.constant 0 : i32
        %get3A_466 = tpu.memref_slice %arg5[%while3A_194, %get3A_464, %get3A_465] : memref<3x176x128xf32, #tpu.memory_space<vmem>> -> memref<1x176x128xf32, #tpu.memory_space<vmem>>
        %get3A_467 = tpu.memref_squeeze %get3A_466 : memref<1x176x128xf32, #tpu.memory_space<vmem>> -> memref<176x128xf32, #tpu.memory_space<vmem>>
        %get3A_468 = arith.index_cast %while3A_401 : i32 to index
        %get3A_469 = arith.constant 96 : index
        %get3A_470 = tpu.vector_load %get3A_467[%get3A_468, %get3A_469] {strides = array<i32>} : memref<176x128xf32, #tpu.memory_space<vmem>>, vector<1x16xf32>,
        %get3A_471 = vector.shape_cast %get3A_470 : vector<1x16xf32> to vector<16xf32>
        %max3A_472 = arith.maximumf %while3A_408, %get3A_471 : vector<16xf32>
        %get3A_473 = arith.constant 0 : i32
        %get3A_474 = arith.constant 0 : i32
        %get3A_475 = tpu.memref_slice %arg5[%while3A_194, %get3A_473, %get3A_474] : memref<3x176x128xf32, #tpu.memory_space<vmem>> -> memref<1x176x128xf32, #tpu.memory_space<vmem>>
        %get3A_476 = tpu.memref_squeeze %get3A_475 : memref<1x176x128xf32, #tpu.memory_space<vmem>> -> memref<176x128xf32, #tpu.memory_space<vmem>>
        %get3A_477 = arith.index_cast %while3A_401 : i32 to index
        %get3A_478 = arith.constant 112 : index
        %get3A_479 = tpu.vector_load %get3A_476[%get3A_477, %get3A_478] {strides = array<i32>} : memref<176x128xf32, #tpu.memory_space<vmem>>, vector<1x16xf32>,
        %get3A_480 = vector.shape_cast %get3A_479 : vector<1x16xf32> to vector<16xf32>
        %max3A_481 = arith.maximumf %while3A_409, %get3A_480 : vector<16xf32>
        scf.yield %max3A_418, %max3A_427, %max3A_436, %max3A_445, %max3A_454, %max3A_463, %max3A_472, %max3A_481 : vector<16xf32>, vector<16xf32>, vector<16xf32>, vector<16xf32>, vector<16xf32>, vector<16xf32>, vector<16xf32>, vector<16xf32>
      }
      %add3A_206 = arith.addi %mul3A_2, %scan3A_45 : i32
      %dma_wait3A_207 = arith.constant 2 : i32
      %dma_wait3A_208 = arith.constant 0 : i32
      %dma_wait3A_209 = arith.constant 0 : i32
      %dma_wait3A_210 = tpu.memref_slice %arg5[%dma_wait3A_207, %dma_wait3A_208, %dma_wait3A_209] : memref<3x176x128xf32, #tpu.memory_space<vmem>> -> memref<1x160x128xf32, #tpu.memory_space<vmem>>
      %dma_wait3A_211 = tpu.memref_squeeze %dma_wait3A_210 : memref<1x160x128xf32, #tpu.memory_space<vmem>> -> memref<160x128xf32, #tpu.memory_space<vmem>>
      %dma_wait3A_212 = arith.constant 352 : i32
      %dma_wait3A_213 = arith.constant 0 : i32
      %dma_wait3A_214 = tpu.memref_slice %arg2[%add3A_206, %dma_wait3A_212, %dma_wait3A_213] : memref<1024x512x128xf32, #tpu.memory_space<hbm>> -> memref<1x160x128xf32, #tpu.memory_space<hbm>>
      %dma_wait3A_215 = tpu.memref_squeeze %dma_wait3A_214 : memref<1x160x128xf32, #tpu.memory_space<hbm>> -> memref<160x128xf32, #tpu.memory_space<hbm>>
      %dma_wait3A_216 = arith.constant 0 : i32
      %dma_wait3A_217 = arith.constant 0 : i32
      %dma_wait3A_218 = tpu.memref_slice %arg5[%dma_wait3A_207, %dma_wait3A_216, %dma_wait3A_217] : memref<3x176x128xf32, #tpu.memory_space<vmem>> -> memref<1x160x128xf32, #tpu.memory_space<vmem>>
      %dma_wait3A_219 = tpu.memref_squeeze %dma_wait3A_218 : memref<1x160x128xf32, #tpu.memory_space<vmem>> -> memref<160x128xf32, #tpu.memory_space<vmem>>
      %dma_wait3A_220 = arith.constant 352 : i32
      %dma_wait3A_221 = arith.constant 0 : i32
      %dma_wait3A_222 = tpu.memref_slice %arg2[%add3A_206, %dma_wait3A_220, %dma_wait3A_221] : memref<1024x512x128xf32, #tpu.memory_space<hbm>> -> memref<1x160x128xf32, #tpu.memory_space<hbm>>
      %dma_wait3A_223 = tpu.memref_squeeze %dma_wait3A_222 : memref<1x160x128xf32, #tpu.memory_space<hbm>> -> memref<160x128xf32, #tpu.memory_space<hbm>>
      tpu.wait_dma2 semaphore(%arg10 : memref<!tpu.dma_semaphore, #tpu.memory_space<semaphore_mem>>) src(%dma_wait3A_223 : memref<160x128xf32, #tpu.memory_space<hbm>>) dst(%dma_wait3A_219 : memref<160x128xf32, #tpu.memory_space<vmem>>)
      %add3A_224 = arith.constant 1 : i32
      %add3A_225 = arith.addi %scan3A_45, %add3A_224 : i32
      %lt3A_226 = arith.constant 20 : i32
      %lt3A_227 = arith.cmpi slt, %add3A_225, %lt3A_226 : i32
      %convert_element_type3A_228 = arith.extui %lt3A_227 : i1 to i32
      %cond3A_229 = arith.constant 0 : i32
      %cond3A_230 = arith.cmpi ne, %convert_element_type3A_228, %cond3A_229 : i32
      scf.if %cond3A_230 {
        %add3A_401 = arith.constant 1 : i32
        %add3A_402 = arith.addi %scan3A_45, %add3A_401 : i32
        %add3A_403 = arith.addi %mul3A_2, %add3A_402 : i32
        %dma_start3A_404 = arith.constant 1 : i32
        %dma_start3A_405 = arith.constant 0 : i32
        %dma_start3A_406 = arith.constant 0 : i32
        %dma_start3A_407 = tpu.memref_slice %arg5[%dma_start3A_404, %dma_start3A_405, %dma_start3A_406] : memref<3x176x128xf32, #tpu.memory_space<vmem>> -> memref<1x176x128xf32, #tpu.memory_space<vmem>>
        %dma_start3A_408 = tpu.memref_squeeze %dma_start3A_407 : memref<1x176x128xf32, #tpu.memory_space<vmem>> -> memref<176x128xf32, #tpu.memory_space<vmem>>
        %dma_start3A_409 = arith.constant 176 : i32
        %dma_start3A_410 = arith.constant 0 : i32
        %dma_start3A_411 = tpu.memref_slice %arg2[%add3A_403, %dma_start3A_409, %dma_start3A_410] : memref<1024x512x128xf32, #tpu.memory_space<hbm>> -> memref<1x176x128xf32, #tpu.memory_space<hbm>>
        %dma_start3A_412 = tpu.memref_squeeze %dma_start3A_411 : memref<1x176x128xf32, #tpu.memory_space<hbm>> -> memref<176x128xf32, #tpu.memory_space<hbm>>
        %dma_start3A_413 = arith.constant 0 : i32
        %dma_start3A_414 = arith.constant 0 : i32
        %dma_start3A_415 = tpu.memref_slice %arg5[%dma_start3A_404, %dma_start3A_413, %dma_start3A_414] : memref<3x176x128xf32, #tpu.memory_space<vmem>> -> memref<1x176x128xf32, #tpu.memory_space<vmem>>
        %dma_start3A_416 = tpu.memref_squeeze %dma_start3A_415 : memref<1x176x128xf32, #tpu.memory_space<vmem>> -> memref<176x128xf32, #tpu.memory_space<vmem>>
        %dma_start3A_417 = arith.constant 176 : i32
        %dma_start3A_418 = arith.constant 0 : i32
        %dma_start3A_419 = tpu.memref_slice %arg2[%add3A_403, %dma_start3A_417, %dma_start3A_418] : memref<1024x512x128xf32, #tpu.memory_space<hbm>> -> memref<1x176x128xf32, #tpu.memory_space<hbm>>
        %dma_start3A_420 = tpu.memref_squeeze %dma_start3A_419 : memref<1x176x128xf32, #tpu.memory_space<hbm>> -> memref<176x128xf32, #tpu.memory_space<hbm>>
        tpu.enqueue_dma source(%dma_start3A_420 : memref<176x128xf32, #tpu.memory_space<hbm>>) target(%dma_start3A_416 : memref<176x128xf32, #tpu.memory_space<vmem>>) target_semaphore(%arg9 : memref<!tpu.dma_semaphore, #tpu.memory_space<semaphore_mem>>)
      } else {
      }
      %add3A_231 = arith.constant 1 : i32
      %add3A_232 = arith.addi %squeeze3A, %add3A_231 : i32
      %sub3A_233 = arith.constant 352 : i32
      %sub3A_234 = arith.subi %add3A_232, %sub3A_233 : i32
      %jit3A_235 = arith.constant 0 : i32
      %jit3A_236 = arith.constant 160 : i32
      %max3A_237 = arith.maxsi %jit3A_235, %sub3A_234 : i32
      %min3A_238 = arith.minsi %jit3A_236, %max3A_237 : i32
      %add3A_239 = arith.constant 1 : i32
      %add3A_240 = arith.addi %squeeze3A_50, %add3A_239 : i32
      %sub3A_241 = arith.constant 352 : i32
      %sub3A_242 = arith.subi %add3A_240, %sub3A_241 : i32
      %jit3A_243 = arith.constant 0 : i32
      %jit3A_244 = arith.constant 160 : i32
      %max3A_245 = arith.maxsi %jit3A_243, %sub3A_242 : i32
      %min3A_246 = arith.minsi %jit3A_244, %max3A_245 : i32
      %while3A_247 = arith.constant 2 : i32
      %while3A_248 = arith.constant 0 : i32
      %while3A_249 = arith.subi %min3A_238, %while3A_248 : i32
      %while3A_250 = arith.addi %while3A_248, %while3A_249 : i32
      %while3A_251 = arith.constant 1 : i32
      %while3A_252 = arith.divsi %while3A_249, %while3A_251 : i32
      %while3A_253 = arith.muli %while3A_252, %while3A_251 : i32
      %while3A_254 = arith.addi %while3A_248, %while3A_253 : i32
      %while3A_255 = arith.constant 1 : i32
      %while3A_256:8 = scf.for %while3A_401 = %while3A_248 to %while3A_254 step %while3A_255 iter_args(%while3A_402 = %while3A_182#0, %while3A_403 = %while3A_182#1, %while3A_404 = %while3A_182#2, %while3A_405 = %while3A_182#3, %while3A_406 = %while3A_182#4, %while3A_407 = %while3A_182#5, %while3A_408 = %while3A_182#6, %while3A_409 = %while3A_182#7) -> (vector<16xf32>, vector<16xf32>, vector<16xf32>, vector<16xf32>, vector<16xf32>, vector<16xf32>, vector<16xf32>, vector<16xf32>)  : i32 {
        %get3A_410 = arith.constant 0 : i32
        %get3A_411 = arith.constant 0 : i32
        %get3A_412 = tpu.memref_slice %arg5[%while3A_247, %get3A_410, %get3A_411] : memref<3x176x128xf32, #tpu.memory_space<vmem>> -> memref<1x176x128xf32, #tpu.memory_space<vmem>>
        %get3A_413 = tpu.memref_squeeze %get3A_412 : memref<1x176x128xf32, #tpu.memory_space<vmem>> -> memref<176x128xf32, #tpu.memory_space<vmem>>
        %get3A_414 = arith.index_cast %while3A_401 : i32 to index
        %get3A_415 = arith.constant 0 : index
        %get3A_416 = tpu.vector_load %get3A_413[%get3A_414, %get3A_415] {strides = array<i32>} : memref<176x128xf32, #tpu.memory_space<vmem>>, vector<1x16xf32>,
        %get3A_417 = vector.shape_cast %get3A_416 : vector<1x16xf32> to vector<16xf32>
        %max3A_418 = arith.maximumf %while3A_402, %get3A_417 : vector<16xf32>
        %get3A_419 = arith.constant 0 : i32
        %get3A_420 = arith.constant 0 : i32
        %get3A_421 = tpu.memref_slice %arg5[%while3A_247, %get3A_419, %get3A_420] : memref<3x176x128xf32, #tpu.memory_space<vmem>> -> memref<1x176x128xf32, #tpu.memory_space<vmem>>
        %get3A_422 = tpu.memref_squeeze %get3A_421 : memref<1x176x128xf32, #tpu.memory_space<vmem>> -> memref<176x128xf32, #tpu.memory_space<vmem>>
        %get3A_423 = arith.index_cast %while3A_401 : i32 to index
        %get3A_424 = arith.constant 16 : index
        %get3A_425 = tpu.vector_load %get3A_422[%get3A_423, %get3A_424] {strides = array<i32>} : memref<176x128xf32, #tpu.memory_space<vmem>>, vector<1x16xf32>,
        %get3A_426 = vector.shape_cast %get3A_425 : vector<1x16xf32> to vector<16xf32>
        %max3A_427 = arith.maximumf %while3A_403, %get3A_426 : vector<16xf32>
        %get3A_428 = arith.constant 0 : i32
        %get3A_429 = arith.constant 0 : i32
        %get3A_430 = tpu.memref_slice %arg5[%while3A_247, %get3A_428, %get3A_429] : memref<3x176x128xf32, #tpu.memory_space<vmem>> -> memref<1x176x128xf32, #tpu.memory_space<vmem>>
        %get3A_431 = tpu.memref_squeeze %get3A_430 : memref<1x176x128xf32, #tpu.memory_space<vmem>> -> memref<176x128xf32, #tpu.memory_space<vmem>>
        %get3A_432 = arith.index_cast %while3A_401 : i32 to index
        %get3A_433 = arith.constant 32 : index
        %get3A_434 = tpu.vector_load %get3A_431[%get3A_432, %get3A_433] {strides = array<i32>} : memref<176x128xf32, #tpu.memory_space<vmem>>, vector<1x16xf32>,
        %get3A_435 = vector.shape_cast %get3A_434 : vector<1x16xf32> to vector<16xf32>
        %max3A_436 = arith.maximumf %while3A_404, %get3A_435 : vector<16xf32>
        %get3A_437 = arith.constant 0 : i32
        %get3A_438 = arith.constant 0 : i32
        %get3A_439 = tpu.memref_slice %arg5[%while3A_247, %get3A_437, %get3A_438] : memref<3x176x128xf32, #tpu.memory_space<vmem>> -> memref<1x176x128xf32, #tpu.memory_space<vmem>>
        %get3A_440 = tpu.memref_squeeze %get3A_439 : memref<1x176x128xf32, #tpu.memory_space<vmem>> -> memref<176x128xf32, #tpu.memory_space<vmem>>
        %get3A_441 = arith.index_cast %while3A_401 : i32 to index
        %get3A_442 = arith.constant 48 : index
        %get3A_443 = tpu.vector_load %get3A_440[%get3A_441, %get3A_442] {strides = array<i32>} : memref<176x128xf32, #tpu.memory_space<vmem>>, vector<1x16xf32>,
        %get3A_444 = vector.shape_cast %get3A_443 : vector<1x16xf32> to vector<16xf32>
        %max3A_445 = arith.maximumf %while3A_405, %get3A_444 : vector<16xf32>
        %get3A_446 = arith.constant 0 : i32
        %get3A_447 = arith.constant 0 : i32
        %get3A_448 = tpu.memref_slice %arg5[%while3A_247, %get3A_446, %get3A_447] : memref<3x176x128xf32, #tpu.memory_space<vmem>> -> memref<1x176x128xf32, #tpu.memory_space<vmem>>
        %get3A_449 = tpu.memref_squeeze %get3A_448 : memref<1x176x128xf32, #tpu.memory_space<vmem>> -> memref<176x128xf32, #tpu.memory_space<vmem>>
        %get3A_450 = arith.index_cast %while3A_401 : i32 to index
        %get3A_451 = arith.constant 64 : index
        %get3A_452 = tpu.vector_load %get3A_449[%get3A_450, %get3A_451] {strides = array<i32>} : memref<176x128xf32, #tpu.memory_space<vmem>>, vector<1x16xf32>,
        %get3A_453 = vector.shape_cast %get3A_452 : vector<1x16xf32> to vector<16xf32>
        %max3A_454 = arith.maximumf %while3A_406, %get3A_453 : vector<16xf32>
        %get3A_455 = arith.constant 0 : i32
        %get3A_456 = arith.constant 0 : i32
        %get3A_457 = tpu.memref_slice %arg5[%while3A_247, %get3A_455, %get3A_456] : memref<3x176x128xf32, #tpu.memory_space<vmem>> -> memref<1x176x128xf32, #tpu.memory_space<vmem>>
        %get3A_458 = tpu.memref_squeeze %get3A_457 : memref<1x176x128xf32, #tpu.memory_space<vmem>> -> memref<176x128xf32, #tpu.memory_space<vmem>>
        %get3A_459 = arith.index_cast %while3A_401 : i32 to index
        %get3A_460 = arith.constant 80 : index
        %get3A_461 = tpu.vector_load %get3A_458[%get3A_459, %get3A_460] {strides = array<i32>} : memref<176x128xf32, #tpu.memory_space<vmem>>, vector<1x16xf32>,
        %get3A_462 = vector.shape_cast %get3A_461 : vector<1x16xf32> to vector<16xf32>
        %max3A_463 = arith.maximumf %while3A_407, %get3A_462 : vector<16xf32>
        %get3A_464 = arith.constant 0 : i32
        %get3A_465 = arith.constant 0 : i32
        %get3A_466 = tpu.memref_slice %arg5[%while3A_247, %get3A_464, %get3A_465] : memref<3x176x128xf32, #tpu.memory_space<vmem>> -> memref<1x176x128xf32, #tpu.memory_space<vmem>>
        %get3A_467 = tpu.memref_squeeze %get3A_466 : memref<1x176x128xf32, #tpu.memory_space<vmem>> -> memref<176x128xf32, #tpu.memory_space<vmem>>
        %get3A_468 = arith.index_cast %while3A_401 : i32 to index
        %get3A_469 = arith.constant 96 : index
        %get3A_470 = tpu.vector_load %get3A_467[%get3A_468, %get3A_469] {strides = array<i32>} : memref<176x128xf32, #tpu.memory_space<vmem>>, vector<1x16xf32>,
        %get3A_471 = vector.shape_cast %get3A_470 : vector<1x16xf32> to vector<16xf32>
        %max3A_472 = arith.maximumf %while3A_408, %get3A_471 : vector<16xf32>
        %get3A_473 = arith.constant 0 : i32
        %get3A_474 = arith.constant 0 : i32
        %get3A_475 = tpu.memref_slice %arg5[%while3A_247, %get3A_473, %get3A_474] : memref<3x176x128xf32, #tpu.memory_space<vmem>> -> memref<1x176x128xf32, #tpu.memory_space<vmem>>
        %get3A_476 = tpu.memref_squeeze %get3A_475 : memref<1x176x128xf32, #tpu.memory_space<vmem>> -> memref<176x128xf32, #tpu.memory_space<vmem>>
        %get3A_477 = arith.index_cast %while3A_401 : i32 to index
        %get3A_478 = arith.constant 112 : index
        %get3A_479 = tpu.vector_load %get3A_476[%get3A_477, %get3A_478] {strides = array<i32>} : memref<176x128xf32, #tpu.memory_space<vmem>>, vector<1x16xf32>,
        %get3A_480 = vector.shape_cast %get3A_479 : vector<1x16xf32> to vector<16xf32>
        %max3A_481 = arith.maximumf %while3A_409, %get3A_480 : vector<16xf32>
        scf.yield %max3A_418, %max3A_427, %max3A_436, %max3A_445, %max3A_454, %max3A_463, %max3A_472, %max3A_481 : vector<16xf32>, vector<16xf32>, vector<16xf32>, vector<16xf32>, vector<16xf32>, vector<16xf32>, vector<16xf32>, vector<16xf32>
      }
      %while3A_257 = arith.constant 1 : i32
      %while3A_258:8 = scf.for %while3A_401 = %while3A_254 to %while3A_250 step %while3A_257 iter_args(%while3A_402 = %while3A_256#0, %while3A_403 = %while3A_256#1, %while3A_404 = %while3A_256#2, %while3A_405 = %while3A_256#3, %while3A_406 = %while3A_256#4, %while3A_407 = %while3A_256#5, %while3A_408 = %while3A_256#6, %while3A_409 = %while3A_256#7) -> (vector<16xf32>, vector<16xf32>, vector<16xf32>, vector<16xf32>, vector<16xf32>, vector<16xf32>, vector<16xf32>, vector<16xf32>)  : i32 {
        %get3A_410 = arith.constant 0 : i32
        %get3A_411 = arith.constant 0 : i32
        %get3A_412 = tpu.memref_slice %arg5[%while3A_247, %get3A_410, %get3A_411] : memref<3x176x128xf32, #tpu.memory_space<vmem>> -> memref<1x176x128xf32, #tpu.memory_space<vmem>>
        %get3A_413 = tpu.memref_squeeze %get3A_412 : memref<1x176x128xf32, #tpu.memory_space<vmem>> -> memref<176x128xf32, #tpu.memory_space<vmem>>
        %get3A_414 = arith.index_cast %while3A_401 : i32 to index
        %get3A_415 = arith.constant 0 : index
        %get3A_416 = tpu.vector_load %get3A_413[%get3A_414, %get3A_415] {strides = array<i32>} : memref<176x128xf32, #tpu.memory_space<vmem>>, vector<1x16xf32>,
        %get3A_417 = vector.shape_cast %get3A_416 : vector<1x16xf32> to vector<16xf32>
        %max3A_418 = arith.maximumf %while3A_402, %get3A_417 : vector<16xf32>
        %get3A_419 = arith.constant 0 : i32
        %get3A_420 = arith.constant 0 : i32
        %get3A_421 = tpu.memref_slice %arg5[%while3A_247, %get3A_419, %get3A_420] : memref<3x176x128xf32, #tpu.memory_space<vmem>> -> memref<1x176x128xf32, #tpu.memory_space<vmem>>
        %get3A_422 = tpu.memref_squeeze %get3A_421 : memref<1x176x128xf32, #tpu.memory_space<vmem>> -> memref<176x128xf32, #tpu.memory_space<vmem>>
        %get3A_423 = arith.index_cast %while3A_401 : i32 to index
        %get3A_424 = arith.constant 16 : index
        %get3A_425 = tpu.vector_load %get3A_422[%get3A_423, %get3A_424] {strides = array<i32>} : memref<176x128xf32, #tpu.memory_space<vmem>>, vector<1x16xf32>,
        %get3A_426 = vector.shape_cast %get3A_425 : vector<1x16xf32> to vector<16xf32>
        %max3A_427 = arith.maximumf %while3A_403, %get3A_426 : vector<16xf32>
        %get3A_428 = arith.constant 0 : i32
        %get3A_429 = arith.constant 0 : i32
        %get3A_430 = tpu.memref_slice %arg5[%while3A_247, %get3A_428, %get3A_429] : memref<3x176x128xf32, #tpu.memory_space<vmem>> -> memref<1x176x128xf32, #tpu.memory_space<vmem>>
        %get3A_431 = tpu.memref_squeeze %get3A_430 : memref<1x176x128xf32, #tpu.memory_space<vmem>> -> memref<176x128xf32, #tpu.memory_space<vmem>>
        %get3A_432 = arith.index_cast %while3A_401 : i32 to index
        %get3A_433 = arith.constant 32 : index
        %get3A_434 = tpu.vector_load %get3A_431[%get3A_432, %get3A_433] {strides = array<i32>} : memref<176x128xf32, #tpu.memory_space<vmem>>, vector<1x16xf32>,
        %get3A_435 = vector.shape_cast %get3A_434 : vector<1x16xf32> to vector<16xf32>
        %max3A_436 = arith.maximumf %while3A_404, %get3A_435 : vector<16xf32>
        %get3A_437 = arith.constant 0 : i32
        %get3A_438 = arith.constant 0 : i32
        %get3A_439 = tpu.memref_slice %arg5[%while3A_247, %get3A_437, %get3A_438] : memref<3x176x128xf32, #tpu.memory_space<vmem>> -> memref<1x176x128xf32, #tpu.memory_space<vmem>>
        %get3A_440 = tpu.memref_squeeze %get3A_439 : memref<1x176x128xf32, #tpu.memory_space<vmem>> -> memref<176x128xf32, #tpu.memory_space<vmem>>
        %get3A_441 = arith.index_cast %while3A_401 : i32 to index
        %get3A_442 = arith.constant 48 : index
        %get3A_443 = tpu.vector_load %get3A_440[%get3A_441, %get3A_442] {strides = array<i32>} : memref<176x128xf32, #tpu.memory_space<vmem>>, vector<1x16xf32>,
        %get3A_444 = vector.shape_cast %get3A_443 : vector<1x16xf32> to vector<16xf32>
        %max3A_445 = arith.maximumf %while3A_405, %get3A_444 : vector<16xf32>
        %get3A_446 = arith.constant 0 : i32
        %get3A_447 = arith.constant 0 : i32
        %get3A_448 = tpu.memref_slice %arg5[%while3A_247, %get3A_446, %get3A_447] : memref<3x176x128xf32, #tpu.memory_space<vmem>> -> memref<1x176x128xf32, #tpu.memory_space<vmem>>
        %get3A_449 = tpu.memref_squeeze %get3A_448 : memref<1x176x128xf32, #tpu.memory_space<vmem>> -> memref<176x128xf32, #tpu.memory_space<vmem>>
        %get3A_450 = arith.index_cast %while3A_401 : i32 to index
        %get3A_451 = arith.constant 64 : index
        %get3A_452 = tpu.vector_load %get3A_449[%get3A_450, %get3A_451] {strides = array<i32>} : memref<176x128xf32, #tpu.memory_space<vmem>>, vector<1x16xf32>,
        %get3A_453 = vector.shape_cast %get3A_452 : vector<1x16xf32> to vector<16xf32>
        %max3A_454 = arith.maximumf %while3A_406, %get3A_453 : vector<16xf32>
        %get3A_455 = arith.constant 0 : i32
        %get3A_456 = arith.constant 0 : i32
        %get3A_457 = tpu.memref_slice %arg5[%while3A_247, %get3A_455, %get3A_456] : memref<3x176x128xf32, #tpu.memory_space<vmem>> -> memref<1x176x128xf32, #tpu.memory_space<vmem>>
        %get3A_458 = tpu.memref_squeeze %get3A_457 : memref<1x176x128xf32, #tpu.memory_space<vmem>> -> memref<176x128xf32, #tpu.memory_space<vmem>>
        %get3A_459 = arith.index_cast %while3A_401 : i32 to index
        %get3A_460 = arith.constant 80 : index
        %get3A_461 = tpu.vector_load %get3A_458[%get3A_459, %get3A_460] {strides = array<i32>} : memref<176x128xf32, #tpu.memory_space<vmem>>, vector<1x16xf32>,
        %get3A_462 = vector.shape_cast %get3A_461 : vector<1x16xf32> to vector<16xf32>
        %max3A_463 = arith.maximumf %while3A_407, %get3A_462 : vector<16xf32>
        %get3A_464 = arith.constant 0 : i32
        %get3A_465 = arith.constant 0 : i32
        %get3A_466 = tpu.memref_slice %arg5[%while3A_247, %get3A_464, %get3A_465] : memref<3x176x128xf32, #tpu.memory_space<vmem>> -> memref<1x176x128xf32, #tpu.memory_space<vmem>>
        %get3A_467 = tpu.memref_squeeze %get3A_466 : memref<1x176x128xf32, #tpu.memory_space<vmem>> -> memref<176x128xf32, #tpu.memory_space<vmem>>
        %get3A_468 = arith.index_cast %while3A_401 : i32 to index
        %get3A_469 = arith.constant 96 : index
        %get3A_470 = tpu.vector_load %get3A_467[%get3A_468, %get3A_469] {strides = array<i32>} : memref<176x128xf32, #tpu.memory_space<vmem>>, vector<1x16xf32>,
        %get3A_471 = vector.shape_cast %get3A_470 : vector<1x16xf32> to vector<16xf32>
        %max3A_472 = arith.maximumf %while3A_408, %get3A_471 : vector<16xf32>
        %get3A_473 = arith.constant 0 : i32
        %get3A_474 = arith.constant 0 : i32
        %get3A_475 = tpu.memref_slice %arg5[%while3A_247, %get3A_473, %get3A_474] : memref<3x176x128xf32, #tpu.memory_space<vmem>> -> memref<1x176x128xf32, #tpu.memory_space<vmem>>
        %get3A_476 = tpu.memref_squeeze %get3A_475 : memref<1x176x128xf32, #tpu.memory_space<vmem>> -> memref<176x128xf32, #tpu.memory_space<vmem>>
        %get3A_477 = arith.index_cast %while3A_401 : i32 to index
        %get3A_478 = arith.constant 112 : index
        %get3A_479 = tpu.vector_load %get3A_476[%get3A_477, %get3A_478] {strides = array<i32>} : memref<176x128xf32, #tpu.memory_space<vmem>>, vector<1x16xf32>,
        %get3A_480 = vector.shape_cast %get3A_479 : vector<1x16xf32> to vector<16xf32>
        %max3A_481 = arith.maximumf %while3A_409, %get3A_480 : vector<16xf32>
        scf.yield %max3A_418, %max3A_427, %max3A_436, %max3A_445, %max3A_454, %max3A_463, %max3A_472, %max3A_481 : vector<16xf32>, vector<16xf32>, vector<16xf32>, vector<16xf32>, vector<16xf32>, vector<16xf32>, vector<16xf32>, vector<16xf32>
      }
      %while3A_259 = arith.constant 2 : i32
      %while3A_260 = arith.subi %min3A_246, %min3A_238 : i32
      %while3A_261 = arith.addi %min3A_238, %while3A_260 : i32
      %while3A_262 = arith.constant 1 : i32
      %while3A_263 = arith.divsi %while3A_260, %while3A_262 : i32
      %while3A_264 = arith.muli %while3A_263, %while3A_262 : i32
      %while3A_265 = arith.addi %min3A_238, %while3A_264 : i32
      %while3A_266 = arith.constant 1 : i32
      %while3A_267:8 = scf.for %while3A_401 = %min3A_238 to %while3A_265 step %while3A_266 iter_args(%while3A_402 = %while3A_193#0, %while3A_403 = %while3A_193#1, %while3A_404 = %while3A_193#2, %while3A_405 = %while3A_193#3, %while3A_406 = %while3A_193#4, %while3A_407 = %while3A_193#5, %while3A_408 = %while3A_193#6, %while3A_409 = %while3A_193#7) -> (vector<16xf32>, vector<16xf32>, vector<16xf32>, vector<16xf32>, vector<16xf32>, vector<16xf32>, vector<16xf32>, vector<16xf32>)  : i32 {
        %get3A_410 = arith.constant 0 : i32
        %get3A_411 = arith.constant 0 : i32
        %get3A_412 = tpu.memref_slice %arg5[%while3A_259, %get3A_410, %get3A_411] : memref<3x176x128xf32, #tpu.memory_space<vmem>> -> memref<1x176x128xf32, #tpu.memory_space<vmem>>
        %get3A_413 = tpu.memref_squeeze %get3A_412 : memref<1x176x128xf32, #tpu.memory_space<vmem>> -> memref<176x128xf32, #tpu.memory_space<vmem>>
        %get3A_414 = arith.index_cast %while3A_401 : i32 to index
        %get3A_415 = arith.constant 0 : index
        %get3A_416 = tpu.vector_load %get3A_413[%get3A_414, %get3A_415] {strides = array<i32>} : memref<176x128xf32, #tpu.memory_space<vmem>>, vector<1x16xf32>,
        %get3A_417 = vector.shape_cast %get3A_416 : vector<1x16xf32> to vector<16xf32>
        %max3A_418 = arith.maximumf %while3A_402, %get3A_417 : vector<16xf32>
        %get3A_419 = arith.constant 0 : i32
        %get3A_420 = arith.constant 0 : i32
        %get3A_421 = tpu.memref_slice %arg5[%while3A_259, %get3A_419, %get3A_420] : memref<3x176x128xf32, #tpu.memory_space<vmem>> -> memref<1x176x128xf32, #tpu.memory_space<vmem>>
        %get3A_422 = tpu.memref_squeeze %get3A_421 : memref<1x176x128xf32, #tpu.memory_space<vmem>> -> memref<176x128xf32, #tpu.memory_space<vmem>>
        %get3A_423 = arith.index_cast %while3A_401 : i32 to index
        %get3A_424 = arith.constant 16 : index
        %get3A_425 = tpu.vector_load %get3A_422[%get3A_423, %get3A_424] {strides = array<i32>} : memref<176x128xf32, #tpu.memory_space<vmem>>, vector<1x16xf32>,
        %get3A_426 = vector.shape_cast %get3A_425 : vector<1x16xf32> to vector<16xf32>
        %max3A_427 = arith.maximumf %while3A_403, %get3A_426 : vector<16xf32>
        %get3A_428 = arith.constant 0 : i32
        %get3A_429 = arith.constant 0 : i32
        %get3A_430 = tpu.memref_slice %arg5[%while3A_259, %get3A_428, %get3A_429] : memref<3x176x128xf32, #tpu.memory_space<vmem>> -> memref<1x176x128xf32, #tpu.memory_space<vmem>>
        %get3A_431 = tpu.memref_squeeze %get3A_430 : memref<1x176x128xf32, #tpu.memory_space<vmem>> -> memref<176x128xf32, #tpu.memory_space<vmem>>
        %get3A_432 = arith.index_cast %while3A_401 : i32 to index
        %get3A_433 = arith.constant 32 : index
        %get3A_434 = tpu.vector_load %get3A_431[%get3A_432, %get3A_433] {strides = array<i32>} : memref<176x128xf32, #tpu.memory_space<vmem>>, vector<1x16xf32>,
        %get3A_435 = vector.shape_cast %get3A_434 : vector<1x16xf32> to vector<16xf32>
        %max3A_436 = arith.maximumf %while3A_404, %get3A_435 : vector<16xf32>
        %get3A_437 = arith.constant 0 : i32
        %get3A_438 = arith.constant 0 : i32
        %get3A_439 = tpu.memref_slice %arg5[%while3A_259, %get3A_437, %get3A_438] : memref<3x176x128xf32, #tpu.memory_space<vmem>> -> memref<1x176x128xf32, #tpu.memory_space<vmem>>
        %get3A_440 = tpu.memref_squeeze %get3A_439 : memref<1x176x128xf32, #tpu.memory_space<vmem>> -> memref<176x128xf32, #tpu.memory_space<vmem>>
        %get3A_441 = arith.index_cast %while3A_401 : i32 to index
        %get3A_442 = arith.constant 48 : index
        %get3A_443 = tpu.vector_load %get3A_440[%get3A_441, %get3A_442] {strides = array<i32>} : memref<176x128xf32, #tpu.memory_space<vmem>>, vector<1x16xf32>,
        %get3A_444 = vector.shape_cast %get3A_443 : vector<1x16xf32> to vector<16xf32>
        %max3A_445 = arith.maximumf %while3A_405, %get3A_444 : vector<16xf32>
        %get3A_446 = arith.constant 0 : i32
        %get3A_447 = arith.constant 0 : i32
        %get3A_448 = tpu.memref_slice %arg5[%while3A_259, %get3A_446, %get3A_447] : memref<3x176x128xf32, #tpu.memory_space<vmem>> -> memref<1x176x128xf32, #tpu.memory_space<vmem>>
        %get3A_449 = tpu.memref_squeeze %get3A_448 : memref<1x176x128xf32, #tpu.memory_space<vmem>> -> memref<176x128xf32, #tpu.memory_space<vmem>>
        %get3A_450 = arith.index_cast %while3A_401 : i32 to index
        %get3A_451 = arith.constant 64 : index
        %get3A_452 = tpu.vector_load %get3A_449[%get3A_450, %get3A_451] {strides = array<i32>} : memref<176x128xf32, #tpu.memory_space<vmem>>, vector<1x16xf32>,
        %get3A_453 = vector.shape_cast %get3A_452 : vector<1x16xf32> to vector<16xf32>
        %max3A_454 = arith.maximumf %while3A_406, %get3A_453 : vector<16xf32>
        %get3A_455 = arith.constant 0 : i32
        %get3A_456 = arith.constant 0 : i32
        %get3A_457 = tpu.memref_slice %arg5[%while3A_259, %get3A_455, %get3A_456] : memref<3x176x128xf32, #tpu.memory_space<vmem>> -> memref<1x176x128xf32, #tpu.memory_space<vmem>>
        %get3A_458 = tpu.memref_squeeze %get3A_457 : memref<1x176x128xf32, #tpu.memory_space<vmem>> -> memref<176x128xf32, #tpu.memory_space<vmem>>
        %get3A_459 = arith.index_cast %while3A_401 : i32 to index
        %get3A_460 = arith.constant 80 : index
        %get3A_461 = tpu.vector_load %get3A_458[%get3A_459, %get3A_460] {strides = array<i32>} : memref<176x128xf32, #tpu.memory_space<vmem>>, vector<1x16xf32>,
        %get3A_462 = vector.shape_cast %get3A_461 : vector<1x16xf32> to vector<16xf32>
        %max3A_463 = arith.maximumf %while3A_407, %get3A_462 : vector<16xf32>
        %get3A_464 = arith.constant 0 : i32
        %get3A_465 = arith.constant 0 : i32
        %get3A_466 = tpu.memref_slice %arg5[%while3A_259, %get3A_464, %get3A_465] : memref<3x176x128xf32, #tpu.memory_space<vmem>> -> memref<1x176x128xf32, #tpu.memory_space<vmem>>
        %get3A_467 = tpu.memref_squeeze %get3A_466 : memref<1x176x128xf32, #tpu.memory_space<vmem>> -> memref<176x128xf32, #tpu.memory_space<vmem>>
        %get3A_468 = arith.index_cast %while3A_401 : i32 to index
        %get3A_469 = arith.constant 96 : index
        %get3A_470 = tpu.vector_load %get3A_467[%get3A_468, %get3A_469] {strides = array<i32>} : memref<176x128xf32, #tpu.memory_space<vmem>>, vector<1x16xf32>,
        %get3A_471 = vector.shape_cast %get3A_470 : vector<1x16xf32> to vector<16xf32>
        %max3A_472 = arith.maximumf %while3A_408, %get3A_471 : vector<16xf32>
        %get3A_473 = arith.constant 0 : i32
        %get3A_474 = arith.constant 0 : i32
        %get3A_475 = tpu.memref_slice %arg5[%while3A_259, %get3A_473, %get3A_474] : memref<3x176x128xf32, #tpu.memory_space<vmem>> -> memref<1x176x128xf32, #tpu.memory_space<vmem>>
        %get3A_476 = tpu.memref_squeeze %get3A_475 : memref<1x176x128xf32, #tpu.memory_space<vmem>> -> memref<176x128xf32, #tpu.memory_space<vmem>>
        %get3A_477 = arith.index_cast %while3A_401 : i32 to index
        %get3A_478 = arith.constant 112 : index
        %get3A_479 = tpu.vector_load %get3A_476[%get3A_477, %get3A_478] {strides = array<i32>} : memref<176x128xf32, #tpu.memory_space<vmem>>, vector<1x16xf32>,
        %get3A_480 = vector.shape_cast %get3A_479 : vector<1x16xf32> to vector<16xf32>
        %max3A_481 = arith.maximumf %while3A_409, %get3A_480 : vector<16xf32>
        scf.yield %max3A_418, %max3A_427, %max3A_436, %max3A_445, %max3A_454, %max3A_463, %max3A_472, %max3A_481 : vector<16xf32>, vector<16xf32>, vector<16xf32>, vector<16xf32>, vector<16xf32>, vector<16xf32>, vector<16xf32>, vector<16xf32>
      }
      %while3A_268 = arith.constant 1 : i32
      %while3A_269:8 = scf.for %while3A_401 = %while3A_265 to %while3A_261 step %while3A_268 iter_args(%while3A_402 = %while3A_267#0, %while3A_403 = %while3A_267#1, %while3A_404 = %while3A_267#2, %while3A_405 = %while3A_267#3, %while3A_406 = %while3A_267#4, %while3A_407 = %while3A_267#5, %while3A_408 = %while3A_267#6, %while3A_409 = %while3A_267#7) -> (vector<16xf32>, vector<16xf32>, vector<16xf32>, vector<16xf32>, vector<16xf32>, vector<16xf32>, vector<16xf32>, vector<16xf32>)  : i32 {
        %get3A_410 = arith.constant 0 : i32
        %get3A_411 = arith.constant 0 : i32
        %get3A_412 = tpu.memref_slice %arg5[%while3A_259, %get3A_410, %get3A_411] : memref<3x176x128xf32, #tpu.memory_space<vmem>> -> memref<1x176x128xf32, #tpu.memory_space<vmem>>
        %get3A_413 = tpu.memref_squeeze %get3A_412 : memref<1x176x128xf32, #tpu.memory_space<vmem>> -> memref<176x128xf32, #tpu.memory_space<vmem>>
        %get3A_414 = arith.index_cast %while3A_401 : i32 to index
        %get3A_415 = arith.constant 0 : index
        %get3A_416 = tpu.vector_load %get3A_413[%get3A_414, %get3A_415] {strides = array<i32>} : memref<176x128xf32, #tpu.memory_space<vmem>>, vector<1x16xf32>,
        %get3A_417 = vector.shape_cast %get3A_416 : vector<1x16xf32> to vector<16xf32>
        %max3A_418 = arith.maximumf %while3A_402, %get3A_417 : vector<16xf32>
        %get3A_419 = arith.constant 0 : i32
        %get3A_420 = arith.constant 0 : i32
        %get3A_421 = tpu.memref_slice %arg5[%while3A_259, %get3A_419, %get3A_420] : memref<3x176x128xf32, #tpu.memory_space<vmem>> -> memref<1x176x128xf32, #tpu.memory_space<vmem>>
        %get3A_422 = tpu.memref_squeeze %get3A_421 : memref<1x176x128xf32, #tpu.memory_space<vmem>> -> memref<176x128xf32, #tpu.memory_space<vmem>>
        %get3A_423 = arith.index_cast %while3A_401 : i32 to index
        %get3A_424 = arith.constant 16 : index
        %get3A_425 = tpu.vector_load %get3A_422[%get3A_423, %get3A_424] {strides = array<i32>} : memref<176x128xf32, #tpu.memory_space<vmem>>, vector<1x16xf32>,
        %get3A_426 = vector.shape_cast %get3A_425 : vector<1x16xf32> to vector<16xf32>
        %max3A_427 = arith.maximumf %while3A_403, %get3A_426 : vector<16xf32>
        %get3A_428 = arith.constant 0 : i32
        %get3A_429 = arith.constant 0 : i32
        %get3A_430 = tpu.memref_slice %arg5[%while3A_259, %get3A_428, %get3A_429] : memref<3x176x128xf32, #tpu.memory_space<vmem>> -> memref<1x176x128xf32, #tpu.memory_space<vmem>>
        %get3A_431 = tpu.memref_squeeze %get3A_430 : memref<1x176x128xf32, #tpu.memory_space<vmem>> -> memref<176x128xf32, #tpu.memory_space<vmem>>
        %get3A_432 = arith.index_cast %while3A_401 : i32 to index
        %get3A_433 = arith.constant 32 : index
        %get3A_434 = tpu.vector_load %get3A_431[%get3A_432, %get3A_433] {strides = array<i32>} : memref<176x128xf32, #tpu.memory_space<vmem>>, vector<1x16xf32>,
        %get3A_435 = vector.shape_cast %get3A_434 : vector<1x16xf32> to vector<16xf32>
        %max3A_436 = arith.maximumf %while3A_404, %get3A_435 : vector<16xf32>
        %get3A_437 = arith.constant 0 : i32
        %get3A_438 = arith.constant 0 : i32
        %get3A_439 = tpu.memref_slice %arg5[%while3A_259, %get3A_437, %get3A_438] : memref<3x176x128xf32, #tpu.memory_space<vmem>> -> memref<1x176x128xf32, #tpu.memory_space<vmem>>
        %get3A_440 = tpu.memref_squeeze %get3A_439 : memref<1x176x128xf32, #tpu.memory_space<vmem>> -> memref<176x128xf32, #tpu.memory_space<vmem>>
        %get3A_441 = arith.index_cast %while3A_401 : i32 to index
        %get3A_442 = arith.constant 48 : index
        %get3A_443 = tpu.vector_load %get3A_440[%get3A_441, %get3A_442] {strides = array<i32>} : memref<176x128xf32, #tpu.memory_space<vmem>>, vector<1x16xf32>,
        %get3A_444 = vector.shape_cast %get3A_443 : vector<1x16xf32> to vector<16xf32>
        %max3A_445 = arith.maximumf %while3A_405, %get3A_444 : vector<16xf32>
        %get3A_446 = arith.constant 0 : i32
        %get3A_447 = arith.constant 0 : i32
        %get3A_448 = tpu.memref_slice %arg5[%while3A_259, %get3A_446, %get3A_447] : memref<3x176x128xf32, #tpu.memory_space<vmem>> -> memref<1x176x128xf32, #tpu.memory_space<vmem>>
        %get3A_449 = tpu.memref_squeeze %get3A_448 : memref<1x176x128xf32, #tpu.memory_space<vmem>> -> memref<176x128xf32, #tpu.memory_space<vmem>>
        %get3A_450 = arith.index_cast %while3A_401 : i32 to index
        %get3A_451 = arith.constant 64 : index
        %get3A_452 = tpu.vector_load %get3A_449[%get3A_450, %get3A_451] {strides = array<i32>} : memref<176x128xf32, #tpu.memory_space<vmem>>, vector<1x16xf32>,
        %get3A_453 = vector.shape_cast %get3A_452 : vector<1x16xf32> to vector<16xf32>
        %max3A_454 = arith.maximumf %while3A_406, %get3A_453 : vector<16xf32>
        %get3A_455 = arith.constant 0 : i32
        %get3A_456 = arith.constant 0 : i32
        %get3A_457 = tpu.memref_slice %arg5[%while3A_259, %get3A_455, %get3A_456] : memref<3x176x128xf32, #tpu.memory_space<vmem>> -> memref<1x176x128xf32, #tpu.memory_space<vmem>>
        %get3A_458 = tpu.memref_squeeze %get3A_457 : memref<1x176x128xf32, #tpu.memory_space<vmem>> -> memref<176x128xf32, #tpu.memory_space<vmem>>
        %get3A_459 = arith.index_cast %while3A_401 : i32 to index
        %get3A_460 = arith.constant 80 : index
        %get3A_461 = tpu.vector_load %get3A_458[%get3A_459, %get3A_460] {strides = array<i32>} : memref<176x128xf32, #tpu.memory_space<vmem>>, vector<1x16xf32>,
        %get3A_462 = vector.shape_cast %get3A_461 : vector<1x16xf32> to vector<16xf32>
        %max3A_463 = arith.maximumf %while3A_407, %get3A_462 : vector<16xf32>
        %get3A_464 = arith.constant 0 : i32
        %get3A_465 = arith.constant 0 : i32
        %get3A_466 = tpu.memref_slice %arg5[%while3A_259, %get3A_464, %get3A_465] : memref<3x176x128xf32, #tpu.memory_space<vmem>> -> memref<1x176x128xf32, #tpu.memory_space<vmem>>
        %get3A_467 = tpu.memref_squeeze %get3A_466 : memref<1x176x128xf32, #tpu.memory_space<vmem>> -> memref<176x128xf32, #tpu.memory_space<vmem>>
        %get3A_468 = arith.index_cast %while3A_401 : i32 to index
        %get3A_469 = arith.constant 96 : index
        %get3A_470 = tpu.vector_load %get3A_467[%get3A_468, %get3A_469] {strides = array<i32>} : memref<176x128xf32, #tpu.memory_space<vmem>>, vector<1x16xf32>,
        %get3A_471 = vector.shape_cast %get3A_470 : vector<1x16xf32> to vector<16xf32>
        %max3A_472 = arith.maximumf %while3A_408, %get3A_471 : vector<16xf32>
        %get3A_473 = arith.constant 0 : i32
        %get3A_474 = arith.constant 0 : i32
        %get3A_475 = tpu.memref_slice %arg5[%while3A_259, %get3A_473, %get3A_474] : memref<3x176x128xf32, #tpu.memory_space<vmem>> -> memref<1x176x128xf32, #tpu.memory_space<vmem>>
        %get3A_476 = tpu.memref_squeeze %get3A_475 : memref<1x176x128xf32, #tpu.memory_space<vmem>> -> memref<176x128xf32, #tpu.memory_space<vmem>>
        %get3A_477 = arith.index_cast %while3A_401 : i32 to index
        %get3A_478 = arith.constant 112 : index
        %get3A_479 = tpu.vector_load %get3A_476[%get3A_477, %get3A_478] {strides = array<i32>} : memref<176x128xf32, #tpu.memory_space<vmem>>, vector<1x16xf32>,
        %get3A_480 = vector.shape_cast %get3A_479 : vector<1x16xf32> to vector<16xf32>
        %max3A_481 = arith.maximumf %while3A_409, %get3A_480 : vector<16xf32>
        scf.yield %max3A_418, %max3A_427, %max3A_436, %max3A_445, %max3A_454, %max3A_463, %max3A_472, %max3A_481 : vector<16xf32>, vector<16xf32>, vector<16xf32>, vector<16xf32>, vector<16xf32>, vector<16xf32>, vector<16xf32>, vector<16xf32>
      }
      %while3A_270 = arith.constant 2 : i32
      %while3A_271 = arith.constant 160 : i32
      %while3A_272 = arith.subi %while3A_271, %min3A_246 : i32
      %while3A_273 = arith.addi %min3A_246, %while3A_272 : i32
      %while3A_274 = arith.constant 1 : i32
      %while3A_275 = arith.divsi %while3A_272, %while3A_274 : i32
      %while3A_276 = arith.muli %while3A_275, %while3A_274 : i32
      %while3A_277 = arith.addi %min3A_246, %while3A_276 : i32
      %while3A_278 = arith.constant 1 : i32
      %while3A_279:8 = scf.for %while3A_401 = %min3A_246 to %while3A_277 step %while3A_278 iter_args(%while3A_402 = %while3A_205#0, %while3A_403 = %while3A_205#1, %while3A_404 = %while3A_205#2, %while3A_405 = %while3A_205#3, %while3A_406 = %while3A_205#4, %while3A_407 = %while3A_205#5, %while3A_408 = %while3A_205#6, %while3A_409 = %while3A_205#7) -> (vector<16xf32>, vector<16xf32>, vector<16xf32>, vector<16xf32>, vector<16xf32>, vector<16xf32>, vector<16xf32>, vector<16xf32>)  : i32 {
        %get3A_410 = arith.constant 0 : i32
        %get3A_411 = arith.constant 0 : i32
        %get3A_412 = tpu.memref_slice %arg5[%while3A_270, %get3A_410, %get3A_411] : memref<3x176x128xf32, #tpu.memory_space<vmem>> -> memref<1x176x128xf32, #tpu.memory_space<vmem>>
        %get3A_413 = tpu.memref_squeeze %get3A_412 : memref<1x176x128xf32, #tpu.memory_space<vmem>> -> memref<176x128xf32, #tpu.memory_space<vmem>>
        %get3A_414 = arith.index_cast %while3A_401 : i32 to index
        %get3A_415 = arith.constant 0 : index
        %get3A_416 = tpu.vector_load %get3A_413[%get3A_414, %get3A_415] {strides = array<i32>} : memref<176x128xf32, #tpu.memory_space<vmem>>, vector<1x16xf32>,
        %get3A_417 = vector.shape_cast %get3A_416 : vector<1x16xf32> to vector<16xf32>
        %max3A_418 = arith.maximumf %while3A_402, %get3A_417 : vector<16xf32>
        %get3A_419 = arith.constant 0 : i32
        %get3A_420 = arith.constant 0 : i32
        %get3A_421 = tpu.memref_slice %arg5[%while3A_270, %get3A_419, %get3A_420] : memref<3x176x128xf32, #tpu.memory_space<vmem>> -> memref<1x176x128xf32, #tpu.memory_space<vmem>>
        %get3A_422 = tpu.memref_squeeze %get3A_421 : memref<1x176x128xf32, #tpu.memory_space<vmem>> -> memref<176x128xf32, #tpu.memory_space<vmem>>
        %get3A_423 = arith.index_cast %while3A_401 : i32 to index
        %get3A_424 = arith.constant 16 : index
        %get3A_425 = tpu.vector_load %get3A_422[%get3A_423, %get3A_424] {strides = array<i32>} : memref<176x128xf32, #tpu.memory_space<vmem>>, vector<1x16xf32>,
        %get3A_426 = vector.shape_cast %get3A_425 : vector<1x16xf32> to vector<16xf32>
        %max3A_427 = arith.maximumf %while3A_403, %get3A_426 : vector<16xf32>
        %get3A_428 = arith.constant 0 : i32
        %get3A_429 = arith.constant 0 : i32
        %get3A_430 = tpu.memref_slice %arg5[%while3A_270, %get3A_428, %get3A_429] : memref<3x176x128xf32, #tpu.memory_space<vmem>> -> memref<1x176x128xf32, #tpu.memory_space<vmem>>
        %get3A_431 = tpu.memref_squeeze %get3A_430 : memref<1x176x128xf32, #tpu.memory_space<vmem>> -> memref<176x128xf32, #tpu.memory_space<vmem>>
        %get3A_432 = arith.index_cast %while3A_401 : i32 to index
        %get3A_433 = arith.constant 32 : index
        %get3A_434 = tpu.vector_load %get3A_431[%get3A_432, %get3A_433] {strides = array<i32>} : memref<176x128xf32, #tpu.memory_space<vmem>>, vector<1x16xf32>,
        %get3A_435 = vector.shape_cast %get3A_434 : vector<1x16xf32> to vector<16xf32>
        %max3A_436 = arith.maximumf %while3A_404, %get3A_435 : vector<16xf32>
        %get3A_437 = arith.constant 0 : i32
        %get3A_438 = arith.constant 0 : i32
        %get3A_439 = tpu.memref_slice %arg5[%while3A_270, %get3A_437, %get3A_438] : memref<3x176x128xf32, #tpu.memory_space<vmem>> -> memref<1x176x128xf32, #tpu.memory_space<vmem>>
        %get3A_440 = tpu.memref_squeeze %get3A_439 : memref<1x176x128xf32, #tpu.memory_space<vmem>> -> memref<176x128xf32, #tpu.memory_space<vmem>>
        %get3A_441 = arith.index_cast %while3A_401 : i32 to index
        %get3A_442 = arith.constant 48 : index
        %get3A_443 = tpu.vector_load %get3A_440[%get3A_441, %get3A_442] {strides = array<i32>} : memref<176x128xf32, #tpu.memory_space<vmem>>, vector<1x16xf32>,
        %get3A_444 = vector.shape_cast %get3A_443 : vector<1x16xf32> to vector<16xf32>
        %max3A_445 = arith.maximumf %while3A_405, %get3A_444 : vector<16xf32>
        %get3A_446 = arith.constant 0 : i32
        %get3A_447 = arith.constant 0 : i32
        %get3A_448 = tpu.memref_slice %arg5[%while3A_270, %get3A_446, %get3A_447] : memref<3x176x128xf32, #tpu.memory_space<vmem>> -> memref<1x176x128xf32, #tpu.memory_space<vmem>>
        %get3A_449 = tpu.memref_squeeze %get3A_448 : memref<1x176x128xf32, #tpu.memory_space<vmem>> -> memref<176x128xf32, #tpu.memory_space<vmem>>
        %get3A_450 = arith.index_cast %while3A_401 : i32 to index
        %get3A_451 = arith.constant 64 : index
        %get3A_452 = tpu.vector_load %get3A_449[%get3A_450, %get3A_451] {strides = array<i32>} : memref<176x128xf32, #tpu.memory_space<vmem>>, vector<1x16xf32>,
        %get3A_453 = vector.shape_cast %get3A_452 : vector<1x16xf32> to vector<16xf32>
        %max3A_454 = arith.maximumf %while3A_406, %get3A_453 : vector<16xf32>
        %get3A_455 = arith.constant 0 : i32
        %get3A_456 = arith.constant 0 : i32
        %get3A_457 = tpu.memref_slice %arg5[%while3A_270, %get3A_455, %get3A_456] : memref<3x176x128xf32, #tpu.memory_space<vmem>> -> memref<1x176x128xf32, #tpu.memory_space<vmem>>
        %get3A_458 = tpu.memref_squeeze %get3A_457 : memref<1x176x128xf32, #tpu.memory_space<vmem>> -> memref<176x128xf32, #tpu.memory_space<vmem>>
        %get3A_459 = arith.index_cast %while3A_401 : i32 to index
        %get3A_460 = arith.constant 80 : index
        %get3A_461 = tpu.vector_load %get3A_458[%get3A_459, %get3A_460] {strides = array<i32>} : memref<176x128xf32, #tpu.memory_space<vmem>>, vector<1x16xf32>,
        %get3A_462 = vector.shape_cast %get3A_461 : vector<1x16xf32> to vector<16xf32>
        %max3A_463 = arith.maximumf %while3A_407, %get3A_462 : vector<16xf32>
        %get3A_464 = arith.constant 0 : i32
        %get3A_465 = arith.constant 0 : i32
        %get3A_466 = tpu.memref_slice %arg5[%while3A_270, %get3A_464, %get3A_465] : memref<3x176x128xf32, #tpu.memory_space<vmem>> -> memref<1x176x128xf32, #tpu.memory_space<vmem>>
        %get3A_467 = tpu.memref_squeeze %get3A_466 : memref<1x176x128xf32, #tpu.memory_space<vmem>> -> memref<176x128xf32, #tpu.memory_space<vmem>>
        %get3A_468 = arith.index_cast %while3A_401 : i32 to index
        %get3A_469 = arith.constant 96 : index
        %get3A_470 = tpu.vector_load %get3A_467[%get3A_468, %get3A_469] {strides = array<i32>} : memref<176x128xf32, #tpu.memory_space<vmem>>, vector<1x16xf32>,
        %get3A_471 = vector.shape_cast %get3A_470 : vector<1x16xf32> to vector<16xf32>
        %max3A_472 = arith.maximumf %while3A_408, %get3A_471 : vector<16xf32>
        %get3A_473 = arith.constant 0 : i32
        %get3A_474 = arith.constant 0 : i32
        %get3A_475 = tpu.memref_slice %arg5[%while3A_270, %get3A_473, %get3A_474] : memref<3x176x128xf32, #tpu.memory_space<vmem>> -> memref<1x176x128xf32, #tpu.memory_space<vmem>>
        %get3A_476 = tpu.memref_squeeze %get3A_475 : memref<1x176x128xf32, #tpu.memory_space<vmem>> -> memref<176x128xf32, #tpu.memory_space<vmem>>
        %get3A_477 = arith.index_cast %while3A_401 : i32 to index
        %get3A_478 = arith.constant 112 : index
        %get3A_479 = tpu.vector_load %get3A_476[%get3A_477, %get3A_478] {strides = array<i32>} : memref<176x128xf32, #tpu.memory_space<vmem>>, vector<1x16xf32>,
        %get3A_480 = vector.shape_cast %get3A_479 : vector<1x16xf32> to vector<16xf32>
        %max3A_481 = arith.maximumf %while3A_409, %get3A_480 : vector<16xf32>
        scf.yield %max3A_418, %max3A_427, %max3A_436, %max3A_445, %max3A_454, %max3A_463, %max3A_472, %max3A_481 : vector<16xf32>, vector<16xf32>, vector<16xf32>, vector<16xf32>, vector<16xf32>, vector<16xf32>, vector<16xf32>, vector<16xf32>
      }
      %while3A_280 = arith.constant 1 : i32
      %while3A_281:8 = scf.for %while3A_401 = %while3A_277 to %while3A_273 step %while3A_280 iter_args(%while3A_402 = %while3A_279#0, %while3A_403 = %while3A_279#1, %while3A_404 = %while3A_279#2, %while3A_405 = %while3A_279#3, %while3A_406 = %while3A_279#4, %while3A_407 = %while3A_279#5, %while3A_408 = %while3A_279#6, %while3A_409 = %while3A_279#7) -> (vector<16xf32>, vector<16xf32>, vector<16xf32>, vector<16xf32>, vector<16xf32>, vector<16xf32>, vector<16xf32>, vector<16xf32>)  : i32 {
        %get3A_410 = arith.constant 0 : i32
        %get3A_411 = arith.constant 0 : i32
        %get3A_412 = tpu.memref_slice %arg5[%while3A_270, %get3A_410, %get3A_411] : memref<3x176x128xf32, #tpu.memory_space<vmem>> -> memref<1x176x128xf32, #tpu.memory_space<vmem>>
        %get3A_413 = tpu.memref_squeeze %get3A_412 : memref<1x176x128xf32, #tpu.memory_space<vmem>> -> memref<176x128xf32, #tpu.memory_space<vmem>>
        %get3A_414 = arith.index_cast %while3A_401 : i32 to index
        %get3A_415 = arith.constant 0 : index
        %get3A_416 = tpu.vector_load %get3A_413[%get3A_414, %get3A_415] {strides = array<i32>} : memref<176x128xf32, #tpu.memory_space<vmem>>, vector<1x16xf32>,
        %get3A_417 = vector.shape_cast %get3A_416 : vector<1x16xf32> to vector<16xf32>
        %max3A_418 = arith.maximumf %while3A_402, %get3A_417 : vector<16xf32>
        %get3A_419 = arith.constant 0 : i32
        %get3A_420 = arith.constant 0 : i32
        %get3A_421 = tpu.memref_slice %arg5[%while3A_270, %get3A_419, %get3A_420] : memref<3x176x128xf32, #tpu.memory_space<vmem>> -> memref<1x176x128xf32, #tpu.memory_space<vmem>>
        %get3A_422 = tpu.memref_squeeze %get3A_421 : memref<1x176x128xf32, #tpu.memory_space<vmem>> -> memref<176x128xf32, #tpu.memory_space<vmem>>
        %get3A_423 = arith.index_cast %while3A_401 : i32 to index
        %get3A_424 = arith.constant 16 : index
        %get3A_425 = tpu.vector_load %get3A_422[%get3A_423, %get3A_424] {strides = array<i32>} : memref<176x128xf32, #tpu.memory_space<vmem>>, vector<1x16xf32>,
        %get3A_426 = vector.shape_cast %get3A_425 : vector<1x16xf32> to vector<16xf32>
        %max3A_427 = arith.maximumf %while3A_403, %get3A_426 : vector<16xf32>
        %get3A_428 = arith.constant 0 : i32
        %get3A_429 = arith.constant 0 : i32
        %get3A_430 = tpu.memref_slice %arg5[%while3A_270, %get3A_428, %get3A_429] : memref<3x176x128xf32, #tpu.memory_space<vmem>> -> memref<1x176x128xf32, #tpu.memory_space<vmem>>
        %get3A_431 = tpu.memref_squeeze %get3A_430 : memref<1x176x128xf32, #tpu.memory_space<vmem>> -> memref<176x128xf32, #tpu.memory_space<vmem>>
        %get3A_432 = arith.index_cast %while3A_401 : i32 to index
        %get3A_433 = arith.constant 32 : index
        %get3A_434 = tpu.vector_load %get3A_431[%get3A_432, %get3A_433] {strides = array<i32>} : memref<176x128xf32, #tpu.memory_space<vmem>>, vector<1x16xf32>,
        %get3A_435 = vector.shape_cast %get3A_434 : vector<1x16xf32> to vector<16xf32>
        %max3A_436 = arith.maximumf %while3A_404, %get3A_435 : vector<16xf32>
        %get3A_437 = arith.constant 0 : i32
        %get3A_438 = arith.constant 0 : i32
        %get3A_439 = tpu.memref_slice %arg5[%while3A_270, %get3A_437, %get3A_438] : memref<3x176x128xf32, #tpu.memory_space<vmem>> -> memref<1x176x128xf32, #tpu.memory_space<vmem>>
        %get3A_440 = tpu.memref_squeeze %get3A_439 : memref<1x176x128xf32, #tpu.memory_space<vmem>> -> memref<176x128xf32, #tpu.memory_space<vmem>>
        %get3A_441 = arith.index_cast %while3A_401 : i32 to index
        %get3A_442 = arith.constant 48 : index
        %get3A_443 = tpu.vector_load %get3A_440[%get3A_441, %get3A_442] {strides = array<i32>} : memref<176x128xf32, #tpu.memory_space<vmem>>, vector<1x16xf32>,
        %get3A_444 = vector.shape_cast %get3A_443 : vector<1x16xf32> to vector<16xf32>
        %max3A_445 = arith.maximumf %while3A_405, %get3A_444 : vector<16xf32>
        %get3A_446 = arith.constant 0 : i32
        %get3A_447 = arith.constant 0 : i32
        %get3A_448 = tpu.memref_slice %arg5[%while3A_270, %get3A_446, %get3A_447] : memref<3x176x128xf32, #tpu.memory_space<vmem>> -> memref<1x176x128xf32, #tpu.memory_space<vmem>>
        %get3A_449 = tpu.memref_squeeze %get3A_448 : memref<1x176x128xf32, #tpu.memory_space<vmem>> -> memref<176x128xf32, #tpu.memory_space<vmem>>
        %get3A_450 = arith.index_cast %while3A_401 : i32 to index
        %get3A_451 = arith.constant 64 : index
        %get3A_452 = tpu.vector_load %get3A_449[%get3A_450, %get3A_451] {strides = array<i32>} : memref<176x128xf32, #tpu.memory_space<vmem>>, vector<1x16xf32>,
        %get3A_453 = vector.shape_cast %get3A_452 : vector<1x16xf32> to vector<16xf32>
        %max3A_454 = arith.maximumf %while3A_406, %get3A_453 : vector<16xf32>
        %get3A_455 = arith.constant 0 : i32
        %get3A_456 = arith.constant 0 : i32
        %get3A_457 = tpu.memref_slice %arg5[%while3A_270, %get3A_455, %get3A_456] : memref<3x176x128xf32, #tpu.memory_space<vmem>> -> memref<1x176x128xf32, #tpu.memory_space<vmem>>
        %get3A_458 = tpu.memref_squeeze %get3A_457 : memref<1x176x128xf32, #tpu.memory_space<vmem>> -> memref<176x128xf32, #tpu.memory_space<vmem>>
        %get3A_459 = arith.index_cast %while3A_401 : i32 to index
        %get3A_460 = arith.constant 80 : index
        %get3A_461 = tpu.vector_load %get3A_458[%get3A_459, %get3A_460] {strides = array<i32>} : memref<176x128xf32, #tpu.memory_space<vmem>>, vector<1x16xf32>,
        %get3A_462 = vector.shape_cast %get3A_461 : vector<1x16xf32> to vector<16xf32>
        %max3A_463 = arith.maximumf %while3A_407, %get3A_462 : vector<16xf32>
        %get3A_464 = arith.constant 0 : i32
        %get3A_465 = arith.constant 0 : i32
        %get3A_466 = tpu.memref_slice %arg5[%while3A_270, %get3A_464, %get3A_465] : memref<3x176x128xf32, #tpu.memory_space<vmem>> -> memref<1x176x128xf32, #tpu.memory_space<vmem>>
        %get3A_467 = tpu.memref_squeeze %get3A_466 : memref<1x176x128xf32, #tpu.memory_space<vmem>> -> memref<176x128xf32, #tpu.memory_space<vmem>>
        %get3A_468 = arith.index_cast %while3A_401 : i32 to index
        %get3A_469 = arith.constant 96 : index
        %get3A_470 = tpu.vector_load %get3A_467[%get3A_468, %get3A_469] {strides = array<i32>} : memref<176x128xf32, #tpu.memory_space<vmem>>, vector<1x16xf32>,
        %get3A_471 = vector.shape_cast %get3A_470 : vector<1x16xf32> to vector<16xf32>
        %max3A_472 = arith.maximumf %while3A_408, %get3A_471 : vector<16xf32>
        %get3A_473 = arith.constant 0 : i32
        %get3A_474 = arith.constant 0 : i32
        %get3A_475 = tpu.memref_slice %arg5[%while3A_270, %get3A_473, %get3A_474] : memref<3x176x128xf32, #tpu.memory_space<vmem>> -> memref<1x176x128xf32, #tpu.memory_space<vmem>>
        %get3A_476 = tpu.memref_squeeze %get3A_475 : memref<1x176x128xf32, #tpu.memory_space<vmem>> -> memref<176x128xf32, #tpu.memory_space<vmem>>
        %get3A_477 = arith.index_cast %while3A_401 : i32 to index
        %get3A_478 = arith.constant 112 : index
        %get3A_479 = tpu.vector_load %get3A_476[%get3A_477, %get3A_478] {strides = array<i32>} : memref<176x128xf32, #tpu.memory_space<vmem>>, vector<1x16xf32>,
        %get3A_480 = vector.shape_cast %get3A_479 : vector<1x16xf32> to vector<16xf32>
        %max3A_481 = arith.maximumf %while3A_409, %get3A_480 : vector<16xf32>
        scf.yield %max3A_418, %max3A_427, %max3A_436, %max3A_445, %max3A_454, %max3A_463, %max3A_472, %max3A_481 : vector<16xf32>, vector<16xf32>, vector<16xf32>, vector<16xf32>, vector<16xf32>, vector<16xf32>, vector<16xf32>, vector<16xf32>
      }
      %swap3A = arith.index_cast %scan3A_45 : i32 to index
      %swap3A_282 = arith.constant 0 : index
      %swap3A_283 = tpu.vector_load %arg6[%swap3A, %swap3A_282] {strides = array<i32>} : memref<20x384xf32, #tpu.memory_space<vmem>>, vector<1x16xf32>,
      %swap3A_284 = vector.shape_cast %swap3A_283 : vector<1x16xf32> to vector<16xf32>
      %swap3A_285 = vector.shape_cast %while3A_258#0 : vector<16xf32> to vector<1x16xf32>
      tpu.vector_store %arg6[%swap3A, %swap3A_282], %swap3A_285 {strides = array<i32>} : memref<20x384xf32, #tpu.memory_space<vmem>>, vector<1x16xf32>,
      %swap3A_286 = arith.index_cast %scan3A_45 : i32 to index
      %swap3A_287 = arith.constant 16 : index
      %swap3A_288 = tpu.vector_load %arg6[%swap3A_286, %swap3A_287] {strides = array<i32>} : memref<20x384xf32, #tpu.memory_space<vmem>>, vector<1x16xf32>,
      %swap3A_289 = vector.shape_cast %swap3A_288 : vector<1x16xf32> to vector<16xf32>
      %swap3A_290 = vector.shape_cast %while3A_258#1 : vector<16xf32> to vector<1x16xf32>
      tpu.vector_store %arg6[%swap3A_286, %swap3A_287], %swap3A_290 {strides = array<i32>} : memref<20x384xf32, #tpu.memory_space<vmem>>, vector<1x16xf32>,
      %swap3A_291 = arith.index_cast %scan3A_45 : i32 to index
      %swap3A_292 = arith.constant 32 : index
      %swap3A_293 = tpu.vector_load %arg6[%swap3A_291, %swap3A_292] {strides = array<i32>} : memref<20x384xf32, #tpu.memory_space<vmem>>, vector<1x16xf32>,
      %swap3A_294 = vector.shape_cast %swap3A_293 : vector<1x16xf32> to vector<16xf32>
      %swap3A_295 = vector.shape_cast %while3A_258#2 : vector<16xf32> to vector<1x16xf32>
      tpu.vector_store %arg6[%swap3A_291, %swap3A_292], %swap3A_295 {strides = array<i32>} : memref<20x384xf32, #tpu.memory_space<vmem>>, vector<1x16xf32>,
      %swap3A_296 = arith.index_cast %scan3A_45 : i32 to index
      %swap3A_297 = arith.constant 48 : index
      %swap3A_298 = tpu.vector_load %arg6[%swap3A_296, %swap3A_297] {strides = array<i32>} : memref<20x384xf32, #tpu.memory_space<vmem>>, vector<1x16xf32>,
      %swap3A_299 = vector.shape_cast %swap3A_298 : vector<1x16xf32> to vector<16xf32>
      %swap3A_300 = vector.shape_cast %while3A_258#3 : vector<16xf32> to vector<1x16xf32>
      tpu.vector_store %arg6[%swap3A_296, %swap3A_297], %swap3A_300 {strides = array<i32>} : memref<20x384xf32, #tpu.memory_space<vmem>>, vector<1x16xf32>,
      %swap3A_301 = arith.index_cast %scan3A_45 : i32 to index
      %swap3A_302 = arith.constant 64 : index
      %swap3A_303 = tpu.vector_load %arg6[%swap3A_301, %swap3A_302] {strides = array<i32>} : memref<20x384xf32, #tpu.memory_space<vmem>>, vector<1x16xf32>,
      %swap3A_304 = vector.shape_cast %swap3A_303 : vector<1x16xf32> to vector<16xf32>
      %swap3A_305 = vector.shape_cast %while3A_258#4 : vector<16xf32> to vector<1x16xf32>
      tpu.vector_store %arg6[%swap3A_301, %swap3A_302], %swap3A_305 {strides = array<i32>} : memref<20x384xf32, #tpu.memory_space<vmem>>, vector<1x16xf32>,
      %swap3A_306 = arith.index_cast %scan3A_45 : i32 to index
      %swap3A_307 = arith.constant 80 : index
      %swap3A_308 = tpu.vector_load %arg6[%swap3A_306, %swap3A_307] {strides = array<i32>} : memref<20x384xf32, #tpu.memory_space<vmem>>, vector<1x16xf32>,
      %swap3A_309 = vector.shape_cast %swap3A_308 : vector<1x16xf32> to vector<16xf32>
      %swap3A_310 = vector.shape_cast %while3A_258#5 : vector<16xf32> to vector<1x16xf32>
      tpu.vector_store %arg6[%swap3A_306, %swap3A_307], %swap3A_310 {strides = array<i32>} : memref<20x384xf32, #tpu.memory_space<vmem>>, vector<1x16xf32>,
      %swap3A_311 = arith.index_cast %scan3A_45 : i32 to index
      %swap3A_312 = arith.constant 96 : index
      %swap3A_313 = tpu.vector_load %arg6[%swap3A_311, %swap3A_312] {strides = array<i32>} : memref<20x384xf32, #tpu.memory_space<vmem>>, vector<1x16xf32>,
      %swap3A_314 = vector.shape_cast %swap3A_313 : vector<1x16xf32> to vector<16xf32>
      %swap3A_315 = vector.shape_cast %while3A_258#6 : vector<16xf32> to vector<1x16xf32>
      tpu.vector_store %arg6[%swap3A_311, %swap3A_312], %swap3A_315 {strides = array<i32>} : memref<20x384xf32, #tpu.memory_space<vmem>>, vector<1x16xf32>,
      %swap3A_316 = arith.index_cast %scan3A_45 : i32 to index
      %swap3A_317 = arith.constant 112 : index
      %swap3A_318 = tpu.vector_load %arg6[%swap3A_316, %swap3A_317] {strides = array<i32>} : memref<20x384xf32, #tpu.memory_space<vmem>>, vector<1x16xf32>,
      %swap3A_319 = vector.shape_cast %swap3A_318 : vector<1x16xf32> to vector<16xf32>
      %swap3A_320 = vector.shape_cast %while3A_258#7 : vector<16xf32> to vector<1x16xf32>
      tpu.vector_store %arg6[%swap3A_316, %swap3A_317], %swap3A_320 {strides = array<i32>} : memref<20x384xf32, #tpu.memory_space<vmem>>, vector<1x16xf32>,
      %swap3A_321 = arith.index_cast %scan3A_45 : i32 to index
      %swap3A_322 = arith.constant 128 : index
      %swap3A_323 = tpu.vector_load %arg6[%swap3A_321, %swap3A_322] {strides = array<i32>} : memref<20x384xf32, #tpu.memory_space<vmem>>, vector<1x16xf32>,
      %swap3A_324 = vector.shape_cast %swap3A_323 : vector<1x16xf32> to vector<16xf32>
      %swap3A_325 = vector.shape_cast %while3A_269#0 : vector<16xf32> to vector<1x16xf32>
      tpu.vector_store %arg6[%swap3A_321, %swap3A_322], %swap3A_325 {strides = array<i32>} : memref<20x384xf32, #tpu.memory_space<vmem>>, vector<1x16xf32>,
      %swap3A_326 = arith.index_cast %scan3A_45 : i32 to index
      %swap3A_327 = arith.constant 144 : index
      %swap3A_328 = tpu.vector_load %arg6[%swap3A_326, %swap3A_327] {strides = array<i32>} : memref<20x384xf32, #tpu.memory_space<vmem>>, vector<1x16xf32>,
      %swap3A_329 = vector.shape_cast %swap3A_328 : vector<1x16xf32> to vector<16xf32>
      %swap3A_330 = vector.shape_cast %while3A_269#1 : vector<16xf32> to vector<1x16xf32>
      tpu.vector_store %arg6[%swap3A_326, %swap3A_327], %swap3A_330 {strides = array<i32>} : memref<20x384xf32, #tpu.memory_space<vmem>>, vector<1x16xf32>,
      %swap3A_331 = arith.index_cast %scan3A_45 : i32 to index
      %swap3A_332 = arith.constant 160 : index
      %swap3A_333 = tpu.vector_load %arg6[%swap3A_331, %swap3A_332] {strides = array<i32>} : memref<20x384xf32, #tpu.memory_space<vmem>>, vector<1x16xf32>,
      %swap3A_334 = vector.shape_cast %swap3A_333 : vector<1x16xf32> to vector<16xf32>
      %swap3A_335 = vector.shape_cast %while3A_269#2 : vector<16xf32> to vector<1x16xf32>
      tpu.vector_store %arg6[%swap3A_331, %swap3A_332], %swap3A_335 {strides = array<i32>} : memref<20x384xf32, #tpu.memory_space<vmem>>, vector<1x16xf32>,
      %swap3A_336 = arith.index_cast %scan3A_45 : i32 to index
      %swap3A_337 = arith.constant 176 : index
      %swap3A_338 = tpu.vector_load %arg6[%swap3A_336, %swap3A_337] {strides = array<i32>} : memref<20x384xf32, #tpu.memory_space<vmem>>, vector<1x16xf32>,
      %swap3A_339 = vector.shape_cast %swap3A_338 : vector<1x16xf32> to vector<16xf32>
      %swap3A_340 = vector.shape_cast %while3A_269#3 : vector<16xf32> to vector<1x16xf32>
      tpu.vector_store %arg6[%swap3A_336, %swap3A_337], %swap3A_340 {strides = array<i32>} : memref<20x384xf32, #tpu.memory_space<vmem>>, vector<1x16xf32>,
      %swap3A_341 = arith.index_cast %scan3A_45 : i32 to index
      %swap3A_342 = arith.constant 192 : index
      %swap3A_343 = tpu.vector_load %arg6[%swap3A_341, %swap3A_342] {strides = array<i32>} : memref<20x384xf32, #tpu.memory_space<vmem>>, vector<1x16xf32>,
      %swap3A_344 = vector.shape_cast %swap3A_343 : vector<1x16xf32> to vector<16xf32>
      %swap3A_345 = vector.shape_cast %while3A_269#4 : vector<16xf32> to vector<1x16xf32>
      tpu.vector_store %arg6[%swap3A_341, %swap3A_342], %swap3A_345 {strides = array<i32>} : memref<20x384xf32, #tpu.memory_space<vmem>>, vector<1x16xf32>,
      %swap3A_346 = arith.index_cast %scan3A_45 : i32 to index
      %swap3A_347 = arith.constant 208 : index
      %swap3A_348 = tpu.vector_load %arg6[%swap3A_346, %swap3A_347] {strides = array<i32>} : memref<20x384xf32, #tpu.memory_space<vmem>>, vector<1x16xf32>,
      %swap3A_349 = vector.shape_cast %swap3A_348 : vector<1x16xf32> to vector<16xf32>
      %swap3A_350 = vector.shape_cast %while3A_269#5 : vector<16xf32> to vector<1x16xf32>
      tpu.vector_store %arg6[%swap3A_346, %swap3A_347], %swap3A_350 {strides = array<i32>} : memref<20x384xf32, #tpu.memory_space<vmem>>, vector<1x16xf32>,
      %swap3A_351 = arith.index_cast %scan3A_45 : i32 to index
      %swap3A_352 = arith.constant 224 : index
      %swap3A_353 = tpu.vector_load %arg6[%swap3A_351, %swap3A_352] {strides = array<i32>} : memref<20x384xf32, #tpu.memory_space<vmem>>, vector<1x16xf32>,
      %swap3A_354 = vector.shape_cast %swap3A_353 : vector<1x16xf32> to vector<16xf32>
      %swap3A_355 = vector.shape_cast %while3A_269#6 : vector<16xf32> to vector<1x16xf32>
      tpu.vector_store %arg6[%swap3A_351, %swap3A_352], %swap3A_355 {strides = array<i32>} : memref<20x384xf32, #tpu.memory_space<vmem>>, vector<1x16xf32>,
      %swap3A_356 = arith.index_cast %scan3A_45 : i32 to index
      %swap3A_357 = arith.constant 240 : index
      %swap3A_358 = tpu.vector_load %arg6[%swap3A_356, %swap3A_357] {strides = array<i32>} : memref<20x384xf32, #tpu.memory_space<vmem>>, vector<1x16xf32>,
      %swap3A_359 = vector.shape_cast %swap3A_358 : vector<1x16xf32> to vector<16xf32>
      %swap3A_360 = vector.shape_cast %while3A_269#7 : vector<16xf32> to vector<1x16xf32>
      tpu.vector_store %arg6[%swap3A_356, %swap3A_357], %swap3A_360 {strides = array<i32>} : memref<20x384xf32, #tpu.memory_space<vmem>>, vector<1x16xf32>,
      %swap3A_361 = arith.index_cast %scan3A_45 : i32 to index
      %swap3A_362 = arith.constant 256 : index
      %swap3A_363 = tpu.vector_load %arg6[%swap3A_361, %swap3A_362] {strides = array<i32>} : memref<20x384xf32, #tpu.memory_space<vmem>>, vector<1x16xf32>,
      %swap3A_364 = vector.shape_cast %swap3A_363 : vector<1x16xf32> to vector<16xf32>
      %swap3A_365 = vector.shape_cast %while3A_281#0 : vector<16xf32> to vector<1x16xf32>
      tpu.vector_store %arg6[%swap3A_361, %swap3A_362], %swap3A_365 {strides = array<i32>} : memref<20x384xf32, #tpu.memory_space<vmem>>, vector<1x16xf32>,
      %swap3A_366 = arith.index_cast %scan3A_45 : i32 to index
      %swap3A_367 = arith.constant 272 : index
      %swap3A_368 = tpu.vector_load %arg6[%swap3A_366, %swap3A_367] {strides = array<i32>} : memref<20x384xf32, #tpu.memory_space<vmem>>, vector<1x16xf32>,
      %swap3A_369 = vector.shape_cast %swap3A_368 : vector<1x16xf32> to vector<16xf32>
      %swap3A_370 = vector.shape_cast %while3A_281#1 : vector<16xf32> to vector<1x16xf32>
      tpu.vector_store %arg6[%swap3A_366, %swap3A_367], %swap3A_370 {strides = array<i32>} : memref<20x384xf32, #tpu.memory_space<vmem>>, vector<1x16xf32>,
      %swap3A_371 = arith.index_cast %scan3A_45 : i32 to index
      %swap3A_372 = arith.constant 288 : index
      %swap3A_373 = tpu.vector_load %arg6[%swap3A_371, %swap3A_372] {strides = array<i32>} : memref<20x384xf32, #tpu.memory_space<vmem>>, vector<1x16xf32>,
      %swap3A_374 = vector.shape_cast %swap3A_373 : vector<1x16xf32> to vector<16xf32>
      %swap3A_375 = vector.shape_cast %while3A_281#2 : vector<16xf32> to vector<1x16xf32>
      tpu.vector_store %arg6[%swap3A_371, %swap3A_372], %swap3A_375 {strides = array<i32>} : memref<20x384xf32, #tpu.memory_space<vmem>>, vector<1x16xf32>,
      %swap3A_376 = arith.index_cast %scan3A_45 : i32 to index
      %swap3A_377 = arith.constant 304 : index
      %swap3A_378 = tpu.vector_load %arg6[%swap3A_376, %swap3A_377] {strides = array<i32>} : memref<20x384xf32, #tpu.memory_space<vmem>>, vector<1x16xf32>,
      %swap3A_379 = vector.shape_cast %swap3A_378 : vector<1x16xf32> to vector<16xf32>
      %swap3A_380 = vector.shape_cast %while3A_281#3 : vector<16xf32> to vector<1x16xf32>
      tpu.vector_store %arg6[%swap3A_376, %swap3A_377], %swap3A_380 {strides = array<i32>} : memref<20x384xf32, #tpu.memory_space<vmem>>, vector<1x16xf32>,
      %swap3A_381 = arith.index_cast %scan3A_45 : i32 to index
      %swap3A_382 = arith.constant 320 : index
      %swap3A_383 = tpu.vector_load %arg6[%swap3A_381, %swap3A_382] {strides = array<i32>} : memref<20x384xf32, #tpu.memory_space<vmem>>, vector<1x16xf32>,
      %swap3A_384 = vector.shape_cast %swap3A_383 : vector<1x16xf32> to vector<16xf32>
      %swap3A_385 = vector.shape_cast %while3A_281#4 : vector<16xf32> to vector<1x16xf32>
      tpu.vector_store %arg6[%swap3A_381, %swap3A_382], %swap3A_385 {strides = array<i32>} : memref<20x384xf32, #tpu.memory_space<vmem>>, vector<1x16xf32>,
      %swap3A_386 = arith.index_cast %scan3A_45 : i32 to index
      %swap3A_387 = arith.constant 336 : index
      %swap3A_388 = tpu.vector_load %arg6[%swap3A_386, %swap3A_387] {strides = array<i32>} : memref<20x384xf32, #tpu.memory_space<vmem>>, vector<1x16xf32>,
      %swap3A_389 = vector.shape_cast %swap3A_388 : vector<1x16xf32> to vector<16xf32>
      %swap3A_390 = vector.shape_cast %while3A_281#5 : vector<16xf32> to vector<1x16xf32>
      tpu.vector_store %arg6[%swap3A_386, %swap3A_387], %swap3A_390 {strides = array<i32>} : memref<20x384xf32, #tpu.memory_space<vmem>>, vector<1x16xf32>,
      %swap3A_391 = arith.index_cast %scan3A_45 : i32 to index
      %swap3A_392 = arith.constant 352 : index
      %swap3A_393 = tpu.vector_load %arg6[%swap3A_391, %swap3A_392] {strides = array<i32>} : memref<20x384xf32, #tpu.memory_space<vmem>>, vector<1x16xf32>,
      %swap3A_394 = vector.shape_cast %swap3A_393 : vector<1x16xf32> to vector<16xf32>
      %swap3A_395 = vector.shape_cast %while3A_281#6 : vector<16xf32> to vector<1x16xf32>
      tpu.vector_store %arg6[%swap3A_391, %swap3A_392], %swap3A_395 {strides = array<i32>} : memref<20x384xf32, #tpu.memory_space<vmem>>, vector<1x16xf32>,
      %swap3A_396 = arith.index_cast %scan3A_45 : i32 to index
      %swap3A_397 = arith.constant 368 : index
      %swap3A_398 = tpu.vector_load %arg6[%swap3A_396, %swap3A_397] {strides = array<i32>} : memref<20x384xf32, #tpu.memory_space<vmem>>, vector<1x16xf32>,
      %swap3A_399 = vector.shape_cast %swap3A_398 : vector<1x16xf32> to vector<16xf32>
      %swap3A_400 = vector.shape_cast %while3A_281#7 : vector<16xf32> to vector<1x16xf32>
      tpu.vector_store %arg6[%swap3A_396, %swap3A_397], %swap3A_400 {strides = array<i32>} : memref<20x384xf32, #tpu.memory_space<vmem>>, vector<1x16xf32>,
    }
    %scan3A_44 = arith.constant 20 : i32
    "tpu.region"() ({
      %run_scoped3A = tpu.sem_alloc : memref<!tpu.dma_semaphore, #tpu.memory_space<semaphore_mem>>
      %dma_start3A_45 = arith.constant 0 : i32
      %dma_start3A_46 = arith.constant 0 : i32
      %dma_start3A_47 = tpu.memref_slice %arg4[%add3A, %dma_start3A_45, %dma_start3A_46] : memref<32x20x384xf32, #tpu.memory_space<hbm>> -> memref<1x20x384xf32, #tpu.memory_space<hbm>>
      %dma_start3A_48 = tpu.memref_squeeze %dma_start3A_47 : memref<1x20x384xf32, #tpu.memory_space<hbm>> -> memref<20x384xf32, #tpu.memory_space<hbm>>
      %dma_start3A_49 = arith.constant 0 : i32
      %dma_start3A_50 = arith.constant 0 : i32
      %dma_start3A_51 = tpu.memref_slice %arg4[%add3A, %dma_start3A_49, %dma_start3A_50] : memref<32x20x384xf32, #tpu.memory_space<hbm>> -> memref<1x20x384xf32, #tpu.memory_space<hbm>>
      %dma_start3A_52 = tpu.memref_squeeze %dma_start3A_51 : memref<1x20x384xf32, #tpu.memory_space<hbm>> -> memref<20x384xf32, #tpu.memory_space<hbm>>
      tpu.enqueue_dma source(%arg6 : memref<20x384xf32, #tpu.memory_space<vmem>>) target(%dma_start3A_52 : memref<20x384xf32, #tpu.memory_space<hbm>>) target_semaphore(%run_scoped3A : memref<!tpu.dma_semaphore, #tpu.memory_space<semaphore_mem>>)
      %dma_wait3A = arith.constant 0 : i32
      %dma_wait3A_53 = arith.constant 0 : i32
      %dma_wait3A_54 = tpu.memref_slice %arg4[%add3A, %dma_wait3A, %dma_wait3A_53] : memref<32x20x384xf32, #tpu.memory_space<hbm>> -> memref<1x20x384xf32, #tpu.memory_space<hbm>>
      %dma_wait3A_55 = tpu.memref_squeeze %dma_wait3A_54 : memref<1x20x384xf32, #tpu.memory_space<hbm>> -> memref<20x384xf32, #tpu.memory_space<hbm>>
      %dma_wait3A_56 = arith.constant 0 : i32
      %dma_wait3A_57 = arith.constant 0 : i32
      %dma_wait3A_58 = tpu.memref_slice %arg4[%add3A, %dma_wait3A_56, %dma_wait3A_57] : memref<32x20x384xf32, #tpu.memory_space<hbm>> -> memref<1x20x384xf32, #tpu.memory_space<hbm>>
      %dma_wait3A_59 = tpu.memref_squeeze %dma_wait3A_58 : memref<1x20x384xf32, #tpu.memory_space<hbm>> -> memref<20x384xf32, #tpu.memory_space<hbm>>
      tpu.wait_dma2 semaphore(%run_scoped3A : memref<!tpu.dma_semaphore, #tpu.memory_space<semaphore_mem>>) src(%arg6 : memref<20x384xf32, #tpu.memory_space<vmem>>) dst(%dma_wait3A_59 : memref<20x384xf32, #tpu.memory_space<hbm>>)
      tpu.yield
    }) : () -> ()
    return
  }
}

module attributes {stable_mosaic.version = 14 : i64} {
  func.func @_tc_body(%arg0: i32, %arg1: memref<8x1x1xi32, #tpu.memory_space<smem>>, %arg2: memref<8x1x1xi32, #tpu.memory_space<smem>>, %arg3: memref<8x512x128xf32, #tpu.memory_space<vmem>>, %arg4: memref<8x1x384xf32, #tpu.memory_space<vmem>>) attributes {dimension_semantics = [#tpu.dimension_semantics<arbitrary>], iteration_bounds = array<i64: 48>, scalar_prefetch = 0 : i64, scratch_operands = 0 : i64, tpu.core_type = #tpu.core_type<tc>, window_params = [{transform_indices = @transform_0, window_bounds = array<i64: 8, 1, 1>}, {transform_indices = @transform_1, window_bounds = array<i64: 8, 1, 1>}, {transform_indices = @transform_2, window_bounds = array<i64: 8, 512, 128>}, {transform_indices = @transform_3, window_bounds = array<i64: 8, 1, 384>}]} {
    %iota3A = tpu.iota {dimensions = array<i32: 0>} : vector<64x128xi32>
    %iota3A_0 = tpu.iota {dimensions = array<i32: 0>} : vector<8x128xi32>
    %get3A = arith.constant 0 : index
    %get3A_1 = arith.constant 0 : index
    %get3A_2 = arith.constant 0 : index
    %get3A_3 = memref.load %arg1[%get3A, %get3A_1, %get3A_2] : memref<8x1x1xi32, #tpu.memory_space<smem>>
    %get3A_4 = arith.constant 0 : index
    %get3A_5 = arith.constant 0 : index
    %get3A_6 = arith.constant 0 : index
    %get3A_7 = memref.load %arg2[%get3A_4, %get3A_5, %get3A_6] : memref<8x1x1xi32, #tpu.memory_space<smem>>
    %get3A_8 = arith.constant 0 : index
    %get3A_9 = arith.constant 0 : index
    %get3A_10 = arith.constant 0 : index
    %get3A_11 = vector.load %arg3[%get3A_8, %get3A_9, %get3A_10] : memref<8x512x128xf32, #tpu.memory_space<vmem>>, vector<1x512x128xf32>
    %get3A_12 = vector.shape_cast %get3A_11 : vector<1x512x128xf32> to vector<512x128xf32>
    %reshape3A = vector.shape_cast %get3A_12 : vector<512x128xf32> to vector<64x8x128xf32>
    %reduce_max3A = arith.constant dense<0xFF800000> : vector<64x128xf32>
    %reduce_max3A_13 = vector.multi_reduction <maximumf>, %reshape3A, %reduce_max3A [1] : vector<64x8x128xf32> to vector<64x128xf32>
    %jit3A = arith.constant 8 : i32
    %div3A = arith.divsi %get3A_3, %jit3A : i32
    %sign3A = arith.constant 0 : i32
    %sign3A_14 = arith.cmpi sgt, %get3A_3, %sign3A : i32
    %sign3A_15 = arith.extui %sign3A_14 : i1 to i32
    %sign3A_16 = arith.constant 0 : i32
    %sign3A_17 = arith.cmpi slt, %get3A_3, %sign3A_16 : i32
    %sign3A_18 = arith.extui %sign3A_17 : i1 to i32
    %sign3A_19 = arith.subi %sign3A_15, %sign3A_18 : i32
    %sign3A_20 = arith.constant 0 : i32
    %sign3A_21 = arith.cmpi sgt, %jit3A, %sign3A_20 : i32
    %sign3A_22 = arith.extui %sign3A_21 : i1 to i32
    %sign3A_23 = arith.constant 0 : i32
    %sign3A_24 = arith.cmpi slt, %jit3A, %sign3A_23 : i32
    %sign3A_25 = arith.extui %sign3A_24 : i1 to i32
    %sign3A_26 = arith.subi %sign3A_22, %sign3A_25 : i32
    %ne3A = arith.cmpi ne, %sign3A_19, %sign3A_26 : i32
    %rem3A = arith.remsi %get3A_3, %jit3A : i32
    %ne3A_27 = arith.constant 0 : i32
    %ne3A_28 = arith.cmpi ne, %rem3A, %ne3A_27 : i32
    %and3A = arith.andi %ne3A, %ne3A_28 : i1
    %sub3A = arith.constant 1 : i32
    %sub3A_29 = arith.subi %div3A, %sub3A : i32
    %select_n3A = arith.select %and3A, %sub3A_29, %div3A : i32
    %jit3A_30 = arith.constant 8 : i32
    %div3A_31 = arith.divsi %get3A_7, %jit3A_30 : i32
    %sign3A_32 = arith.constant 0 : i32
    %sign3A_33 = arith.cmpi sgt, %get3A_7, %sign3A_32 : i32
    %sign3A_34 = arith.extui %sign3A_33 : i1 to i32
    %sign3A_35 = arith.constant 0 : i32
    %sign3A_36 = arith.cmpi slt, %get3A_7, %sign3A_35 : i32
    %sign3A_37 = arith.extui %sign3A_36 : i1 to i32
    %sign3A_38 = arith.subi %sign3A_34, %sign3A_37 : i32
    %sign3A_39 = arith.constant 0 : i32
    %sign3A_40 = arith.cmpi sgt, %jit3A_30, %sign3A_39 : i32
    %sign3A_41 = arith.extui %sign3A_40 : i1 to i32
    %sign3A_42 = arith.constant 0 : i32
    %sign3A_43 = arith.cmpi slt, %jit3A_30, %sign3A_42 : i32
    %sign3A_44 = arith.extui %sign3A_43 : i1 to i32
    %sign3A_45 = arith.subi %sign3A_41, %sign3A_44 : i32
    %ne3A_46 = arith.cmpi ne, %sign3A_38, %sign3A_45 : i32
    %rem3A_47 = arith.remsi %get3A_7, %jit3A_30 : i32
    %ne3A_48 = arith.constant 0 : i32
    %ne3A_49 = arith.cmpi ne, %rem3A_47, %ne3A_48 : i32
    %and3A_50 = arith.andi %ne3A_46, %ne3A_49 : i1
    %sub3A_51 = arith.constant 1 : i32
    %sub3A_52 = arith.subi %div3A_31, %sub3A_51 : i32
    %select_n3A_53 = arith.select %and3A_50, %sub3A_52, %div3A_31 : i32
    %add3A = arith.constant 1 : i32
    %add3A_54 = arith.addi %get3A_3, %add3A : i32
    %jit3A_55 = arith.constant 8 : i32
    %div3A_56 = arith.divsi %add3A_54, %jit3A_55 : i32
    %sign3A_57 = arith.constant 0 : i32
    %sign3A_58 = arith.cmpi sgt, %add3A_54, %sign3A_57 : i32
    %sign3A_59 = arith.extui %sign3A_58 : i1 to i32
    %sign3A_60 = arith.constant 0 : i32
    %sign3A_61 = arith.cmpi slt, %add3A_54, %sign3A_60 : i32
    %sign3A_62 = arith.extui %sign3A_61 : i1 to i32
    %sign3A_63 = arith.subi %sign3A_59, %sign3A_62 : i32
    %sign3A_64 = arith.constant 0 : i32
    %sign3A_65 = arith.cmpi sgt, %jit3A_55, %sign3A_64 : i32
    %sign3A_66 = arith.extui %sign3A_65 : i1 to i32
    %sign3A_67 = arith.constant 0 : i32
    %sign3A_68 = arith.cmpi slt, %jit3A_55, %sign3A_67 : i32
    %sign3A_69 = arith.extui %sign3A_68 : i1 to i32
    %sign3A_70 = arith.subi %sign3A_66, %sign3A_69 : i32
    %ne3A_71 = arith.cmpi ne, %sign3A_63, %sign3A_70 : i32
    %rem3A_72 = arith.remsi %add3A_54, %jit3A_55 : i32
    %ne3A_73 = arith.constant 0 : i32
    %ne3A_74 = arith.cmpi ne, %rem3A_72, %ne3A_73 : i32
    %and3A_75 = arith.andi %ne3A_71, %ne3A_74 : i1
    %sub3A_76 = arith.constant 1 : i32
    %sub3A_77 = arith.subi %div3A_56, %sub3A_76 : i32
    %select_n3A_78 = arith.select %and3A_75, %sub3A_77, %div3A_56 : i32
    %add3A_79 = arith.constant 1 : i32
    %add3A_80 = arith.addi %get3A_7, %add3A_79 : i32
    %jit3A_81 = arith.constant 8 : i32
    %div3A_82 = arith.divsi %add3A_80, %jit3A_81 : i32
    %sign3A_83 = arith.constant 0 : i32
    %sign3A_84 = arith.cmpi sgt, %add3A_80, %sign3A_83 : i32
    %sign3A_85 = arith.extui %sign3A_84 : i1 to i32
    %sign3A_86 = arith.constant 0 : i32
    %sign3A_87 = arith.cmpi slt, %add3A_80, %sign3A_86 : i32
    %sign3A_88 = arith.extui %sign3A_87 : i1 to i32
    %sign3A_89 = arith.subi %sign3A_85, %sign3A_88 : i32
    %sign3A_90 = arith.constant 0 : i32
    %sign3A_91 = arith.cmpi sgt, %jit3A_81, %sign3A_90 : i32
    %sign3A_92 = arith.extui %sign3A_91 : i1 to i32
    %sign3A_93 = arith.constant 0 : i32
    %sign3A_94 = arith.cmpi slt, %jit3A_81, %sign3A_93 : i32
    %sign3A_95 = arith.extui %sign3A_94 : i1 to i32
    %sign3A_96 = arith.subi %sign3A_92, %sign3A_95 : i32
    %ne3A_97 = arith.cmpi ne, %sign3A_89, %sign3A_96 : i32
    %rem3A_98 = arith.remsi %add3A_80, %jit3A_81 : i32
    %ne3A_99 = arith.constant 0 : i32
    %ne3A_100 = arith.cmpi ne, %rem3A_98, %ne3A_99 : i32
    %and3A_101 = arith.andi %ne3A_97, %ne3A_100 : i1
    %sub3A_102 = arith.constant 1 : i32
    %sub3A_103 = arith.subi %div3A_82, %sub3A_102 : i32
    %select_n3A_104 = arith.select %and3A_101, %sub3A_103, %div3A_82 : i32
    %lt3A = vector.broadcast %select_n3A_78 : i32 to vector<64x128xi32>
    %lt3A_105 = arith.cmpi slt, %iota3A, %lt3A : vector<64x128xi32>
    %jit3A_106 = arith.constant -1.000000e+30 : f32
    %broadcast_in_dim3A = vector.broadcast %jit3A_106 : f32 to vector<64x128xf32>
    %select_n3A_107 = arith.select %lt3A_105, %reduce_max3A_13, %broadcast_in_dim3A : vector<64x128xi1>, vector<64x128xf32>
    %reduce_max3A_108 = arith.constant dense<0xFF800000> : vector<128xf32>
    %reduce_max3A_109 = vector.multi_reduction <maximumf>, %select_n3A_107, %reduce_max3A_108 [0] : vector<64x128xf32> to vector<128xf32>
    %gt3A = vector.broadcast %select_n3A : i32 to vector<64x128xi32>
    %gt3A_110 = arith.cmpi sgt, %iota3A, %gt3A : vector<64x128xi32>
    %lt3A_111 = vector.broadcast %select_n3A_104 : i32 to vector<64x128xi32>
    %lt3A_112 = arith.cmpi slt, %iota3A, %lt3A_111 : vector<64x128xi32>
    %and3A_113 = arith.andi %gt3A_110, %lt3A_112 : vector<64x128xi1>
    %jit3A_114 = arith.constant -1.000000e+30 : f32
    %broadcast_in_dim3A_115 = vector.broadcast %jit3A_114 : f32 to vector<64x128xf32>
    %select_n3A_116 = arith.select %and3A_113, %reduce_max3A_13, %broadcast_in_dim3A_115 : vector<64x128xi1>, vector<64x128xf32>
    %reduce_max3A_117 = arith.constant dense<0xFF800000> : vector<128xf32>
    %reduce_max3A_118 = vector.multi_reduction <maximumf>, %select_n3A_116, %reduce_max3A_117 [0] : vector<64x128xf32> to vector<128xf32>
    %gt3A_119 = vector.broadcast %select_n3A_53 : i32 to vector<64x128xi32>
    %gt3A_120 = arith.cmpi sgt, %iota3A, %gt3A_119 : vector<64x128xi32>
    %jit3A_121 = arith.constant -1.000000e+30 : f32
    %broadcast_in_dim3A_122 = vector.broadcast %jit3A_121 : f32 to vector<64x128xf32>
    %select_n3A_123 = arith.select %gt3A_120, %reduce_max3A_13, %broadcast_in_dim3A_122 : vector<64x128xi1>, vector<64x128xf32>
    %reduce_max3A_124 = arith.constant dense<0xFF800000> : vector<128xf32>
    %reduce_max3A_125 = vector.multi_reduction <maximumf>, %select_n3A_123, %reduce_max3A_124 [0] : vector<64x128xf32> to vector<128xf32>
    %mul3A = arith.constant 8 : i32
    %mul3A_126 = arith.muli %select_n3A, %mul3A : i32
    %get3A_127 = arith.constant 0 : index
    %get3A_128 = arith.index_cast %mul3A_126 : i32 to index
    %get3A_129 = arith.constant 0 : index
    %get3A_130 = vector.load %arg3[%get3A_127, %get3A_128, %get3A_129] : memref<8x512x128xf32, #tpu.memory_space<vmem>>, vector<1x8x128xf32>
    %get3A_131 = vector.shape_cast %get3A_130 : vector<1x8x128xf32> to vector<8x128xf32>
    %mul3A_132 = arith.constant 8 : i32
    %mul3A_133 = arith.muli %select_n3A, %mul3A_132 : i32
    %add3A_134 = vector.broadcast %mul3A_133 : i32 to vector<8x128xi32>
    %add3A_135 = arith.addi %iota3A_0, %add3A_134 : vector<8x128xi32>
    %le3A = vector.broadcast %get3A_3 : i32 to vector<8x128xi32>
    %le3A_136 = arith.cmpi sle, %add3A_135, %le3A : vector<8x128xi32>
    %jit3A_137 = arith.constant -1.000000e+30 : f32
    %broadcast_in_dim3A_138 = vector.broadcast %jit3A_137 : f32 to vector<8x128xf32>
    %select_n3A_139 = arith.select %le3A_136, %get3A_131, %broadcast_in_dim3A_138 : vector<8x128xi1>, vector<8x128xf32>
    %reduce_max3A_140 = arith.constant dense<0xFF800000> : vector<128xf32>
    %reduce_max3A_141 = vector.multi_reduction <maximumf>, %select_n3A_139, %reduce_max3A_140 [0] : vector<8x128xf32> to vector<128xf32>
    %max3A = arith.maximumf %reduce_max3A_109, %reduce_max3A_141 : vector<128xf32>
    %gt3A_142 = vector.broadcast %get3A_3 : i32 to vector<8x128xi32>
    %gt3A_143 = arith.cmpi sgt, %add3A_135, %gt3A_142 : vector<8x128xi32>
    %le3A_144 = vector.broadcast %get3A_7 : i32 to vector<8x128xi32>
    %le3A_145 = arith.cmpi sle, %add3A_135, %le3A_144 : vector<8x128xi32>
    %and3A_146 = arith.andi %gt3A_143, %le3A_145 : vector<8x128xi1>
    %jit3A_147 = arith.constant -1.000000e+30 : f32
    %broadcast_in_dim3A_148 = vector.broadcast %jit3A_147 : f32 to vector<8x128xf32>
    %select_n3A_149 = arith.select %and3A_146, %get3A_131, %broadcast_in_dim3A_148 : vector<8x128xi1>, vector<8x128xf32>
    %reduce_max3A_150 = arith.constant dense<0xFF800000> : vector<128xf32>
    %reduce_max3A_151 = vector.multi_reduction <maximumf>, %select_n3A_149, %reduce_max3A_150 [0] : vector<8x128xf32> to vector<128xf32>
    %max3A_152 = arith.maximumf %reduce_max3A_118, %reduce_max3A_151 : vector<128xf32>
    %mul3A_153 = arith.constant 8 : i32
    %mul3A_154 = arith.muli %select_n3A_53, %mul3A_153 : i32
    %get3A_155 = arith.constant 0 : index
    %get3A_156 = arith.index_cast %mul3A_154 : i32 to index
    %get3A_157 = arith.constant 0 : index
    %get3A_158 = vector.load %arg3[%get3A_155, %get3A_156, %get3A_157] : memref<8x512x128xf32, #tpu.memory_space<vmem>>, vector<1x8x128xf32>
    %get3A_159 = vector.shape_cast %get3A_158 : vector<1x8x128xf32> to vector<8x128xf32>
    %mul3A_160 = arith.constant 8 : i32
    %mul3A_161 = arith.muli %select_n3A_53, %mul3A_160 : i32
    %add3A_162 = vector.broadcast %mul3A_161 : i32 to vector<8x128xi32>
    %add3A_163 = arith.addi %iota3A_0, %add3A_162 : vector<8x128xi32>
    %gt3A_164 = vector.broadcast %get3A_3 : i32 to vector<8x128xi32>
    %gt3A_165 = arith.cmpi sgt, %add3A_163, %gt3A_164 : vector<8x128xi32>
    %le3A_166 = vector.broadcast %get3A_7 : i32 to vector<8x128xi32>
    %le3A_167 = arith.cmpi sle, %add3A_163, %le3A_166 : vector<8x128xi32>
    %and3A_168 = arith.andi %gt3A_165, %le3A_167 : vector<8x128xi1>
    %jit3A_169 = arith.constant -1.000000e+30 : f32
    %broadcast_in_dim3A_170 = vector.broadcast %jit3A_169 : f32 to vector<8x128xf32>
    %select_n3A_171 = arith.select %and3A_168, %get3A_159, %broadcast_in_dim3A_170 : vector<8x128xi1>, vector<8x128xf32>
    %reduce_max3A_172 = arith.constant dense<0xFF800000> : vector<128xf32>
    %reduce_max3A_173 = vector.multi_reduction <maximumf>, %select_n3A_171, %reduce_max3A_172 [0] : vector<8x128xf32> to vector<128xf32>
    %max3A_174 = arith.maximumf %max3A_152, %reduce_max3A_173 : vector<128xf32>
    %gt3A_175 = vector.broadcast %get3A_7 : i32 to vector<8x128xi32>
    %gt3A_176 = arith.cmpi sgt, %add3A_163, %gt3A_175 : vector<8x128xi32>
    %jit3A_177 = arith.constant -1.000000e+30 : f32
    %broadcast_in_dim3A_178 = vector.broadcast %jit3A_177 : f32 to vector<8x128xf32>
    %select_n3A_179 = arith.select %gt3A_176, %get3A_159, %broadcast_in_dim3A_178 : vector<8x128xi1>, vector<8x128xf32>
    %reduce_max3A_180 = arith.constant dense<0xFF800000> : vector<128xf32>
    %reduce_max3A_181 = vector.multi_reduction <maximumf>, %select_n3A_179, %reduce_max3A_180 [0] : vector<8x128xf32> to vector<128xf32>
    %max3A_182 = arith.maximumf %reduce_max3A_125, %reduce_max3A_181 : vector<128xf32>
    %swap3A = arith.constant 0 : index
    %swap3A_183 = arith.constant 0 : index
    %swap3A_184 = arith.constant 0 : index
    %swap3A_185 = vector.load %arg4[%swap3A, %swap3A_183, %swap3A_184] : memref<8x1x384xf32, #tpu.memory_space<vmem>>, vector<1x1x128xf32>
    %swap3A_186 = vector.shape_cast %swap3A_185 : vector<1x1x128xf32> to vector<128xf32>
    %swap3A_187 = vector.shape_cast %max3A : vector<128xf32> to vector<1x1x128xf32>
    tpu.vector_store %arg4[%swap3A, %swap3A_183, %swap3A_184], %swap3A_187 {strides = array<i32>} : memref<8x1x384xf32, #tpu.memory_space<vmem>>, vector<1x1x128xf32>,
    %swap3A_188 = arith.constant 0 : index
    %swap3A_189 = arith.constant 0 : index
    %swap3A_190 = arith.constant 128 : index
    %swap3A_191 = vector.load %arg4[%swap3A_188, %swap3A_189, %swap3A_190] : memref<8x1x384xf32, #tpu.memory_space<vmem>>, vector<1x1x128xf32>
    %swap3A_192 = vector.shape_cast %swap3A_191 : vector<1x1x128xf32> to vector<128xf32>
    %swap3A_193 = vector.shape_cast %max3A_174 : vector<128xf32> to vector<1x1x128xf32>
    tpu.vector_store %arg4[%swap3A_188, %swap3A_189, %swap3A_190], %swap3A_193 {strides = array<i32>} : memref<8x1x384xf32, #tpu.memory_space<vmem>>, vector<1x1x128xf32>,
    %swap3A_194 = arith.constant 0 : index
    %swap3A_195 = arith.constant 0 : index
    %swap3A_196 = arith.constant 256 : index
    %swap3A_197 = vector.load %arg4[%swap3A_194, %swap3A_195, %swap3A_196] : memref<8x1x384xf32, #tpu.memory_space<vmem>>, vector<1x1x128xf32>
    %swap3A_198 = vector.shape_cast %swap3A_197 : vector<1x1x128xf32> to vector<128xf32>
    %swap3A_199 = vector.shape_cast %max3A_182 : vector<128xf32> to vector<1x1x128xf32>
    tpu.vector_store %arg4[%swap3A_194, %swap3A_195, %swap3A_196], %swap3A_199 {strides = array<i32>} : memref<8x1x384xf32, #tpu.memory_space<vmem>>, vector<1x1x128xf32>,
    %get3A_200 = arith.constant 1 : index
    %get3A_201 = arith.constant 0 : index
    %get3A_202 = arith.constant 0 : index
    %get3A_203 = memref.load %arg1[%get3A_200, %get3A_201, %get3A_202] : memref<8x1x1xi32, #tpu.memory_space<smem>>
    %get3A_204 = arith.constant 1 : index
    %get3A_205 = arith.constant 0 : index
    %get3A_206 = arith.constant 0 : index
    %get3A_207 = memref.load %arg2[%get3A_204, %get3A_205, %get3A_206] : memref<8x1x1xi32, #tpu.memory_space<smem>>
    %get3A_208 = arith.constant 1 : index
    %get3A_209 = arith.constant 0 : index
    %get3A_210 = arith.constant 0 : index
    %get3A_211 = vector.load %arg3[%get3A_208, %get3A_209, %get3A_210] : memref<8x512x128xf32, #tpu.memory_space<vmem>>, vector<1x512x128xf32>
    %get3A_212 = vector.shape_cast %get3A_211 : vector<1x512x128xf32> to vector<512x128xf32>
    %reshape3A_213 = vector.shape_cast %get3A_212 : vector<512x128xf32> to vector<64x8x128xf32>
    %reduce_max3A_214 = arith.constant dense<0xFF800000> : vector<64x128xf32>
    %reduce_max3A_215 = vector.multi_reduction <maximumf>, %reshape3A_213, %reduce_max3A_214 [1] : vector<64x8x128xf32> to vector<64x128xf32>
    %jit3A_216 = arith.constant 8 : i32
    %div3A_217 = arith.divsi %get3A_203, %jit3A_216 : i32
    %sign3A_218 = arith.constant 0 : i32
    %sign3A_219 = arith.cmpi sgt, %get3A_203, %sign3A_218 : i32
    %sign3A_220 = arith.extui %sign3A_219 : i1 to i32
    %sign3A_221 = arith.constant 0 : i32
    %sign3A_222 = arith.cmpi slt, %get3A_203, %sign3A_221 : i32
    %sign3A_223 = arith.extui %sign3A_222 : i1 to i32
    %sign3A_224 = arith.subi %sign3A_220, %sign3A_223 : i32
    %sign3A_225 = arith.constant 0 : i32
    %sign3A_226 = arith.cmpi sgt, %jit3A_216, %sign3A_225 : i32
    %sign3A_227 = arith.extui %sign3A_226 : i1 to i32
    %sign3A_228 = arith.constant 0 : i32
    %sign3A_229 = arith.cmpi slt, %jit3A_216, %sign3A_228 : i32
    %sign3A_230 = arith.extui %sign3A_229 : i1 to i32
    %sign3A_231 = arith.subi %sign3A_227, %sign3A_230 : i32
    %ne3A_232 = arith.cmpi ne, %sign3A_224, %sign3A_231 : i32
    %rem3A_233 = arith.remsi %get3A_203, %jit3A_216 : i32
    %ne3A_234 = arith.constant 0 : i32
    %ne3A_235 = arith.cmpi ne, %rem3A_233, %ne3A_234 : i32
    %and3A_236 = arith.andi %ne3A_232, %ne3A_235 : i1
    %sub3A_237 = arith.constant 1 : i32
    %sub3A_238 = arith.subi %div3A_217, %sub3A_237 : i32
    %select_n3A_239 = arith.select %and3A_236, %sub3A_238, %div3A_217 : i32
    %jit3A_240 = arith.constant 8 : i32
    %div3A_241 = arith.divsi %get3A_207, %jit3A_240 : i32
    %sign3A_242 = arith.constant 0 : i32
    %sign3A_243 = arith.cmpi sgt, %get3A_207, %sign3A_242 : i32
    %sign3A_244 = arith.extui %sign3A_243 : i1 to i32
    %sign3A_245 = arith.constant 0 : i32
    %sign3A_246 = arith.cmpi slt, %get3A_207, %sign3A_245 : i32
    %sign3A_247 = arith.extui %sign3A_246 : i1 to i32
    %sign3A_248 = arith.subi %sign3A_244, %sign3A_247 : i32
    %sign3A_249 = arith.constant 0 : i32
    %sign3A_250 = arith.cmpi sgt, %jit3A_240, %sign3A_249 : i32
    %sign3A_251 = arith.extui %sign3A_250 : i1 to i32
    %sign3A_252 = arith.constant 0 : i32
    %sign3A_253 = arith.cmpi slt, %jit3A_240, %sign3A_252 : i32
    %sign3A_254 = arith.extui %sign3A_253 : i1 to i32
    %sign3A_255 = arith.subi %sign3A_251, %sign3A_254 : i32
    %ne3A_256 = arith.cmpi ne, %sign3A_248, %sign3A_255 : i32
    %rem3A_257 = arith.remsi %get3A_207, %jit3A_240 : i32
    %ne3A_258 = arith.constant 0 : i32
    %ne3A_259 = arith.cmpi ne, %rem3A_257, %ne3A_258 : i32
    %and3A_260 = arith.andi %ne3A_256, %ne3A_259 : i1
    %sub3A_261 = arith.constant 1 : i32
    %sub3A_262 = arith.subi %div3A_241, %sub3A_261 : i32
    %select_n3A_263 = arith.select %and3A_260, %sub3A_262, %div3A_241 : i32
    %add3A_264 = arith.constant 1 : i32
    %add3A_265 = arith.addi %get3A_203, %add3A_264 : i32
    %jit3A_266 = arith.constant 8 : i32
    %div3A_267 = arith.divsi %add3A_265, %jit3A_266 : i32
    %sign3A_268 = arith.constant 0 : i32
    %sign3A_269 = arith.cmpi sgt, %add3A_265, %sign3A_268 : i32
    %sign3A_270 = arith.extui %sign3A_269 : i1 to i32
    %sign3A_271 = arith.constant 0 : i32
    %sign3A_272 = arith.cmpi slt, %add3A_265, %sign3A_271 : i32
    %sign3A_273 = arith.extui %sign3A_272 : i1 to i32
    %sign3A_274 = arith.subi %sign3A_270, %sign3A_273 : i32
    %sign3A_275 = arith.constant 0 : i32
    %sign3A_276 = arith.cmpi sgt, %jit3A_266, %sign3A_275 : i32
    %sign3A_277 = arith.extui %sign3A_276 : i1 to i32
    %sign3A_278 = arith.constant 0 : i32
    %sign3A_279 = arith.cmpi slt, %jit3A_266, %sign3A_278 : i32
    %sign3A_280 = arith.extui %sign3A_279 : i1 to i32
    %sign3A_281 = arith.subi %sign3A_277, %sign3A_280 : i32
    %ne3A_282 = arith.cmpi ne, %sign3A_274, %sign3A_281 : i32
    %rem3A_283 = arith.remsi %add3A_265, %jit3A_266 : i32
    %ne3A_284 = arith.constant 0 : i32
    %ne3A_285 = arith.cmpi ne, %rem3A_283, %ne3A_284 : i32
    %and3A_286 = arith.andi %ne3A_282, %ne3A_285 : i1
    %sub3A_287 = arith.constant 1 : i32
    %sub3A_288 = arith.subi %div3A_267, %sub3A_287 : i32
    %select_n3A_289 = arith.select %and3A_286, %sub3A_288, %div3A_267 : i32
    %add3A_290 = arith.constant 1 : i32
    %add3A_291 = arith.addi %get3A_207, %add3A_290 : i32
    %jit3A_292 = arith.constant 8 : i32
    %div3A_293 = arith.divsi %add3A_291, %jit3A_292 : i32
    %sign3A_294 = arith.constant 0 : i32
    %sign3A_295 = arith.cmpi sgt, %add3A_291, %sign3A_294 : i32
    %sign3A_296 = arith.extui %sign3A_295 : i1 to i32
    %sign3A_297 = arith.constant 0 : i32
    %sign3A_298 = arith.cmpi slt, %add3A_291, %sign3A_297 : i32
    %sign3A_299 = arith.extui %sign3A_298 : i1 to i32
    %sign3A_300 = arith.subi %sign3A_296, %sign3A_299 : i32
    %sign3A_301 = arith.constant 0 : i32
    %sign3A_302 = arith.cmpi sgt, %jit3A_292, %sign3A_301 : i32
    %sign3A_303 = arith.extui %sign3A_302 : i1 to i32
    %sign3A_304 = arith.constant 0 : i32
    %sign3A_305 = arith.cmpi slt, %jit3A_292, %sign3A_304 : i32
    %sign3A_306 = arith.extui %sign3A_305 : i1 to i32
    %sign3A_307 = arith.subi %sign3A_303, %sign3A_306 : i32
    %ne3A_308 = arith.cmpi ne, %sign3A_300, %sign3A_307 : i32
    %rem3A_309 = arith.remsi %add3A_291, %jit3A_292 : i32
    %ne3A_310 = arith.constant 0 : i32
    %ne3A_311 = arith.cmpi ne, %rem3A_309, %ne3A_310 : i32
    %and3A_312 = arith.andi %ne3A_308, %ne3A_311 : i1
    %sub3A_313 = arith.constant 1 : i32
    %sub3A_314 = arith.subi %div3A_293, %sub3A_313 : i32
    %select_n3A_315 = arith.select %and3A_312, %sub3A_314, %div3A_293 : i32
    %lt3A_316 = vector.broadcast %select_n3A_289 : i32 to vector<64x128xi32>
    %lt3A_317 = arith.cmpi slt, %iota3A, %lt3A_316 : vector<64x128xi32>
    %jit3A_318 = arith.constant -1.000000e+30 : f32
    %broadcast_in_dim3A_319 = vector.broadcast %jit3A_318 : f32 to vector<64x128xf32>
    %select_n3A_320 = arith.select %lt3A_317, %reduce_max3A_215, %broadcast_in_dim3A_319 : vector<64x128xi1>, vector<64x128xf32>
    %reduce_max3A_321 = arith.constant dense<0xFF800000> : vector<128xf32>
    %reduce_max3A_322 = vector.multi_reduction <maximumf>, %select_n3A_320, %reduce_max3A_321 [0] : vector<64x128xf32> to vector<128xf32>
    %gt3A_323 = vector.broadcast %select_n3A_239 : i32 to vector<64x128xi32>
    %gt3A_324 = arith.cmpi sgt, %iota3A, %gt3A_323 : vector<64x128xi32>
    %lt3A_325 = vector.broadcast %select_n3A_315 : i32 to vector<64x128xi32>
    %lt3A_326 = arith.cmpi slt, %iota3A, %lt3A_325 : vector<64x128xi32>
    %and3A_327 = arith.andi %gt3A_324, %lt3A_326 : vector<64x128xi1>
    %jit3A_328 = arith.constant -1.000000e+30 : f32
    %broadcast_in_dim3A_329 = vector.broadcast %jit3A_328 : f32 to vector<64x128xf32>
    %select_n3A_330 = arith.select %and3A_327, %reduce_max3A_215, %broadcast_in_dim3A_329 : vector<64x128xi1>, vector<64x128xf32>
    %reduce_max3A_331 = arith.constant dense<0xFF800000> : vector<128xf32>
    %reduce_max3A_332 = vector.multi_reduction <maximumf>, %select_n3A_330, %reduce_max3A_331 [0] : vector<64x128xf32> to vector<128xf32>
    %gt3A_333 = vector.broadcast %select_n3A_263 : i32 to vector<64x128xi32>
    %gt3A_334 = arith.cmpi sgt, %iota3A, %gt3A_333 : vector<64x128xi32>
    %jit3A_335 = arith.constant -1.000000e+30 : f32
    %broadcast_in_dim3A_336 = vector.broadcast %jit3A_335 : f32 to vector<64x128xf32>
    %select_n3A_337 = arith.select %gt3A_334, %reduce_max3A_215, %broadcast_in_dim3A_336 : vector<64x128xi1>, vector<64x128xf32>
    %reduce_max3A_338 = arith.constant dense<0xFF800000> : vector<128xf32>
    %reduce_max3A_339 = vector.multi_reduction <maximumf>, %select_n3A_337, %reduce_max3A_338 [0] : vector<64x128xf32> to vector<128xf32>
    %mul3A_340 = arith.constant 8 : i32
    %mul3A_341 = arith.muli %select_n3A_239, %mul3A_340 : i32
    %get3A_342 = arith.constant 1 : index
    %get3A_343 = arith.index_cast %mul3A_341 : i32 to index
    %get3A_344 = arith.constant 0 : index
    %get3A_345 = vector.load %arg3[%get3A_342, %get3A_343, %get3A_344] : memref<8x512x128xf32, #tpu.memory_space<vmem>>, vector<1x8x128xf32>
    %get3A_346 = vector.shape_cast %get3A_345 : vector<1x8x128xf32> to vector<8x128xf32>
    %mul3A_347 = arith.constant 8 : i32
    %mul3A_348 = arith.muli %select_n3A_239, %mul3A_347 : i32
    %add3A_349 = vector.broadcast %mul3A_348 : i32 to vector<8x128xi32>
    %add3A_350 = arith.addi %iota3A_0, %add3A_349 : vector<8x128xi32>
    %le3A_351 = vector.broadcast %get3A_203 : i32 to vector<8x128xi32>
    %le3A_352 = arith.cmpi sle, %add3A_350, %le3A_351 : vector<8x128xi32>
    %jit3A_353 = arith.constant -1.000000e+30 : f32
    %broadcast_in_dim3A_354 = vector.broadcast %jit3A_353 : f32 to vector<8x128xf32>
    %select_n3A_355 = arith.select %le3A_352, %get3A_346, %broadcast_in_dim3A_354 : vector<8x128xi1>, vector<8x128xf32>
    %reduce_max3A_356 = arith.constant dense<0xFF800000> : vector<128xf32>
    %reduce_max3A_357 = vector.multi_reduction <maximumf>, %select_n3A_355, %reduce_max3A_356 [0] : vector<8x128xf32> to vector<128xf32>
    %max3A_358 = arith.maximumf %reduce_max3A_322, %reduce_max3A_357 : vector<128xf32>
    %gt3A_359 = vector.broadcast %get3A_203 : i32 to vector<8x128xi32>
    %gt3A_360 = arith.cmpi sgt, %add3A_350, %gt3A_359 : vector<8x128xi32>
    %le3A_361 = vector.broadcast %get3A_207 : i32 to vector<8x128xi32>
    %le3A_362 = arith.cmpi sle, %add3A_350, %le3A_361 : vector<8x128xi32>
    %and3A_363 = arith.andi %gt3A_360, %le3A_362 : vector<8x128xi1>
    %jit3A_364 = arith.constant -1.000000e+30 : f32
    %broadcast_in_dim3A_365 = vector.broadcast %jit3A_364 : f32 to vector<8x128xf32>
    %select_n3A_366 = arith.select %and3A_363, %get3A_346, %broadcast_in_dim3A_365 : vector<8x128xi1>, vector<8x128xf32>
    %reduce_max3A_367 = arith.constant dense<0xFF800000> : vector<128xf32>
    %reduce_max3A_368 = vector.multi_reduction <maximumf>, %select_n3A_366, %reduce_max3A_367 [0] : vector<8x128xf32> to vector<128xf32>
    %max3A_369 = arith.maximumf %reduce_max3A_332, %reduce_max3A_368 : vector<128xf32>
    %mul3A_370 = arith.constant 8 : i32
    %mul3A_371 = arith.muli %select_n3A_263, %mul3A_370 : i32
    %get3A_372 = arith.constant 1 : index
    %get3A_373 = arith.index_cast %mul3A_371 : i32 to index
    %get3A_374 = arith.constant 0 : index
    %get3A_375 = vector.load %arg3[%get3A_372, %get3A_373, %get3A_374] : memref<8x512x128xf32, #tpu.memory_space<vmem>>, vector<1x8x128xf32>
    %get3A_376 = vector.shape_cast %get3A_375 : vector<1x8x128xf32> to vector<8x128xf32>
    %mul3A_377 = arith.constant 8 : i32
    %mul3A_378 = arith.muli %select_n3A_263, %mul3A_377 : i32
    %add3A_379 = vector.broadcast %mul3A_378 : i32 to vector<8x128xi32>
    %add3A_380 = arith.addi %iota3A_0, %add3A_379 : vector<8x128xi32>
    %gt3A_381 = vector.broadcast %get3A_203 : i32 to vector<8x128xi32>
    %gt3A_382 = arith.cmpi sgt, %add3A_380, %gt3A_381 : vector<8x128xi32>
    %le3A_383 = vector.broadcast %get3A_207 : i32 to vector<8x128xi32>
    %le3A_384 = arith.cmpi sle, %add3A_380, %le3A_383 : vector<8x128xi32>
    %and3A_385 = arith.andi %gt3A_382, %le3A_384 : vector<8x128xi1>
    %jit3A_386 = arith.constant -1.000000e+30 : f32
    %broadcast_in_dim3A_387 = vector.broadcast %jit3A_386 : f32 to vector<8x128xf32>
    %select_n3A_388 = arith.select %and3A_385, %get3A_376, %broadcast_in_dim3A_387 : vector<8x128xi1>, vector<8x128xf32>
    %reduce_max3A_389 = arith.constant dense<0xFF800000> : vector<128xf32>
    %reduce_max3A_390 = vector.multi_reduction <maximumf>, %select_n3A_388, %reduce_max3A_389 [0] : vector<8x128xf32> to vector<128xf32>
    %max3A_391 = arith.maximumf %max3A_369, %reduce_max3A_390 : vector<128xf32>
    %gt3A_392 = vector.broadcast %get3A_207 : i32 to vector<8x128xi32>
    %gt3A_393 = arith.cmpi sgt, %add3A_380, %gt3A_392 : vector<8x128xi32>
    %jit3A_394 = arith.constant -1.000000e+30 : f32
    %broadcast_in_dim3A_395 = vector.broadcast %jit3A_394 : f32 to vector<8x128xf32>
    %select_n3A_396 = arith.select %gt3A_393, %get3A_376, %broadcast_in_dim3A_395 : vector<8x128xi1>, vector<8x128xf32>
    %reduce_max3A_397 = arith.constant dense<0xFF800000> : vector<128xf32>
    %reduce_max3A_398 = vector.multi_reduction <maximumf>, %select_n3A_396, %reduce_max3A_397 [0] : vector<8x128xf32> to vector<128xf32>
    %max3A_399 = arith.maximumf %reduce_max3A_339, %reduce_max3A_398 : vector<128xf32>
    %swap3A_400 = arith.constant 1 : index
    %swap3A_401 = arith.constant 0 : index
    %swap3A_402 = arith.constant 0 : index
    %swap3A_403 = vector.load %arg4[%swap3A_400, %swap3A_401, %swap3A_402] : memref<8x1x384xf32, #tpu.memory_space<vmem>>, vector<1x1x128xf32>
    %swap3A_404 = vector.shape_cast %swap3A_403 : vector<1x1x128xf32> to vector<128xf32>
    %swap3A_405 = vector.shape_cast %max3A_358 : vector<128xf32> to vector<1x1x128xf32>
    tpu.vector_store %arg4[%swap3A_400, %swap3A_401, %swap3A_402], %swap3A_405 {strides = array<i32>} : memref<8x1x384xf32, #tpu.memory_space<vmem>>, vector<1x1x128xf32>,
    %swap3A_406 = arith.constant 1 : index
    %swap3A_407 = arith.constant 0 : index
    %swap3A_408 = arith.constant 128 : index
    %swap3A_409 = vector.load %arg4[%swap3A_406, %swap3A_407, %swap3A_408] : memref<8x1x384xf32, #tpu.memory_space<vmem>>, vector<1x1x128xf32>
    %swap3A_410 = vector.shape_cast %swap3A_409 : vector<1x1x128xf32> to vector<128xf32>
    %swap3A_411 = vector.shape_cast %max3A_391 : vector<128xf32> to vector<1x1x128xf32>
    tpu.vector_store %arg4[%swap3A_406, %swap3A_407, %swap3A_408], %swap3A_411 {strides = array<i32>} : memref<8x1x384xf32, #tpu.memory_space<vmem>>, vector<1x1x128xf32>,
    %swap3A_412 = arith.constant 1 : index
    %swap3A_413 = arith.constant 0 : index
    %swap3A_414 = arith.constant 256 : index
    %swap3A_415 = vector.load %arg4[%swap3A_412, %swap3A_413, %swap3A_414] : memref<8x1x384xf32, #tpu.memory_space<vmem>>, vector<1x1x128xf32>
    %swap3A_416 = vector.shape_cast %swap3A_415 : vector<1x1x128xf32> to vector<128xf32>
    %swap3A_417 = vector.shape_cast %max3A_399 : vector<128xf32> to vector<1x1x128xf32>
    tpu.vector_store %arg4[%swap3A_412, %swap3A_413, %swap3A_414], %swap3A_417 {strides = array<i32>} : memref<8x1x384xf32, #tpu.memory_space<vmem>>, vector<1x1x128xf32>,
    %get3A_418 = arith.constant 2 : index
    %get3A_419 = arith.constant 0 : index
    %get3A_420 = arith.constant 0 : index
    %get3A_421 = memref.load %arg1[%get3A_418, %get3A_419, %get3A_420] : memref<8x1x1xi32, #tpu.memory_space<smem>>
    %get3A_422 = arith.constant 2 : index
    %get3A_423 = arith.constant 0 : index
    %get3A_424 = arith.constant 0 : index
    %get3A_425 = memref.load %arg2[%get3A_422, %get3A_423, %get3A_424] : memref<8x1x1xi32, #tpu.memory_space<smem>>
    %get3A_426 = arith.constant 2 : index
    %get3A_427 = arith.constant 0 : index
    %get3A_428 = arith.constant 0 : index
    %get3A_429 = vector.load %arg3[%get3A_426, %get3A_427, %get3A_428] : memref<8x512x128xf32, #tpu.memory_space<vmem>>, vector<1x512x128xf32>
    %get3A_430 = vector.shape_cast %get3A_429 : vector<1x512x128xf32> to vector<512x128xf32>
    %reshape3A_431 = vector.shape_cast %get3A_430 : vector<512x128xf32> to vector<64x8x128xf32>
    %reduce_max3A_432 = arith.constant dense<0xFF800000> : vector<64x128xf32>
    %reduce_max3A_433 = vector.multi_reduction <maximumf>, %reshape3A_431, %reduce_max3A_432 [1] : vector<64x8x128xf32> to vector<64x128xf32>
    %jit3A_434 = arith.constant 8 : i32
    %div3A_435 = arith.divsi %get3A_421, %jit3A_434 : i32
    %sign3A_436 = arith.constant 0 : i32
    %sign3A_437 = arith.cmpi sgt, %get3A_421, %sign3A_436 : i32
    %sign3A_438 = arith.extui %sign3A_437 : i1 to i32
    %sign3A_439 = arith.constant 0 : i32
    %sign3A_440 = arith.cmpi slt, %get3A_421, %sign3A_439 : i32
    %sign3A_441 = arith.extui %sign3A_440 : i1 to i32
    %sign3A_442 = arith.subi %sign3A_438, %sign3A_441 : i32
    %sign3A_443 = arith.constant 0 : i32
    %sign3A_444 = arith.cmpi sgt, %jit3A_434, %sign3A_443 : i32
    %sign3A_445 = arith.extui %sign3A_444 : i1 to i32
    %sign3A_446 = arith.constant 0 : i32
    %sign3A_447 = arith.cmpi slt, %jit3A_434, %sign3A_446 : i32
    %sign3A_448 = arith.extui %sign3A_447 : i1 to i32
    %sign3A_449 = arith.subi %sign3A_445, %sign3A_448 : i32
    %ne3A_450 = arith.cmpi ne, %sign3A_442, %sign3A_449 : i32
    %rem3A_451 = arith.remsi %get3A_421, %jit3A_434 : i32
    %ne3A_452 = arith.constant 0 : i32
    %ne3A_453 = arith.cmpi ne, %rem3A_451, %ne3A_452 : i32
    %and3A_454 = arith.andi %ne3A_450, %ne3A_453 : i1
    %sub3A_455 = arith.constant 1 : i32
    %sub3A_456 = arith.subi %div3A_435, %sub3A_455 : i32
    %select_n3A_457 = arith.select %and3A_454, %sub3A_456, %div3A_435 : i32
    %jit3A_458 = arith.constant 8 : i32
    %div3A_459 = arith.divsi %get3A_425, %jit3A_458 : i32
    %sign3A_460 = arith.constant 0 : i32
    %sign3A_461 = arith.cmpi sgt, %get3A_425, %sign3A_460 : i32
    %sign3A_462 = arith.extui %sign3A_461 : i1 to i32
    %sign3A_463 = arith.constant 0 : i32
    %sign3A_464 = arith.cmpi slt, %get3A_425, %sign3A_463 : i32
    %sign3A_465 = arith.extui %sign3A_464 : i1 to i32
    %sign3A_466 = arith.subi %sign3A_462, %sign3A_465 : i32
    %sign3A_467 = arith.constant 0 : i32
    %sign3A_468 = arith.cmpi sgt, %jit3A_458, %sign3A_467 : i32
    %sign3A_469 = arith.extui %sign3A_468 : i1 to i32
    %sign3A_470 = arith.constant 0 : i32
    %sign3A_471 = arith.cmpi slt, %jit3A_458, %sign3A_470 : i32
    %sign3A_472 = arith.extui %sign3A_471 : i1 to i32
    %sign3A_473 = arith.subi %sign3A_469, %sign3A_472 : i32
    %ne3A_474 = arith.cmpi ne, %sign3A_466, %sign3A_473 : i32
    %rem3A_475 = arith.remsi %get3A_425, %jit3A_458 : i32
    %ne3A_476 = arith.constant 0 : i32
    %ne3A_477 = arith.cmpi ne, %rem3A_475, %ne3A_476 : i32
    %and3A_478 = arith.andi %ne3A_474, %ne3A_477 : i1
    %sub3A_479 = arith.constant 1 : i32
    %sub3A_480 = arith.subi %div3A_459, %sub3A_479 : i32
    %select_n3A_481 = arith.select %and3A_478, %sub3A_480, %div3A_459 : i32
    %add3A_482 = arith.constant 1 : i32
    %add3A_483 = arith.addi %get3A_421, %add3A_482 : i32
    %jit3A_484 = arith.constant 8 : i32
    %div3A_485 = arith.divsi %add3A_483, %jit3A_484 : i32
    %sign3A_486 = arith.constant 0 : i32
    %sign3A_487 = arith.cmpi sgt, %add3A_483, %sign3A_486 : i32
    %sign3A_488 = arith.extui %sign3A_487 : i1 to i32
    %sign3A_489 = arith.constant 0 : i32
    %sign3A_490 = arith.cmpi slt, %add3A_483, %sign3A_489 : i32
    %sign3A_491 = arith.extui %sign3A_490 : i1 to i32
    %sign3A_492 = arith.subi %sign3A_488, %sign3A_491 : i32
    %sign3A_493 = arith.constant 0 : i32
    %sign3A_494 = arith.cmpi sgt, %jit3A_484, %sign3A_493 : i32
    %sign3A_495 = arith.extui %sign3A_494 : i1 to i32
    %sign3A_496 = arith.constant 0 : i32
    %sign3A_497 = arith.cmpi slt, %jit3A_484, %sign3A_496 : i32
    %sign3A_498 = arith.extui %sign3A_497 : i1 to i32
    %sign3A_499 = arith.subi %sign3A_495, %sign3A_498 : i32
    %ne3A_500 = arith.cmpi ne, %sign3A_492, %sign3A_499 : i32
    %rem3A_501 = arith.remsi %add3A_483, %jit3A_484 : i32
    %ne3A_502 = arith.constant 0 : i32
    %ne3A_503 = arith.cmpi ne, %rem3A_501, %ne3A_502 : i32
    %and3A_504 = arith.andi %ne3A_500, %ne3A_503 : i1
    %sub3A_505 = arith.constant 1 : i32
    %sub3A_506 = arith.subi %div3A_485, %sub3A_505 : i32
    %select_n3A_507 = arith.select %and3A_504, %sub3A_506, %div3A_485 : i32
    %add3A_508 = arith.constant 1 : i32
    %add3A_509 = arith.addi %get3A_425, %add3A_508 : i32
    %jit3A_510 = arith.constant 8 : i32
    %div3A_511 = arith.divsi %add3A_509, %jit3A_510 : i32
    %sign3A_512 = arith.constant 0 : i32
    %sign3A_513 = arith.cmpi sgt, %add3A_509, %sign3A_512 : i32
    %sign3A_514 = arith.extui %sign3A_513 : i1 to i32
    %sign3A_515 = arith.constant 0 : i32
    %sign3A_516 = arith.cmpi slt, %add3A_509, %sign3A_515 : i32
    %sign3A_517 = arith.extui %sign3A_516 : i1 to i32
    %sign3A_518 = arith.subi %sign3A_514, %sign3A_517 : i32
    %sign3A_519 = arith.constant 0 : i32
    %sign3A_520 = arith.cmpi sgt, %jit3A_510, %sign3A_519 : i32
    %sign3A_521 = arith.extui %sign3A_520 : i1 to i32
    %sign3A_522 = arith.constant 0 : i32
    %sign3A_523 = arith.cmpi slt, %jit3A_510, %sign3A_522 : i32
    %sign3A_524 = arith.extui %sign3A_523 : i1 to i32
    %sign3A_525 = arith.subi %sign3A_521, %sign3A_524 : i32
    %ne3A_526 = arith.cmpi ne, %sign3A_518, %sign3A_525 : i32
    %rem3A_527 = arith.remsi %add3A_509, %jit3A_510 : i32
    %ne3A_528 = arith.constant 0 : i32
    %ne3A_529 = arith.cmpi ne, %rem3A_527, %ne3A_528 : i32
    %and3A_530 = arith.andi %ne3A_526, %ne3A_529 : i1
    %sub3A_531 = arith.constant 1 : i32
    %sub3A_532 = arith.subi %div3A_511, %sub3A_531 : i32
    %select_n3A_533 = arith.select %and3A_530, %sub3A_532, %div3A_511 : i32
    %lt3A_534 = vector.broadcast %select_n3A_507 : i32 to vector<64x128xi32>
    %lt3A_535 = arith.cmpi slt, %iota3A, %lt3A_534 : vector<64x128xi32>
    %jit3A_536 = arith.constant -1.000000e+30 : f32
    %broadcast_in_dim3A_537 = vector.broadcast %jit3A_536 : f32 to vector<64x128xf32>
    %select_n3A_538 = arith.select %lt3A_535, %reduce_max3A_433, %broadcast_in_dim3A_537 : vector<64x128xi1>, vector<64x128xf32>
    %reduce_max3A_539 = arith.constant dense<0xFF800000> : vector<128xf32>
    %reduce_max3A_540 = vector.multi_reduction <maximumf>, %select_n3A_538, %reduce_max3A_539 [0] : vector<64x128xf32> to vector<128xf32>
    %gt3A_541 = vector.broadcast %select_n3A_457 : i32 to vector<64x128xi32>
    %gt3A_542 = arith.cmpi sgt, %iota3A, %gt3A_541 : vector<64x128xi32>
    %lt3A_543 = vector.broadcast %select_n3A_533 : i32 to vector<64x128xi32>
    %lt3A_544 = arith.cmpi slt, %iota3A, %lt3A_543 : vector<64x128xi32>
    %and3A_545 = arith.andi %gt3A_542, %lt3A_544 : vector<64x128xi1>
    %jit3A_546 = arith.constant -1.000000e+30 : f32
    %broadcast_in_dim3A_547 = vector.broadcast %jit3A_546 : f32 to vector<64x128xf32>
    %select_n3A_548 = arith.select %and3A_545, %reduce_max3A_433, %broadcast_in_dim3A_547 : vector<64x128xi1>, vector<64x128xf32>
    %reduce_max3A_549 = arith.constant dense<0xFF800000> : vector<128xf32>
    %reduce_max3A_550 = vector.multi_reduction <maximumf>, %select_n3A_548, %reduce_max3A_549 [0] : vector<64x128xf32> to vector<128xf32>
    %gt3A_551 = vector.broadcast %select_n3A_481 : i32 to vector<64x128xi32>
    %gt3A_552 = arith.cmpi sgt, %iota3A, %gt3A_551 : vector<64x128xi32>
    %jit3A_553 = arith.constant -1.000000e+30 : f32
    %broadcast_in_dim3A_554 = vector.broadcast %jit3A_553 : f32 to vector<64x128xf32>
    %select_n3A_555 = arith.select %gt3A_552, %reduce_max3A_433, %broadcast_in_dim3A_554 : vector<64x128xi1>, vector<64x128xf32>
    %reduce_max3A_556 = arith.constant dense<0xFF800000> : vector<128xf32>
    %reduce_max3A_557 = vector.multi_reduction <maximumf>, %select_n3A_555, %reduce_max3A_556 [0] : vector<64x128xf32> to vector<128xf32>
    %mul3A_558 = arith.constant 8 : i32
    %mul3A_559 = arith.muli %select_n3A_457, %mul3A_558 : i32
    %get3A_560 = arith.constant 2 : index
    %get3A_561 = arith.index_cast %mul3A_559 : i32 to index
    %get3A_562 = arith.constant 0 : index
    %get3A_563 = vector.load %arg3[%get3A_560, %get3A_561, %get3A_562] : memref<8x512x128xf32, #tpu.memory_space<vmem>>, vector<1x8x128xf32>
    %get3A_564 = vector.shape_cast %get3A_563 : vector<1x8x128xf32> to vector<8x128xf32>
    %mul3A_565 = arith.constant 8 : i32
    %mul3A_566 = arith.muli %select_n3A_457, %mul3A_565 : i32
    %add3A_567 = vector.broadcast %mul3A_566 : i32 to vector<8x128xi32>
    %add3A_568 = arith.addi %iota3A_0, %add3A_567 : vector<8x128xi32>
    %le3A_569 = vector.broadcast %get3A_421 : i32 to vector<8x128xi32>
    %le3A_570 = arith.cmpi sle, %add3A_568, %le3A_569 : vector<8x128xi32>
    %jit3A_571 = arith.constant -1.000000e+30 : f32
    %broadcast_in_dim3A_572 = vector.broadcast %jit3A_571 : f32 to vector<8x128xf32>
    %select_n3A_573 = arith.select %le3A_570, %get3A_564, %broadcast_in_dim3A_572 : vector<8x128xi1>, vector<8x128xf32>
    %reduce_max3A_574 = arith.constant dense<0xFF800000> : vector<128xf32>
    %reduce_max3A_575 = vector.multi_reduction <maximumf>, %select_n3A_573, %reduce_max3A_574 [0] : vector<8x128xf32> to vector<128xf32>
    %max3A_576 = arith.maximumf %reduce_max3A_540, %reduce_max3A_575 : vector<128xf32>
    %gt3A_577 = vector.broadcast %get3A_421 : i32 to vector<8x128xi32>
    %gt3A_578 = arith.cmpi sgt, %add3A_568, %gt3A_577 : vector<8x128xi32>
    %le3A_579 = vector.broadcast %get3A_425 : i32 to vector<8x128xi32>
    %le3A_580 = arith.cmpi sle, %add3A_568, %le3A_579 : vector<8x128xi32>
    %and3A_581 = arith.andi %gt3A_578, %le3A_580 : vector<8x128xi1>
    %jit3A_582 = arith.constant -1.000000e+30 : f32
    %broadcast_in_dim3A_583 = vector.broadcast %jit3A_582 : f32 to vector<8x128xf32>
    %select_n3A_584 = arith.select %and3A_581, %get3A_564, %broadcast_in_dim3A_583 : vector<8x128xi1>, vector<8x128xf32>
    %reduce_max3A_585 = arith.constant dense<0xFF800000> : vector<128xf32>
    %reduce_max3A_586 = vector.multi_reduction <maximumf>, %select_n3A_584, %reduce_max3A_585 [0] : vector<8x128xf32> to vector<128xf32>
    %max3A_587 = arith.maximumf %reduce_max3A_550, %reduce_max3A_586 : vector<128xf32>
    %mul3A_588 = arith.constant 8 : i32
    %mul3A_589 = arith.muli %select_n3A_481, %mul3A_588 : i32
    %get3A_590 = arith.constant 2 : index
    %get3A_591 = arith.index_cast %mul3A_589 : i32 to index
    %get3A_592 = arith.constant 0 : index
    %get3A_593 = vector.load %arg3[%get3A_590, %get3A_591, %get3A_592] : memref<8x512x128xf32, #tpu.memory_space<vmem>>, vector<1x8x128xf32>
    %get3A_594 = vector.shape_cast %get3A_593 : vector<1x8x128xf32> to vector<8x128xf32>
    %mul3A_595 = arith.constant 8 : i32
    %mul3A_596 = arith.muli %select_n3A_481, %mul3A_595 : i32
    %add3A_597 = vector.broadcast %mul3A_596 : i32 to vector<8x128xi32>
    %add3A_598 = arith.addi %iota3A_0, %add3A_597 : vector<8x128xi32>
    %gt3A_599 = vector.broadcast %get3A_421 : i32 to vector<8x128xi32>
    %gt3A_600 = arith.cmpi sgt, %add3A_598, %gt3A_599 : vector<8x128xi32>
    %le3A_601 = vector.broadcast %get3A_425 : i32 to vector<8x128xi32>
    %le3A_602 = arith.cmpi sle, %add3A_598, %le3A_601 : vector<8x128xi32>
    %and3A_603 = arith.andi %gt3A_600, %le3A_602 : vector<8x128xi1>
    %jit3A_604 = arith.constant -1.000000e+30 : f32
    %broadcast_in_dim3A_605 = vector.broadcast %jit3A_604 : f32 to vector<8x128xf32>
    %select_n3A_606 = arith.select %and3A_603, %get3A_594, %broadcast_in_dim3A_605 : vector<8x128xi1>, vector<8x128xf32>
    %reduce_max3A_607 = arith.constant dense<0xFF800000> : vector<128xf32>
    %reduce_max3A_608 = vector.multi_reduction <maximumf>, %select_n3A_606, %reduce_max3A_607 [0] : vector<8x128xf32> to vector<128xf32>
    %max3A_609 = arith.maximumf %max3A_587, %reduce_max3A_608 : vector<128xf32>
    %gt3A_610 = vector.broadcast %get3A_425 : i32 to vector<8x128xi32>
    %gt3A_611 = arith.cmpi sgt, %add3A_598, %gt3A_610 : vector<8x128xi32>
    %jit3A_612 = arith.constant -1.000000e+30 : f32
    %broadcast_in_dim3A_613 = vector.broadcast %jit3A_612 : f32 to vector<8x128xf32>
    %select_n3A_614 = arith.select %gt3A_611, %get3A_594, %broadcast_in_dim3A_613 : vector<8x128xi1>, vector<8x128xf32>
    %reduce_max3A_615 = arith.constant dense<0xFF800000> : vector<128xf32>
    %reduce_max3A_616 = vector.multi_reduction <maximumf>, %select_n3A_614, %reduce_max3A_615 [0] : vector<8x128xf32> to vector<128xf32>
    %max3A_617 = arith.maximumf %reduce_max3A_557, %reduce_max3A_616 : vector<128xf32>
    %swap3A_618 = arith.constant 2 : index
    %swap3A_619 = arith.constant 0 : index
    %swap3A_620 = arith.constant 0 : index
    %swap3A_621 = vector.load %arg4[%swap3A_618, %swap3A_619, %swap3A_620] : memref<8x1x384xf32, #tpu.memory_space<vmem>>, vector<1x1x128xf32>
    %swap3A_622 = vector.shape_cast %swap3A_621 : vector<1x1x128xf32> to vector<128xf32>
    %swap3A_623 = vector.shape_cast %max3A_576 : vector<128xf32> to vector<1x1x128xf32>
    tpu.vector_store %arg4[%swap3A_618, %swap3A_619, %swap3A_620], %swap3A_623 {strides = array<i32>} : memref<8x1x384xf32, #tpu.memory_space<vmem>>, vector<1x1x128xf32>,
    %swap3A_624 = arith.constant 2 : index
    %swap3A_625 = arith.constant 0 : index
    %swap3A_626 = arith.constant 128 : index
    %swap3A_627 = vector.load %arg4[%swap3A_624, %swap3A_625, %swap3A_626] : memref<8x1x384xf32, #tpu.memory_space<vmem>>, vector<1x1x128xf32>
    %swap3A_628 = vector.shape_cast %swap3A_627 : vector<1x1x128xf32> to vector<128xf32>
    %swap3A_629 = vector.shape_cast %max3A_609 : vector<128xf32> to vector<1x1x128xf32>
    tpu.vector_store %arg4[%swap3A_624, %swap3A_625, %swap3A_626], %swap3A_629 {strides = array<i32>} : memref<8x1x384xf32, #tpu.memory_space<vmem>>, vector<1x1x128xf32>,
    %swap3A_630 = arith.constant 2 : index
    %swap3A_631 = arith.constant 0 : index
    %swap3A_632 = arith.constant 256 : index
    %swap3A_633 = vector.load %arg4[%swap3A_630, %swap3A_631, %swap3A_632] : memref<8x1x384xf32, #tpu.memory_space<vmem>>, vector<1x1x128xf32>
    %swap3A_634 = vector.shape_cast %swap3A_633 : vector<1x1x128xf32> to vector<128xf32>
    %swap3A_635 = vector.shape_cast %max3A_617 : vector<128xf32> to vector<1x1x128xf32>
    tpu.vector_store %arg4[%swap3A_630, %swap3A_631, %swap3A_632], %swap3A_635 {strides = array<i32>} : memref<8x1x384xf32, #tpu.memory_space<vmem>>, vector<1x1x128xf32>,
    %get3A_636 = arith.constant 3 : index
    %get3A_637 = arith.constant 0 : index
    %get3A_638 = arith.constant 0 : index
    %get3A_639 = memref.load %arg1[%get3A_636, %get3A_637, %get3A_638] : memref<8x1x1xi32, #tpu.memory_space<smem>>
    %get3A_640 = arith.constant 3 : index
    %get3A_641 = arith.constant 0 : index
    %get3A_642 = arith.constant 0 : index
    %get3A_643 = memref.load %arg2[%get3A_640, %get3A_641, %get3A_642] : memref<8x1x1xi32, #tpu.memory_space<smem>>
    %get3A_644 = arith.constant 3 : index
    %get3A_645 = arith.constant 0 : index
    %get3A_646 = arith.constant 0 : index
    %get3A_647 = vector.load %arg3[%get3A_644, %get3A_645, %get3A_646] : memref<8x512x128xf32, #tpu.memory_space<vmem>>, vector<1x512x128xf32>
    %get3A_648 = vector.shape_cast %get3A_647 : vector<1x512x128xf32> to vector<512x128xf32>
    %reshape3A_649 = vector.shape_cast %get3A_648 : vector<512x128xf32> to vector<64x8x128xf32>
    %reduce_max3A_650 = arith.constant dense<0xFF800000> : vector<64x128xf32>
    %reduce_max3A_651 = vector.multi_reduction <maximumf>, %reshape3A_649, %reduce_max3A_650 [1] : vector<64x8x128xf32> to vector<64x128xf32>
    %jit3A_652 = arith.constant 8 : i32
    %div3A_653 = arith.divsi %get3A_639, %jit3A_652 : i32
    %sign3A_654 = arith.constant 0 : i32
    %sign3A_655 = arith.cmpi sgt, %get3A_639, %sign3A_654 : i32
    %sign3A_656 = arith.extui %sign3A_655 : i1 to i32
    %sign3A_657 = arith.constant 0 : i32
    %sign3A_658 = arith.cmpi slt, %get3A_639, %sign3A_657 : i32
    %sign3A_659 = arith.extui %sign3A_658 : i1 to i32
    %sign3A_660 = arith.subi %sign3A_656, %sign3A_659 : i32
    %sign3A_661 = arith.constant 0 : i32
    %sign3A_662 = arith.cmpi sgt, %jit3A_652, %sign3A_661 : i32
    %sign3A_663 = arith.extui %sign3A_662 : i1 to i32
    %sign3A_664 = arith.constant 0 : i32
    %sign3A_665 = arith.cmpi slt, %jit3A_652, %sign3A_664 : i32
    %sign3A_666 = arith.extui %sign3A_665 : i1 to i32
    %sign3A_667 = arith.subi %sign3A_663, %sign3A_666 : i32
    %ne3A_668 = arith.cmpi ne, %sign3A_660, %sign3A_667 : i32
    %rem3A_669 = arith.remsi %get3A_639, %jit3A_652 : i32
    %ne3A_670 = arith.constant 0 : i32
    %ne3A_671 = arith.cmpi ne, %rem3A_669, %ne3A_670 : i32
    %and3A_672 = arith.andi %ne3A_668, %ne3A_671 : i1
    %sub3A_673 = arith.constant 1 : i32
    %sub3A_674 = arith.subi %div3A_653, %sub3A_673 : i32
    %select_n3A_675 = arith.select %and3A_672, %sub3A_674, %div3A_653 : i32
    %jit3A_676 = arith.constant 8 : i32
    %div3A_677 = arith.divsi %get3A_643, %jit3A_676 : i32
    %sign3A_678 = arith.constant 0 : i32
    %sign3A_679 = arith.cmpi sgt, %get3A_643, %sign3A_678 : i32
    %sign3A_680 = arith.extui %sign3A_679 : i1 to i32
    %sign3A_681 = arith.constant 0 : i32
    %sign3A_682 = arith.cmpi slt, %get3A_643, %sign3A_681 : i32
    %sign3A_683 = arith.extui %sign3A_682 : i1 to i32
    %sign3A_684 = arith.subi %sign3A_680, %sign3A_683 : i32
    %sign3A_685 = arith.constant 0 : i32
    %sign3A_686 = arith.cmpi sgt, %jit3A_676, %sign3A_685 : i32
    %sign3A_687 = arith.extui %sign3A_686 : i1 to i32
    %sign3A_688 = arith.constant 0 : i32
    %sign3A_689 = arith.cmpi slt, %jit3A_676, %sign3A_688 : i32
    %sign3A_690 = arith.extui %sign3A_689 : i1 to i32
    %sign3A_691 = arith.subi %sign3A_687, %sign3A_690 : i32
    %ne3A_692 = arith.cmpi ne, %sign3A_684, %sign3A_691 : i32
    %rem3A_693 = arith.remsi %get3A_643, %jit3A_676 : i32
    %ne3A_694 = arith.constant 0 : i32
    %ne3A_695 = arith.cmpi ne, %rem3A_693, %ne3A_694 : i32
    %and3A_696 = arith.andi %ne3A_692, %ne3A_695 : i1
    %sub3A_697 = arith.constant 1 : i32
    %sub3A_698 = arith.subi %div3A_677, %sub3A_697 : i32
    %select_n3A_699 = arith.select %and3A_696, %sub3A_698, %div3A_677 : i32
    %add3A_700 = arith.constant 1 : i32
    %add3A_701 = arith.addi %get3A_639, %add3A_700 : i32
    %jit3A_702 = arith.constant 8 : i32
    %div3A_703 = arith.divsi %add3A_701, %jit3A_702 : i32
    %sign3A_704 = arith.constant 0 : i32
    %sign3A_705 = arith.cmpi sgt, %add3A_701, %sign3A_704 : i32
    %sign3A_706 = arith.extui %sign3A_705 : i1 to i32
    %sign3A_707 = arith.constant 0 : i32
    %sign3A_708 = arith.cmpi slt, %add3A_701, %sign3A_707 : i32
    %sign3A_709 = arith.extui %sign3A_708 : i1 to i32
    %sign3A_710 = arith.subi %sign3A_706, %sign3A_709 : i32
    %sign3A_711 = arith.constant 0 : i32
    %sign3A_712 = arith.cmpi sgt, %jit3A_702, %sign3A_711 : i32
    %sign3A_713 = arith.extui %sign3A_712 : i1 to i32
    %sign3A_714 = arith.constant 0 : i32
    %sign3A_715 = arith.cmpi slt, %jit3A_702, %sign3A_714 : i32
    %sign3A_716 = arith.extui %sign3A_715 : i1 to i32
    %sign3A_717 = arith.subi %sign3A_713, %sign3A_716 : i32
    %ne3A_718 = arith.cmpi ne, %sign3A_710, %sign3A_717 : i32
    %rem3A_719 = arith.remsi %add3A_701, %jit3A_702 : i32
    %ne3A_720 = arith.constant 0 : i32
    %ne3A_721 = arith.cmpi ne, %rem3A_719, %ne3A_720 : i32
    %and3A_722 = arith.andi %ne3A_718, %ne3A_721 : i1
    %sub3A_723 = arith.constant 1 : i32
    %sub3A_724 = arith.subi %div3A_703, %sub3A_723 : i32
    %select_n3A_725 = arith.select %and3A_722, %sub3A_724, %div3A_703 : i32
    %add3A_726 = arith.constant 1 : i32
    %add3A_727 = arith.addi %get3A_643, %add3A_726 : i32
    %jit3A_728 = arith.constant 8 : i32
    %div3A_729 = arith.divsi %add3A_727, %jit3A_728 : i32
    %sign3A_730 = arith.constant 0 : i32
    %sign3A_731 = arith.cmpi sgt, %add3A_727, %sign3A_730 : i32
    %sign3A_732 = arith.extui %sign3A_731 : i1 to i32
    %sign3A_733 = arith.constant 0 : i32
    %sign3A_734 = arith.cmpi slt, %add3A_727, %sign3A_733 : i32
    %sign3A_735 = arith.extui %sign3A_734 : i1 to i32
    %sign3A_736 = arith.subi %sign3A_732, %sign3A_735 : i32
    %sign3A_737 = arith.constant 0 : i32
    %sign3A_738 = arith.cmpi sgt, %jit3A_728, %sign3A_737 : i32
    %sign3A_739 = arith.extui %sign3A_738 : i1 to i32
    %sign3A_740 = arith.constant 0 : i32
    %sign3A_741 = arith.cmpi slt, %jit3A_728, %sign3A_740 : i32
    %sign3A_742 = arith.extui %sign3A_741 : i1 to i32
    %sign3A_743 = arith.subi %sign3A_739, %sign3A_742 : i32
    %ne3A_744 = arith.cmpi ne, %sign3A_736, %sign3A_743 : i32
    %rem3A_745 = arith.remsi %add3A_727, %jit3A_728 : i32
    %ne3A_746 = arith.constant 0 : i32
    %ne3A_747 = arith.cmpi ne, %rem3A_745, %ne3A_746 : i32
    %and3A_748 = arith.andi %ne3A_744, %ne3A_747 : i1
    %sub3A_749 = arith.constant 1 : i32
    %sub3A_750 = arith.subi %div3A_729, %sub3A_749 : i32
    %select_n3A_751 = arith.select %and3A_748, %sub3A_750, %div3A_729 : i32
    %lt3A_752 = vector.broadcast %select_n3A_725 : i32 to vector<64x128xi32>
    %lt3A_753 = arith.cmpi slt, %iota3A, %lt3A_752 : vector<64x128xi32>
    %jit3A_754 = arith.constant -1.000000e+30 : f32
    %broadcast_in_dim3A_755 = vector.broadcast %jit3A_754 : f32 to vector<64x128xf32>
    %select_n3A_756 = arith.select %lt3A_753, %reduce_max3A_651, %broadcast_in_dim3A_755 : vector<64x128xi1>, vector<64x128xf32>
    %reduce_max3A_757 = arith.constant dense<0xFF800000> : vector<128xf32>
    %reduce_max3A_758 = vector.multi_reduction <maximumf>, %select_n3A_756, %reduce_max3A_757 [0] : vector<64x128xf32> to vector<128xf32>
    %gt3A_759 = vector.broadcast %select_n3A_675 : i32 to vector<64x128xi32>
    %gt3A_760 = arith.cmpi sgt, %iota3A, %gt3A_759 : vector<64x128xi32>
    %lt3A_761 = vector.broadcast %select_n3A_751 : i32 to vector<64x128xi32>
    %lt3A_762 = arith.cmpi slt, %iota3A, %lt3A_761 : vector<64x128xi32>
    %and3A_763 = arith.andi %gt3A_760, %lt3A_762 : vector<64x128xi1>
    %jit3A_764 = arith.constant -1.000000e+30 : f32
    %broadcast_in_dim3A_765 = vector.broadcast %jit3A_764 : f32 to vector<64x128xf32>
    %select_n3A_766 = arith.select %and3A_763, %reduce_max3A_651, %broadcast_in_dim3A_765 : vector<64x128xi1>, vector<64x128xf32>
    %reduce_max3A_767 = arith.constant dense<0xFF800000> : vector<128xf32>
    %reduce_max3A_768 = vector.multi_reduction <maximumf>, %select_n3A_766, %reduce_max3A_767 [0] : vector<64x128xf32> to vector<128xf32>
    %gt3A_769 = vector.broadcast %select_n3A_699 : i32 to vector<64x128xi32>
    %gt3A_770 = arith.cmpi sgt, %iota3A, %gt3A_769 : vector<64x128xi32>
    %jit3A_771 = arith.constant -1.000000e+30 : f32
    %broadcast_in_dim3A_772 = vector.broadcast %jit3A_771 : f32 to vector<64x128xf32>
    %select_n3A_773 = arith.select %gt3A_770, %reduce_max3A_651, %broadcast_in_dim3A_772 : vector<64x128xi1>, vector<64x128xf32>
    %reduce_max3A_774 = arith.constant dense<0xFF800000> : vector<128xf32>
    %reduce_max3A_775 = vector.multi_reduction <maximumf>, %select_n3A_773, %reduce_max3A_774 [0] : vector<64x128xf32> to vector<128xf32>
    %mul3A_776 = arith.constant 8 : i32
    %mul3A_777 = arith.muli %select_n3A_675, %mul3A_776 : i32
    %get3A_778 = arith.constant 3 : index
    %get3A_779 = arith.index_cast %mul3A_777 : i32 to index
    %get3A_780 = arith.constant 0 : index
    %get3A_781 = vector.load %arg3[%get3A_778, %get3A_779, %get3A_780] : memref<8x512x128xf32, #tpu.memory_space<vmem>>, vector<1x8x128xf32>
    %get3A_782 = vector.shape_cast %get3A_781 : vector<1x8x128xf32> to vector<8x128xf32>
    %mul3A_783 = arith.constant 8 : i32
    %mul3A_784 = arith.muli %select_n3A_675, %mul3A_783 : i32
    %add3A_785 = vector.broadcast %mul3A_784 : i32 to vector<8x128xi32>
    %add3A_786 = arith.addi %iota3A_0, %add3A_785 : vector<8x128xi32>
    %le3A_787 = vector.broadcast %get3A_639 : i32 to vector<8x128xi32>
    %le3A_788 = arith.cmpi sle, %add3A_786, %le3A_787 : vector<8x128xi32>
    %jit3A_789 = arith.constant -1.000000e+30 : f32
    %broadcast_in_dim3A_790 = vector.broadcast %jit3A_789 : f32 to vector<8x128xf32>
    %select_n3A_791 = arith.select %le3A_788, %get3A_782, %broadcast_in_dim3A_790 : vector<8x128xi1>, vector<8x128xf32>
    %reduce_max3A_792 = arith.constant dense<0xFF800000> : vector<128xf32>
    %reduce_max3A_793 = vector.multi_reduction <maximumf>, %select_n3A_791, %reduce_max3A_792 [0] : vector<8x128xf32> to vector<128xf32>
    %max3A_794 = arith.maximumf %reduce_max3A_758, %reduce_max3A_793 : vector<128xf32>
    %gt3A_795 = vector.broadcast %get3A_639 : i32 to vector<8x128xi32>
    %gt3A_796 = arith.cmpi sgt, %add3A_786, %gt3A_795 : vector<8x128xi32>
    %le3A_797 = vector.broadcast %get3A_643 : i32 to vector<8x128xi32>
    %le3A_798 = arith.cmpi sle, %add3A_786, %le3A_797 : vector<8x128xi32>
    %and3A_799 = arith.andi %gt3A_796, %le3A_798 : vector<8x128xi1>
    %jit3A_800 = arith.constant -1.000000e+30 : f32
    %broadcast_in_dim3A_801 = vector.broadcast %jit3A_800 : f32 to vector<8x128xf32>
    %select_n3A_802 = arith.select %and3A_799, %get3A_782, %broadcast_in_dim3A_801 : vector<8x128xi1>, vector<8x128xf32>
    %reduce_max3A_803 = arith.constant dense<0xFF800000> : vector<128xf32>
    %reduce_max3A_804 = vector.multi_reduction <maximumf>, %select_n3A_802, %reduce_max3A_803 [0] : vector<8x128xf32> to vector<128xf32>
    %max3A_805 = arith.maximumf %reduce_max3A_768, %reduce_max3A_804 : vector<128xf32>
    %mul3A_806 = arith.constant 8 : i32
    %mul3A_807 = arith.muli %select_n3A_699, %mul3A_806 : i32
    %get3A_808 = arith.constant 3 : index
    %get3A_809 = arith.index_cast %mul3A_807 : i32 to index
    %get3A_810 = arith.constant 0 : index
    %get3A_811 = vector.load %arg3[%get3A_808, %get3A_809, %get3A_810] : memref<8x512x128xf32, #tpu.memory_space<vmem>>, vector<1x8x128xf32>
    %get3A_812 = vector.shape_cast %get3A_811 : vector<1x8x128xf32> to vector<8x128xf32>
    %mul3A_813 = arith.constant 8 : i32
    %mul3A_814 = arith.muli %select_n3A_699, %mul3A_813 : i32
    %add3A_815 = vector.broadcast %mul3A_814 : i32 to vector<8x128xi32>
    %add3A_816 = arith.addi %iota3A_0, %add3A_815 : vector<8x128xi32>
    %gt3A_817 = vector.broadcast %get3A_639 : i32 to vector<8x128xi32>
    %gt3A_818 = arith.cmpi sgt, %add3A_816, %gt3A_817 : vector<8x128xi32>
    %le3A_819 = vector.broadcast %get3A_643 : i32 to vector<8x128xi32>
    %le3A_820 = arith.cmpi sle, %add3A_816, %le3A_819 : vector<8x128xi32>
    %and3A_821 = arith.andi %gt3A_818, %le3A_820 : vector<8x128xi1>
    %jit3A_822 = arith.constant -1.000000e+30 : f32
    %broadcast_in_dim3A_823 = vector.broadcast %jit3A_822 : f32 to vector<8x128xf32>
    %select_n3A_824 = arith.select %and3A_821, %get3A_812, %broadcast_in_dim3A_823 : vector<8x128xi1>, vector<8x128xf32>
    %reduce_max3A_825 = arith.constant dense<0xFF800000> : vector<128xf32>
    %reduce_max3A_826 = vector.multi_reduction <maximumf>, %select_n3A_824, %reduce_max3A_825 [0] : vector<8x128xf32> to vector<128xf32>
    %max3A_827 = arith.maximumf %max3A_805, %reduce_max3A_826 : vector<128xf32>
    %gt3A_828 = vector.broadcast %get3A_643 : i32 to vector<8x128xi32>
    %gt3A_829 = arith.cmpi sgt, %add3A_816, %gt3A_828 : vector<8x128xi32>
    %jit3A_830 = arith.constant -1.000000e+30 : f32
    %broadcast_in_dim3A_831 = vector.broadcast %jit3A_830 : f32 to vector<8x128xf32>
    %select_n3A_832 = arith.select %gt3A_829, %get3A_812, %broadcast_in_dim3A_831 : vector<8x128xi1>, vector<8x128xf32>
    %reduce_max3A_833 = arith.constant dense<0xFF800000> : vector<128xf32>
    %reduce_max3A_834 = vector.multi_reduction <maximumf>, %select_n3A_832, %reduce_max3A_833 [0] : vector<8x128xf32> to vector<128xf32>
    %max3A_835 = arith.maximumf %reduce_max3A_775, %reduce_max3A_834 : vector<128xf32>
    %swap3A_836 = arith.constant 3 : index
    %swap3A_837 = arith.constant 0 : index
    %swap3A_838 = arith.constant 0 : index
    %swap3A_839 = vector.load %arg4[%swap3A_836, %swap3A_837, %swap3A_838] : memref<8x1x384xf32, #tpu.memory_space<vmem>>, vector<1x1x128xf32>
    %swap3A_840 = vector.shape_cast %swap3A_839 : vector<1x1x128xf32> to vector<128xf32>
    %swap3A_841 = vector.shape_cast %max3A_794 : vector<128xf32> to vector<1x1x128xf32>
    tpu.vector_store %arg4[%swap3A_836, %swap3A_837, %swap3A_838], %swap3A_841 {strides = array<i32>} : memref<8x1x384xf32, #tpu.memory_space<vmem>>, vector<1x1x128xf32>,
    %swap3A_842 = arith.constant 3 : index
    %swap3A_843 = arith.constant 0 : index
    %swap3A_844 = arith.constant 128 : index
    %swap3A_845 = vector.load %arg4[%swap3A_842, %swap3A_843, %swap3A_844] : memref<8x1x384xf32, #tpu.memory_space<vmem>>, vector<1x1x128xf32>
    %swap3A_846 = vector.shape_cast %swap3A_845 : vector<1x1x128xf32> to vector<128xf32>
    %swap3A_847 = vector.shape_cast %max3A_827 : vector<128xf32> to vector<1x1x128xf32>
    tpu.vector_store %arg4[%swap3A_842, %swap3A_843, %swap3A_844], %swap3A_847 {strides = array<i32>} : memref<8x1x384xf32, #tpu.memory_space<vmem>>, vector<1x1x128xf32>,
    %swap3A_848 = arith.constant 3 : index
    %swap3A_849 = arith.constant 0 : index
    %swap3A_850 = arith.constant 256 : index
    %swap3A_851 = vector.load %arg4[%swap3A_848, %swap3A_849, %swap3A_850] : memref<8x1x384xf32, #tpu.memory_space<vmem>>, vector<1x1x128xf32>
    %swap3A_852 = vector.shape_cast %swap3A_851 : vector<1x1x128xf32> to vector<128xf32>
    %swap3A_853 = vector.shape_cast %max3A_835 : vector<128xf32> to vector<1x1x128xf32>
    tpu.vector_store %arg4[%swap3A_848, %swap3A_849, %swap3A_850], %swap3A_853 {strides = array<i32>} : memref<8x1x384xf32, #tpu.memory_space<vmem>>, vector<1x1x128xf32>,
    %get3A_854 = arith.constant 4 : index
    %get3A_855 = arith.constant 0 : index
    %get3A_856 = arith.constant 0 : index
    %get3A_857 = memref.load %arg1[%get3A_854, %get3A_855, %get3A_856] : memref<8x1x1xi32, #tpu.memory_space<smem>>
    %get3A_858 = arith.constant 4 : index
    %get3A_859 = arith.constant 0 : index
    %get3A_860 = arith.constant 0 : index
    %get3A_861 = memref.load %arg2[%get3A_858, %get3A_859, %get3A_860] : memref<8x1x1xi32, #tpu.memory_space<smem>>
    %get3A_862 = arith.constant 4 : index
    %get3A_863 = arith.constant 0 : index
    %get3A_864 = arith.constant 0 : index
    %get3A_865 = vector.load %arg3[%get3A_862, %get3A_863, %get3A_864] : memref<8x512x128xf32, #tpu.memory_space<vmem>>, vector<1x512x128xf32>
    %get3A_866 = vector.shape_cast %get3A_865 : vector<1x512x128xf32> to vector<512x128xf32>
    %reshape3A_867 = vector.shape_cast %get3A_866 : vector<512x128xf32> to vector<64x8x128xf32>
    %reduce_max3A_868 = arith.constant dense<0xFF800000> : vector<64x128xf32>
    %reduce_max3A_869 = vector.multi_reduction <maximumf>, %reshape3A_867, %reduce_max3A_868 [1] : vector<64x8x128xf32> to vector<64x128xf32>
    %jit3A_870 = arith.constant 8 : i32
    %div3A_871 = arith.divsi %get3A_857, %jit3A_870 : i32
    %sign3A_872 = arith.constant 0 : i32
    %sign3A_873 = arith.cmpi sgt, %get3A_857, %sign3A_872 : i32
    %sign3A_874 = arith.extui %sign3A_873 : i1 to i32
    %sign3A_875 = arith.constant 0 : i32
    %sign3A_876 = arith.cmpi slt, %get3A_857, %sign3A_875 : i32
    %sign3A_877 = arith.extui %sign3A_876 : i1 to i32
    %sign3A_878 = arith.subi %sign3A_874, %sign3A_877 : i32
    %sign3A_879 = arith.constant 0 : i32
    %sign3A_880 = arith.cmpi sgt, %jit3A_870, %sign3A_879 : i32
    %sign3A_881 = arith.extui %sign3A_880 : i1 to i32
    %sign3A_882 = arith.constant 0 : i32
    %sign3A_883 = arith.cmpi slt, %jit3A_870, %sign3A_882 : i32
    %sign3A_884 = arith.extui %sign3A_883 : i1 to i32
    %sign3A_885 = arith.subi %sign3A_881, %sign3A_884 : i32
    %ne3A_886 = arith.cmpi ne, %sign3A_878, %sign3A_885 : i32
    %rem3A_887 = arith.remsi %get3A_857, %jit3A_870 : i32
    %ne3A_888 = arith.constant 0 : i32
    %ne3A_889 = arith.cmpi ne, %rem3A_887, %ne3A_888 : i32
    %and3A_890 = arith.andi %ne3A_886, %ne3A_889 : i1
    %sub3A_891 = arith.constant 1 : i32
    %sub3A_892 = arith.subi %div3A_871, %sub3A_891 : i32
    %select_n3A_893 = arith.select %and3A_890, %sub3A_892, %div3A_871 : i32
    %jit3A_894 = arith.constant 8 : i32
    %div3A_895 = arith.divsi %get3A_861, %jit3A_894 : i32
    %sign3A_896 = arith.constant 0 : i32
    %sign3A_897 = arith.cmpi sgt, %get3A_861, %sign3A_896 : i32
    %sign3A_898 = arith.extui %sign3A_897 : i1 to i32
    %sign3A_899 = arith.constant 0 : i32
    %sign3A_900 = arith.cmpi slt, %get3A_861, %sign3A_899 : i32
    %sign3A_901 = arith.extui %sign3A_900 : i1 to i32
    %sign3A_902 = arith.subi %sign3A_898, %sign3A_901 : i32
    %sign3A_903 = arith.constant 0 : i32
    %sign3A_904 = arith.cmpi sgt, %jit3A_894, %sign3A_903 : i32
    %sign3A_905 = arith.extui %sign3A_904 : i1 to i32
    %sign3A_906 = arith.constant 0 : i32
    %sign3A_907 = arith.cmpi slt, %jit3A_894, %sign3A_906 : i32
    %sign3A_908 = arith.extui %sign3A_907 : i1 to i32
    %sign3A_909 = arith.subi %sign3A_905, %sign3A_908 : i32
    %ne3A_910 = arith.cmpi ne, %sign3A_902, %sign3A_909 : i32
    %rem3A_911 = arith.remsi %get3A_861, %jit3A_894 : i32
    %ne3A_912 = arith.constant 0 : i32
    %ne3A_913 = arith.cmpi ne, %rem3A_911, %ne3A_912 : i32
    %and3A_914 = arith.andi %ne3A_910, %ne3A_913 : i1
    %sub3A_915 = arith.constant 1 : i32
    %sub3A_916 = arith.subi %div3A_895, %sub3A_915 : i32
    %select_n3A_917 = arith.select %and3A_914, %sub3A_916, %div3A_895 : i32
    %add3A_918 = arith.constant 1 : i32
    %add3A_919 = arith.addi %get3A_857, %add3A_918 : i32
    %jit3A_920 = arith.constant 8 : i32
    %div3A_921 = arith.divsi %add3A_919, %jit3A_920 : i32
    %sign3A_922 = arith.constant 0 : i32
    %sign3A_923 = arith.cmpi sgt, %add3A_919, %sign3A_922 : i32
    %sign3A_924 = arith.extui %sign3A_923 : i1 to i32
    %sign3A_925 = arith.constant 0 : i32
    %sign3A_926 = arith.cmpi slt, %add3A_919, %sign3A_925 : i32
    %sign3A_927 = arith.extui %sign3A_926 : i1 to i32
    %sign3A_928 = arith.subi %sign3A_924, %sign3A_927 : i32
    %sign3A_929 = arith.constant 0 : i32
    %sign3A_930 = arith.cmpi sgt, %jit3A_920, %sign3A_929 : i32
    %sign3A_931 = arith.extui %sign3A_930 : i1 to i32
    %sign3A_932 = arith.constant 0 : i32
    %sign3A_933 = arith.cmpi slt, %jit3A_920, %sign3A_932 : i32
    %sign3A_934 = arith.extui %sign3A_933 : i1 to i32
    %sign3A_935 = arith.subi %sign3A_931, %sign3A_934 : i32
    %ne3A_936 = arith.cmpi ne, %sign3A_928, %sign3A_935 : i32
    %rem3A_937 = arith.remsi %add3A_919, %jit3A_920 : i32
    %ne3A_938 = arith.constant 0 : i32
    %ne3A_939 = arith.cmpi ne, %rem3A_937, %ne3A_938 : i32
    %and3A_940 = arith.andi %ne3A_936, %ne3A_939 : i1
    %sub3A_941 = arith.constant 1 : i32
    %sub3A_942 = arith.subi %div3A_921, %sub3A_941 : i32
    %select_n3A_943 = arith.select %and3A_940, %sub3A_942, %div3A_921 : i32
    %add3A_944 = arith.constant 1 : i32
    %add3A_945 = arith.addi %get3A_861, %add3A_944 : i32
    %jit3A_946 = arith.constant 8 : i32
    %div3A_947 = arith.divsi %add3A_945, %jit3A_946 : i32
    %sign3A_948 = arith.constant 0 : i32
    %sign3A_949 = arith.cmpi sgt, %add3A_945, %sign3A_948 : i32
    %sign3A_950 = arith.extui %sign3A_949 : i1 to i32
    %sign3A_951 = arith.constant 0 : i32
    %sign3A_952 = arith.cmpi slt, %add3A_945, %sign3A_951 : i32
    %sign3A_953 = arith.extui %sign3A_952 : i1 to i32
    %sign3A_954 = arith.subi %sign3A_950, %sign3A_953 : i32
    %sign3A_955 = arith.constant 0 : i32
    %sign3A_956 = arith.cmpi sgt, %jit3A_946, %sign3A_955 : i32
    %sign3A_957 = arith.extui %sign3A_956 : i1 to i32
    %sign3A_958 = arith.constant 0 : i32
    %sign3A_959 = arith.cmpi slt, %jit3A_946, %sign3A_958 : i32
    %sign3A_960 = arith.extui %sign3A_959 : i1 to i32
    %sign3A_961 = arith.subi %sign3A_957, %sign3A_960 : i32
    %ne3A_962 = arith.cmpi ne, %sign3A_954, %sign3A_961 : i32
    %rem3A_963 = arith.remsi %add3A_945, %jit3A_946 : i32
    %ne3A_964 = arith.constant 0 : i32
    %ne3A_965 = arith.cmpi ne, %rem3A_963, %ne3A_964 : i32
    %and3A_966 = arith.andi %ne3A_962, %ne3A_965 : i1
    %sub3A_967 = arith.constant 1 : i32
    %sub3A_968 = arith.subi %div3A_947, %sub3A_967 : i32
    %select_n3A_969 = arith.select %and3A_966, %sub3A_968, %div3A_947 : i32
    %lt3A_970 = vector.broadcast %select_n3A_943 : i32 to vector<64x128xi32>
    %lt3A_971 = arith.cmpi slt, %iota3A, %lt3A_970 : vector<64x128xi32>
    %jit3A_972 = arith.constant -1.000000e+30 : f32
    %broadcast_in_dim3A_973 = vector.broadcast %jit3A_972 : f32 to vector<64x128xf32>
    %select_n3A_974 = arith.select %lt3A_971, %reduce_max3A_869, %broadcast_in_dim3A_973 : vector<64x128xi1>, vector<64x128xf32>
    %reduce_max3A_975 = arith.constant dense<0xFF800000> : vector<128xf32>
    %reduce_max3A_976 = vector.multi_reduction <maximumf>, %select_n3A_974, %reduce_max3A_975 [0] : vector<64x128xf32> to vector<128xf32>
    %gt3A_977 = vector.broadcast %select_n3A_893 : i32 to vector<64x128xi32>
    %gt3A_978 = arith.cmpi sgt, %iota3A, %gt3A_977 : vector<64x128xi32>
    %lt3A_979 = vector.broadcast %select_n3A_969 : i32 to vector<64x128xi32>
    %lt3A_980 = arith.cmpi slt, %iota3A, %lt3A_979 : vector<64x128xi32>
    %and3A_981 = arith.andi %gt3A_978, %lt3A_980 : vector<64x128xi1>
    %jit3A_982 = arith.constant -1.000000e+30 : f32
    %broadcast_in_dim3A_983 = vector.broadcast %jit3A_982 : f32 to vector<64x128xf32>
    %select_n3A_984 = arith.select %and3A_981, %reduce_max3A_869, %broadcast_in_dim3A_983 : vector<64x128xi1>, vector<64x128xf32>
    %reduce_max3A_985 = arith.constant dense<0xFF800000> : vector<128xf32>
    %reduce_max3A_986 = vector.multi_reduction <maximumf>, %select_n3A_984, %reduce_max3A_985 [0] : vector<64x128xf32> to vector<128xf32>
    %gt3A_987 = vector.broadcast %select_n3A_917 : i32 to vector<64x128xi32>
    %gt3A_988 = arith.cmpi sgt, %iota3A, %gt3A_987 : vector<64x128xi32>
    %jit3A_989 = arith.constant -1.000000e+30 : f32
    %broadcast_in_dim3A_990 = vector.broadcast %jit3A_989 : f32 to vector<64x128xf32>
    %select_n3A_991 = arith.select %gt3A_988, %reduce_max3A_869, %broadcast_in_dim3A_990 : vector<64x128xi1>, vector<64x128xf32>
    %reduce_max3A_992 = arith.constant dense<0xFF800000> : vector<128xf32>
    %reduce_max3A_993 = vector.multi_reduction <maximumf>, %select_n3A_991, %reduce_max3A_992 [0] : vector<64x128xf32> to vector<128xf32>
    %mul3A_994 = arith.constant 8 : i32
    %mul3A_995 = arith.muli %select_n3A_893, %mul3A_994 : i32
    %get3A_996 = arith.constant 4 : index
    %get3A_997 = arith.index_cast %mul3A_995 : i32 to index
    %get3A_998 = arith.constant 0 : index
    %get3A_999 = vector.load %arg3[%get3A_996, %get3A_997, %get3A_998] : memref<8x512x128xf32, #tpu.memory_space<vmem>>, vector<1x8x128xf32>
    %get3A_1000 = vector.shape_cast %get3A_999 : vector<1x8x128xf32> to vector<8x128xf32>
    %mul3A_1001 = arith.constant 8 : i32
    %mul3A_1002 = arith.muli %select_n3A_893, %mul3A_1001 : i32
    %add3A_1003 = vector.broadcast %mul3A_1002 : i32 to vector<8x128xi32>
    %add3A_1004 = arith.addi %iota3A_0, %add3A_1003 : vector<8x128xi32>
    %le3A_1005 = vector.broadcast %get3A_857 : i32 to vector<8x128xi32>
    %le3A_1006 = arith.cmpi sle, %add3A_1004, %le3A_1005 : vector<8x128xi32>
    %jit3A_1007 = arith.constant -1.000000e+30 : f32
    %broadcast_in_dim3A_1008 = vector.broadcast %jit3A_1007 : f32 to vector<8x128xf32>
    %select_n3A_1009 = arith.select %le3A_1006, %get3A_1000, %broadcast_in_dim3A_1008 : vector<8x128xi1>, vector<8x128xf32>
    %reduce_max3A_1010 = arith.constant dense<0xFF800000> : vector<128xf32>
    %reduce_max3A_1011 = vector.multi_reduction <maximumf>, %select_n3A_1009, %reduce_max3A_1010 [0] : vector<8x128xf32> to vector<128xf32>
    %max3A_1012 = arith.maximumf %reduce_max3A_976, %reduce_max3A_1011 : vector<128xf32>
    %gt3A_1013 = vector.broadcast %get3A_857 : i32 to vector<8x128xi32>
    %gt3A_1014 = arith.cmpi sgt, %add3A_1004, %gt3A_1013 : vector<8x128xi32>
    %le3A_1015 = vector.broadcast %get3A_861 : i32 to vector<8x128xi32>
    %le3A_1016 = arith.cmpi sle, %add3A_1004, %le3A_1015 : vector<8x128xi32>
    %and3A_1017 = arith.andi %gt3A_1014, %le3A_1016 : vector<8x128xi1>
    %jit3A_1018 = arith.constant -1.000000e+30 : f32
    %broadcast_in_dim3A_1019 = vector.broadcast %jit3A_1018 : f32 to vector<8x128xf32>
    %select_n3A_1020 = arith.select %and3A_1017, %get3A_1000, %broadcast_in_dim3A_1019 : vector<8x128xi1>, vector<8x128xf32>
    %reduce_max3A_1021 = arith.constant dense<0xFF800000> : vector<128xf32>
    %reduce_max3A_1022 = vector.multi_reduction <maximumf>, %select_n3A_1020, %reduce_max3A_1021 [0] : vector<8x128xf32> to vector<128xf32>
    %max3A_1023 = arith.maximumf %reduce_max3A_986, %reduce_max3A_1022 : vector<128xf32>
    %mul3A_1024 = arith.constant 8 : i32
    %mul3A_1025 = arith.muli %select_n3A_917, %mul3A_1024 : i32
    %get3A_1026 = arith.constant 4 : index
    %get3A_1027 = arith.index_cast %mul3A_1025 : i32 to index
    %get3A_1028 = arith.constant 0 : index
    %get3A_1029 = vector.load %arg3[%get3A_1026, %get3A_1027, %get3A_1028] : memref<8x512x128xf32, #tpu.memory_space<vmem>>, vector<1x8x128xf32>
    %get3A_1030 = vector.shape_cast %get3A_1029 : vector<1x8x128xf32> to vector<8x128xf32>
    %mul3A_1031 = arith.constant 8 : i32
    %mul3A_1032 = arith.muli %select_n3A_917, %mul3A_1031 : i32
    %add3A_1033 = vector.broadcast %mul3A_1032 : i32 to vector<8x128xi32>
    %add3A_1034 = arith.addi %iota3A_0, %add3A_1033 : vector<8x128xi32>
    %gt3A_1035 = vector.broadcast %get3A_857 : i32 to vector<8x128xi32>
    %gt3A_1036 = arith.cmpi sgt, %add3A_1034, %gt3A_1035 : vector<8x128xi32>
    %le3A_1037 = vector.broadcast %get3A_861 : i32 to vector<8x128xi32>
    %le3A_1038 = arith.cmpi sle, %add3A_1034, %le3A_1037 : vector<8x128xi32>
    %and3A_1039 = arith.andi %gt3A_1036, %le3A_1038 : vector<8x128xi1>
    %jit3A_1040 = arith.constant -1.000000e+30 : f32
    %broadcast_in_dim3A_1041 = vector.broadcast %jit3A_1040 : f32 to vector<8x128xf32>
    %select_n3A_1042 = arith.select %and3A_1039, %get3A_1030, %broadcast_in_dim3A_1041 : vector<8x128xi1>, vector<8x128xf32>
    %reduce_max3A_1043 = arith.constant dense<0xFF800000> : vector<128xf32>
    %reduce_max3A_1044 = vector.multi_reduction <maximumf>, %select_n3A_1042, %reduce_max3A_1043 [0] : vector<8x128xf32> to vector<128xf32>
    %max3A_1045 = arith.maximumf %max3A_1023, %reduce_max3A_1044 : vector<128xf32>
    %gt3A_1046 = vector.broadcast %get3A_861 : i32 to vector<8x128xi32>
    %gt3A_1047 = arith.cmpi sgt, %add3A_1034, %gt3A_1046 : vector<8x128xi32>
    %jit3A_1048 = arith.constant -1.000000e+30 : f32
    %broadcast_in_dim3A_1049 = vector.broadcast %jit3A_1048 : f32 to vector<8x128xf32>
    %select_n3A_1050 = arith.select %gt3A_1047, %get3A_1030, %broadcast_in_dim3A_1049 : vector<8x128xi1>, vector<8x128xf32>
    %reduce_max3A_1051 = arith.constant dense<0xFF800000> : vector<128xf32>
    %reduce_max3A_1052 = vector.multi_reduction <maximumf>, %select_n3A_1050, %reduce_max3A_1051 [0] : vector<8x128xf32> to vector<128xf32>
    %max3A_1053 = arith.maximumf %reduce_max3A_993, %reduce_max3A_1052 : vector<128xf32>
    %swap3A_1054 = arith.constant 4 : index
    %swap3A_1055 = arith.constant 0 : index
    %swap3A_1056 = arith.constant 0 : index
    %swap3A_1057 = vector.load %arg4[%swap3A_1054, %swap3A_1055, %swap3A_1056] : memref<8x1x384xf32, #tpu.memory_space<vmem>>, vector<1x1x128xf32>
    %swap3A_1058 = vector.shape_cast %swap3A_1057 : vector<1x1x128xf32> to vector<128xf32>
    %swap3A_1059 = vector.shape_cast %max3A_1012 : vector<128xf32> to vector<1x1x128xf32>
    tpu.vector_store %arg4[%swap3A_1054, %swap3A_1055, %swap3A_1056], %swap3A_1059 {strides = array<i32>} : memref<8x1x384xf32, #tpu.memory_space<vmem>>, vector<1x1x128xf32>,
    %swap3A_1060 = arith.constant 4 : index
    %swap3A_1061 = arith.constant 0 : index
    %swap3A_1062 = arith.constant 128 : index
    %swap3A_1063 = vector.load %arg4[%swap3A_1060, %swap3A_1061, %swap3A_1062] : memref<8x1x384xf32, #tpu.memory_space<vmem>>, vector<1x1x128xf32>
    %swap3A_1064 = vector.shape_cast %swap3A_1063 : vector<1x1x128xf32> to vector<128xf32>
    %swap3A_1065 = vector.shape_cast %max3A_1045 : vector<128xf32> to vector<1x1x128xf32>
    tpu.vector_store %arg4[%swap3A_1060, %swap3A_1061, %swap3A_1062], %swap3A_1065 {strides = array<i32>} : memref<8x1x384xf32, #tpu.memory_space<vmem>>, vector<1x1x128xf32>,
    %swap3A_1066 = arith.constant 4 : index
    %swap3A_1067 = arith.constant 0 : index
    %swap3A_1068 = arith.constant 256 : index
    %swap3A_1069 = vector.load %arg4[%swap3A_1066, %swap3A_1067, %swap3A_1068] : memref<8x1x384xf32, #tpu.memory_space<vmem>>, vector<1x1x128xf32>
    %swap3A_1070 = vector.shape_cast %swap3A_1069 : vector<1x1x128xf32> to vector<128xf32>
    %swap3A_1071 = vector.shape_cast %max3A_1053 : vector<128xf32> to vector<1x1x128xf32>
    tpu.vector_store %arg4[%swap3A_1066, %swap3A_1067, %swap3A_1068], %swap3A_1071 {strides = array<i32>} : memref<8x1x384xf32, #tpu.memory_space<vmem>>, vector<1x1x128xf32>,
    %get3A_1072 = arith.constant 5 : index
    %get3A_1073 = arith.constant 0 : index
    %get3A_1074 = arith.constant 0 : index
    %get3A_1075 = memref.load %arg1[%get3A_1072, %get3A_1073, %get3A_1074] : memref<8x1x1xi32, #tpu.memory_space<smem>>
    %get3A_1076 = arith.constant 5 : index
    %get3A_1077 = arith.constant 0 : index
    %get3A_1078 = arith.constant 0 : index
    %get3A_1079 = memref.load %arg2[%get3A_1076, %get3A_1077, %get3A_1078] : memref<8x1x1xi32, #tpu.memory_space<smem>>
    %get3A_1080 = arith.constant 5 : index
    %get3A_1081 = arith.constant 0 : index
    %get3A_1082 = arith.constant 0 : index
    %get3A_1083 = vector.load %arg3[%get3A_1080, %get3A_1081, %get3A_1082] : memref<8x512x128xf32, #tpu.memory_space<vmem>>, vector<1x512x128xf32>
    %get3A_1084 = vector.shape_cast %get3A_1083 : vector<1x512x128xf32> to vector<512x128xf32>
    %reshape3A_1085 = vector.shape_cast %get3A_1084 : vector<512x128xf32> to vector<64x8x128xf32>
    %reduce_max3A_1086 = arith.constant dense<0xFF800000> : vector<64x128xf32>
    %reduce_max3A_1087 = vector.multi_reduction <maximumf>, %reshape3A_1085, %reduce_max3A_1086 [1] : vector<64x8x128xf32> to vector<64x128xf32>
    %jit3A_1088 = arith.constant 8 : i32
    %div3A_1089 = arith.divsi %get3A_1075, %jit3A_1088 : i32
    %sign3A_1090 = arith.constant 0 : i32
    %sign3A_1091 = arith.cmpi sgt, %get3A_1075, %sign3A_1090 : i32
    %sign3A_1092 = arith.extui %sign3A_1091 : i1 to i32
    %sign3A_1093 = arith.constant 0 : i32
    %sign3A_1094 = arith.cmpi slt, %get3A_1075, %sign3A_1093 : i32
    %sign3A_1095 = arith.extui %sign3A_1094 : i1 to i32
    %sign3A_1096 = arith.subi %sign3A_1092, %sign3A_1095 : i32
    %sign3A_1097 = arith.constant 0 : i32
    %sign3A_1098 = arith.cmpi sgt, %jit3A_1088, %sign3A_1097 : i32
    %sign3A_1099 = arith.extui %sign3A_1098 : i1 to i32
    %sign3A_1100 = arith.constant 0 : i32
    %sign3A_1101 = arith.cmpi slt, %jit3A_1088, %sign3A_1100 : i32
    %sign3A_1102 = arith.extui %sign3A_1101 : i1 to i32
    %sign3A_1103 = arith.subi %sign3A_1099, %sign3A_1102 : i32
    %ne3A_1104 = arith.cmpi ne, %sign3A_1096, %sign3A_1103 : i32
    %rem3A_1105 = arith.remsi %get3A_1075, %jit3A_1088 : i32
    %ne3A_1106 = arith.constant 0 : i32
    %ne3A_1107 = arith.cmpi ne, %rem3A_1105, %ne3A_1106 : i32
    %and3A_1108 = arith.andi %ne3A_1104, %ne3A_1107 : i1
    %sub3A_1109 = arith.constant 1 : i32
    %sub3A_1110 = arith.subi %div3A_1089, %sub3A_1109 : i32
    %select_n3A_1111 = arith.select %and3A_1108, %sub3A_1110, %div3A_1089 : i32
    %jit3A_1112 = arith.constant 8 : i32
    %div3A_1113 = arith.divsi %get3A_1079, %jit3A_1112 : i32
    %sign3A_1114 = arith.constant 0 : i32
    %sign3A_1115 = arith.cmpi sgt, %get3A_1079, %sign3A_1114 : i32
    %sign3A_1116 = arith.extui %sign3A_1115 : i1 to i32
    %sign3A_1117 = arith.constant 0 : i32
    %sign3A_1118 = arith.cmpi slt, %get3A_1079, %sign3A_1117 : i32
    %sign3A_1119 = arith.extui %sign3A_1118 : i1 to i32
    %sign3A_1120 = arith.subi %sign3A_1116, %sign3A_1119 : i32
    %sign3A_1121 = arith.constant 0 : i32
    %sign3A_1122 = arith.cmpi sgt, %jit3A_1112, %sign3A_1121 : i32
    %sign3A_1123 = arith.extui %sign3A_1122 : i1 to i32
    %sign3A_1124 = arith.constant 0 : i32
    %sign3A_1125 = arith.cmpi slt, %jit3A_1112, %sign3A_1124 : i32
    %sign3A_1126 = arith.extui %sign3A_1125 : i1 to i32
    %sign3A_1127 = arith.subi %sign3A_1123, %sign3A_1126 : i32
    %ne3A_1128 = arith.cmpi ne, %sign3A_1120, %sign3A_1127 : i32
    %rem3A_1129 = arith.remsi %get3A_1079, %jit3A_1112 : i32
    %ne3A_1130 = arith.constant 0 : i32
    %ne3A_1131 = arith.cmpi ne, %rem3A_1129, %ne3A_1130 : i32
    %and3A_1132 = arith.andi %ne3A_1128, %ne3A_1131 : i1
    %sub3A_1133 = arith.constant 1 : i32
    %sub3A_1134 = arith.subi %div3A_1113, %sub3A_1133 : i32
    %select_n3A_1135 = arith.select %and3A_1132, %sub3A_1134, %div3A_1113 : i32
    %add3A_1136 = arith.constant 1 : i32
    %add3A_1137 = arith.addi %get3A_1075, %add3A_1136 : i32
    %jit3A_1138 = arith.constant 8 : i32
    %div3A_1139 = arith.divsi %add3A_1137, %jit3A_1138 : i32
    %sign3A_1140 = arith.constant 0 : i32
    %sign3A_1141 = arith.cmpi sgt, %add3A_1137, %sign3A_1140 : i32
    %sign3A_1142 = arith.extui %sign3A_1141 : i1 to i32
    %sign3A_1143 = arith.constant 0 : i32
    %sign3A_1144 = arith.cmpi slt, %add3A_1137, %sign3A_1143 : i32
    %sign3A_1145 = arith.extui %sign3A_1144 : i1 to i32
    %sign3A_1146 = arith.subi %sign3A_1142, %sign3A_1145 : i32
    %sign3A_1147 = arith.constant 0 : i32
    %sign3A_1148 = arith.cmpi sgt, %jit3A_1138, %sign3A_1147 : i32
    %sign3A_1149 = arith.extui %sign3A_1148 : i1 to i32
    %sign3A_1150 = arith.constant 0 : i32
    %sign3A_1151 = arith.cmpi slt, %jit3A_1138, %sign3A_1150 : i32
    %sign3A_1152 = arith.extui %sign3A_1151 : i1 to i32
    %sign3A_1153 = arith.subi %sign3A_1149, %sign3A_1152 : i32
    %ne3A_1154 = arith.cmpi ne, %sign3A_1146, %sign3A_1153 : i32
    %rem3A_1155 = arith.remsi %add3A_1137, %jit3A_1138 : i32
    %ne3A_1156 = arith.constant 0 : i32
    %ne3A_1157 = arith.cmpi ne, %rem3A_1155, %ne3A_1156 : i32
    %and3A_1158 = arith.andi %ne3A_1154, %ne3A_1157 : i1
    %sub3A_1159 = arith.constant 1 : i32
    %sub3A_1160 = arith.subi %div3A_1139, %sub3A_1159 : i32
    %select_n3A_1161 = arith.select %and3A_1158, %sub3A_1160, %div3A_1139 : i32
    %add3A_1162 = arith.constant 1 : i32
    %add3A_1163 = arith.addi %get3A_1079, %add3A_1162 : i32
    %jit3A_1164 = arith.constant 8 : i32
    %div3A_1165 = arith.divsi %add3A_1163, %jit3A_1164 : i32
    %sign3A_1166 = arith.constant 0 : i32
    %sign3A_1167 = arith.cmpi sgt, %add3A_1163, %sign3A_1166 : i32
    %sign3A_1168 = arith.extui %sign3A_1167 : i1 to i32
    %sign3A_1169 = arith.constant 0 : i32
    %sign3A_1170 = arith.cmpi slt, %add3A_1163, %sign3A_1169 : i32
    %sign3A_1171 = arith.extui %sign3A_1170 : i1 to i32
    %sign3A_1172 = arith.subi %sign3A_1168, %sign3A_1171 : i32
    %sign3A_1173 = arith.constant 0 : i32
    %sign3A_1174 = arith.cmpi sgt, %jit3A_1164, %sign3A_1173 : i32
    %sign3A_1175 = arith.extui %sign3A_1174 : i1 to i32
    %sign3A_1176 = arith.constant 0 : i32
    %sign3A_1177 = arith.cmpi slt, %jit3A_1164, %sign3A_1176 : i32
    %sign3A_1178 = arith.extui %sign3A_1177 : i1 to i32
    %sign3A_1179 = arith.subi %sign3A_1175, %sign3A_1178 : i32
    %ne3A_1180 = arith.cmpi ne, %sign3A_1172, %sign3A_1179 : i32
    %rem3A_1181 = arith.remsi %add3A_1163, %jit3A_1164 : i32
    %ne3A_1182 = arith.constant 0 : i32
    %ne3A_1183 = arith.cmpi ne, %rem3A_1181, %ne3A_1182 : i32
    %and3A_1184 = arith.andi %ne3A_1180, %ne3A_1183 : i1
    %sub3A_1185 = arith.constant 1 : i32
    %sub3A_1186 = arith.subi %div3A_1165, %sub3A_1185 : i32
    %select_n3A_1187 = arith.select %and3A_1184, %sub3A_1186, %div3A_1165 : i32
    %lt3A_1188 = vector.broadcast %select_n3A_1161 : i32 to vector<64x128xi32>
    %lt3A_1189 = arith.cmpi slt, %iota3A, %lt3A_1188 : vector<64x128xi32>
    %jit3A_1190 = arith.constant -1.000000e+30 : f32
    %broadcast_in_dim3A_1191 = vector.broadcast %jit3A_1190 : f32 to vector<64x128xf32>
    %select_n3A_1192 = arith.select %lt3A_1189, %reduce_max3A_1087, %broadcast_in_dim3A_1191 : vector<64x128xi1>, vector<64x128xf32>
    %reduce_max3A_1193 = arith.constant dense<0xFF800000> : vector<128xf32>
    %reduce_max3A_1194 = vector.multi_reduction <maximumf>, %select_n3A_1192, %reduce_max3A_1193 [0] : vector<64x128xf32> to vector<128xf32>
    %gt3A_1195 = vector.broadcast %select_n3A_1111 : i32 to vector<64x128xi32>
    %gt3A_1196 = arith.cmpi sgt, %iota3A, %gt3A_1195 : vector<64x128xi32>
    %lt3A_1197 = vector.broadcast %select_n3A_1187 : i32 to vector<64x128xi32>
    %lt3A_1198 = arith.cmpi slt, %iota3A, %lt3A_1197 : vector<64x128xi32>
    %and3A_1199 = arith.andi %gt3A_1196, %lt3A_1198 : vector<64x128xi1>
    %jit3A_1200 = arith.constant -1.000000e+30 : f32
    %broadcast_in_dim3A_1201 = vector.broadcast %jit3A_1200 : f32 to vector<64x128xf32>
    %select_n3A_1202 = arith.select %and3A_1199, %reduce_max3A_1087, %broadcast_in_dim3A_1201 : vector<64x128xi1>, vector<64x128xf32>
    %reduce_max3A_1203 = arith.constant dense<0xFF800000> : vector<128xf32>
    %reduce_max3A_1204 = vector.multi_reduction <maximumf>, %select_n3A_1202, %reduce_max3A_1203 [0] : vector<64x128xf32> to vector<128xf32>
    %gt3A_1205 = vector.broadcast %select_n3A_1135 : i32 to vector<64x128xi32>
    %gt3A_1206 = arith.cmpi sgt, %iota3A, %gt3A_1205 : vector<64x128xi32>
    %jit3A_1207 = arith.constant -1.000000e+30 : f32
    %broadcast_in_dim3A_1208 = vector.broadcast %jit3A_1207 : f32 to vector<64x128xf32>
    %select_n3A_1209 = arith.select %gt3A_1206, %reduce_max3A_1087, %broadcast_in_dim3A_1208 : vector<64x128xi1>, vector<64x128xf32>
    %reduce_max3A_1210 = arith.constant dense<0xFF800000> : vector<128xf32>
    %reduce_max3A_1211 = vector.multi_reduction <maximumf>, %select_n3A_1209, %reduce_max3A_1210 [0] : vector<64x128xf32> to vector<128xf32>
    %mul3A_1212 = arith.constant 8 : i32
    %mul3A_1213 = arith.muli %select_n3A_1111, %mul3A_1212 : i32
    %get3A_1214 = arith.constant 5 : index
    %get3A_1215 = arith.index_cast %mul3A_1213 : i32 to index
    %get3A_1216 = arith.constant 0 : index
    %get3A_1217 = vector.load %arg3[%get3A_1214, %get3A_1215, %get3A_1216] : memref<8x512x128xf32, #tpu.memory_space<vmem>>, vector<1x8x128xf32>
    %get3A_1218 = vector.shape_cast %get3A_1217 : vector<1x8x128xf32> to vector<8x128xf32>
    %mul3A_1219 = arith.constant 8 : i32
    %mul3A_1220 = arith.muli %select_n3A_1111, %mul3A_1219 : i32
    %add3A_1221 = vector.broadcast %mul3A_1220 : i32 to vector<8x128xi32>
    %add3A_1222 = arith.addi %iota3A_0, %add3A_1221 : vector<8x128xi32>
    %le3A_1223 = vector.broadcast %get3A_1075 : i32 to vector<8x128xi32>
    %le3A_1224 = arith.cmpi sle, %add3A_1222, %le3A_1223 : vector<8x128xi32>
    %jit3A_1225 = arith.constant -1.000000e+30 : f32
    %broadcast_in_dim3A_1226 = vector.broadcast %jit3A_1225 : f32 to vector<8x128xf32>
    %select_n3A_1227 = arith.select %le3A_1224, %get3A_1218, %broadcast_in_dim3A_1226 : vector<8x128xi1>, vector<8x128xf32>
    %reduce_max3A_1228 = arith.constant dense<0xFF800000> : vector<128xf32>
    %reduce_max3A_1229 = vector.multi_reduction <maximumf>, %select_n3A_1227, %reduce_max3A_1228 [0] : vector<8x128xf32> to vector<128xf32>
    %max3A_1230 = arith.maximumf %reduce_max3A_1194, %reduce_max3A_1229 : vector<128xf32>
    %gt3A_1231 = vector.broadcast %get3A_1075 : i32 to vector<8x128xi32>
    %gt3A_1232 = arith.cmpi sgt, %add3A_1222, %gt3A_1231 : vector<8x128xi32>
    %le3A_1233 = vector.broadcast %get3A_1079 : i32 to vector<8x128xi32>
    %le3A_1234 = arith.cmpi sle, %add3A_1222, %le3A_1233 : vector<8x128xi32>
    %and3A_1235 = arith.andi %gt3A_1232, %le3A_1234 : vector<8x128xi1>
    %jit3A_1236 = arith.constant -1.000000e+30 : f32
    %broadcast_in_dim3A_1237 = vector.broadcast %jit3A_1236 : f32 to vector<8x128xf32>
    %select_n3A_1238 = arith.select %and3A_1235, %get3A_1218, %broadcast_in_dim3A_1237 : vector<8x128xi1>, vector<8x128xf32>
    %reduce_max3A_1239 = arith.constant dense<0xFF800000> : vector<128xf32>
    %reduce_max3A_1240 = vector.multi_reduction <maximumf>, %select_n3A_1238, %reduce_max3A_1239 [0] : vector<8x128xf32> to vector<128xf32>
    %max3A_1241 = arith.maximumf %reduce_max3A_1204, %reduce_max3A_1240 : vector<128xf32>
    %mul3A_1242 = arith.constant 8 : i32
    %mul3A_1243 = arith.muli %select_n3A_1135, %mul3A_1242 : i32
    %get3A_1244 = arith.constant 5 : index
    %get3A_1245 = arith.index_cast %mul3A_1243 : i32 to index
    %get3A_1246 = arith.constant 0 : index
    %get3A_1247 = vector.load %arg3[%get3A_1244, %get3A_1245, %get3A_1246] : memref<8x512x128xf32, #tpu.memory_space<vmem>>, vector<1x8x128xf32>
    %get3A_1248 = vector.shape_cast %get3A_1247 : vector<1x8x128xf32> to vector<8x128xf32>
    %mul3A_1249 = arith.constant 8 : i32
    %mul3A_1250 = arith.muli %select_n3A_1135, %mul3A_1249 : i32
    %add3A_1251 = vector.broadcast %mul3A_1250 : i32 to vector<8x128xi32>
    %add3A_1252 = arith.addi %iota3A_0, %add3A_1251 : vector<8x128xi32>
    %gt3A_1253 = vector.broadcast %get3A_1075 : i32 to vector<8x128xi32>
    %gt3A_1254 = arith.cmpi sgt, %add3A_1252, %gt3A_1253 : vector<8x128xi32>
    %le3A_1255 = vector.broadcast %get3A_1079 : i32 to vector<8x128xi32>
    %le3A_1256 = arith.cmpi sle, %add3A_1252, %le3A_1255 : vector<8x128xi32>
    %and3A_1257 = arith.andi %gt3A_1254, %le3A_1256 : vector<8x128xi1>
    %jit3A_1258 = arith.constant -1.000000e+30 : f32
    %broadcast_in_dim3A_1259 = vector.broadcast %jit3A_1258 : f32 to vector<8x128xf32>
    %select_n3A_1260 = arith.select %and3A_1257, %get3A_1248, %broadcast_in_dim3A_1259 : vector<8x128xi1>, vector<8x128xf32>
    %reduce_max3A_1261 = arith.constant dense<0xFF800000> : vector<128xf32>
    %reduce_max3A_1262 = vector.multi_reduction <maximumf>, %select_n3A_1260, %reduce_max3A_1261 [0] : vector<8x128xf32> to vector<128xf32>
    %max3A_1263 = arith.maximumf %max3A_1241, %reduce_max3A_1262 : vector<128xf32>
    %gt3A_1264 = vector.broadcast %get3A_1079 : i32 to vector<8x128xi32>
    %gt3A_1265 = arith.cmpi sgt, %add3A_1252, %gt3A_1264 : vector<8x128xi32>
    %jit3A_1266 = arith.constant -1.000000e+30 : f32
    %broadcast_in_dim3A_1267 = vector.broadcast %jit3A_1266 : f32 to vector<8x128xf32>
    %select_n3A_1268 = arith.select %gt3A_1265, %get3A_1248, %broadcast_in_dim3A_1267 : vector<8x128xi1>, vector<8x128xf32>
    %reduce_max3A_1269 = arith.constant dense<0xFF800000> : vector<128xf32>
    %reduce_max3A_1270 = vector.multi_reduction <maximumf>, %select_n3A_1268, %reduce_max3A_1269 [0] : vector<8x128xf32> to vector<128xf32>
    %max3A_1271 = arith.maximumf %reduce_max3A_1211, %reduce_max3A_1270 : vector<128xf32>
    %swap3A_1272 = arith.constant 5 : index
    %swap3A_1273 = arith.constant 0 : index
    %swap3A_1274 = arith.constant 0 : index
    %swap3A_1275 = vector.load %arg4[%swap3A_1272, %swap3A_1273, %swap3A_1274] : memref<8x1x384xf32, #tpu.memory_space<vmem>>, vector<1x1x128xf32>
    %swap3A_1276 = vector.shape_cast %swap3A_1275 : vector<1x1x128xf32> to vector<128xf32>
    %swap3A_1277 = vector.shape_cast %max3A_1230 : vector<128xf32> to vector<1x1x128xf32>
    tpu.vector_store %arg4[%swap3A_1272, %swap3A_1273, %swap3A_1274], %swap3A_1277 {strides = array<i32>} : memref<8x1x384xf32, #tpu.memory_space<vmem>>, vector<1x1x128xf32>,
    %swap3A_1278 = arith.constant 5 : index
    %swap3A_1279 = arith.constant 0 : index
    %swap3A_1280 = arith.constant 128 : index
    %swap3A_1281 = vector.load %arg4[%swap3A_1278, %swap3A_1279, %swap3A_1280] : memref<8x1x384xf32, #tpu.memory_space<vmem>>, vector<1x1x128xf32>
    %swap3A_1282 = vector.shape_cast %swap3A_1281 : vector<1x1x128xf32> to vector<128xf32>
    %swap3A_1283 = vector.shape_cast %max3A_1263 : vector<128xf32> to vector<1x1x128xf32>
    tpu.vector_store %arg4[%swap3A_1278, %swap3A_1279, %swap3A_1280], %swap3A_1283 {strides = array<i32>} : memref<8x1x384xf32, #tpu.memory_space<vmem>>, vector<1x1x128xf32>,
    %swap3A_1284 = arith.constant 5 : index
    %swap3A_1285 = arith.constant 0 : index
    %swap3A_1286 = arith.constant 256 : index
    %swap3A_1287 = vector.load %arg4[%swap3A_1284, %swap3A_1285, %swap3A_1286] : memref<8x1x384xf32, #tpu.memory_space<vmem>>, vector<1x1x128xf32>
    %swap3A_1288 = vector.shape_cast %swap3A_1287 : vector<1x1x128xf32> to vector<128xf32>
    %swap3A_1289 = vector.shape_cast %max3A_1271 : vector<128xf32> to vector<1x1x128xf32>
    tpu.vector_store %arg4[%swap3A_1284, %swap3A_1285, %swap3A_1286], %swap3A_1289 {strides = array<i32>} : memref<8x1x384xf32, #tpu.memory_space<vmem>>, vector<1x1x128xf32>,
    %get3A_1290 = arith.constant 6 : index
    %get3A_1291 = arith.constant 0 : index
    %get3A_1292 = arith.constant 0 : index
    %get3A_1293 = memref.load %arg1[%get3A_1290, %get3A_1291, %get3A_1292] : memref<8x1x1xi32, #tpu.memory_space<smem>>
    %get3A_1294 = arith.constant 6 : index
    %get3A_1295 = arith.constant 0 : index
    %get3A_1296 = arith.constant 0 : index
    %get3A_1297 = memref.load %arg2[%get3A_1294, %get3A_1295, %get3A_1296] : memref<8x1x1xi32, #tpu.memory_space<smem>>
    %get3A_1298 = arith.constant 6 : index
    %get3A_1299 = arith.constant 0 : index
    %get3A_1300 = arith.constant 0 : index
    %get3A_1301 = vector.load %arg3[%get3A_1298, %get3A_1299, %get3A_1300] : memref<8x512x128xf32, #tpu.memory_space<vmem>>, vector<1x512x128xf32>
    %get3A_1302 = vector.shape_cast %get3A_1301 : vector<1x512x128xf32> to vector<512x128xf32>
    %reshape3A_1303 = vector.shape_cast %get3A_1302 : vector<512x128xf32> to vector<64x8x128xf32>
    %reduce_max3A_1304 = arith.constant dense<0xFF800000> : vector<64x128xf32>
    %reduce_max3A_1305 = vector.multi_reduction <maximumf>, %reshape3A_1303, %reduce_max3A_1304 [1] : vector<64x8x128xf32> to vector<64x128xf32>
    %jit3A_1306 = arith.constant 8 : i32
    %div3A_1307 = arith.divsi %get3A_1293, %jit3A_1306 : i32
    %sign3A_1308 = arith.constant 0 : i32
    %sign3A_1309 = arith.cmpi sgt, %get3A_1293, %sign3A_1308 : i32
    %sign3A_1310 = arith.extui %sign3A_1309 : i1 to i32
    %sign3A_1311 = arith.constant 0 : i32
    %sign3A_1312 = arith.cmpi slt, %get3A_1293, %sign3A_1311 : i32
    %sign3A_1313 = arith.extui %sign3A_1312 : i1 to i32
    %sign3A_1314 = arith.subi %sign3A_1310, %sign3A_1313 : i32
    %sign3A_1315 = arith.constant 0 : i32
    %sign3A_1316 = arith.cmpi sgt, %jit3A_1306, %sign3A_1315 : i32
    %sign3A_1317 = arith.extui %sign3A_1316 : i1 to i32
    %sign3A_1318 = arith.constant 0 : i32
    %sign3A_1319 = arith.cmpi slt, %jit3A_1306, %sign3A_1318 : i32
    %sign3A_1320 = arith.extui %sign3A_1319 : i1 to i32
    %sign3A_1321 = arith.subi %sign3A_1317, %sign3A_1320 : i32
    %ne3A_1322 = arith.cmpi ne, %sign3A_1314, %sign3A_1321 : i32
    %rem3A_1323 = arith.remsi %get3A_1293, %jit3A_1306 : i32
    %ne3A_1324 = arith.constant 0 : i32
    %ne3A_1325 = arith.cmpi ne, %rem3A_1323, %ne3A_1324 : i32
    %and3A_1326 = arith.andi %ne3A_1322, %ne3A_1325 : i1
    %sub3A_1327 = arith.constant 1 : i32
    %sub3A_1328 = arith.subi %div3A_1307, %sub3A_1327 : i32
    %select_n3A_1329 = arith.select %and3A_1326, %sub3A_1328, %div3A_1307 : i32
    %jit3A_1330 = arith.constant 8 : i32
    %div3A_1331 = arith.divsi %get3A_1297, %jit3A_1330 : i32
    %sign3A_1332 = arith.constant 0 : i32
    %sign3A_1333 = arith.cmpi sgt, %get3A_1297, %sign3A_1332 : i32
    %sign3A_1334 = arith.extui %sign3A_1333 : i1 to i32
    %sign3A_1335 = arith.constant 0 : i32
    %sign3A_1336 = arith.cmpi slt, %get3A_1297, %sign3A_1335 : i32
    %sign3A_1337 = arith.extui %sign3A_1336 : i1 to i32
    %sign3A_1338 = arith.subi %sign3A_1334, %sign3A_1337 : i32
    %sign3A_1339 = arith.constant 0 : i32
    %sign3A_1340 = arith.cmpi sgt, %jit3A_1330, %sign3A_1339 : i32
    %sign3A_1341 = arith.extui %sign3A_1340 : i1 to i32
    %sign3A_1342 = arith.constant 0 : i32
    %sign3A_1343 = arith.cmpi slt, %jit3A_1330, %sign3A_1342 : i32
    %sign3A_1344 = arith.extui %sign3A_1343 : i1 to i32
    %sign3A_1345 = arith.subi %sign3A_1341, %sign3A_1344 : i32
    %ne3A_1346 = arith.cmpi ne, %sign3A_1338, %sign3A_1345 : i32
    %rem3A_1347 = arith.remsi %get3A_1297, %jit3A_1330 : i32
    %ne3A_1348 = arith.constant 0 : i32
    %ne3A_1349 = arith.cmpi ne, %rem3A_1347, %ne3A_1348 : i32
    %and3A_1350 = arith.andi %ne3A_1346, %ne3A_1349 : i1
    %sub3A_1351 = arith.constant 1 : i32
    %sub3A_1352 = arith.subi %div3A_1331, %sub3A_1351 : i32
    %select_n3A_1353 = arith.select %and3A_1350, %sub3A_1352, %div3A_1331 : i32
    %add3A_1354 = arith.constant 1 : i32
    %add3A_1355 = arith.addi %get3A_1293, %add3A_1354 : i32
    %jit3A_1356 = arith.constant 8 : i32
    %div3A_1357 = arith.divsi %add3A_1355, %jit3A_1356 : i32
    %sign3A_1358 = arith.constant 0 : i32
    %sign3A_1359 = arith.cmpi sgt, %add3A_1355, %sign3A_1358 : i32
    %sign3A_1360 = arith.extui %sign3A_1359 : i1 to i32
    %sign3A_1361 = arith.constant 0 : i32
    %sign3A_1362 = arith.cmpi slt, %add3A_1355, %sign3A_1361 : i32
    %sign3A_1363 = arith.extui %sign3A_1362 : i1 to i32
    %sign3A_1364 = arith.subi %sign3A_1360, %sign3A_1363 : i32
    %sign3A_1365 = arith.constant 0 : i32
    %sign3A_1366 = arith.cmpi sgt, %jit3A_1356, %sign3A_1365 : i32
    %sign3A_1367 = arith.extui %sign3A_1366 : i1 to i32
    %sign3A_1368 = arith.constant 0 : i32
    %sign3A_1369 = arith.cmpi slt, %jit3A_1356, %sign3A_1368 : i32
    %sign3A_1370 = arith.extui %sign3A_1369 : i1 to i32
    %sign3A_1371 = arith.subi %sign3A_1367, %sign3A_1370 : i32
    %ne3A_1372 = arith.cmpi ne, %sign3A_1364, %sign3A_1371 : i32
    %rem3A_1373 = arith.remsi %add3A_1355, %jit3A_1356 : i32
    %ne3A_1374 = arith.constant 0 : i32
    %ne3A_1375 = arith.cmpi ne, %rem3A_1373, %ne3A_1374 : i32
    %and3A_1376 = arith.andi %ne3A_1372, %ne3A_1375 : i1
    %sub3A_1377 = arith.constant 1 : i32
    %sub3A_1378 = arith.subi %div3A_1357, %sub3A_1377 : i32
    %select_n3A_1379 = arith.select %and3A_1376, %sub3A_1378, %div3A_1357 : i32
    %add3A_1380 = arith.constant 1 : i32
    %add3A_1381 = arith.addi %get3A_1297, %add3A_1380 : i32
    %jit3A_1382 = arith.constant 8 : i32
    %div3A_1383 = arith.divsi %add3A_1381, %jit3A_1382 : i32
    %sign3A_1384 = arith.constant 0 : i32
    %sign3A_1385 = arith.cmpi sgt, %add3A_1381, %sign3A_1384 : i32
    %sign3A_1386 = arith.extui %sign3A_1385 : i1 to i32
    %sign3A_1387 = arith.constant 0 : i32
    %sign3A_1388 = arith.cmpi slt, %add3A_1381, %sign3A_1387 : i32
    %sign3A_1389 = arith.extui %sign3A_1388 : i1 to i32
    %sign3A_1390 = arith.subi %sign3A_1386, %sign3A_1389 : i32
    %sign3A_1391 = arith.constant 0 : i32
    %sign3A_1392 = arith.cmpi sgt, %jit3A_1382, %sign3A_1391 : i32
    %sign3A_1393 = arith.extui %sign3A_1392 : i1 to i32
    %sign3A_1394 = arith.constant 0 : i32
    %sign3A_1395 = arith.cmpi slt, %jit3A_1382, %sign3A_1394 : i32
    %sign3A_1396 = arith.extui %sign3A_1395 : i1 to i32
    %sign3A_1397 = arith.subi %sign3A_1393, %sign3A_1396 : i32
    %ne3A_1398 = arith.cmpi ne, %sign3A_1390, %sign3A_1397 : i32
    %rem3A_1399 = arith.remsi %add3A_1381, %jit3A_1382 : i32
    %ne3A_1400 = arith.constant 0 : i32
    %ne3A_1401 = arith.cmpi ne, %rem3A_1399, %ne3A_1400 : i32
    %and3A_1402 = arith.andi %ne3A_1398, %ne3A_1401 : i1
    %sub3A_1403 = arith.constant 1 : i32
    %sub3A_1404 = arith.subi %div3A_1383, %sub3A_1403 : i32
    %select_n3A_1405 = arith.select %and3A_1402, %sub3A_1404, %div3A_1383 : i32
    %lt3A_1406 = vector.broadcast %select_n3A_1379 : i32 to vector<64x128xi32>
    %lt3A_1407 = arith.cmpi slt, %iota3A, %lt3A_1406 : vector<64x128xi32>
    %jit3A_1408 = arith.constant -1.000000e+30 : f32
    %broadcast_in_dim3A_1409 = vector.broadcast %jit3A_1408 : f32 to vector<64x128xf32>
    %select_n3A_1410 = arith.select %lt3A_1407, %reduce_max3A_1305, %broadcast_in_dim3A_1409 : vector<64x128xi1>, vector<64x128xf32>
    %reduce_max3A_1411 = arith.constant dense<0xFF800000> : vector<128xf32>
    %reduce_max3A_1412 = vector.multi_reduction <maximumf>, %select_n3A_1410, %reduce_max3A_1411 [0] : vector<64x128xf32> to vector<128xf32>
    %gt3A_1413 = vector.broadcast %select_n3A_1329 : i32 to vector<64x128xi32>
    %gt3A_1414 = arith.cmpi sgt, %iota3A, %gt3A_1413 : vector<64x128xi32>
    %lt3A_1415 = vector.broadcast %select_n3A_1405 : i32 to vector<64x128xi32>
    %lt3A_1416 = arith.cmpi slt, %iota3A, %lt3A_1415 : vector<64x128xi32>
    %and3A_1417 = arith.andi %gt3A_1414, %lt3A_1416 : vector<64x128xi1>
    %jit3A_1418 = arith.constant -1.000000e+30 : f32
    %broadcast_in_dim3A_1419 = vector.broadcast %jit3A_1418 : f32 to vector<64x128xf32>
    %select_n3A_1420 = arith.select %and3A_1417, %reduce_max3A_1305, %broadcast_in_dim3A_1419 : vector<64x128xi1>, vector<64x128xf32>
    %reduce_max3A_1421 = arith.constant dense<0xFF800000> : vector<128xf32>
    %reduce_max3A_1422 = vector.multi_reduction <maximumf>, %select_n3A_1420, %reduce_max3A_1421 [0] : vector<64x128xf32> to vector<128xf32>
    %gt3A_1423 = vector.broadcast %select_n3A_1353 : i32 to vector<64x128xi32>
    %gt3A_1424 = arith.cmpi sgt, %iota3A, %gt3A_1423 : vector<64x128xi32>
    %jit3A_1425 = arith.constant -1.000000e+30 : f32
    %broadcast_in_dim3A_1426 = vector.broadcast %jit3A_1425 : f32 to vector<64x128xf32>
    %select_n3A_1427 = arith.select %gt3A_1424, %reduce_max3A_1305, %broadcast_in_dim3A_1426 : vector<64x128xi1>, vector<64x128xf32>
    %reduce_max3A_1428 = arith.constant dense<0xFF800000> : vector<128xf32>
    %reduce_max3A_1429 = vector.multi_reduction <maximumf>, %select_n3A_1427, %reduce_max3A_1428 [0] : vector<64x128xf32> to vector<128xf32>
    %mul3A_1430 = arith.constant 8 : i32
    %mul3A_1431 = arith.muli %select_n3A_1329, %mul3A_1430 : i32
    %get3A_1432 = arith.constant 6 : index
    %get3A_1433 = arith.index_cast %mul3A_1431 : i32 to index
    %get3A_1434 = arith.constant 0 : index
    %get3A_1435 = vector.load %arg3[%get3A_1432, %get3A_1433, %get3A_1434] : memref<8x512x128xf32, #tpu.memory_space<vmem>>, vector<1x8x128xf32>
    %get3A_1436 = vector.shape_cast %get3A_1435 : vector<1x8x128xf32> to vector<8x128xf32>
    %mul3A_1437 = arith.constant 8 : i32
    %mul3A_1438 = arith.muli %select_n3A_1329, %mul3A_1437 : i32
    %add3A_1439 = vector.broadcast %mul3A_1438 : i32 to vector<8x128xi32>
    %add3A_1440 = arith.addi %iota3A_0, %add3A_1439 : vector<8x128xi32>
    %le3A_1441 = vector.broadcast %get3A_1293 : i32 to vector<8x128xi32>
    %le3A_1442 = arith.cmpi sle, %add3A_1440, %le3A_1441 : vector<8x128xi32>
    %jit3A_1443 = arith.constant -1.000000e+30 : f32
    %broadcast_in_dim3A_1444 = vector.broadcast %jit3A_1443 : f32 to vector<8x128xf32>
    %select_n3A_1445 = arith.select %le3A_1442, %get3A_1436, %broadcast_in_dim3A_1444 : vector<8x128xi1>, vector<8x128xf32>
    %reduce_max3A_1446 = arith.constant dense<0xFF800000> : vector<128xf32>
    %reduce_max3A_1447 = vector.multi_reduction <maximumf>, %select_n3A_1445, %reduce_max3A_1446 [0] : vector<8x128xf32> to vector<128xf32>
    %max3A_1448 = arith.maximumf %reduce_max3A_1412, %reduce_max3A_1447 : vector<128xf32>
    %gt3A_1449 = vector.broadcast %get3A_1293 : i32 to vector<8x128xi32>
    %gt3A_1450 = arith.cmpi sgt, %add3A_1440, %gt3A_1449 : vector<8x128xi32>
    %le3A_1451 = vector.broadcast %get3A_1297 : i32 to vector<8x128xi32>
    %le3A_1452 = arith.cmpi sle, %add3A_1440, %le3A_1451 : vector<8x128xi32>
    %and3A_1453 = arith.andi %gt3A_1450, %le3A_1452 : vector<8x128xi1>
    %jit3A_1454 = arith.constant -1.000000e+30 : f32
    %broadcast_in_dim3A_1455 = vector.broadcast %jit3A_1454 : f32 to vector<8x128xf32>
    %select_n3A_1456 = arith.select %and3A_1453, %get3A_1436, %broadcast_in_dim3A_1455 : vector<8x128xi1>, vector<8x128xf32>
    %reduce_max3A_1457 = arith.constant dense<0xFF800000> : vector<128xf32>
    %reduce_max3A_1458 = vector.multi_reduction <maximumf>, %select_n3A_1456, %reduce_max3A_1457 [0] : vector<8x128xf32> to vector<128xf32>
    %max3A_1459 = arith.maximumf %reduce_max3A_1422, %reduce_max3A_1458 : vector<128xf32>
    %mul3A_1460 = arith.constant 8 : i32
    %mul3A_1461 = arith.muli %select_n3A_1353, %mul3A_1460 : i32
    %get3A_1462 = arith.constant 6 : index
    %get3A_1463 = arith.index_cast %mul3A_1461 : i32 to index
    %get3A_1464 = arith.constant 0 : index
    %get3A_1465 = vector.load %arg3[%get3A_1462, %get3A_1463, %get3A_1464] : memref<8x512x128xf32, #tpu.memory_space<vmem>>, vector<1x8x128xf32>
    %get3A_1466 = vector.shape_cast %get3A_1465 : vector<1x8x128xf32> to vector<8x128xf32>
    %mul3A_1467 = arith.constant 8 : i32
    %mul3A_1468 = arith.muli %select_n3A_1353, %mul3A_1467 : i32
    %add3A_1469 = vector.broadcast %mul3A_1468 : i32 to vector<8x128xi32>
    %add3A_1470 = arith.addi %iota3A_0, %add3A_1469 : vector<8x128xi32>
    %gt3A_1471 = vector.broadcast %get3A_1293 : i32 to vector<8x128xi32>
    %gt3A_1472 = arith.cmpi sgt, %add3A_1470, %gt3A_1471 : vector<8x128xi32>
    %le3A_1473 = vector.broadcast %get3A_1297 : i32 to vector<8x128xi32>
    %le3A_1474 = arith.cmpi sle, %add3A_1470, %le3A_1473 : vector<8x128xi32>
    %and3A_1475 = arith.andi %gt3A_1472, %le3A_1474 : vector<8x128xi1>
    %jit3A_1476 = arith.constant -1.000000e+30 : f32
    %broadcast_in_dim3A_1477 = vector.broadcast %jit3A_1476 : f32 to vector<8x128xf32>
    %select_n3A_1478 = arith.select %and3A_1475, %get3A_1466, %broadcast_in_dim3A_1477 : vector<8x128xi1>, vector<8x128xf32>
    %reduce_max3A_1479 = arith.constant dense<0xFF800000> : vector<128xf32>
    %reduce_max3A_1480 = vector.multi_reduction <maximumf>, %select_n3A_1478, %reduce_max3A_1479 [0] : vector<8x128xf32> to vector<128xf32>
    %max3A_1481 = arith.maximumf %max3A_1459, %reduce_max3A_1480 : vector<128xf32>
    %gt3A_1482 = vector.broadcast %get3A_1297 : i32 to vector<8x128xi32>
    %gt3A_1483 = arith.cmpi sgt, %add3A_1470, %gt3A_1482 : vector<8x128xi32>
    %jit3A_1484 = arith.constant -1.000000e+30 : f32
    %broadcast_in_dim3A_1485 = vector.broadcast %jit3A_1484 : f32 to vector<8x128xf32>
    %select_n3A_1486 = arith.select %gt3A_1483, %get3A_1466, %broadcast_in_dim3A_1485 : vector<8x128xi1>, vector<8x128xf32>
    %reduce_max3A_1487 = arith.constant dense<0xFF800000> : vector<128xf32>
    %reduce_max3A_1488 = vector.multi_reduction <maximumf>, %select_n3A_1486, %reduce_max3A_1487 [0] : vector<8x128xf32> to vector<128xf32>
    %max3A_1489 = arith.maximumf %reduce_max3A_1429, %reduce_max3A_1488 : vector<128xf32>
    %swap3A_1490 = arith.constant 6 : index
    %swap3A_1491 = arith.constant 0 : index
    %swap3A_1492 = arith.constant 0 : index
    %swap3A_1493 = vector.load %arg4[%swap3A_1490, %swap3A_1491, %swap3A_1492] : memref<8x1x384xf32, #tpu.memory_space<vmem>>, vector<1x1x128xf32>
    %swap3A_1494 = vector.shape_cast %swap3A_1493 : vector<1x1x128xf32> to vector<128xf32>
    %swap3A_1495 = vector.shape_cast %max3A_1448 : vector<128xf32> to vector<1x1x128xf32>
    tpu.vector_store %arg4[%swap3A_1490, %swap3A_1491, %swap3A_1492], %swap3A_1495 {strides = array<i32>} : memref<8x1x384xf32, #tpu.memory_space<vmem>>, vector<1x1x128xf32>,
    %swap3A_1496 = arith.constant 6 : index
    %swap3A_1497 = arith.constant 0 : index
    %swap3A_1498 = arith.constant 128 : index
    %swap3A_1499 = vector.load %arg4[%swap3A_1496, %swap3A_1497, %swap3A_1498] : memref<8x1x384xf32, #tpu.memory_space<vmem>>, vector<1x1x128xf32>
    %swap3A_1500 = vector.shape_cast %swap3A_1499 : vector<1x1x128xf32> to vector<128xf32>
    %swap3A_1501 = vector.shape_cast %max3A_1481 : vector<128xf32> to vector<1x1x128xf32>
    tpu.vector_store %arg4[%swap3A_1496, %swap3A_1497, %swap3A_1498], %swap3A_1501 {strides = array<i32>} : memref<8x1x384xf32, #tpu.memory_space<vmem>>, vector<1x1x128xf32>,
    %swap3A_1502 = arith.constant 6 : index
    %swap3A_1503 = arith.constant 0 : index
    %swap3A_1504 = arith.constant 256 : index
    %swap3A_1505 = vector.load %arg4[%swap3A_1502, %swap3A_1503, %swap3A_1504] : memref<8x1x384xf32, #tpu.memory_space<vmem>>, vector<1x1x128xf32>
    %swap3A_1506 = vector.shape_cast %swap3A_1505 : vector<1x1x128xf32> to vector<128xf32>
    %swap3A_1507 = vector.shape_cast %max3A_1489 : vector<128xf32> to vector<1x1x128xf32>
    tpu.vector_store %arg4[%swap3A_1502, %swap3A_1503, %swap3A_1504], %swap3A_1507 {strides = array<i32>} : memref<8x1x384xf32, #tpu.memory_space<vmem>>, vector<1x1x128xf32>,
    %get3A_1508 = arith.constant 7 : index
    %get3A_1509 = arith.constant 0 : index
    %get3A_1510 = arith.constant 0 : index
    %get3A_1511 = memref.load %arg1[%get3A_1508, %get3A_1509, %get3A_1510] : memref<8x1x1xi32, #tpu.memory_space<smem>>
    %get3A_1512 = arith.constant 7 : index
    %get3A_1513 = arith.constant 0 : index
    %get3A_1514 = arith.constant 0 : index
    %get3A_1515 = memref.load %arg2[%get3A_1512, %get3A_1513, %get3A_1514] : memref<8x1x1xi32, #tpu.memory_space<smem>>
    %get3A_1516 = arith.constant 7 : index
    %get3A_1517 = arith.constant 0 : index
    %get3A_1518 = arith.constant 0 : index
    %get3A_1519 = vector.load %arg3[%get3A_1516, %get3A_1517, %get3A_1518] : memref<8x512x128xf32, #tpu.memory_space<vmem>>, vector<1x512x128xf32>
    %get3A_1520 = vector.shape_cast %get3A_1519 : vector<1x512x128xf32> to vector<512x128xf32>
    %reshape3A_1521 = vector.shape_cast %get3A_1520 : vector<512x128xf32> to vector<64x8x128xf32>
    %reduce_max3A_1522 = arith.constant dense<0xFF800000> : vector<64x128xf32>
    %reduce_max3A_1523 = vector.multi_reduction <maximumf>, %reshape3A_1521, %reduce_max3A_1522 [1] : vector<64x8x128xf32> to vector<64x128xf32>
    %jit3A_1524 = arith.constant 8 : i32
    %div3A_1525 = arith.divsi %get3A_1511, %jit3A_1524 : i32
    %sign3A_1526 = arith.constant 0 : i32
    %sign3A_1527 = arith.cmpi sgt, %get3A_1511, %sign3A_1526 : i32
    %sign3A_1528 = arith.extui %sign3A_1527 : i1 to i32
    %sign3A_1529 = arith.constant 0 : i32
    %sign3A_1530 = arith.cmpi slt, %get3A_1511, %sign3A_1529 : i32
    %sign3A_1531 = arith.extui %sign3A_1530 : i1 to i32
    %sign3A_1532 = arith.subi %sign3A_1528, %sign3A_1531 : i32
    %sign3A_1533 = arith.constant 0 : i32
    %sign3A_1534 = arith.cmpi sgt, %jit3A_1524, %sign3A_1533 : i32
    %sign3A_1535 = arith.extui %sign3A_1534 : i1 to i32
    %sign3A_1536 = arith.constant 0 : i32
    %sign3A_1537 = arith.cmpi slt, %jit3A_1524, %sign3A_1536 : i32
    %sign3A_1538 = arith.extui %sign3A_1537 : i1 to i32
    %sign3A_1539 = arith.subi %sign3A_1535, %sign3A_1538 : i32
    %ne3A_1540 = arith.cmpi ne, %sign3A_1532, %sign3A_1539 : i32
    %rem3A_1541 = arith.remsi %get3A_1511, %jit3A_1524 : i32
    %ne3A_1542 = arith.constant 0 : i32
    %ne3A_1543 = arith.cmpi ne, %rem3A_1541, %ne3A_1542 : i32
    %and3A_1544 = arith.andi %ne3A_1540, %ne3A_1543 : i1
    %sub3A_1545 = arith.constant 1 : i32
    %sub3A_1546 = arith.subi %div3A_1525, %sub3A_1545 : i32
    %select_n3A_1547 = arith.select %and3A_1544, %sub3A_1546, %div3A_1525 : i32
    %jit3A_1548 = arith.constant 8 : i32
    %div3A_1549 = arith.divsi %get3A_1515, %jit3A_1548 : i32
    %sign3A_1550 = arith.constant 0 : i32
    %sign3A_1551 = arith.cmpi sgt, %get3A_1515, %sign3A_1550 : i32
    %sign3A_1552 = arith.extui %sign3A_1551 : i1 to i32
    %sign3A_1553 = arith.constant 0 : i32
    %sign3A_1554 = arith.cmpi slt, %get3A_1515, %sign3A_1553 : i32
    %sign3A_1555 = arith.extui %sign3A_1554 : i1 to i32
    %sign3A_1556 = arith.subi %sign3A_1552, %sign3A_1555 : i32
    %sign3A_1557 = arith.constant 0 : i32
    %sign3A_1558 = arith.cmpi sgt, %jit3A_1548, %sign3A_1557 : i32
    %sign3A_1559 = arith.extui %sign3A_1558 : i1 to i32
    %sign3A_1560 = arith.constant 0 : i32
    %sign3A_1561 = arith.cmpi slt, %jit3A_1548, %sign3A_1560 : i32
    %sign3A_1562 = arith.extui %sign3A_1561 : i1 to i32
    %sign3A_1563 = arith.subi %sign3A_1559, %sign3A_1562 : i32
    %ne3A_1564 = arith.cmpi ne, %sign3A_1556, %sign3A_1563 : i32
    %rem3A_1565 = arith.remsi %get3A_1515, %jit3A_1548 : i32
    %ne3A_1566 = arith.constant 0 : i32
    %ne3A_1567 = arith.cmpi ne, %rem3A_1565, %ne3A_1566 : i32
    %and3A_1568 = arith.andi %ne3A_1564, %ne3A_1567 : i1
    %sub3A_1569 = arith.constant 1 : i32
    %sub3A_1570 = arith.subi %div3A_1549, %sub3A_1569 : i32
    %select_n3A_1571 = arith.select %and3A_1568, %sub3A_1570, %div3A_1549 : i32
    %add3A_1572 = arith.constant 1 : i32
    %add3A_1573 = arith.addi %get3A_1511, %add3A_1572 : i32
    %jit3A_1574 = arith.constant 8 : i32
    %div3A_1575 = arith.divsi %add3A_1573, %jit3A_1574 : i32
    %sign3A_1576 = arith.constant 0 : i32
    %sign3A_1577 = arith.cmpi sgt, %add3A_1573, %sign3A_1576 : i32
    %sign3A_1578 = arith.extui %sign3A_1577 : i1 to i32
    %sign3A_1579 = arith.constant 0 : i32
    %sign3A_1580 = arith.cmpi slt, %add3A_1573, %sign3A_1579 : i32
    %sign3A_1581 = arith.extui %sign3A_1580 : i1 to i32
    %sign3A_1582 = arith.subi %sign3A_1578, %sign3A_1581 : i32
    %sign3A_1583 = arith.constant 0 : i32
    %sign3A_1584 = arith.cmpi sgt, %jit3A_1574, %sign3A_1583 : i32
    %sign3A_1585 = arith.extui %sign3A_1584 : i1 to i32
    %sign3A_1586 = arith.constant 0 : i32
    %sign3A_1587 = arith.cmpi slt, %jit3A_1574, %sign3A_1586 : i32
    %sign3A_1588 = arith.extui %sign3A_1587 : i1 to i32
    %sign3A_1589 = arith.subi %sign3A_1585, %sign3A_1588 : i32
    %ne3A_1590 = arith.cmpi ne, %sign3A_1582, %sign3A_1589 : i32
    %rem3A_1591 = arith.remsi %add3A_1573, %jit3A_1574 : i32
    %ne3A_1592 = arith.constant 0 : i32
    %ne3A_1593 = arith.cmpi ne, %rem3A_1591, %ne3A_1592 : i32
    %and3A_1594 = arith.andi %ne3A_1590, %ne3A_1593 : i1
    %sub3A_1595 = arith.constant 1 : i32
    %sub3A_1596 = arith.subi %div3A_1575, %sub3A_1595 : i32
    %select_n3A_1597 = arith.select %and3A_1594, %sub3A_1596, %div3A_1575 : i32
    %add3A_1598 = arith.constant 1 : i32
    %add3A_1599 = arith.addi %get3A_1515, %add3A_1598 : i32
    %jit3A_1600 = arith.constant 8 : i32
    %div3A_1601 = arith.divsi %add3A_1599, %jit3A_1600 : i32
    %sign3A_1602 = arith.constant 0 : i32
    %sign3A_1603 = arith.cmpi sgt, %add3A_1599, %sign3A_1602 : i32
    %sign3A_1604 = arith.extui %sign3A_1603 : i1 to i32
    %sign3A_1605 = arith.constant 0 : i32
    %sign3A_1606 = arith.cmpi slt, %add3A_1599, %sign3A_1605 : i32
    %sign3A_1607 = arith.extui %sign3A_1606 : i1 to i32
    %sign3A_1608 = arith.subi %sign3A_1604, %sign3A_1607 : i32
    %sign3A_1609 = arith.constant 0 : i32
    %sign3A_1610 = arith.cmpi sgt, %jit3A_1600, %sign3A_1609 : i32
    %sign3A_1611 = arith.extui %sign3A_1610 : i1 to i32
    %sign3A_1612 = arith.constant 0 : i32
    %sign3A_1613 = arith.cmpi slt, %jit3A_1600, %sign3A_1612 : i32
    %sign3A_1614 = arith.extui %sign3A_1613 : i1 to i32
    %sign3A_1615 = arith.subi %sign3A_1611, %sign3A_1614 : i32
    %ne3A_1616 = arith.cmpi ne, %sign3A_1608, %sign3A_1615 : i32
    %rem3A_1617 = arith.remsi %add3A_1599, %jit3A_1600 : i32
    %ne3A_1618 = arith.constant 0 : i32
    %ne3A_1619 = arith.cmpi ne, %rem3A_1617, %ne3A_1618 : i32
    %and3A_1620 = arith.andi %ne3A_1616, %ne3A_1619 : i1
    %sub3A_1621 = arith.constant 1 : i32
    %sub3A_1622 = arith.subi %div3A_1601, %sub3A_1621 : i32
    %select_n3A_1623 = arith.select %and3A_1620, %sub3A_1622, %div3A_1601 : i32
    %lt3A_1624 = vector.broadcast %select_n3A_1597 : i32 to vector<64x128xi32>
    %lt3A_1625 = arith.cmpi slt, %iota3A, %lt3A_1624 : vector<64x128xi32>
    %jit3A_1626 = arith.constant -1.000000e+30 : f32
    %broadcast_in_dim3A_1627 = vector.broadcast %jit3A_1626 : f32 to vector<64x128xf32>
    %select_n3A_1628 = arith.select %lt3A_1625, %reduce_max3A_1523, %broadcast_in_dim3A_1627 : vector<64x128xi1>, vector<64x128xf32>
    %reduce_max3A_1629 = arith.constant dense<0xFF800000> : vector<128xf32>
    %reduce_max3A_1630 = vector.multi_reduction <maximumf>, %select_n3A_1628, %reduce_max3A_1629 [0] : vector<64x128xf32> to vector<128xf32>
    %gt3A_1631 = vector.broadcast %select_n3A_1547 : i32 to vector<64x128xi32>
    %gt3A_1632 = arith.cmpi sgt, %iota3A, %gt3A_1631 : vector<64x128xi32>
    %lt3A_1633 = vector.broadcast %select_n3A_1623 : i32 to vector<64x128xi32>
    %lt3A_1634 = arith.cmpi slt, %iota3A, %lt3A_1633 : vector<64x128xi32>
    %and3A_1635 = arith.andi %gt3A_1632, %lt3A_1634 : vector<64x128xi1>
    %jit3A_1636 = arith.constant -1.000000e+30 : f32
    %broadcast_in_dim3A_1637 = vector.broadcast %jit3A_1636 : f32 to vector<64x128xf32>
    %select_n3A_1638 = arith.select %and3A_1635, %reduce_max3A_1523, %broadcast_in_dim3A_1637 : vector<64x128xi1>, vector<64x128xf32>
    %reduce_max3A_1639 = arith.constant dense<0xFF800000> : vector<128xf32>
    %reduce_max3A_1640 = vector.multi_reduction <maximumf>, %select_n3A_1638, %reduce_max3A_1639 [0] : vector<64x128xf32> to vector<128xf32>
    %gt3A_1641 = vector.broadcast %select_n3A_1571 : i32 to vector<64x128xi32>
    %gt3A_1642 = arith.cmpi sgt, %iota3A, %gt3A_1641 : vector<64x128xi32>
    %jit3A_1643 = arith.constant -1.000000e+30 : f32
    %broadcast_in_dim3A_1644 = vector.broadcast %jit3A_1643 : f32 to vector<64x128xf32>
    %select_n3A_1645 = arith.select %gt3A_1642, %reduce_max3A_1523, %broadcast_in_dim3A_1644 : vector<64x128xi1>, vector<64x128xf32>
    %reduce_max3A_1646 = arith.constant dense<0xFF800000> : vector<128xf32>
    %reduce_max3A_1647 = vector.multi_reduction <maximumf>, %select_n3A_1645, %reduce_max3A_1646 [0] : vector<64x128xf32> to vector<128xf32>
    %mul3A_1648 = arith.constant 8 : i32
    %mul3A_1649 = arith.muli %select_n3A_1547, %mul3A_1648 : i32
    %get3A_1650 = arith.constant 7 : index
    %get3A_1651 = arith.index_cast %mul3A_1649 : i32 to index
    %get3A_1652 = arith.constant 0 : index
    %get3A_1653 = vector.load %arg3[%get3A_1650, %get3A_1651, %get3A_1652] : memref<8x512x128xf32, #tpu.memory_space<vmem>>, vector<1x8x128xf32>
    %get3A_1654 = vector.shape_cast %get3A_1653 : vector<1x8x128xf32> to vector<8x128xf32>
    %mul3A_1655 = arith.constant 8 : i32
    %mul3A_1656 = arith.muli %select_n3A_1547, %mul3A_1655 : i32
    %add3A_1657 = vector.broadcast %mul3A_1656 : i32 to vector<8x128xi32>
    %add3A_1658 = arith.addi %iota3A_0, %add3A_1657 : vector<8x128xi32>
    %le3A_1659 = vector.broadcast %get3A_1511 : i32 to vector<8x128xi32>
    %le3A_1660 = arith.cmpi sle, %add3A_1658, %le3A_1659 : vector<8x128xi32>
    %jit3A_1661 = arith.constant -1.000000e+30 : f32
    %broadcast_in_dim3A_1662 = vector.broadcast %jit3A_1661 : f32 to vector<8x128xf32>
    %select_n3A_1663 = arith.select %le3A_1660, %get3A_1654, %broadcast_in_dim3A_1662 : vector<8x128xi1>, vector<8x128xf32>
    %reduce_max3A_1664 = arith.constant dense<0xFF800000> : vector<128xf32>
    %reduce_max3A_1665 = vector.multi_reduction <maximumf>, %select_n3A_1663, %reduce_max3A_1664 [0] : vector<8x128xf32> to vector<128xf32>
    %max3A_1666 = arith.maximumf %reduce_max3A_1630, %reduce_max3A_1665 : vector<128xf32>
    %gt3A_1667 = vector.broadcast %get3A_1511 : i32 to vector<8x128xi32>
    %gt3A_1668 = arith.cmpi sgt, %add3A_1658, %gt3A_1667 : vector<8x128xi32>
    %le3A_1669 = vector.broadcast %get3A_1515 : i32 to vector<8x128xi32>
    %le3A_1670 = arith.cmpi sle, %add3A_1658, %le3A_1669 : vector<8x128xi32>
    %and3A_1671 = arith.andi %gt3A_1668, %le3A_1670 : vector<8x128xi1>
    %jit3A_1672 = arith.constant -1.000000e+30 : f32
    %broadcast_in_dim3A_1673 = vector.broadcast %jit3A_1672 : f32 to vector<8x128xf32>
    %select_n3A_1674 = arith.select %and3A_1671, %get3A_1654, %broadcast_in_dim3A_1673 : vector<8x128xi1>, vector<8x128xf32>
    %reduce_max3A_1675 = arith.constant dense<0xFF800000> : vector<128xf32>
    %reduce_max3A_1676 = vector.multi_reduction <maximumf>, %select_n3A_1674, %reduce_max3A_1675 [0] : vector<8x128xf32> to vector<128xf32>
    %max3A_1677 = arith.maximumf %reduce_max3A_1640, %reduce_max3A_1676 : vector<128xf32>
    %mul3A_1678 = arith.constant 8 : i32
    %mul3A_1679 = arith.muli %select_n3A_1571, %mul3A_1678 : i32
    %get3A_1680 = arith.constant 7 : index
    %get3A_1681 = arith.index_cast %mul3A_1679 : i32 to index
    %get3A_1682 = arith.constant 0 : index
    %get3A_1683 = vector.load %arg3[%get3A_1680, %get3A_1681, %get3A_1682] : memref<8x512x128xf32, #tpu.memory_space<vmem>>, vector<1x8x128xf32>
    %get3A_1684 = vector.shape_cast %get3A_1683 : vector<1x8x128xf32> to vector<8x128xf32>
    %mul3A_1685 = arith.constant 8 : i32
    %mul3A_1686 = arith.muli %select_n3A_1571, %mul3A_1685 : i32
    %add3A_1687 = vector.broadcast %mul3A_1686 : i32 to vector<8x128xi32>
    %add3A_1688 = arith.addi %iota3A_0, %add3A_1687 : vector<8x128xi32>
    %gt3A_1689 = vector.broadcast %get3A_1511 : i32 to vector<8x128xi32>
    %gt3A_1690 = arith.cmpi sgt, %add3A_1688, %gt3A_1689 : vector<8x128xi32>
    %le3A_1691 = vector.broadcast %get3A_1515 : i32 to vector<8x128xi32>
    %le3A_1692 = arith.cmpi sle, %add3A_1688, %le3A_1691 : vector<8x128xi32>
    %and3A_1693 = arith.andi %gt3A_1690, %le3A_1692 : vector<8x128xi1>
    %jit3A_1694 = arith.constant -1.000000e+30 : f32
    %broadcast_in_dim3A_1695 = vector.broadcast %jit3A_1694 : f32 to vector<8x128xf32>
    %select_n3A_1696 = arith.select %and3A_1693, %get3A_1684, %broadcast_in_dim3A_1695 : vector<8x128xi1>, vector<8x128xf32>
    %reduce_max3A_1697 = arith.constant dense<0xFF800000> : vector<128xf32>
    %reduce_max3A_1698 = vector.multi_reduction <maximumf>, %select_n3A_1696, %reduce_max3A_1697 [0] : vector<8x128xf32> to vector<128xf32>
    %max3A_1699 = arith.maximumf %max3A_1677, %reduce_max3A_1698 : vector<128xf32>
    %gt3A_1700 = vector.broadcast %get3A_1515 : i32 to vector<8x128xi32>
    %gt3A_1701 = arith.cmpi sgt, %add3A_1688, %gt3A_1700 : vector<8x128xi32>
    %jit3A_1702 = arith.constant -1.000000e+30 : f32
    %broadcast_in_dim3A_1703 = vector.broadcast %jit3A_1702 : f32 to vector<8x128xf32>
    %select_n3A_1704 = arith.select %gt3A_1701, %get3A_1684, %broadcast_in_dim3A_1703 : vector<8x128xi1>, vector<8x128xf32>
    %reduce_max3A_1705 = arith.constant dense<0xFF800000> : vector<128xf32>
    %reduce_max3A_1706 = vector.multi_reduction <maximumf>, %select_n3A_1704, %reduce_max3A_1705 [0] : vector<8x128xf32> to vector<128xf32>
    %max3A_1707 = arith.maximumf %reduce_max3A_1647, %reduce_max3A_1706 : vector<128xf32>
    %swap3A_1708 = arith.constant 7 : index
    %swap3A_1709 = arith.constant 0 : index
    %swap3A_1710 = arith.constant 0 : index
    %swap3A_1711 = vector.load %arg4[%swap3A_1708, %swap3A_1709, %swap3A_1710] : memref<8x1x384xf32, #tpu.memory_space<vmem>>, vector<1x1x128xf32>
    %swap3A_1712 = vector.shape_cast %swap3A_1711 : vector<1x1x128xf32> to vector<128xf32>
    %swap3A_1713 = vector.shape_cast %max3A_1666 : vector<128xf32> to vector<1x1x128xf32>
    tpu.vector_store %arg4[%swap3A_1708, %swap3A_1709, %swap3A_1710], %swap3A_1713 {strides = array<i32>} : memref<8x1x384xf32, #tpu.memory_space<vmem>>, vector<1x1x128xf32>,
    %swap3A_1714 = arith.constant 7 : index
    %swap3A_1715 = arith.constant 0 : index
    %swap3A_1716 = arith.constant 128 : index
    %swap3A_1717 = vector.load %arg4[%swap3A_1714, %swap3A_1715, %swap3A_1716] : memref<8x1x384xf32, #tpu.memory_space<vmem>>, vector<1x1x128xf32>
    %swap3A_1718 = vector.shape_cast %swap3A_1717 : vector<1x1x128xf32> to vector<128xf32>
    %swap3A_1719 = vector.shape_cast %max3A_1699 : vector<128xf32> to vector<1x1x128xf32>
    tpu.vector_store %arg4[%swap3A_1714, %swap3A_1715, %swap3A_1716], %swap3A_1719 {strides = array<i32>} : memref<8x1x384xf32, #tpu.memory_space<vmem>>, vector<1x1x128xf32>,
    %swap3A_1720 = arith.constant 7 : index
    %swap3A_1721 = arith.constant 0 : index
    %swap3A_1722 = arith.constant 256 : index
    %swap3A_1723 = vector.load %arg4[%swap3A_1720, %swap3A_1721, %swap3A_1722] : memref<8x1x384xf32, #tpu.memory_space<vmem>>, vector<1x1x128xf32>
    %swap3A_1724 = vector.shape_cast %swap3A_1723 : vector<1x1x128xf32> to vector<128xf32>
    %swap3A_1725 = vector.shape_cast %max3A_1707 : vector<128xf32> to vector<1x1x128xf32>
    tpu.vector_store %arg4[%swap3A_1720, %swap3A_1721, %swap3A_1722], %swap3A_1725 {strides = array<i32>} : memref<8x1x384xf32, #tpu.memory_space<vmem>>, vector<1x1x128xf32>,
    return
  }
  func.func @transform_0(%arg0: i32) -> (i32, i32, i32) {
    %add3A = arith.constant 80 : i32
    %add3A_0 = arith.addi %arg0, %add3A : i32
    %c0_i32 = arith.constant 0 : i32
    %c0_i32_1 = arith.constant 0 : i32
    %c0_i32_2 = arith.constant 0 : i32
    return %add3A_0, %c0_i32, %c0_i32_1 : i32, i32, i32
  }
  func.func @transform_1(%arg0: i32) -> (i32, i32, i32) {
    %add3A = arith.constant 80 : i32
    %add3A_0 = arith.addi %arg0, %add3A : i32
    %c0_i32 = arith.constant 0 : i32
    %c0_i32_1 = arith.constant 0 : i32
    %c0_i32_2 = arith.constant 0 : i32
    return %add3A_0, %c0_i32, %c0_i32_1 : i32, i32, i32
  }
  func.func @transform_2(%arg0: i32) -> (i32, i32, i32) {
    %add3A = arith.constant 80 : i32
    %add3A_0 = arith.addi %arg0, %add3A : i32
    %c0_i32 = arith.constant 0 : i32
    %c0_i32_1 = arith.constant 0 : i32
    %c0_i32_2 = arith.constant 0 : i32
    return %add3A_0, %c0_i32, %c0_i32_1 : i32, i32, i32
  }
  func.func @transform_3(%arg0: i32) -> (i32, i32, i32) {
    %c0_i32 = arith.constant 0 : i32
    %c0_i32_0 = arith.constant 0 : i32
    %c0_i32_1 = arith.constant 0 : i32
    return %arg0, %c0_i32, %c0_i32_0 : i32, i32, i32
  }
}

</mosaic_0001>

<sc_bundles>
// kernel: kernel.4.cloned.1.call-start
scs
__scs_entry_jumppad:
0x0: {  	(pc) =	sbr.rel $0x88, $3  }
0x1: {  	(tag) =	ssettag $0x0;
	lr =	simm.s32 $0x1  }
0x2: {  	[smem:$0x3F9E] =	sst lr;
	_ =	strace $0xD0000000  }
0x3: {  	_ = 	snop  }
0x4: {  	_ = 	snop  }
0x5: {  	_ = 	snop  }
0x6: {  	_ = 	snop  }
0x7: {  	_ = 	snop  }
__scs_overlays_trampoline_lowered:
0x8: {  	[smem:$0x3FAD] =	sst s0  }
0x9: {  	[smem:$0x3FAE] =	sst s1  }
0xa: {  	[smem:$0x3FAF] =	sst s2  }
0xb: {  	[smem:$0x3FB0] =	sst s3  }
0xc: {  	[smem:$0x3FB1] =	sst s4  }
0xd: {  	[smem:$0x3FB2] =	sst s5  }
0xe: {  	[smem:$0x3FB3] =	sst s6  }
0xf: {  	[smem:$0x3FB4] =	sst s7  }
0x10: {  	[smem:$0x3FB5] =	sst s8  }
0x11: {  	[smem:$0x3FB6] =	sst s9;
	s0 =	simm.s32 @!p0 $0x0  }
0x12: {  	s1 =	sld [smem:$0x3F9C];
	s0 =	simm.s32 @p0 $0x1  }
0x13: {  	[smem:$0x3FB7] =	sst s0;
	s0 =	simm.s32 @!p1 $0x0  }
0x14: {  	s2 =	sld [smem:$0x3F9B];
	s0 =	simm.s32 @p1 $0x1  }
0x15: {  	[smem:$0x3FB8] =	sst s0;
	s0 =	simm.s32 @!p2 $0x0  }
0x16: {  	s3 =	sld [smem:$0x3FDB];
	s0 =	simm.s32 @p2 $0x1  }
0x17: {  	s4 =	simm.s32 $0x1BF5;
	[smem:$0x3FBA] =	sst s0  }
0x18: {  	s0 =	sld [smem:$0x3F9D];
	_ =	swait.ge [sflag:s4], $0x0  }
0x19: {  	s7 =	sld [smem:$0x3F9E]  }
0x1a: {  	s8 =	sadd.s32 $0xFFFFE003, lr  }
0x1b: {  	s9 =	sadd.s32 $0xFFFFFEF7, lr;
	s5 =	simm.s32 $0xFFFFFFFF;
	p2 =	slt.u32 s8, $0xFFFFF086  }
0x1c: {  	p1 =	slt.u32 s9, $0xF7A;
	s5 =	simm.s32 @!p2 $0x0  }
0x1d: {  	s5 =	simm.s32 @p1 $0x1;
	p0 =	seq.s32 s7, s2  }
0x1e: {  	s7 =	smul.u32 @!p0 $0xF7A, s2;
	p2 =	seq.s32 @!p0 s5, $0x0  }
0x1f: {  	s9 =	smul.u32 $0xF7A, s1;
	s8 =	simm.s32 @!p0 $0x1BF5;
	p2 =	por !p2, p0  }
0x20: {  	[sflag:s8] =	ssyncset.s32 @!p0 $0xFFFFF086;
	s6 =	sadd.s32 @!p0 s3, s7;
	s7 =	simm.s32 @!p0 $0x108  }
0x21: {  	s3 =	sadd.s32 s3, s9;
	s6 =	sadd.s32 @!p0 $0x88, s6;
	s7 =	simm.s32 @p2 $0x1082  }
0x22: {  	[simem:s7], [sflag:s8] =	dma.local @!p0 [hbm:s6], $0xF7A  }
0x23: {  	s9 =	sor.u32 $0xD0000000, s2;
	s6 =	simm.s32 $0x108;
	_ =	swait.ge @!p0 [sflag:s8], $0x0  }
0x24: {  	s3 =	sadd.s32 $0x88, s3;
	s6 =	simm.s32 @!p1 $0x1082;
	[sflag:s4] =	ssyncset.s32 $0xFFFFF086  }
0x25: {  	[simem:s6], [sflag:s4] =	dma.local [hbm:s3], $0xF7A  }
0x26: {  	[smem:$0x3F9E] =	sst s1;
	(tag) =	ssettag s2;
	_ =	strace s9  }
0x27: {  	s1 =	sld [smem:$0x3FAE]  }
0x28: {  	s2 =	sld [smem:$0x3FAF]  }
0x29: {  	s4 =	sld [smem:$0x3FB1]  }
0x2a: {  	p0 =	seq.s32 s5, $0x0;
	s5 =	sld [smem:$0x3FB2]  }
0x2b: {  	s6 =	sld [smem:$0x3FB3]  }
0x2c: {  	s7 =	sld [smem:$0x3FB4]  }
0x2d: {  	s3 =	simm.s32 $0x108;
	s8 =	sld [smem:$0x3FB5]  }
0x2e: {  	s3 =	simm.s32 @!p0 $0x1082;
	s9 =	sld [smem:$0x3FB6]  }
0x2f: {  	lr =	sadd.s32 s0, s3;
	s0 =	sld [smem:$0x3FAD]  }
0x30: {  	s3 =	sld [smem:$0x3FB0]  }
0x31: {  	[smem:$0x3FB9] =	sst s10  }
0x32: {  	s10 =	sld [smem:$0x3FB7];
	_ =	sdelay $0x3  }
0x33: {  	p0 =	seq.s32 s10, $0x1;
	s10 =	sld [smem:$0x3FB9];
	_ =	sdelay $0x3  }
0x34: {  	[smem:$0x3FB9] =	sst s10  }
0x35: {  	s10 =	sld [smem:$0x3FB8];
	_ =	sdelay $0x3  }
0x36: {  	p1 =	seq.s32 s10, $0x1;
	s10 =	sld [smem:$0x3FB9];
	_ =	sdelay $0x3  }
0x37: {  	[smem:$0x3FB9] =	sst s10  }
0x38: {  	s10 =	sld [smem:$0x3FBA]  }
0x39: {  	_ = 	snop;
	(pc) =	sbr.ind lr, $3  }
0x3a: {  	_ = 	snop  }
0x3b: {  	_ = 	snop  }
0x3c: {  	p2 =	seq.s32 s10, $0x1;
	s10 =	sld [smem:$0x3FB9]  }
0x3d: {  	_ =	shalt  }
0x3e: {  	_ =	shalt  }
0x3f: {  	_ =	shalt  }
0x40: {  	_ =	shalt  }
0x41: {  	_ =	shalt  }
0x42: {  	_ =	shalt  }
0x43: {  	_ =	shalt  }
0x44: {  	_ =	shalt  }
0x45: {  	_ =	shalt  }
0x46: {  	_ =	shalt  }
0x47: {  	_ =	shalt  }
0x48: {  	_ =	shalt  }
0x49: {  	_ =	shalt  }
0x4a: {  	_ =	shalt  }
0x4b: {  	_ =	shalt  }
0x4c: {  	_ =	shalt  }
0x4d: {  	_ =	shalt  }
0x4e: {  	_ =	shalt  }
0x4f: {  	_ =	shalt  }
0x50: {  	_ =	shalt  }
0x51: {  	_ =	shalt  }
0x52: {  	_ =	shalt  }
0x53: {  	_ =	shalt  }
0x54: {  	_ =	shalt  }
0x55: {  	_ =	shalt  }
0x56: {  	_ =	shalt  }
0x57: {  	_ =	shalt  }
0x58: {  	_ =	shalt  }
0x59: {  	_ =	shalt  }
0x5a: {  	_ =	shalt  }
0x5b: {  	_ =	shalt  }
0x5c: {  	_ =	shalt  }
0x5d: {  	_ =	shalt  }
0x5e: {  	_ =	shalt  }
0x5f: {  	_ =	shalt  }
0x60: {  	_ =	shalt  }
0x61: {  	_ =	shalt  }
0x62: {  	_ =	shalt  }
0x63: {  	_ =	shalt  }
0x64: {  	_ =	shalt  }
0x65: {  	_ =	shalt  }
0x66: {  	_ =	shalt  }
0x67: {  	_ =	shalt  }
0x68: {  	_ =	shalt  }
0x69: {  	_ =	shalt  }
0x6a: {  	_ =	shalt  }
0x6b: {  	_ =	shalt  }
0x6c: {  	_ =	shalt  }
0x6d: {  	_ =	shalt  }
0x6e: {  	_ =	shalt  }
0x6f: {  	_ =	shalt  }
0x70: {  	_ =	shalt  }
0x71: {  	_ =	shalt  }
0x72: {  	_ =	shalt  }
0x73: {  	_ =	shalt  }
0x74: {  	_ =	shalt  }
0x75: {  	_ =	shalt  }
0x76: {  	_ =	shalt  }
0x77: {  	_ =	shalt  }
0x78: {  	_ =	shalt  }
0x79: {  	_ =	shalt  }
0x7a: {  	_ =	shalt  }
0x7b: {  	_ =	shalt  }
0x7c: {  	_ =	shalt  }
0x7d: {  	_ =	shalt  }
0x7e: {  	_ =	shalt  }
0x7f: {  	_ =	shalt  }
0x80: {  	_ =	shalt  }
0x81: {  	_ =	shalt  }
0x82: {  	_ =	shalt  }
0x83: {  	_ =	shalt  }
0x84: {  	_ =	shalt  }
0x85: {  	_ =	shalt  }
0x86: {  	_ =	shalt  }
0x87: {  	_ =	shalt  }
.Lfunc_end0:
.L_simem_size_0:
called_computation_lowered:
.L_overlay_start_0:
0x88: {  	s2 =	sld [smem:$0x3FD9]  }
0x89: {  	s3 =	sld [smem:$0x3FFE];
	_ =	sdelay $0x1  }
0x8a: {  	s1 =	srdreg.scid  }
0x8b: {  	s0 =	sand.u32 $0x1, s1  }
0x8c: {  	s17 =	sshll.u32 s0, $0xA;
	s2 =	sadd.s32 s3, s2  }
0x8d: {  	s2 =	sadd.s32 s2, s17  }
0x8e: {  	[smem:$0x3FC5] =	sst s2  }
0x8f: {  	_ = 	snop  }
0x90: {  	s2 =	sld [smem:$0x3FC9]  }
0x91: {  	s18 =	sld [smem:$0x3FD0];
	(tm) =	ssettm $0x1  }
0x92: {  	s4 =	sld [smem:$0x3FFB];
	_ =	sdelay $0x3  }
0x93: {  	_ =	strace s4  }
0x94: {  	s4 =	sld [smem:$0x3FFC];
	_ =	sdelay $0x3  }
0x95: {  	_ =	strace s4  }
0x96: {  	s4 =	sld [smem:$0x3FFD];
	_ =	sdelay $0x3  }
0x97: {  	_ =	strace s4  }
0x98: {  	_ =	strace $0x8FFFFFFF  }
0x99: {  	s19 =	sld [smem:$0x3FDB];
	_ =	sdelay $0x1  }
0x9a: {  	s5 =	simm.s32 $_scs_section_size  }
0x9b: {  	s6 =	simm.s32 $_size__tile_overlayer_lowered;
	s7 =	simm.s32 $_tile_overlayer_lowered  }
0x9c: {  	s22 =	simm.s32 $0x1BFF;
	s21 =	sshll.u32 s7, $0x1;
	s4 =	sadd.s32 s5, s19  }
0x9d: {  	s8 =	simm.s32 $0x0;
	s20 =	sshll.u32 s6, $0x1;
	s6 =	sadd.s32 s21, s4  }
0x9e: {  	[timem:s8], [sflag:s22] =	dma.local [hbm:s6], s20  }
0x9f: {  	_ =	swait.ge [sflag:s22], s20  }
0xa0: {  	s5 =	ssub.s32 $0x0, s20;
	[sflag:s22] =	ssyncset.done $0x0  }
0xa1: {  	[sflag:s22] =	ssyncadd.s32 s5;
	_ =	sdelay $0x1  }
0xa2: {  	s23 =	simm.s32 $0x1B8B  }
0xa3: {  	_ =	swait.ge [sflag:s23], $0x1  }
0xa4: {  	[sflag:s23] =	ssyncset.done $0x0  }
0xa5: {  	s25 =	simm.s32 $0x1B8E;
	s24 =	sld [smem:$0x3FFE];
	[sflag:s23] =	ssyncadd.s32 $0xFFFFFFFF  }
0xa6: {  	s26 =	simm.s32 $execute0_lowered;
	[smem:$0x3FD2] =	sst s25  }
0xa7: {  	s6 =	sshll.u32 s26, $0x1;
	_ =	strace $0x80000046;
	[dreg:$0x1] =	wrdreg $0xFFFFFFFF  }
0xa8: {  	s28 =	simm.s32 $_size_execute0_lowered;
	s4 =	sadd.s32 s4, s6;
	[dreg:$0x0] =	wrdreg $0x0  }
0xa9: {  	s6 =	sshll.u32 s28, $0x1;
	[dreg:$0x2] =	wrdreg s4  }
0xaa: {  	[dreg:$0x3] =	wrdreg s6  }
0xab: {  	[dreg:$0x4] =	wrdreg $0xC0  }
0xac: {  	_ =	task [dreg:s8], $0x5FFFF  }
0xad: {  	[dreg:$0x1] =	wrdreg $0xFFFFFFFF  }
0xae: {  	[dreg:$0x0] =	wrdreg $0x60  }
0xaf: {  	[dreg:$0x2] =	wrdreg s2  }
0xb0: {  	[dreg:$0x3] =	wrdreg s24  }
0xb1: {  	[dreg:$0x4] =	wrdreg s18  }
0xb2: {  	[dreg:$0x5] =	wrdreg $0x9  }
0xb3: {  	_ =	task.clear_ibuf [dreg:s8], $0x6FFFF;
	_ =	strace $0x90000046  }
0xb4: {  	s29 =	simm.s32 $0x9;
	_ =	strace $0x80000048  }
0xb5: {  	_ =	swait.ge [sflag:s29], $0x1  }
0xb6: {  	[sflag:s29] =	ssyncadd.s32 $0xFFFFFFFF  }
0xb7: {  	_ =	strace $0x90000048  }
0xb8: {  	_ =	sfence  }
0xb9: {  	s30 =	sld [smem:$0x0];
	_ =	sdelay $0x2  }
0xba: {  	s31 =	sshll.u32 s1, $0xD;
	s1 =	sshrl.u32 s1, $0x2  }
0xbb: {  	s3 =	sand.u32 $0x4000, s31;
	s1 =	sadd.s32 s1, s30  }
0xbc: {  	s0 =	sor.u32 s3, s0;
	s1 =	sshll.u32 s1, $0x11  }
0xbd: {  	s0 =	sor.u32 s1, s0  }
0xbe: {  	s0 =	sadd.s32 $0x8F2B, s0  }
0xbf: {  	[sflag:s0] =	ssyncadd.remote.s32 $0x1  }
0xc0: {  	_ =	sfence.sel $0xFFFF  }
0xc1: {  	[dreg:$0x0] =	wrdreg $0xFFFFFFFF;
	(pc) =	sbr.abs _section_cstart, $3  }
0xc2: {  	[dreg:$0x1] =	wrdreg $0xFFFFFFFF  }
0xc3: {  	_ =	task.clear_ibuf [dreg:s8], $0x2FFFF;
	_ =	strace $0x9FFFFFFF  }
0xc4: {  	(tm) =	ssettm $0x7FFFFFFF  }
0xc5: {  	_ =	shalt  }
tec
execute0_lowered:
.L_overlay_start_1:
0x0: {  	(tag) =	ssettag $0x1  }
0x1: {  	s0 =	rddreg [dreg:$0x0]  }
0x2: {  	s1 =	srdreg.scid;
	s5 =	rddreg [dreg:$0x1]  }
0x3: {  	s10 =	rddreg [dreg:$0x2];
	s2 =	stileid.u32;
	s3 =	simm.s32 $0x0  }
0x4: {  	s12 =	simm.s32 $0x12C00;
	s13 =	simm.s32 $0x4;
	s1 =	sand.u32 $0x1, s1  }
0x5: {  	s14 =	simm.s32 $0x5800;
	s15 =	simm.s32 $0x1;
	s4 =	sshll.u32 s1, $0x4  }
0x6: {  	s16 =	simm.s32 $0xB000;
	s17 =	simm.s32 $0x2;
	s6 =	sor.u32 s2, s4  }
0x7: {  	s18 =	simm.s32 $0x3;
	s19 =	simm.s32 $0x10800;
	s7 =	smul.u32 $0x180, s6  }
0x8: {  	s20 =	simm.s32 $0x0;
	[smem:$0x7FF] =	sst s3;
	s4 =	smul.u32 $0x14, s6  }
.Ltmp0:
0x9: {  	s9 =	sadd.s32 $0x1600, s0;
	s1 =	ssub.s32 $0x2, s1;
	(pc) =	sbr.rel .LBB2_1-.Ltmp0, $4  }
0xa: {  	_ =	strace $0x80000047;
	s31 =	sshrl.u32 s1, $0x1;
	s11 =	smul.u32 $0x480, s6  }
0xb: {  	s8 =	smul.u32 $0x28000, s6;
	s1 =	ssub.s32 s1, s31;
	s7 =	sadd.s32 s7, s5  }
0xc: {  	s5 =	sadd.s32 $0xB00, s0;
	s10 =	sadd.s32 s10, s11;
	s11 =	smax.u32 s1, $0x1  }
0xd: {  	s6 =	sadd.s32 $0x800, s7;
	s7 =	sadd.s32 s0, s8;
	s8 =	sadd.s32 s8, s5  }
.LBB2_60:
0xe: {  	s20 =	sadd.s32 $0x1, s20  }
0xf: {  	p0 =	sne.s32 s20, s11  }
.Ltmp1:
0x10: {  	_ = 	snop;
	(pc) =	sbr.rel @!p0 .LBB2_61-.Ltmp1, $4  }
0x11: {  	[hbm4b:s10+s3] =	stream.linear.scatter [tilespmem:s19], [sflag:$0x4], $0x2400, $0x38;
	[tilespmem:$0x13800] =	vst v63  }
0x12: {  	_ =	swait.ge [sflag:s13], $0x2400  }
0x13: {  	[sflag:s13] =	ssyncset.done $0x0  }
0x14: {  	[sflag:s13] =	ssyncadd.s32 $0xFFFFDC00  }
.LBB2_1:
0x15: {  	[tilespmem:s12], [sflag:$0x4] =	stream.linear.gather [hbm4b:s6+s3], $0xA00, $0x38;
	[tilespmem:$0x13800] =	vst v63  }
0x16: {  	_ =	swait.ge [sflag:s13], $0xA00  }
.Ltmp2:
0x17: {  	[sflag:s13] =	ssyncset.done $0x0;
	(pc) =	sbr.rel .LBB2_2-.Ltmp2, $4  }
0x18: {  	[sflag:s13] =	ssyncadd.s32 $0xFFFFF600  }
0x19: {  	[tilespmem:s3], [sflag:$0x1] =	stream.linear.gather [hbm4b:s7+s3], $0x5800, $0x38;
	[tilespmem:$0x13800] =	vst v63  }
0x1a: {  	s21 =	simm.s32 $0x0  }
0x1b: {  	[tilespmem:s14], [sflag:$0x2] =	stream.linear.gather [hbm4b:s8+s3], $0x5800, $0x38;
	[tilespmem:$0x13800] =	vst v63  }
.LBB2_50:
0x1c: {  	v29 =	vmovc v20;
	v30 =	vmov v21;
	v31 =	vmov v23;
	v32 =	vmov v22  }
.LBB2_58:
0x1d: {  	v33 =	vld [tilespmem:s23+$0x10]  }
0x1e: {  	v34 =	vld [tilespmem:s23+$0x20]  }
0x1f: {  	v35 =	vld [tilespmem:s23+$0x30]  }
0x20: {  	v36 =	vld [tilespmem:s23+$0x40]  }
0x21: {  	v37 =	vld [tilespmem:s23+$0x50]  }
0x22: {  	v38 =	vld [tilespmem:s23+$0x60]  }
0x23: {  	v25 =	vmax.f32 @p0 v29, v25;
	v63 =	vld [tilespmem:s23+$0x0]  }
0x24: {  	v26 =	vmax.f32 @p0 v30, v26;
	v27 =	vmax.f32 @p0 v31, v27;
	v28 =	vmax.f32 @p0 v32, v28  }
0x25: {  	v16 =	vmax.f32 v16, v24;
	v20 =	vpsel p0, v25, v20;
	v21 =	vpsel p0, v26, v21  }
0x26: {  	v23 =	vpsel p0, v27, v23;
	v22 =	vpsel p0, v28, v22;
	v17 =	vmax.f32 v17, v33  }
0x27: {  	v18 =	vmax.f32 v18, v34;
	v19 =	vmax.f32 v19, v35;
	v20 =	vmax.f32 v20, v36  }
0x28: {  	v21 =	vmax.f32 v21, v37;
	v23 =	vmax.f32 v23, v38;
	v22 =	vmax.f32 v22, v63  }
.LBB2_59:
0x29: {  	s1 =	sshrl.u32 s21, $0x3  }
0x2a: {  	s1 =	smul.u32 $0x3000, s1;
	_ =	sdelay $0x1  }
0x2b: {  	s29 =	sand.u32 $0x380, s22;
	s1 =	sshra.s32 s1, $0x2  }
0x2c: {  	s1 =	sor.u32 s29, s1  }
0x2d: {  	s21 =	sadd.s32 $0x10800, s1;
	[tilespmem:s1+$0x10800] =	vst v5  }
0x2e: {  	[tilespmem:s21+$0x10] =	vst v0  }
0x2f: {  	[tilespmem:s21+$0x20] =	vst v1  }
0x30: {  	[tilespmem:s21+$0x30] =	vst v3  }
0x31: {  	[tilespmem:s21+$0x40] =	vst v4  }
0x32: {  	[tilespmem:s21+$0x50] =	vst v6  }
0x33: {  	[tilespmem:s21+$0x60] =	vst v7  }
0x34: {  	[tilespmem:s21+$0x70] =	vst v2  }
0x35: {  	s30 =	sadd.s32 $0x10C00, s1;
	[tilespmem:s1+$0x10C00] =	vst v8  }
0x36: {  	[tilespmem:s30+$0x40] =	vst v13  }
0x37: {  	[tilespmem:s30+$0x50] =	vst v14  }
0x38: {  	[tilespmem:s30+$0x60] =	vst v15  }
0x39: {  	[tilespmem:s30+$0x70] =	vst v10  }
0x3a: {  	[tilespmem:s30+$0x10] =	vst v9  }
0x3b: {  	[tilespmem:s30+$0x20] =	vst v11  }
0x3c: {  	[tilespmem:s30+$0x30] =	vst v12  }
0x3d: {  	s31 =	sadd.s32 $0x11000, s1;
	[tilespmem:s1+$0x11000] =	vst v22  }
0x3e: {  	[tilespmem:s31+$0x40] =	vst v20  }
0x3f: {  	p0 =	sne.s32 s25, $0x14;
	[tilespmem:s31+$0x50] =	vst v21  }
.Ltmp3:
0x40: {  	[tilespmem:s31+$0x60] =	vst v23;
	(pc) =	sbr.rel @!p0 .LBB2_60-.Ltmp3, $4  }
0x41: {  	[tilespmem:s31+$0x70] =	vst v16  }
0x42: {  	[tilespmem:s31+$0x10] =	vst v17  }
0x43: {  	[tilespmem:s31+$0x20] =	vst v18  }
0x44: {  	s21 =	smov.u32 s25;
	[tilespmem:s31+$0x30] =	vst v19  }
.LBB2_2:
0x45: {  	s22 =	sshll.u32 s21, $0x7  }
0x46: {  	s1 =	sand.u32 $0x3FFFFF80, s22  }
0x47: {  	v0 =	vld [tilespmem:s1+$0x12C00];
	_ =	sdelay $0x4  }
0x48: {  	(v2sf) =	vpush v0, $0x0;
	_ =	sdelay $0x3  }
0x49: {  	(v2sf) =	vpush v0, $0x1;
	_ =	sdelay $0xa  }
0x4a: {  	s24 =	spop (v2sf)  }
0x4b: {  	s28 =	sadd.s32 $0x1, s24  }
0x4c: {  	p0 =	sgt.s32 s28, $0x0  }
0x4d: {  	s28 =	simm.s32 @!p0 $0x0;
	p0 =	slt.u32 s24, $0x7FFFFFFF  }
.Ltmp4:
0x4e: {  	s23 =	spop (v2sf);
	(pc) =	sbr.rel @!p0 .LBB2_3-.Ltmp4, $4  }
0x4f: {  	s31 =	sadd.s32 s4, s21;
	_ =	swait.ge [sflag:s15], $0x5800  }
0x50: {  	v8 =	vimm.f32 $-1.000000020e+30;
	v5 =	vimm.f32 $-1.000000020e+30;
	v1 =	vimm.f32 $-1.000000020e+30;
	s25 =	simm.s32 $0x40;
	s1 =	sshll.u32 s31, $0xD;
	[sflag:s15] =	ssyncset.done $0x0  }
0x51: {  	v3 =	vimm.f32 $-1.000000020e+30;
	v4 =	vimm.f32 $-1.000000020e+30;
	v6 =	vimm.f32 $-1.000000020e+30;
	s1 =	sadd.s32 s1, s9;
	[sflag:s15] =	ssyncadd.s32 $0xFFFFA800;
	s26 =	smin.u32 s28, $0xB0  }
0x52: {  	v7 =	vimm.f32 $-1.000000020e+30;
	v2 =	vimm.f32 $-1.000000020e+30;
	v0 =	vimm.f32 $-1.000000020e+30;
	[tilespmem:s16], [sflag:$0x3] =	stream.linear.gather [hbm4b:s1+s3], $0x5000, $0x38;
	[tilespmem:$0x13800] =	vst v63  }
0x53: {  	p1 =	seq.s32 s26, $0x1  }
.Ltmp5:
0x54: {  	_ = 	snop;
	(pc) =	sbr.rel @p1 .LBB2_7-.Ltmp5, $2  }
0x55: {  	_ =	sdelay $0x2  }
0x56: {  	v1 =	vld [tilespmem:s25+$0x30];
	s1 =	sadd.s32 $0xFFFFFFFF, s26;
	p0 =	por $0x0, $0x0  }
0x57: {  	v2 =	vld [tilespmem:s25+$0xFFFFFFD0]  }
0x58: {  	v4 =	vld [tilespmem:s25+$0xFFFFFFE0]  }
0x59: {  	v5 =	vld [tilespmem:s25+$0xFFFFFFF0];
	p1 =	seq.s32 s1, $0x1  }
.Ltmp6:
0x5a: {  	v6 =	vld [tilespmem:s25+$0x0];
	(pc) =	sbr.rel @p1 .LBB2_9-.Ltmp6, $4  }
0x5b: {  	v7 =	vld [tilespmem:s25+$0x10]  }
0x5c: {  	v9 =	vld [tilespmem:s25+$0x20];
	v10 =	vimm.f32 $-1.000000020e+30;
	v12 =	vimm.f32 $-1.000000020e+30  }
0x5d: {  	v11 =	vld [tilespmem:s25+$0xFFFFFFC0];
	s25 =	sadd.s32 $0x80, s25;
	v13 =	vimm.f32 $-1.000000020e+30;
	v0 =	vmax.f32 v8, v1;
	v3 =	vmax.f32 v8, v2  }
0x5e: {  	s1 =	sadd.s32 $0xFFFFFFFF, s1;
	p0 =	por $0x1, $0x1;
	v1 =	vld [tilespmem:s25+$0x30];
	v4 =	vmax.f32 v8, v4;
	v5 =	vmax.f32 v8, v5;
	v2 =	vimm.f32 $-1.000000020e+30  }
.LBB2_10:
0x5f: {  	p1 =	seq.s32 s1, $0x1;
	v14 =	vld [tilespmem:s25+$0xFFFFFFD0];
	v2 =	vmax.f32 v2, v6  }
0x60: {  	v15 =	vld [tilespmem:s25+$0xFFFFFFE0];
	v10 =	vmax.f32 v10, v7  }
0x61: {  	v16 =	vld [tilespmem:s25+$0xFFFFFFF0];
	v12 =	vmax.f32 v12, v9  }
.Ltmp7:
0x62: {  	v6 =	vld [tilespmem:s25+$0x0];
	v13 =	vmax.f32 v13, v11;
	(pc) =	sbr.rel @!p1 .LBB2_10-.Ltmp7, $4  }
0x63: {  	v7 =	vld [tilespmem:s25+$0x10];
	v0 =	vmax.f32 v0, v1  }
0x64: {  	v3 =	vmax.f32 v3, v14;
	v9 =	vld [tilespmem:s25+$0x20]  }
0x65: {  	v11 =	vld [tilespmem:s25+$0xFFFFFFC0];
	v4 =	vmax.f32 v4, v15;
	s25 =	sadd.s32 $0x80, s25  }
0x66: {  	s1 =	sadd.s32 $0xFFFFFFFF, s1;
	v1 =	vld [tilespmem:s25+$0x30];
	v5 =	vmax.f32 v5, v16  }
.LBB2_11:
0x67: {  	v14 =	vld [tilespmem:s25+$0xFFFFFFD0]  }
0x68: {  	v15 =	vld [tilespmem:s25+$0xFFFFFFE0]  }
0x69: {  	v16 =	vld [tilespmem:s25+$0xFFFFFFF0]  }
0x6a: {  	v17 =	vld [tilespmem:s25+$0x0]  }
0x6b: {  	v18 =	vld [tilespmem:s25+$0x10]  }
0x6c: {  	v19 =	vld [tilespmem:s25+$0x20]  }
0x6d: {  	v6 =	vmax.f32 @p0 v2, v6;
	v20 =	vld [tilespmem:s25+$0xFFFFFFC0]  }
0x6e: {  	v7 =	vmax.f32 @p0 v10, v7;
	v9 =	vmax.f32 @p0 v12, v9;
	v10 =	vmax.f32 @p0 v13, v11  }
0x6f: {  	v2 =	vmax.f32 v0, v1;
	v0 =	vmax.f32 v3, v14;
	v1 =	vmax.f32 v4, v15  }
0x70: {  	v3 =	vmax.f32 v5, v16;
	v4 =	vpsel p0, v6, v8;
	v5 =	vpsel p0, v7, v8  }
0x71: {  	v7 =	vpsel p0, v9, v8;
	v9 =	vpsel p0, v10, v8;
	v4 =	vmax.f32 v4, v17  }
0x72: {  	v6 =	vmax.f32 v5, v18;
	v7 =	vmax.f32 v7, v19;
	v5 =	vmax.f32 v9, v20  }
.LBB2_3:
0x73: {  	s29 =	sadd.s32 $0x1, s23  }
0x74: {  	p0 =	sgt.s32 s29, $0x0;
	s1 =	smov.u32 s29  }
0x75: {  	s1 =	simm.s32 @!p0 $0x0  }
0x76: {  	s25 =	smin.u32 s1, $0xB0  }
0x77: {  	p0 =	sge.u32 s28, s25  }
.Ltmp8:
0x78: {  	_ = 	snop;
	(pc) =	sbr.rel @p0 .LBB2_12-.Ltmp8, $4  }
0x79: {  	_ = 	snop  }
0x7a: {  	v9 =	vimm.f32 $-1.000000020e+30  }
0x7b: {  	v11 =	vimm.f32 $-1.000000020e+30;
	v12 =	vimm.f32 $-1.000000020e+30;
	v13 =	vimm.f32 $-1.000000020e+30  }
0x7c: {  	v14 =	vimm.f32 $-1.000000020e+30;
	v15 =	vimm.f32 $-1.000000020e+30;
	v10 =	vimm.f32 $-1.000000020e+30  }
0x7d: {  	s1 =	ssub.s32 s25, s26  }
0x7e: {  	p1 =	seq.s32 s1, $0x1  }
.Ltmp9:
0x7f: {  	_ = 	snop;
	(pc) =	sbr.rel @p1 .LBB2_5-.Ltmp9, $4  }
0x80: {  	_ = 	snop  }
0x81: {  	s28 =	sshll.u32 s26, $0x7  }
0x82: {  	s26 =	sor.u32 $0x40, s28  }
0x83: {  	v8 =	vimm.f32 $-1.000000020e+30;
	p0 =	por $0x0, $0x0;
	s1 =	sadd.s32 $0xFFFFFFFF, s1;
	v10 =	vld [tilespmem:s26+$0x30]  }
0x84: {  	v11 =	vld [tilespmem:s26+$0xFFFFFFD0]  }
0x85: {  	v12 =	vld [tilespmem:s26+$0xFFFFFFE0]  }
0x86: {  	v13 =	vld [tilespmem:s26+$0xFFFFFFF0];
	p1 =	seq.s32 s1, $0x1  }
.Ltmp10:
0x87: {  	v15 =	vld [tilespmem:s26+$0x0];
	(pc) =	sbr.rel @p1 .LBB2_16-.Ltmp10, $4  }
0x88: {  	v16 =	vld [tilespmem:s26+$0x10]  }
0x89: {  	v17 =	vld [tilespmem:s26+$0x20];
	v18 =	vimm.f32 $-1.000000020e+30;
	v20 =	vimm.f32 $-1.000000020e+30  }
0x8a: {  	v19 =	vld [tilespmem:s26+$0xFFFFFFC0];
	s26 =	sadd.s32 $0x80, s26;
	v21 =	vimm.f32 $-1.000000020e+30;
	v9 =	vmax.f32 v8, v10;
	v11 =	vmax.f32 v8, v11  }
0x8b: {  	s1 =	sadd.s32 $0xFFFFFFFF, s1;
	p0 =	por $0x1, $0x1;
	v10 =	vld [tilespmem:s26+$0x30];
	v12 =	vmax.f32 v8, v12;
	v14 =	vmax.f32 v8, v13;
	v13 =	vimm.f32 $-1.000000020e+30  }
.LBB2_17:
0x8c: {  	p1 =	seq.s32 s1, $0x1;
	v22 =	vld [tilespmem:s26+$0xFFFFFFD0];
	v13 =	vmax.f32 v13, v15  }
0x8d: {  	v23 =	vld [tilespmem:s26+$0xFFFFFFE0];
	v18 =	vmax.f32 v18, v16  }
0x8e: {  	v24 =	vld [tilespmem:s26+$0xFFFFFFF0];
	v20 =	vmax.f32 v20, v17  }
.Ltmp11:
0x8f: {  	v15 =	vld [tilespmem:s26+$0x0];
	v21 =	vmax.f32 v21, v19;
	(pc) =	sbr.rel @!p1 .LBB2_17-.Ltmp11, $4  }
0x90: {  	v16 =	vld [tilespmem:s26+$0x10];
	v9 =	vmax.f32 v9, v10  }
0x91: {  	v11 =	vmax.f32 v11, v22;
	v17 =	vld [tilespmem:s26+$0x20]  }
0x92: {  	v19 =	vld [tilespmem:s26+$0xFFFFFFC0];
	v12 =	vmax.f32 v12, v23;
	s26 =	sadd.s32 $0x80, s26  }
0x93: {  	s1 =	sadd.s32 $0xFFFFFFFF, s1;
	v10 =	vld [tilespmem:s26+$0x30];
	v14 =	vmax.f32 v14, v24  }
.LBB2_18:
0x94: {  	v22 =	vld [tilespmem:s26+$0xFFFFFFD0]  }
0x95: {  	v23 =	vld [tilespmem:s26+$0xFFFFFFE0]  }
0x96: {  	v24 =	vld [tilespmem:s26+$0xFFFFFFF0]  }
0x97: {  	v25 =	vld [tilespmem:s26+$0x0]  }
0x98: {  	v26 =	vld [tilespmem:s26+$0x10]  }
0x99: {  	v27 =	vld [tilespmem:s26+$0x20]  }
0x9a: {  	v13 =	vmax.f32 @p0 v13, v15;
	v28 =	vld [tilespmem:s26+$0xFFFFFFC0]  }
0x9b: {  	v15 =	vmax.f32 @p0 v18, v16;
	v13 =	vpsel p0, v13, v8;
	v16 =	vmax.f32 @p0 v20, v17  }
0x9c: {  	v17 =	vmax.f32 @p0 v21, v19;
	v10 =	vmax.f32 v9, v10;
	v9 =	vmax.f32 v11, v22  }
0x9d: {  	v11 =	vmax.f32 v12, v23;
	v12 =	vmax.f32 v14, v24;
	v14 =	vpsel p0, v15, v8  }
0x9e: {  	v15 =	vpsel p0, v16, v8;
	v8 =	vpsel p0, v17, v8;
	v13 =	vmax.f32 v13, v25  }
0x9f: {  	v14 =	vmax.f32 v14, v26;
	v15 =	vmax.f32 v15, v27;
	v8 =	vmax.f32 v8, v28  }
.LBB2_12:
0xa0: {  	p0 =	sgt.s32 s29, $0xAF  }
.Ltmp12:
0xa1: {  	_ = 	snop;
	(pc) =	sbr.rel @p0 .LBB2_23-.Ltmp12, $4  }
0xa2: {  	_ = 	snop  }
0xa3: {  	v22 =	vimm.f32 $-1.000000020e+30;
	v17 =	vimm.f32 $-1.000000020e+30  }
0xa4: {  	v18 =	vimm.f32 $-1.000000020e+30;
	v19 =	vimm.f32 $-1.000000020e+30;
	v20 =	vimm.f32 $-1.000000020e+30  }
0xa5: {  	v21 =	vimm.f32 $-1.000000020e+30;
	v23 =	vimm.f32 $-1.000000020e+30;
	v16 =	vimm.f32 $-1.000000020e+30  }
0xa6: {  	s1 =	smax.u32 s25, $0xAF  }
0xa7: {  	s1 =	ssub.s32 s1, s25  }
0xa8: {  	s1 =	sadd.s32 $0x1, s1  }
0xa9: {  	p1 =	sne.s32 s1, $0x1  }
.Ltmp13:
0xaa: {  	_ = 	snop;
	(pc) =	sbr.rel @!p1 .LBB2_14-.Ltmp13, $4  }
0xab: {  	_ = 	snop  }
0xac: {  	s31 =	sshll.u32 s25, $0x7  }
0xad: {  	s25 =	sor.u32 $0x40, s31  }
0xae: {  	v20 =	vimm.f32 $-1.000000020e+30;
	p0 =	por $0x0, $0x0;
	v17 =	vld [tilespmem:s25+$0x30];
	s1 =	sadd.s32 $0xFFFFFFFF, s1  }
0xaf: {  	v18 =	vld [tilespmem:s25+$0xFFFFFFD0]  }
0xb0: {  	v19 =	vld [tilespmem:s25+$0xFFFFFFE0]  }
0xb1: {  	v21 =	vld [tilespmem:s25+$0xFFFFFFF0];
	p1 =	sne.s32 s1, $0x1  }
.Ltmp14:
0xb2: {  	v23 =	vld [tilespmem:s25+$0x0];
	(pc) =	sbr.rel @!p1 .LBB2_20-.Ltmp14, $4  }
0xb3: {  	v24 =	vld [tilespmem:s25+$0x10]  }
0xb4: {  	v25 =	vld [tilespmem:s25+$0x20];
	v26 =	vimm.f32 $-1.000000020e+30;
	v28 =	vimm.f32 $-1.000000020e+30  }
0xb5: {  	v27 =	vld [tilespmem:s25+$0xFFFFFFC0];
	s25 =	sadd.s32 $0x80, s25;
	v29 =	vimm.f32 $-1.000000020e+30;
	v16 =	vmax.f32 v20, v17;
	v18 =	vmax.f32 v20, v18  }
0xb6: {  	s1 =	sadd.s32 $0xFFFFFFFF, s1;
	p0 =	por $0x1, $0x1;
	v17 =	vld [tilespmem:s25+$0x30];
	v19 =	vmax.f32 v20, v19;
	v22 =	vmax.f32 v20, v21;
	v21 =	vimm.f32 $-1.000000020e+30  }
.LBB2_21:
0xb7: {  	p1 =	sne.s32 s1, $0x1;
	v30 =	vld [tilespmem:s25+$0xFFFFFFD0];
	v21 =	vmax.f32 v21, v23  }
0xb8: {  	v31 =	vld [tilespmem:s25+$0xFFFFFFE0];
	v26 =	vmax.f32 v26, v24  }
0xb9: {  	v32 =	vld [tilespmem:s25+$0xFFFFFFF0];
	v28 =	vmax.f32 v28, v25  }
.Ltmp15:
0xba: {  	v23 =	vld [tilespmem:s25+$0x0];
	v29 =	vmax.f32 v29, v27;
	(pc) =	sbr.rel @p1 .LBB2_21-.Ltmp15, $4  }
0xbb: {  	v24 =	vld [tilespmem:s25+$0x10];
	v16 =	vmax.f32 v16, v17  }
0xbc: {  	v18 =	vmax.f32 v18, v30;
	v25 =	vld [tilespmem:s25+$0x20]  }
0xbd: {  	v27 =	vld [tilespmem:s25+$0xFFFFFFC0];
	v19 =	vmax.f32 v19, v31;
	s25 =	sadd.s32 $0x80, s25  }
0xbe: {  	s1 =	sadd.s32 $0xFFFFFFFF, s1;
	v17 =	vld [tilespmem:s25+$0x30];
	v22 =	vmax.f32 v22, v32  }
.LBB2_22:
0xbf: {  	v30 =	vld [tilespmem:s25+$0xFFFFFFD0]  }
0xc0: {  	v31 =	vld [tilespmem:s25+$0xFFFFFFE0]  }
0xc1: {  	v32 =	vld [tilespmem:s25+$0xFFFFFFF0]  }
0xc2: {  	v33 =	vld [tilespmem:s25+$0x0]  }
0xc3: {  	v34 =	vld [tilespmem:s25+$0x10]  }
0xc4: {  	v35 =	vld [tilespmem:s25+$0x20]  }
0xc5: {  	v21 =	vmax.f32 @p0 v21, v23;
	v36 =	vld [tilespmem:s25+$0xFFFFFFC0]  }
0xc6: {  	v23 =	vmax.f32 @p0 v26, v24;
	v24 =	vmax.f32 @p0 v28, v25;
	v25 =	vmax.f32 @p0 v29, v27  }
0xc7: {  	v21 =	vpsel p0, v21, v20;
	v16 =	vmax.f32 v16, v17;
	v63 =	vpsel p0, v25, v20  }
0xc8: {  	v17 =	vmax.f32 v18, v30;
	v18 =	vmax.f32 v19, v31;
	v19 =	vmax.f32 v22, v32  }
0xc9: {  	v22 =	vpsel p0, v23, v20;
	v23 =	vpsel p0, v24, v20;
	v20 =	vmax.f32 v21, v33  }
0xca: {  	v21 =	vmax.f32 v22, v34;
	v23 =	vmax.f32 v23, v35;
	v22 =	vmax.f32 v63, v36  }
.LBB2_23:
0xcb: {  	s30 =	sadd.s32 $0xFFFFFF51, s24  }
0xcc: {  	s25 =	sadd.s32 $0x1, s21;
	p0 =	seq.s32 s21, $0x13;
	p2 =	slt.s32 s30, $0x1  }
.Ltmp16:
0xcd: {  	_ =	swait.ge [sflag:s17], $0x5800;
	s1 =	sadd.s32 @!p0 s4, s25;
	(pc) =	sbr.rel @p2 .LBB2_27-.Ltmp16, $4  }
0xce: {  	[sflag:s17] =	ssyncset.done $0x0;
	p1 =	sgt.s32 s30, $0x0;
	s1 =	sshll.u32 @!p0 s1, $0xD  }
0xcf: {  	s28 =	simm.s32 @!p0 $0x0;
	s30 =	simm.s32 @!p1 $0x0;
	s26 =	sand.u32 @!p0 $0x1FFFE000, s1  }
0xd0: {  	[sflag:s17] =	ssyncadd.s32 $0xFFFFA800;
	s31 =	smin.u32 s30, $0xB0;
	s1 =	sadd.s32 @!p0 s0, s26  }
0xd1: {  	[tilespmem:s28], [sflag:$0x1] =	stream.linear.gather @!p0 [hbm4b:s1+s28], $0x5800, $0x38;
	[tilespmem:$0x13800] =	vst v63  }
0xd2: {  	s29 =	simm.s32 $0x0  }
0xd3: {  	s28 =	sshll.u32 s31, $0x9;
	v28 =	vld [tilespmem:s29+$0x5870]  }
0xd4: {  	v29 =	vld [tilespmem:s29+$0x5800];
	p1 =	seq.s32 s28, $0x200  }
.Ltmp17:
0xd5: {  	v27 =	vld [tilespmem:s29+$0x5810];
	(pc) =	sbr.rel @p1 .LBB2_26-.Ltmp17, $4  }
0xd6: {  	v24 =	vld [tilespmem:s29+$0x5820]  }
0xd7: {  	v25 =	vld [tilespmem:s29+$0x5830]  }
0xd8: {  	v26 =	vld [tilespmem:s29+$0x5840]  }
0xd9: {  	s1 =	simm.s32 $0x200;
	v2 =	vmax.f32 v2, v28;
	v5 =	vmax.f32 v5, v29;
	v28 =	vld [tilespmem:s29+$0x5850]  }
.LBB2_25:
0xda: {  	v0 =	vmax.f32 v0, v27;
	v29 =	vld [tilespmem:s29+$0x5860];
	s29 =	sshra.s32 s1, $0x2;
	s1 =	sadd.s32 $0x200, s1  }
0xdb: {  	v30 =	vld [tilespmem:s29+$0x5870];
	p1 =	seq.s32 s28, s1;
	v1 =	vmax.f32 v1, v24  }
0xdc: {  	v31 =	vld [tilespmem:s29+$0x5800];
	v3 =	vmax.f32 v3, v25  }
.Ltmp18:
0xdd: {  	v27 =	vld [tilespmem:s29+$0x5810];
	v4 =	vmax.f32 v4, v26;
	(pc) =	sbr.rel @!p1 .LBB2_25-.Ltmp18, $4  }
0xde: {  	v24 =	vld [tilespmem:s29+$0x5820];
	v6 =	vmax.f32 v6, v28  }
0xdf: {  	v25 =	vld [tilespmem:s29+$0x5830];
	v7 =	vmax.f32 v7, v29  }
0xe0: {  	v26 =	vld [tilespmem:s29+$0x5840];
	v2 =	vmax.f32 v2, v30  }
0xe1: {  	v5 =	vmax.f32 v5, v31;
	v28 =	vld [tilespmem:s29+$0x5850]  }
.LBB2_26:
0xe2: {  	v29 =	vld [tilespmem:s29+$0x5860];
	_ =	sdelay $0x3  }
0xe3: {  	v0 =	vmax.f32 v0, v27;
	v1 =	vmax.f32 v1, v24;
	v3 =	vmax.f32 v3, v25  }
0xe4: {  	v4 =	vmax.f32 v4, v26;
	v6 =	vmax.f32 v6, v28;
	v7 =	vmax.f32 v7, v29  }
.LBB2_27:
0xe5: {  	s29 =	sadd.s32 $0xFFFFFF51, s23  }
0xe6: {  	p1 =	sgt.s32 s29, $0x0;
	s1 =	smov.u32 s29  }
0xe7: {  	s1 =	simm.s32 @!p1 $0x0  }
0xe8: {  	s28 =	smin.u32 s1, $0xB0  }
0xe9: {  	p1 =	sge.u32 s30, s28  }
.Ltmp19:
0xea: {  	_ = 	snop;
	(pc) =	sbr.rel @p1 .LBB2_30-.Ltmp19, $1  }
0xeb: {  	_ =	sdelay $0x3  }
0xec: {  	s1 =	ssub.s32 s28, s31  }
0xed: {  	p2 =	seq.s32 s1, $0x1  }
.Ltmp20:
0xee: {  	_ = 	snop;
	(pc) =	sbr.rel @p2 .LBB2_29-.Ltmp20, $4  }
0xef: {  	_ = 	snop  }
0xf0: {  	s30 =	sshll.u32 s31, $0x7  }
0xf1: {  	s30 =	sadd.s32 $0x5800, s30  }
0xf2: {  	p1 =	por $0x0, $0x0;
	s1 =	sadd.s32 $0xFFFFFFFF, s1;
	v24 =	vld [tilespmem:s30+$0x70]  }
0xf3: {  	v29 =	vld [tilespmem:s30+$0x10]  }
0xf4: {  	v30 =	vld [tilespmem:s30+$0x20]  }
0xf5: {  	v31 =	vld [tilespmem:s30+$0x30];
	p2 =	seq.s32 s1, $0x1  }
.Ltmp21:
0xf6: {  	v25 =	vld [tilespmem:s30+$0x40];
	(pc) =	sbr.rel @p2 .LBB2_34-.Ltmp21, $4  }
0xf7: {  	v26 =	vld [tilespmem:s30+$0x50]  }
0xf8: {  	v27 =	vld [tilespmem:s30+$0x60]  }
0xf9: {  	v28 =	vld [tilespmem:s30+$0x0];
	s30 =	sadd.s32 $0x80, s30;
	v32 =	vmov v8;
	v10 =	vmax.f32 v10, v24;
	v9 =	vmax.f32 v9, v29  }
0xfa: {  	s31 =	sadd.s32 $0xFFFFFFFF, s1;
	p1 =	por $0x1, $0x1;
	v24 =	vld [tilespmem:s30+$0x70];
	v11 =	vmax.f32 v11, v30;
	v12 =	vmax.f32 v12, v31;
	v29 =	vmovc v13;
	v30 =	vmovc v14;
	v31 =	vmov v15  }
.LBB2_35:
0xfb: {  	p2 =	seq.s32 s31, $0x1;
	v33 =	vld [tilespmem:s30+$0x10];
	v29 =	vmax.f32 v29, v25  }
0xfc: {  	v34 =	vld [tilespmem:s30+$0x20];
	v30 =	vmax.f32 v30, v26  }
0xfd: {  	v35 =	vld [tilespmem:s30+$0x30];
	v31 =	vmax.f32 v31, v27  }
.Ltmp22:
0xfe: {  	v25 =	vld [tilespmem:s30+$0x40];
	v32 =	vmax.f32 v32, v28;
	(pc) =	sbr.rel @!p2 .LBB2_35-.Ltmp22, $4  }
0xff: {  	v26 =	vld [tilespmem:s30+$0x50];
	v10 =	vmax.f32 v10, v24  }
0x100: {  	v9 =	vmax.f32 v9, v33;
	v27 =	vld [tilespmem:s30+$0x60]  }
0x101: {  	v28 =	vld [tilespmem:s30+$0x0];
	v11 =	vmax.f32 v11, v34;
	s30 =	sadd.s32 $0x80, s30  }
0x102: {  	s31 =	sadd.s32 $0xFFFFFFFF, s31;
	v24 =	vld [tilespmem:s30+$0x70];
	v12 =	vmax.f32 v12, v35  }
.LBB2_36:
0x103: {  	v33 =	vld [tilespmem:s30+$0x10]  }
0x104: {  	v34 =	vld [tilespmem:s30+$0x20]  }
0x105: {  	v35 =	vld [tilespmem:s30+$0x30]  }
0x106: {  	v36 =	vld [tilespmem:s30+$0x40]  }
0x107: {  	v37 =	vld [tilespmem:s30+$0x50]  }
0x108: {  	v38 =	vld [tilespmem:s30+$0x60]  }
0x109: {  	v25 =	vmax.f32 @p1 v29, v25;
	v63 =	vld [tilespmem:s30+$0x0]  }
0x10a: {  	v26 =	vmax.f32 @p1 v30, v26;
	v13 =	vpsel p1, v25, v13;
	v27 =	vmax.f32 @p1 v31, v27  }
0x10b: {  	v14 =	vpsel p1, v26, v14;
	v28 =	vmax.f32 @p1 v32, v28;
	v15 =	vpsel p1, v27, v15  }
0x10c: {  	v10 =	vmax.f32 v10, v24;
	v8 =	vpsel p1, v28, v8;
	v9 =	vmax.f32 v9, v33  }
0x10d: {  	v11 =	vmax.f32 v11, v34;
	v12 =	vmax.f32 v12, v35;
	v13 =	vmax.f32 v13, v36  }
0x10e: {  	v14 =	vmax.f32 v14, v37;
	v15 =	vmax.f32 v15, v38;
	v8 =	vmax.f32 v8, v63  }
.LBB2_30:
0x10f: {  	p1 =	sgt.s32 s29, $0xAF  }
.Ltmp23:
0x110: {  	_ = 	snop;
	(pc) =	sbr.rel @p1 .LBB2_41-.Ltmp23, $1  }
0x111: {  	_ =	sdelay $0x3  }
0x112: {  	s1 =	smax.u32 s28, $0xAF  }
0x113: {  	s1 =	ssub.s32 s1, s28  }
0x114: {  	s1 =	sadd.s32 $0x1, s1  }
0x115: {  	p2 =	sne.s32 s1, $0x1  }
.Ltmp24:
0x116: {  	_ = 	snop;
	(pc) =	sbr.rel @!p2 .LBB2_32-.Ltmp24, $4  }
0x117: {  	_ = 	snop  }
0x118: {  	s28 =	sshll.u32 s28, $0x7  }
0x119: {  	s28 =	sadd.s32 $0x5800, s28  }
0x11a: {  	p1 =	por $0x0, $0x0;
	v24 =	vld [tilespmem:s28+$0x70];
	s1 =	sadd.s32 $0xFFFFFFFF, s1  }
0x11b: {  	v29 =	vld [tilespmem:s28+$0x10]  }
0x11c: {  	v30 =	vld [tilespmem:s28+$0x20]  }
0x11d: {  	v31 =	vld [tilespmem:s28+$0x30];
	p2 =	sne.s32 s1, $0x1  }
.Ltmp25:
0x11e: {  	v25 =	vld [tilespmem:s28+$0x40];
	(pc) =	sbr.rel @!p2 .LBB2_38-.Ltmp25, $4  }
0x11f: {  	v26 =	vld [tilespmem:s28+$0x50]  }
0x120: {  	v27 =	vld [tilespmem:s28+$0x60]  }
0x121: {  	v28 =	vld [tilespmem:s28+$0x0];
	s28 =	sadd.s32 $0x80, s28;
	v32 =	vmov v22;
	v16 =	vmax.f32 v16, v24;
	v17 =	vmax.f32 v17, v29  }
0x122: {  	s29 =	sadd.s32 $0xFFFFFFFF, s1;
	p1 =	por $0x1, $0x1;
	v24 =	vld [tilespmem:s28+$0x70];
	v18 =	vmax.f32 v18, v30;
	v19 =	vmax.f32 v19, v31;
	v29 =	vmovc v20;
	v30 =	vmovc v21;
	v31 =	vmov v23  }
.LBB2_39:
0x123: {  	p2 =	sne.s32 s29, $0x1;
	v33 =	vld [tilespmem:s28+$0x10];
	v29 =	vmax.f32 v29, v25  }
0x124: {  	v34 =	vld [tilespmem:s28+$0x20];
	v30 =	vmax.f32 v30, v26  }
0x125: {  	v35 =	vld [tilespmem:s28+$0x30];
	v31 =	vmax.f32 v31, v27  }
.Ltmp26:
0x126: {  	v25 =	vld [tilespmem:s28+$0x40];
	v32 =	vmax.f32 v32, v28;
	(pc) =	sbr.rel @p2 .LBB2_39-.Ltmp26, $4  }
0x127: {  	v26 =	vld [tilespmem:s28+$0x50];
	v16 =	vmax.f32 v16, v24  }
0x128: {  	v17 =	vmax.f32 v17, v33;
	v27 =	vld [tilespmem:s28+$0x60]  }
0x129: {  	v28 =	vld [tilespmem:s28+$0x0];
	v18 =	vmax.f32 v18, v34;
	s28 =	sadd.s32 $0x80, s28  }
0x12a: {  	s29 =	sadd.s32 $0xFFFFFFFF, s29;
	v24 =	vld [tilespmem:s28+$0x70];
	v19 =	vmax.f32 v19, v35  }
.LBB2_40:
0x12b: {  	v33 =	vld [tilespmem:s28+$0x10]  }
0x12c: {  	v34 =	vld [tilespmem:s28+$0x20]  }
0x12d: {  	v35 =	vld [tilespmem:s28+$0x30]  }
0x12e: {  	v36 =	vld [tilespmem:s28+$0x40]  }
0x12f: {  	v37 =	vld [tilespmem:s28+$0x50]  }
0x130: {  	v38 =	vld [tilespmem:s28+$0x60]  }
0x131: {  	v25 =	vmax.f32 @p1 v29, v25;
	v63 =	vld [tilespmem:s28+$0x0]  }
0x132: {  	v26 =	vmax.f32 @p1 v30, v26;
	v20 =	vpsel p1, v25, v20;
	v27 =	vmax.f32 @p1 v31, v27  }
0x133: {  	v21 =	vpsel p1, v26, v21;
	v28 =	vmax.f32 @p1 v32, v28;
	v23 =	vpsel p1, v27, v23  }
0x134: {  	v16 =	vmax.f32 v16, v24;
	v22 =	vpsel p1, v28, v22;
	v17 =	vmax.f32 v17, v33  }
0x135: {  	v18 =	vmax.f32 v18, v34;
	v19 =	vmax.f32 v19, v35;
	v20 =	vmax.f32 v20, v36  }
0x136: {  	v21 =	vmax.f32 v21, v37;
	v23 =	vmax.f32 v23, v38;
	v22 =	vmax.f32 v22, v63  }
.LBB2_41:
0x137: {  	_ =	swait.ge [sflag:s18], $0x5000  }
0x138: {  	s1 =	sadd.s32 @!p0 s26, s5;
	[sflag:s18] =	ssyncset.done $0x0  }
0x139: {  	s26 =	simm.s32 @!p0 $0x0;
	s28 =	simm.s32 @!p0 $0x5800;
	[sflag:s18] =	ssyncadd.s32 $0xFFFFB000  }
0x13a: {  	[tilespmem:s28], [sflag:$0x2] =	stream.linear.gather @!p0 [hbm4b:s1+s26], $0x5800, $0x38;
	[tilespmem:$0x13800] =	vst v63  }
0x13b: {  	s26 =	sadd.s32 $0xFFFFFEA1, s24  }
0x13c: {  	p1 =	slt.s32 s26, $0x1  }
.Ltmp27:
0x13d: {  	_ = 	snop;
	(pc) =	sbr.rel @p1 .LBB2_45-.Ltmp27, $4  }
0x13e: {  	_ = 	snop  }
0x13f: {  	p0 =	sgt.s32 s26, $0x0  }
0x140: {  	s26 =	simm.s32 @!p0 $0x0  }
0x141: {  	s28 =	smin.u32 s26, $0xA0  }
0x142: {  	s29 =	simm.s32 $0x0  }
0x143: {  	s24 =	sshll.u32 s28, $0x9;
	v28 =	vld [tilespmem:s29+$0xB070]  }
0x144: {  	v29 =	vld [tilespmem:s29+$0xB000];
	p0 =	seq.s32 s24, $0x200  }
.Ltmp28:
0x145: {  	v27 =	vld [tilespmem:s29+$0xB010];
	(pc) =	sbr.rel @p0 .LBB2_44-.Ltmp28, $4  }
0x146: {  	v24 =	vld [tilespmem:s29+$0xB020]  }
0x147: {  	v25 =	vld [tilespmem:s29+$0xB030]  }
0x148: {  	v26 =	vld [tilespmem:s29+$0xB040]  }
0x149: {  	s1 =	simm.s32 $0x200;
	v2 =	vmax.f32 v2, v28;
	v5 =	vmax.f32 v5, v29;
	v28 =	vld [tilespmem:s29+$0xB050]  }
.LBB2_43:
0x14a: {  	v0 =	vmax.f32 v0, v27;
	v29 =	vld [tilespmem:s29+$0xB060];
	s29 =	sshra.s32 s1, $0x2;
	s1 =	sadd.s32 $0x200, s1  }
0x14b: {  	v30 =	vld [tilespmem:s29+$0xB070];
	p0 =	seq.s32 s24, s1;
	v1 =	vmax.f32 v1, v24  }
0x14c: {  	v31 =	vld [tilespmem:s29+$0xB000];
	v3 =	vmax.f32 v3, v25  }
.Ltmp29:
0x14d: {  	v27 =	vld [tilespmem:s29+$0xB010];
	v4 =	vmax.f32 v4, v26;
	(pc) =	sbr.rel @!p0 .LBB2_43-.Ltmp29, $4  }
0x14e: {  	v24 =	vld [tilespmem:s29+$0xB020];
	v6 =	vmax.f32 v6, v28  }
0x14f: {  	v25 =	vld [tilespmem:s29+$0xB030];
	v7 =	vmax.f32 v7, v29  }
0x150: {  	v26 =	vld [tilespmem:s29+$0xB040];
	v2 =	vmax.f32 v2, v30  }
0x151: {  	v5 =	vmax.f32 v5, v31;
	v28 =	vld [tilespmem:s29+$0xB050]  }
.LBB2_44:
0x152: {  	v29 =	vld [tilespmem:s29+$0xB060];
	_ =	sdelay $0x3  }
0x153: {  	v0 =	vmax.f32 v0, v27;
	v1 =	vmax.f32 v1, v24;
	v3 =	vmax.f32 v3, v25  }
0x154: {  	v4 =	vmax.f32 v4, v26;
	v6 =	vmax.f32 v6, v28;
	v7 =	vmax.f32 v7, v29  }
.LBB2_45:
0x155: {  	s24 =	sadd.s32 $0xFFFFFEA1, s23  }
0x156: {  	p0 =	sgt.s32 s24, $0x0;
	s1 =	smov.u32 s24  }
0x157: {  	s1 =	simm.s32 @!p0 $0x0  }
0x158: {  	s23 =	smin.u32 s1, $0xA0  }
0x159: {  	p0 =	sge.u32 s26, s23  }
.Ltmp30:
0x15a: {  	_ = 	snop;
	(pc) =	sbr.rel @p0 .LBB2_48-.Ltmp30, $1  }
0x15b: {  	_ =	sdelay $0x3  }
0x15c: {  	s1 =	ssub.s32 s23, s28  }
0x15d: {  	p1 =	seq.s32 s1, $0x1  }
.Ltmp31:
0x15e: {  	_ = 	snop;
	(pc) =	sbr.rel @p1 .LBB2_47-.Ltmp31, $4  }
0x15f: {  	_ = 	snop  }
0x160: {  	s26 =	sshll.u32 s28, $0x7  }
0x161: {  	s26 =	sadd.s32 $0xB000, s26  }
0x162: {  	p0 =	por $0x0, $0x0;
	s1 =	sadd.s32 $0xFFFFFFFF, s1;
	v24 =	vld [tilespmem:s26+$0x70]  }
0x163: {  	v29 =	vld [tilespmem:s26+$0x10]  }
0x164: {  	v30 =	vld [tilespmem:s26+$0x20]  }
0x165: {  	v31 =	vld [tilespmem:s26+$0x30];
	p1 =	seq.s32 s1, $0x1  }
.Ltmp32:
0x166: {  	v25 =	vld [tilespmem:s26+$0x40];
	(pc) =	sbr.rel @p1 .LBB2_52-.Ltmp32, $4  }
0x167: {  	v26 =	vld [tilespmem:s26+$0x50]  }
0x168: {  	v27 =	vld [tilespmem:s26+$0x60]  }
0x169: {  	v28 =	vld [tilespmem:s26+$0x0];
	s26 =	sadd.s32 $0x80, s26;
	v32 =	vmov v8;
	v10 =	vmax.f32 v10, v24;
	v9 =	vmax.f32 v9, v29  }
0x16a: {  	s28 =	sadd.s32 $0xFFFFFFFF, s1;
	p0 =	por $0x1, $0x1;
	v24 =	vld [tilespmem:s26+$0x70];
	v11 =	vmax.f32 v11, v30;
	v12 =	vmax.f32 v12, v31;
	v29 =	vmovc v13;
	v30 =	vmovc v14;
	v31 =	vmov v15  }
.LBB2_53:
0x16b: {  	p1 =	seq.s32 s28, $0x1;
	v33 =	vld [tilespmem:s26+$0x10];
	v29 =	vmax.f32 v29, v25  }
0x16c: {  	v34 =	vld [tilespmem:s26+$0x20];
	v30 =	vmax.f32 v30, v26  }
0x16d: {  	v35 =	vld [tilespmem:s26+$0x30];
	v31 =	vmax.f32 v31, v27  }
.Ltmp33:
0x16e: {  	v25 =	vld [tilespmem:s26+$0x40];
	v32 =	vmax.f32 v32, v28;
	(pc) =	sbr.rel @!p1 .LBB2_53-.Ltmp33, $4  }
0x16f: {  	v26 =	vld [tilespmem:s26+$0x50];
	v10 =	vmax.f32 v10, v24  }
0x170: {  	v9 =	vmax.f32 v9, v33;
	v27 =	vld [tilespmem:s26+$0x60]  }
0x171: {  	v28 =	vld [tilespmem:s26+$0x0];
	v11 =	vmax.f32 v11, v34;
	s26 =	sadd.s32 $0x80, s26  }
0x172: {  	s28 =	sadd.s32 $0xFFFFFFFF, s28;
	v24 =	vld [tilespmem:s26+$0x70];
	v12 =	vmax.f32 v12, v35  }
.LBB2_54:
0x173: {  	v33 =	vld [tilespmem:s26+$0x10]  }
0x174: {  	v34 =	vld [tilespmem:s26+$0x20]  }
0x175: {  	v35 =	vld [tilespmem:s26+$0x30]  }
0x176: {  	v36 =	vld [tilespmem:s26+$0x40]  }
0x177: {  	v37 =	vld [tilespmem:s26+$0x50]  }
0x178: {  	v38 =	vld [tilespmem:s26+$0x60]  }
0x179: {  	v25 =	vmax.f32 @p0 v29, v25;
	v63 =	vld [tilespmem:s26+$0x0]  }
0x17a: {  	v26 =	vmax.f32 @p0 v30, v26;
	v13 =	vpsel p0, v25, v13;
	v27 =	vmax.f32 @p0 v31, v27  }
0x17b: {  	v14 =	vpsel p0, v26, v14;
	v28 =	vmax.f32 @p0 v32, v28;
	v15 =	vpsel p0, v27, v15  }
0x17c: {  	v10 =	vmax.f32 v10, v24;
	v8 =	vpsel p0, v28, v8;
	v9 =	vmax.f32 v9, v33  }
0x17d: {  	v11 =	vmax.f32 v11, v34;
	v12 =	vmax.f32 v12, v35;
	v13 =	vmax.f32 v13, v36  }
0x17e: {  	v14 =	vmax.f32 v14, v37;
	v15 =	vmax.f32 v15, v38;
	v8 =	vmax.f32 v8, v63  }
.LBB2_48:
0x17f: {  	p0 =	sgt.s32 s24, $0x9F  }
.Ltmp34:
0x180: {  	_ = 	snop;
	(pc) =	sbr.rel @p0 .LBB2_59-.Ltmp34, $1  }
0x181: {  	_ =	sdelay $0x3  }
0x182: {  	s1 =	smax.u32 s23, $0x9F  }
0x183: {  	s1 =	ssub.s32 s1, s23  }
0x184: {  	s1 =	sadd.s32 $0x1, s1  }
0x185: {  	p1 =	sne.s32 s1, $0x1  }
.Ltmp35:
0x186: {  	_ = 	snop;
	(pc) =	sbr.rel @!p1 .LBB2_50-.Ltmp35, $4  }
0x187: {  	_ = 	snop  }
0x188: {  	s31 =	sshll.u32 s23, $0x7  }
0x189: {  	s23 =	sadd.s32 $0xB000, s31  }
0x18a: {  	p0 =	por $0x0, $0x0;
	v24 =	vld [tilespmem:s23+$0x70];
	s1 =	sadd.s32 $0xFFFFFFFF, s1  }
0x18b: {  	v29 =	vld [tilespmem:s23+$0x10]  }
0x18c: {  	v30 =	vld [tilespmem:s23+$0x20]  }
0x18d: {  	v31 =	vld [tilespmem:s23+$0x30];
	p1 =	sne.s32 s1, $0x1  }
.Ltmp36:
0x18e: {  	v25 =	vld [tilespmem:s23+$0x40];
	(pc) =	sbr.rel @!p1 .LBB2_56-.Ltmp36, $4  }
0x18f: {  	v26 =	vld [tilespmem:s23+$0x50]  }
0x190: {  	v27 =	vld [tilespmem:s23+$0x60]  }
0x191: {  	v28 =	vld [tilespmem:s23+$0x0];
	s23 =	sadd.s32 $0x80, s23;
	v32 =	vmov v22;
	v16 =	vmax.f32 v16, v24;
	v17 =	vmax.f32 v17, v29  }
0x192: {  	s24 =	sadd.s32 $0xFFFFFFFF, s1;
	p0 =	por $0x1, $0x1;
	v24 =	vld [tilespmem:s23+$0x70];
	v18 =	vmax.f32 v18, v30;
	v19 =	vmax.f32 v19, v31;
	v29 =	vmovc v20;
	v30 =	vmovc v21;
	v31 =	vmov v23  }
.LBB2_57:
0x193: {  	p1 =	sne.s32 s24, $0x1;
	v33 =	vld [tilespmem:s23+$0x10];
	v29 =	vmax.f32 v29, v25  }
0x194: {  	v30 =	vmax.f32 v30, v26;
	v34 =	vld [tilespmem:s23+$0x20]  }
0x195: {  	v31 =	vmax.f32 v31, v27;
	v35 =	vld [tilespmem:s23+$0x30]  }
.Ltmp37:
0x196: {  	v32 =	vmax.f32 v32, v28;
	v25 =	vld [tilespmem:s23+$0x40];
	(pc) =	sbr.rel @p1 .LBB2_57-.Ltmp37, $4  }
0x197: {  	v16 =	vmax.f32 v16, v24;
	v26 =	vld [tilespmem:s23+$0x50]  }
0x198: {  	v17 =	vmax.f32 v17, v33;
	v27 =	vld [tilespmem:s23+$0x60]  }
0x199: {  	v28 =	vld [tilespmem:s23+$0x0];
	v18 =	vmax.f32 v18, v34;
	s23 =	sadd.s32 $0x80, s23  }
0x19a: {  	s24 =	sadd.s32 $0xFFFFFFFF, s24;
	v24 =	vld [tilespmem:s23+$0x70];
	v19 =	vmax.f32 v19, v35  }
.Ltmp38:
0x19b: {  	_ = 	snop;
	(pc) =	sbr.rel .LBB2_58-.Ltmp38, $1  }
0x19c: {  	_ =	sdelay $0x3  }
.LBB2_7:
.Ltmp39:
0x19d: {  	(pc) =	sbr.rel .LBB2_11-.Ltmp39, $4  }
0x19e: {  	_ = 	snop  }
0x19f: {  	v2 =	vimm.f32 $-1.000000020e+30;
	v10 =	vimm.f32 $-1.000000020e+30  }
0x1a0: {  	v12 =	vimm.f32 $-1.000000020e+30;
	v13 =	vimm.f32 $-1.000000020e+30;
	v0 =	vimm.f32 $-1.000000020e+30  }
0x1a1: {  	v3 =	vimm.f32 $-1.000000020e+30;
	v4 =	vimm.f32 $-1.000000020e+30;
	v5 =	vimm.f32 $-1.000000020e+30  }
.LBB2_5:
.Ltmp40:
0x1a2: {  	(pc) =	sbr.rel .LBB2_18-.Ltmp40, $4  }
0x1a3: {  	_ = 	snop  }
0x1a4: {  	v13 =	vimm.f32 $-1.000000020e+30;
	v18 =	vimm.f32 $-1.000000020e+30  }
0x1a5: {  	v20 =	vimm.f32 $-1.000000020e+30;
	v21 =	vimm.f32 $-1.000000020e+30;
	v9 =	vimm.f32 $-1.000000020e+30  }
0x1a6: {  	v11 =	vimm.f32 $-1.000000020e+30;
	v12 =	vimm.f32 $-1.000000020e+30;
	v14 =	vimm.f32 $-1.000000020e+30  }
.LBB2_14:
.Ltmp41:
0x1a7: {  	(pc) =	sbr.rel .LBB2_22-.Ltmp41, $4  }
0x1a8: {  	_ = 	snop  }
0x1a9: {  	v21 =	vimm.f32 $-1.000000020e+30;
	v26 =	vimm.f32 $-1.000000020e+30  }
0x1aa: {  	v28 =	vimm.f32 $-1.000000020e+30;
	v29 =	vimm.f32 $-1.000000020e+30;
	v16 =	vimm.f32 $-1.000000020e+30  }
0x1ab: {  	v18 =	vimm.f32 $-1.000000020e+30;
	v19 =	vimm.f32 $-1.000000020e+30;
	v22 =	vimm.f32 $-1.000000020e+30  }
.LBB2_29:
.Ltmp42:
0x1ac: {  	(pc) =	sbr.rel .LBB2_36-.Ltmp42, $2  }
0x1ad: {  	_ =	sdelay $0x2  }
0x1ae: {  	v29 =	vmovc v13;
	v30 =	vmov v14;
	v31 =	vmov v15;
	v32 =	vmov v8  }
.LBB2_32:
.Ltmp43:
0x1af: {  	(pc) =	sbr.rel .LBB2_40-.Ltmp43, $2  }
0x1b0: {  	_ =	sdelay $0x2  }
0x1b1: {  	v29 =	vmovc v20;
	v30 =	vmov v21;
	v31 =	vmov v23;
	v32 =	vmov v22  }
.LBB2_47:
.Ltmp44:
0x1b2: {  	(pc) =	sbr.rel .LBB2_54-.Ltmp44, $2  }
0x1b3: {  	_ =	sdelay $0x2  }
0x1b4: {  	v29 =	vmovc v13;
	v30 =	vmov v14;
	v31 =	vmov v15;
	v32 =	vmov v8  }
.LBB2_9:
.Ltmp45:
0x1b5: {  	(pc) =	sbr.rel .LBB2_11-.Ltmp45, $3  }
0x1b6: {  	_ =	sdelay $0x1  }
0x1b7: {  	v2 =	vimm.f32 $-1.000000020e+30  }
0x1b8: {  	v10 =	vimm.f32 $-1.000000020e+30;
	v12 =	vimm.f32 $-1.000000020e+30;
	v13 =	vimm.f32 $-1.000000020e+30  }
.LBB2_16:
.Ltmp46:
0x1b9: {  	(pc) =	sbr.rel .LBB2_18-.Ltmp46, $3  }
0x1ba: {  	_ =	sdelay $0x1  }
0x1bb: {  	v13 =	vimm.f32 $-1.000000020e+30  }
0x1bc: {  	v18 =	vimm.f32 $-1.000000020e+30;
	v20 =	vimm.f32 $-1.000000020e+30;
	v21 =	vimm.f32 $-1.000000020e+30  }
.LBB2_20:
.Ltmp47:
0x1bd: {  	(pc) =	sbr.rel .LBB2_22-.Ltmp47, $3  }
0x1be: {  	_ =	sdelay $0x1  }
0x1bf: {  	v21 =	vimm.f32 $-1.000000020e+30  }
0x1c0: {  	v26 =	vimm.f32 $-1.000000020e+30;
	v28 =	vimm.f32 $-1.000000020e+30;
	v29 =	vimm.f32 $-1.000000020e+30  }
.LBB2_34:
.Ltmp48:
0x1c1: {  	(pc) =	sbr.rel .LBB2_36-.Ltmp48, $2  }
0x1c2: {  	_ =	sdelay $0x2  }
0x1c3: {  	v29 =	vmovc v13;
	v30 =	vmov v14;
	v31 =	vmov v15;
	v32 =	vmov v8  }
.LBB2_38:
.Ltmp49:
0x1c4: {  	(pc) =	sbr.rel .LBB2_40-.Ltmp49, $2  }
0x1c5: {  	_ =	sdelay $0x2  }
0x1c6: {  	v29 =	vmovc v20;
	v30 =	vmov v21;
	v31 =	vmov v23;
	v32 =	vmov v22  }
.LBB2_52:
.Ltmp50:
0x1c7: {  	(pc) =	sbr.rel .LBB2_54-.Ltmp50, $2  }
0x1c8: {  	_ =	sdelay $0x2  }
0x1c9: {  	v29 =	vmovc v13;
	v30 =	vmov v14;
	v31 =	vmov v15;
	v32 =	vmov v8  }
.LBB2_56:
.Ltmp51:
0x1ca: {  	(pc) =	sbr.rel .LBB2_58-.Ltmp51, $2  }
0x1cb: {  	_ =	sdelay $0x2  }
0x1cc: {  	v29 =	vmovc v20;
	v30 =	vmov v21;
	v31 =	vmov v23;
	v32 =	vmov v22  }
.LBB2_61:
0x1cd: {  	_ =	sfence.sel $0x180000  }
0x1ce: {  	[bflag:$0x0] =	sbarrier.arrive $0xFFFF  }
0x1cf: {  	_ =	strace $0x90000047  }
0x1d0: {  	[bflag:$0x2] =	sbarrier.arrive $0xFFFF  }
0x1d1: {  	p0 =	sne.s32 s2, $0x0;
	s0 =	rddreg [dreg:$0x3]  }
0x1d2: {  	s0 =	sadd.s32 @!p0 $0x100000, s0  }
0x1d3: {  	[sflag:s0] =	ssyncadd.tile.s32 @!p0 $0x1;
	_ =	shalt  }
.Lfunc_end2:
_tile_overlayer_lowered:
.L_overlay_start_2:
0x1d4: {  	(tag) =	ssettag $0x2  }
0x1d5: {  	s0 =	rddreg [dreg:$0x0];
	s2 =	stileid.u32  }
0x1d6: {  	s1 =	rddreg [dreg:$0x1];
	p0 =	sne.s32 s2, $0x0  }
0x1d7: {  	s3 =	rddreg [dreg:$0x2];
	[bflag:$0x3] =	sbarrier.arrive $0xFFFF;
	s2 =	simm.s32 @!p0 $0x1C04  }
0x1d8: {  	[timem:s3], [sflag:s2] =	dma.local @!p0 [hbm:s0], s1  }
0x1d9: {  	s0 =	simm.s32 @!p0 $0x4  }
0x1da: {  	_ =	swait.ge @!p0 [sflag:s0], s1  }
0x1db: {  	s1 =	ssub.s32 @!p0 $0x0, s1;
	[sflag:s0] =	ssyncset.done @!p0 $0x0  }
0x1dc: {  	[sflag:s0] =	ssyncadd.s32 @!p0 s1  }
0x1dd: {  	[bflag:$0x3] =	sbarrier.arrive $0xFFFF  }
0x1de: {  	_ =	shalt  }

</sc_bundles>
